<compile_context>
chip_gen: v7x
topology: tpu7x:2x2x1
jax: 0.10.2.dev20260603
libtpu: 0.0.44.dev20260713+nightly
codegen_flags: <defaults>
</compile_context>

<pallas_src>
import functools

import jax
import jax.numpy as jnp
from jax import lax
from jax.experimental import pallas as pl
from jax.experimental.pallas import tpu as pltpu
from jax.experimental.pallas import tpu_sc as plsc

V_TOTAL = 65536
N_MESH = 8
SCALES = ((112, 96, 128), (56, 192, 256), (28, 384, 384), (14, 768, 768))
KB = tuple(CP // 128 for _, _, CP in SCALES)
NUM_WORKERS = 32
VB = V_TOTAL // NUM_WORKERS
LANES = 16
CHUNK = 16
NCHUNK = VB // CHUNK
NBUF = 2

_mesh = plsc.VectorSubcoreMesh(core_axis_name="c", subcore_axis_name="s")


@functools.partial(
    pl.kernel,
    mesh=_mesh,
    out_type=tuple(
        jax.ShapeDtypeStruct((V_TOTAL, CP), jnp.float32) for _, _, CP in SCALES
    ),
    scratch_types=[
        pltpu.VMEM((VB,), jnp.float32),
        pltpu.VMEM((VB,), jnp.float32),
        pltpu.VMEM((VB,), jnp.float32),
        pltpu.VMEM((VB * KB[0],), jnp.int32),
        pltpu.VMEM((VB * KB[1],), jnp.int32),
        pltpu.VMEM((VB * KB[2],), jnp.int32),
        pltpu.VMEM((VB * KB[3],), jnp.int32),
        pltpu.VMEM((NBUF, KB[0] * CHUNK, 128), jnp.float32),
        pltpu.VMEM((NBUF, KB[1] * CHUNK, 128), jnp.float32),
        pltpu.VMEM((NBUF, KB[2] * CHUNK, 128), jnp.float32),
        pltpu.VMEM((NBUF, KB[3] * CHUNK, 128), jnp.float32),
        pltpu.SemaphoreType.DMA((NBUF,)),
        pltpu.SemaphoreType.DMA((NBUF,)),
    ],
)
def _vertex_align_sc(t0, t1, t2, t3, px_h, py_h, pz_h,
                     out0, out1, out2, out3,
                     px, py, pz, i0, i1, i2, i3, r0, r1, r2, r3, gsem, wsem):
    cid = lax.axis_index("c")
    sid = lax.axis_index("s")
    wid = sid * 2 + cid
    vbase = wid * VB
    mesh_id = wid // (NUM_WORKERS // N_MESH)

    pltpu.sync_copy(px_h.at[pl.ds(vbase, VB)], px)
    pltpu.sync_copy(py_h.at[pl.ds(vbase, VB)], py)
    pltpu.sync_copy(pz_h.at[pl.ds(vbase, VB)], pz)

    idx_refs = (i0, i1, i2, i3)

    def index_body(j, carry):
        o = j * LANES
        vx = px[pl.ds(o, LANES)]
        vy = py[pl.ds(o, LANES)]
        vz = pz[pl.ds(o, LANES)]
        h = 248.0 * (vy / vz) + 111.5
        w = 248.0 * (vx / (-vz)) + 111.5
        h = jnp.minimum(jnp.maximum(h, 0.0), 223.0)
        w = jnp.minimum(jnp.maximum(w, 0.0), 223.0)
        for (S, _, _), k, iref in zip(SCALES, KB, idx_refs):
            x = w * (S / 224.0)
            y = h * (S / 224.0)
            xi = x.astype(jnp.int32)
            yi = y.astype(jnp.int32)
            frac_x = x > xi.astype(jnp.float32)
            frac_y = y > yi.astype(jnp.float32)
            m = jnp.logical_and(
                jnp.logical_and(frac_x, xi < S - 1),
                jnp.logical_and(frac_y, yi < S - 1),
            )
            row = mesh_id * (S * S) + xi * S + yi
            zero_row = N_MESH * S * S
            blk0 = jnp.where(m, row, zero_row) * k
            for p in range(k):
                iref[pl.ds(o * k + p * CHUNK, LANES)] = blk0 + p
        return carry

    lax.fori_loop(0, VB // LANES, index_body, 0)

    tabs = (t0, t1, t2, t3)
    rings = (r0, r1, r2, r3)
    outs = (out0, out1, out2, out3)

    def issue_gathers(ck, slot):
        for tab, iref, ring, k in zip(tabs, idx_refs, rings, KB):
            pltpu.async_copy(
                tab.at[iref.at[pl.ds(ck * (k * CHUNK), k * CHUNK)]],
                ring.at[slot], gsem.at[slot])

    def wait_gathers(slot):
        for tab, iref, ring, k in zip(tabs, idx_refs, rings, KB):
            pltpu.make_async_copy(
                tab.at[iref.at[pl.ds(0, k * CHUNK)]],
                ring.at[slot], gsem.at[slot]).wait()

    def issue_write(ck, slot):
        for o, ring, k in zip(outs, rings, KB):
            for p in range(k):
                pltpu.async_copy(
                    ring.at[slot, pl.ds(p * CHUNK, CHUNK)],
                    o.at[pl.ds(vbase + ck * CHUNK, CHUNK),
                         pl.ds(p * 128, 128)],
                    wsem.at[slot])

    def wait_write(slot):
        for o, ring, k in zip(outs, rings, KB):
            for p in range(k):
                pltpu.make_async_copy(
                    ring.at[slot, pl.ds(p * CHUNK, CHUNK)],
                    o.at[pl.ds(vbase, CHUNK), pl.ds(p * 128, 128)],
                    wsem.at[slot]).wait()

    issue_gathers(0, 0)

    def group_body(g, carry):
        ck0 = g * NBUF
        for b in range(NBUF):
            ck = ck0 + b
            nxt = ck + 1
            nslot = (b + 1) % NBUF

            @pl.when(jnp.logical_and(nxt < NCHUNK, nxt >= NBUF))
            def _():
                wait_write(nslot)

            @pl.when(nxt < NCHUNK)
            def _():
                issue_gathers(nxt, nslot)

            wait_gathers(b)
            issue_write(ck, b)
        return carry

    lax.fori_loop(0, NCHUNK // NBUF, group_body, 0)
    for b in range(NBUF):
        wait_write(b)


def kernel(img_features_0, img_features_1, img_features_2, img_features_3,
           vertex_positions):
    feats = (img_features_0, img_features_1, img_features_2, img_features_3)
    tables = []
    for f, (S, C, CP) in zip(feats, SCALES):
        t = jnp.transpose(f, (0, 2, 3, 1)).reshape(N_MESH * S * S, C)
        t = jnp.pad(t, ((0, 8), (0, CP - C)))
        tables.append(t.reshape(-1, 128))
    px = vertex_positions[:, 0]
    py = vertex_positions[:, 1]
    pz = vertex_positions[:, 2]
    blocks = _vertex_align_sc(*tables, px, py, pz)
    return jnp.concatenate(
        [b[:, :C] for b, (_, C, _) in zip(blocks, SCALES)], axis=1)

# --- scband reference (transcript-rebuilt; emitter-appended) ---
"""Pipeline reference for scband-vertex-align-19069654794324 (READ-ONLY COPY).

The authoritative reference and input builder live on the scoring server;
editing this copy changes nothing except your own understanding.
"""

import jax, jax.numpy as jnp
import numpy as np

H_IMG, W_IMG = 224, 224
VPM = [8192] * 8  # vertices_per_mesh, constant list of python ints


def setup_inputs(seed: int = 0) -> dict:
    key = jax.random.key(seed)
    ks = jax.random.split(key, 6)
    f0 = jax.random.normal(ks[0], (8, 96, 112, 112), dtype=jnp.float32)
    f1 = jax.random.normal(ks[1], (8, 192, 56, 56), dtype=jnp.float32)
    f2 = jax.random.normal(ks[2], (8, 384, 28, 28), dtype=jnp.float32)
    f3 = jax.random.normal(ks[3], (8, 768, 14, 14), dtype=jnp.float32)
    xy = jax.random.normal(ks[4], (65536, 2), dtype=jnp.float32)
    # z must be nonzero (perspective divide); keep vertices in front of camera
    z = -(1.0 + jax.random.uniform(ks[5], (65536, 1), dtype=jnp.float32))
    vertex_positions = jnp.concatenate([xy, z], axis=1)
    return {
        "img_features_0": f0,
        "img_features_1": f1,
        "img_features_2": f2,
        "img_features_3": f3,
        "vertex_positions": vertex_positions,
    }


def _project(img_feat, h, w):
    # img_feat: [C, size_y, size_x]; faithful to torch code, including its
    # use of x (derived from w) to index axis 1 and y (from h) to index axis 2,
    # and the integer-truncated bilinear weights.
    size_y, size_x = img_feat.shape[-2], img_feat.shape[-1]
    x = w / (float(W_IMG) / size_x)
    y = h / (float(H_IMG) / size_y)
    x1 = jnp.floor(x).astype(jnp.int32)
    x2 = jnp.ceil(x).astype(jnp.int32)
    y1 = jnp.floor(y).astype(jnp.int32)
    y2 = jnp.ceil(y).astype(jnp.int32)
    x2 = jnp.minimum(x2, size_x - 1)
    y2 = jnp.minimum(y2, size_y - 1)
    Q11 = img_feat[:, x1, y1]  # [C, V]
    Q12 = img_feat[:, x1, y2]
    Q21 = img_feat[:, x2, y1]
    Q22 = img_feat[:, x2, y2]
    xi = x.astype(jnp.int32)
    yi = y.astype(jnp.int32)
    w11 = ((x2 - xi) * (y2 - yi)).astype(jnp.float32)
    w12 = ((x2 - xi) * (yi - y1)).astype(jnp.float32)
    w21 = ((xi - x1) * (y2 - yi)).astype(jnp.float32)
    w22 = ((xi - x1) * (yi - y1)).astype(jnp.float32)
    out = (w11[:, None] * jnp.transpose(Q11)
           + w21[:, None] * jnp.transpose(Q21)
           + w12[:, None] * jnp.transpose(Q12)
           + w22[:, None] * jnp.transpose(Q22))
    return out  # [V, C]


def _single_projection(sample_maps, positions):
    h = 248.0 * (positions[:, 1] / positions[:, 2]) + 111.5
    w = 248.0 * (positions[:, 0] / -positions[:, 2]) + 111.5
    h = jnp.clip(h, 0.0, float(H_IMG - 1))
    w = jnp.clip(w, 0.0, float(W_IMG - 1))
    feats = [_project(m, h, w) for m in sample_maps]
    return jnp.concatenate(feats, axis=1)


def reference(img_features_0, img_features_1, img_features_2, img_features_3, vertex_positions):
    feats = []
    offset = 0
    for idx, n in enumerate(VPM):
        positions = vertex_positions[offset:offset + n]
        offset += n
        sample_maps = [img_features_0[idx], img_features_1[idx], img_features_2[idx], img_features_3[idx]]
        feats.append(_single_projection(sample_maps, positions))
    return jnp.concatenate(feats, axis=0)  # [65536, 1440]

if __name__ == "__main__":
    import jax
    _d = setup_inputs()
    print(jax.jit(kernel)(*tuple(_d.values())))

</pallas_src>

<mosaic_0001>
#map = affine_map<(d0, d1) -> (0, 0)>
#map1 = affine_map<(d0, d1) -> (0)>
module attributes {stable_mosaic.version = 14 : i64} {
  func.func @_vertex_align_sc(%arg0: i32, %arg1: i32, %arg2: memref<100360x128xf32, #tpu.memory_space<hbm>>, %arg3: memref<50192x128xf32, #tpu.memory_space<hbm>>, %arg4: memref<18840x128xf32, #tpu.memory_space<hbm>>, %arg5: memref<9456x128xf32, #tpu.memory_space<hbm>>, %arg6: memref<65536xf32, #tpu.memory_space<hbm>>, %arg7: memref<65536xf32, #tpu.memory_space<hbm>>, %arg8: memref<65536xf32, #tpu.memory_space<hbm>>, %arg9: memref<65536x128xf32, #tpu.memory_space<hbm>>, %arg10: memref<65536x256xf32, #tpu.memory_space<hbm>>, %arg11: memref<65536x384xf32, #tpu.memory_space<hbm>>, %arg12: memref<65536x768xf32, #tpu.memory_space<hbm>>, %arg13: memref<2048xf32, #tpu.memory_space<vmem>>, %arg14: memref<2048xf32, #tpu.memory_space<vmem>>, %arg15: memref<2048xf32, #tpu.memory_space<vmem>>, %arg16: memref<2048xi32, #tpu.memory_space<vmem>>, %arg17: memref<4096xi32, #tpu.memory_space<vmem>>, %arg18: memref<6144xi32, #tpu.memory_space<vmem>>, %arg19: memref<12288xi32, #tpu.memory_space<vmem>>, %arg20: memref<2x16x128xf32, #tpu.memory_space<vmem>>, %arg21: memref<2x32x128xf32, #tpu.memory_space<vmem>>, %arg22: memref<2x48x128xf32, #tpu.memory_space<vmem>>, %arg23: memref<2x96x128xf32, #tpu.memory_space<vmem>>, %arg24: memref<2x!tpu.dma_semaphore, #tpu.memory_space<semaphore_mem>>, %arg25: memref<2x!tpu.dma_semaphore, #tpu.memory_space<semaphore_mem>>) attributes {dimension_semantics = [#tpu.dimension_semantics<core_parallel>, #tpu.dimension_semantics<subcore_parallel>], iteration_bounds = array<i64: 2, 16>, scalar_prefetch = 0 : i64, scratch_operands = 13 : i64, tpu.core_type = #tpu.core_type<sc_vector_subcore>, window_params = [{transform_indices = #map}, {transform_indices = #map}, {transform_indices = #map}, {transform_indices = #map}, {transform_indices = #map1}, {transform_indices = #map1}, {transform_indices = #map1}, {transform_indices = #map}, {transform_indices = #map}, {transform_indices = #map}, {transform_indices = #map}]} {
    %mul3A = arith.constant 2 : i32
    %mul3A_0 = arith.muli %arg1, %mul3A : i32
    %add3A = arith.addi %mul3A_0, %arg0 : i32
    %mul3A_1 = arith.constant 2048 : i32
    %mul3A_2 = arith.muli %add3A, %mul3A_1 : i32
    %jit3A = arith.constant 4 : i32
    %div3A = arith.divsi %add3A, %jit3A : i32
    %sign3A = arith.constant 0 : i32
    %sign3A_3 = arith.cmpi sgt, %add3A, %sign3A : i32
    %sign3A_4 = arith.extui %sign3A_3 : i1 to i32
    %sign3A_5 = arith.constant 0 : i32
    %sign3A_6 = arith.cmpi slt, %add3A, %sign3A_5 : i32
    %sign3A_7 = arith.extui %sign3A_6 : i1 to i32
    %sign3A_8 = arith.subi %sign3A_4, %sign3A_7 : i32
    %sign3A_9 = arith.constant 0 : i32
    %sign3A_10 = arith.cmpi sgt, %jit3A, %sign3A_9 : i32
    %sign3A_11 = arith.extui %sign3A_10 : i1 to i32
    %sign3A_12 = arith.constant 0 : i32
    %sign3A_13 = arith.cmpi slt, %jit3A, %sign3A_12 : i32
    %sign3A_14 = arith.extui %sign3A_13 : i1 to i32
    %sign3A_15 = arith.subi %sign3A_11, %sign3A_14 : i32
    %ne3A = arith.cmpi ne, %sign3A_8, %sign3A_15 : i32
    %rem3A = arith.remsi %add3A, %jit3A : i32
    %ne3A_16 = arith.constant 0 : i32
    %ne3A_17 = arith.cmpi ne, %rem3A, %ne3A_16 : i32
    %and3A = arith.andi %ne3A, %ne3A_17 : i1
    %sub3A = arith.constant 1 : i32
    %sub3A_18 = arith.subi %div3A, %sub3A : i32
    %select_n3A = arith.select %and3A, %sub3A_18, %div3A : i32
    "tpu.region"() ({
      %run_scoped3A = tpu.sem_alloc : memref<!tpu.dma_semaphore, #tpu.memory_space<semaphore_mem>>
      %dma_start3A_464 = tpu.memref_slice %arg6[%mul3A_2] : memref<65536xf32, #tpu.memory_space<hbm>> -> memref<2048xf32, #tpu.memory_space<hbm>>
      %dma_start3A_465 = tpu.memref_slice %arg6[%mul3A_2] : memref<65536xf32, #tpu.memory_space<hbm>> -> memref<2048xf32, #tpu.memory_space<hbm>>
      tpu.enqueue_dma source(%dma_start3A_465 : memref<2048xf32, #tpu.memory_space<hbm>>) target(%arg13 : memref<2048xf32, #tpu.memory_space<vmem>>) target_semaphore(%run_scoped3A : memref<!tpu.dma_semaphore, #tpu.memory_space<semaphore_mem>>)
      %dma_wait3A_466 = tpu.memref_slice %arg6[%mul3A_2] : memref<65536xf32, #tpu.memory_space<hbm>> -> memref<2048xf32, #tpu.memory_space<hbm>>
      %dma_wait3A_467 = tpu.memref_slice %arg6[%mul3A_2] : memref<65536xf32, #tpu.memory_space<hbm>> -> memref<2048xf32, #tpu.memory_space<hbm>>
      tpu.wait_dma2 semaphore(%run_scoped3A : memref<!tpu.dma_semaphore, #tpu.memory_space<semaphore_mem>>) src(%dma_wait3A_467 : memref<2048xf32, #tpu.memory_space<hbm>>) dst(%arg13 : memref<2048xf32, #tpu.memory_space<vmem>>)
      tpu.yield
    }) : () -> ()
    "tpu.region"() ({
      %run_scoped3A = tpu.sem_alloc : memref<!tpu.dma_semaphore, #tpu.memory_space<semaphore_mem>>
      %dma_start3A_464 = tpu.memref_slice %arg7[%mul3A_2] : memref<65536xf32, #tpu.memory_space<hbm>> -> memref<2048xf32, #tpu.memory_space<hbm>>
      %dma_start3A_465 = tpu.memref_slice %arg7[%mul3A_2] : memref<65536xf32, #tpu.memory_space<hbm>> -> memref<2048xf32, #tpu.memory_space<hbm>>
      tpu.enqueue_dma source(%dma_start3A_465 : memref<2048xf32, #tpu.memory_space<hbm>>) target(%arg14 : memref<2048xf32, #tpu.memory_space<vmem>>) target_semaphore(%run_scoped3A : memref<!tpu.dma_semaphore, #tpu.memory_space<semaphore_mem>>)
      %dma_wait3A_466 = tpu.memref_slice %arg7[%mul3A_2] : memref<65536xf32, #tpu.memory_space<hbm>> -> memref<2048xf32, #tpu.memory_space<hbm>>
      %dma_wait3A_467 = tpu.memref_slice %arg7[%mul3A_2] : memref<65536xf32, #tpu.memory_space<hbm>> -> memref<2048xf32, #tpu.memory_space<hbm>>
      tpu.wait_dma2 semaphore(%run_scoped3A : memref<!tpu.dma_semaphore, #tpu.memory_space<semaphore_mem>>) src(%dma_wait3A_467 : memref<2048xf32, #tpu.memory_space<hbm>>) dst(%arg14 : memref<2048xf32, #tpu.memory_space<vmem>>)
      tpu.yield
    }) : () -> ()
    "tpu.region"() ({
      %run_scoped3A = tpu.sem_alloc : memref<!tpu.dma_semaphore, #tpu.memory_space<semaphore_mem>>
      %dma_start3A_464 = tpu.memref_slice %arg8[%mul3A_2] : memref<65536xf32, #tpu.memory_space<hbm>> -> memref<2048xf32, #tpu.memory_space<hbm>>
      %dma_start3A_465 = tpu.memref_slice %arg8[%mul3A_2] : memref<65536xf32, #tpu.memory_space<hbm>> -> memref<2048xf32, #tpu.memory_space<hbm>>
      tpu.enqueue_dma source(%dma_start3A_465 : memref<2048xf32, #tpu.memory_space<hbm>>) target(%arg15 : memref<2048xf32, #tpu.memory_space<vmem>>) target_semaphore(%run_scoped3A : memref<!tpu.dma_semaphore, #tpu.memory_space<semaphore_mem>>)
      %dma_wait3A_466 = tpu.memref_slice %arg8[%mul3A_2] : memref<65536xf32, #tpu.memory_space<hbm>> -> memref<2048xf32, #tpu.memory_space<hbm>>
      %dma_wait3A_467 = tpu.memref_slice %arg8[%mul3A_2] : memref<65536xf32, #tpu.memory_space<hbm>> -> memref<2048xf32, #tpu.memory_space<hbm>>
      tpu.wait_dma2 semaphore(%run_scoped3A : memref<!tpu.dma_semaphore, #tpu.memory_space<semaphore_mem>>) src(%dma_wait3A_467 : memref<2048xf32, #tpu.memory_space<hbm>>) dst(%arg15 : memref<2048xf32, #tpu.memory_space<vmem>>)
      tpu.yield
    }) : () -> ()
    %scan3A = arith.constant 0 : i32
    %scan3A_19 = arith.constant 0 : i32
    %scan3A_20 = arith.constant 128 : i32
    %scan3A_21 = arith.addi %scan3A_19, %scan3A_20 : i32
    %scan3A_22 = arith.constant 1 : i32
    scf.for %scan3A_464 = %scan3A_19 to %scan3A_21 step %scan3A_22  : i32 {
      %mul3A_465 = arith.constant 16 : i32
      %mul3A_466 = arith.muli %scan3A_464, %mul3A_465 : i32
      %get3A = arith.index_cast %mul3A_466 : i32 to index
      %get3A_467 = tpu.vector_load %arg13[%get3A] {strides = array<i32>} : memref<2048xf32, #tpu.memory_space<vmem>>, vector<16xf32>,
      %get3A_468 = vector.shape_cast %get3A_467 : vector<16xf32> to vector<16xf32>
      %get3A_469 = arith.index_cast %mul3A_466 : i32 to index
      %get3A_470 = tpu.vector_load %arg14[%get3A_469] {strides = array<i32>} : memref<2048xf32, #tpu.memory_space<vmem>>, vector<16xf32>,
      %get3A_471 = vector.shape_cast %get3A_470 : vector<16xf32> to vector<16xf32>
      %get3A_472 = arith.index_cast %mul3A_466 : i32 to index
      %get3A_473 = tpu.vector_load %arg15[%get3A_472] {strides = array<i32>} : memref<2048xf32, #tpu.memory_space<vmem>>, vector<16xf32>,
      %get3A_474 = vector.shape_cast %get3A_473 : vector<16xf32> to vector<16xf32>
      %div3A_475 = arith.divf %get3A_471, %get3A_474 : vector<16xf32>
      %mul3A_476 = arith.constant 2.480000e+02 : f32
      %mul3A_477 = vector.broadcast %mul3A_476 : f32 to vector<16xf32>
      %mul3A_478 = arith.mulf %mul3A_477, %div3A_475 : vector<16xf32>
      %add3A_479 = arith.constant 1.115000e+02 : f32
      %add3A_480 = vector.broadcast %add3A_479 : f32 to vector<16xf32>
      %add3A_481 = arith.addf %mul3A_478, %add3A_480 : vector<16xf32>
      %neg3A = arith.constant 0.000000e+00 : f32
      %neg3A_482 = vector.broadcast %neg3A : f32 to vector<16xf32>
      %neg3A_483 = arith.subf %neg3A_482, %get3A_474 : vector<16xf32>
      %div3A_484 = arith.divf %get3A_468, %neg3A_483 : vector<16xf32>
      %mul3A_485 = arith.constant 2.480000e+02 : f32
      %mul3A_486 = vector.broadcast %mul3A_485 : f32 to vector<16xf32>
      %mul3A_487 = arith.mulf %mul3A_486, %div3A_484 : vector<16xf32>
      %add3A_488 = arith.constant 1.115000e+02 : f32
      %add3A_489 = vector.broadcast %add3A_488 : f32 to vector<16xf32>
      %add3A_490 = arith.addf %mul3A_487, %add3A_489 : vector<16xf32>
      %max3A = arith.constant 0.000000e+00 : f32
      %max3A_491 = vector.broadcast %max3A : f32 to vector<16xf32>
      %max3A_492 = arith.maximumf %add3A_481, %max3A_491 : vector<16xf32>
      %min3A = arith.constant 2.230000e+02 : f32
      %min3A_493 = vector.broadcast %min3A : f32 to vector<16xf32>
      %min3A_494 = arith.minimumf %max3A_492, %min3A_493 : vector<16xf32>
      %max3A_495 = arith.constant 0.000000e+00 : f32
      %max3A_496 = vector.broadcast %max3A_495 : f32 to vector<16xf32>
      %max3A_497 = arith.maximumf %add3A_490, %max3A_496 : vector<16xf32>
      %min3A_498 = arith.constant 2.230000e+02 : f32
      %min3A_499 = vector.broadcast %min3A_498 : f32 to vector<16xf32>
      %min3A_500 = arith.minimumf %max3A_497, %min3A_499 : vector<16xf32>
      %mul3A_501 = arith.constant 5.000000e-01 : f32
      %mul3A_502 = vector.broadcast %mul3A_501 : f32 to vector<16xf32>
      %mul3A_503 = arith.mulf %min3A_500, %mul3A_502 : vector<16xf32>
      %mul3A_504 = arith.constant 5.000000e-01 : f32
      %mul3A_505 = vector.broadcast %mul3A_504 : f32 to vector<16xf32>
      %mul3A_506 = arith.mulf %min3A_494, %mul3A_505 : vector<16xf32>
      %convert_element_type3A = arith.fptosi %mul3A_503 : vector<16xf32> to vector<16xi32>
      %convert_element_type3A_507 = arith.fptosi %mul3A_506 : vector<16xf32> to vector<16xi32>
      %convert_element_type3A_508 = arith.sitofp %convert_element_type3A : vector<16xi32> to vector<16xf32>
      %gt3A = arith.cmpf ogt, %mul3A_503, %convert_element_type3A_508 : vector<16xf32>
      %convert_element_type3A_509 = arith.sitofp %convert_element_type3A_507 : vector<16xi32> to vector<16xf32>
      %gt3A_510 = arith.cmpf ogt, %mul3A_506, %convert_element_type3A_509 : vector<16xf32>
      %lt3A = arith.constant 111 : i32
      %lt3A_511 = vector.broadcast %lt3A : i32 to vector<16xi32>
      %lt3A_512 = arith.cmpi slt, %convert_element_type3A, %lt3A_511 : vector<16xi32>
      %and3A_513 = arith.andi %gt3A, %lt3A_512 : vector<16xi1>
      %lt3A_514 = arith.constant 111 : i32
      %lt3A_515 = vector.broadcast %lt3A_514 : i32 to vector<16xi32>
      %lt3A_516 = arith.cmpi slt, %convert_element_type3A_507, %lt3A_515 : vector<16xi32>
      %and3A_517 = arith.andi %gt3A_510, %lt3A_516 : vector<16xi1>
      %and3A_518 = arith.andi %and3A_513, %and3A_517 : vector<16xi1>
      %mul3A_519 = arith.constant 12544 : i32
      %mul3A_520 = arith.muli %select_n3A, %mul3A_519 : i32
      %mul3A_521 = arith.constant 112 : i32
      %mul3A_522 = vector.broadcast %mul3A_521 : i32 to vector<16xi32>
      %mul3A_523 = arith.muli %convert_element_type3A, %mul3A_522 : vector<16xi32>
      %add3A_524 = vector.broadcast %mul3A_520 : i32 to vector<16xi32>
      %add3A_525 = arith.addi %add3A_524, %mul3A_523 : vector<16xi32>
      %add3A_526 = arith.addi %add3A_525, %convert_element_type3A_507 : vector<16xi32>
      %jit3A_527 = arith.constant 100352 : i32
      %broadcast_in_dim3A = vector.broadcast %jit3A_527 : i32 to vector<16xi32>
      %select_n3A_528 = arith.select %and3A_518, %add3A_526, %broadcast_in_dim3A : vector<16xi1>, vector<16xi32>
      %mul3A_529 = arith.constant 1 : i32
      %mul3A_530 = vector.broadcast %mul3A_529 : i32 to vector<16xi32>
      %mul3A_531 = arith.muli %select_n3A_528, %mul3A_530 : vector<16xi32>
      %add3A_532 = arith.constant 0 : i32
      %add3A_533 = vector.broadcast %add3A_532 : i32 to vector<16xi32>
      %add3A_534 = arith.addi %mul3A_531, %add3A_533 : vector<16xi32>
      %mul3A_535 = arith.constant 1 : i32
      %mul3A_536 = arith.muli %mul3A_466, %mul3A_535 : i32
      %add3A_537 = arith.constant 0 : i32
      %add3A_538 = arith.addi %mul3A_536, %add3A_537 : i32
      %swap3A = arith.index_cast %add3A_538 : i32 to index
      %swap3A_539 = tpu.vector_load %arg16[%swap3A] {strides = array<i32>} : memref<2048xi32, #tpu.memory_space<vmem>>, vector<16xi32>,
      %swap3A_540 = vector.shape_cast %swap3A_539 : vector<16xi32> to vector<16xi32>
      %swap3A_541 = vector.shape_cast %add3A_534 : vector<16xi32> to vector<16xi32>
      tpu.vector_store %arg16[%swap3A], %swap3A_541 {strides = array<i32>} : memref<2048xi32, #tpu.memory_space<vmem>>, vector<16xi32>,
      %mul3A_542 = arith.constant 2.500000e-01 : f32
      %mul3A_543 = vector.broadcast %mul3A_542 : f32 to vector<16xf32>
      %mul3A_544 = arith.mulf %min3A_500, %mul3A_543 : vector<16xf32>
      %mul3A_545 = arith.constant 2.500000e-01 : f32
      %mul3A_546 = vector.broadcast %mul3A_545 : f32 to vector<16xf32>
      %mul3A_547 = arith.mulf %min3A_494, %mul3A_546 : vector<16xf32>
      %convert_element_type3A_548 = arith.fptosi %mul3A_544 : vector<16xf32> to vector<16xi32>
      %convert_element_type3A_549 = arith.fptosi %mul3A_547 : vector<16xf32> to vector<16xi32>
      %convert_element_type3A_550 = arith.sitofp %convert_element_type3A_548 : vector<16xi32> to vector<16xf32>
      %gt3A_551 = arith.cmpf ogt, %mul3A_544, %convert_element_type3A_550 : vector<16xf32>
      %convert_element_type3A_552 = arith.sitofp %convert_element_type3A_549 : vector<16xi32> to vector<16xf32>
      %gt3A_553 = arith.cmpf ogt, %mul3A_547, %convert_element_type3A_552 : vector<16xf32>
      %lt3A_554 = arith.constant 55 : i32
      %lt3A_555 = vector.broadcast %lt3A_554 : i32 to vector<16xi32>
      %lt3A_556 = arith.cmpi slt, %convert_element_type3A_548, %lt3A_555 : vector<16xi32>
      %and3A_557 = arith.andi %gt3A_551, %lt3A_556 : vector<16xi1>
      %lt3A_558 = arith.constant 55 : i32
      %lt3A_559 = vector.broadcast %lt3A_558 : i32 to vector<16xi32>
      %lt3A_560 = arith.cmpi slt, %convert_element_type3A_549, %lt3A_559 : vector<16xi32>
      %and3A_561 = arith.andi %gt3A_553, %lt3A_560 : vector<16xi1>
      %and3A_562 = arith.andi %and3A_557, %and3A_561 : vector<16xi1>
      %mul3A_563 = arith.constant 3136 : i32
      %mul3A_564 = arith.muli %select_n3A, %mul3A_563 : i32
      %mul3A_565 = arith.constant 56 : i32
      %mul3A_566 = vector.broadcast %mul3A_565 : i32 to vector<16xi32>
      %mul3A_567 = arith.muli %convert_element_type3A_548, %mul3A_566 : vector<16xi32>
      %add3A_568 = vector.broadcast %mul3A_564 : i32 to vector<16xi32>
      %add3A_569 = arith.addi %add3A_568, %mul3A_567 : vector<16xi32>
      %add3A_570 = arith.addi %add3A_569, %convert_element_type3A_549 : vector<16xi32>
      %jit3A_571 = arith.constant 25088 : i32
      %broadcast_in_dim3A_572 = vector.broadcast %jit3A_571 : i32 to vector<16xi32>
      %select_n3A_573 = arith.select %and3A_562, %add3A_570, %broadcast_in_dim3A_572 : vector<16xi1>, vector<16xi32>
      %mul3A_574 = arith.constant 2 : i32
      %mul3A_575 = vector.broadcast %mul3A_574 : i32 to vector<16xi32>
      %mul3A_576 = arith.muli %select_n3A_573, %mul3A_575 : vector<16xi32>
      %add3A_577 = arith.constant 0 : i32
      %add3A_578 = vector.broadcast %add3A_577 : i32 to vector<16xi32>
      %add3A_579 = arith.addi %mul3A_576, %add3A_578 : vector<16xi32>
      %mul3A_580 = arith.constant 2 : i32
      %mul3A_581 = arith.muli %mul3A_466, %mul3A_580 : i32
      %add3A_582 = arith.constant 0 : i32
      %add3A_583 = arith.addi %mul3A_581, %add3A_582 : i32
      %swap3A_584 = arith.index_cast %add3A_583 : i32 to index
      %swap3A_585 = tpu.vector_load %arg17[%swap3A_584] {strides = array<i32>} : memref<4096xi32, #tpu.memory_space<vmem>>, vector<16xi32>,
      %swap3A_586 = vector.shape_cast %swap3A_585 : vector<16xi32> to vector<16xi32>
      %swap3A_587 = vector.shape_cast %add3A_579 : vector<16xi32> to vector<16xi32>
      tpu.vector_store %arg17[%swap3A_584], %swap3A_587 {strides = array<i32>} : memref<4096xi32, #tpu.memory_space<vmem>>, vector<16xi32>,
      %add3A_588 = arith.constant 1 : i32
      %add3A_589 = vector.broadcast %add3A_588 : i32 to vector<16xi32>
      %add3A_590 = arith.addi %mul3A_576, %add3A_589 : vector<16xi32>
      %mul3A_591 = arith.constant 2 : i32
      %mul3A_592 = arith.muli %mul3A_466, %mul3A_591 : i32
      %add3A_593 = arith.constant 16 : i32
      %add3A_594 = arith.addi %mul3A_592, %add3A_593 : i32
      %swap3A_595 = arith.index_cast %add3A_594 : i32 to index
      %swap3A_596 = tpu.vector_load %arg17[%swap3A_595] {strides = array<i32>} : memref<4096xi32, #tpu.memory_space<vmem>>, vector<16xi32>,
      %swap3A_597 = vector.shape_cast %swap3A_596 : vector<16xi32> to vector<16xi32>
      %swap3A_598 = vector.shape_cast %add3A_590 : vector<16xi32> to vector<16xi32>
      tpu.vector_store %arg17[%swap3A_595], %swap3A_598 {strides = array<i32>} : memref<4096xi32, #tpu.memory_space<vmem>>, vector<16xi32>,
      %mul3A_599 = arith.constant 1.250000e-01 : f32
      %mul3A_600 = vector.broadcast %mul3A_599 : f32 to vector<16xf32>
      %mul3A_601 = arith.mulf %min3A_500, %mul3A_600 : vector<16xf32>
      %mul3A_602 = arith.constant 1.250000e-01 : f32
      %mul3A_603 = vector.broadcast %mul3A_602 : f32 to vector<16xf32>
      %mul3A_604 = arith.mulf %min3A_494, %mul3A_603 : vector<16xf32>
      %convert_element_type3A_605 = arith.fptosi %mul3A_601 : vector<16xf32> to vector<16xi32>
      %convert_element_type3A_606 = arith.fptosi %mul3A_604 : vector<16xf32> to vector<16xi32>
      %convert_element_type3A_607 = arith.sitofp %convert_element_type3A_605 : vector<16xi32> to vector<16xf32>
      %gt3A_608 = arith.cmpf ogt, %mul3A_601, %convert_element_type3A_607 : vector<16xf32>
      %convert_element_type3A_609 = arith.sitofp %convert_element_type3A_606 : vector<16xi32> to vector<16xf32>
      %gt3A_610 = arith.cmpf ogt, %mul3A_604, %convert_element_type3A_609 : vector<16xf32>
      %lt3A_611 = arith.constant 27 : i32
      %lt3A_612 = vector.broadcast %lt3A_611 : i32 to vector<16xi32>
      %lt3A_613 = arith.cmpi slt, %convert_element_type3A_605, %lt3A_612 : vector<16xi32>
      %and3A_614 = arith.andi %gt3A_608, %lt3A_613 : vector<16xi1>
      %lt3A_615 = arith.constant 27 : i32
      %lt3A_616 = vector.broadcast %lt3A_615 : i32 to vector<16xi32>
      %lt3A_617 = arith.cmpi slt, %convert_element_type3A_606, %lt3A_616 : vector<16xi32>
      %and3A_618 = arith.andi %gt3A_610, %lt3A_617 : vector<16xi1>
      %and3A_619 = arith.andi %and3A_614, %and3A_618 : vector<16xi1>
      %mul3A_620 = arith.constant 784 : i32
      %mul3A_621 = arith.muli %select_n3A, %mul3A_620 : i32
      %mul3A_622 = arith.constant 28 : i32
      %mul3A_623 = vector.broadcast %mul3A_622 : i32 to vector<16xi32>
      %mul3A_624 = arith.muli %convert_element_type3A_605, %mul3A_623 : vector<16xi32>
      %add3A_625 = vector.broadcast %mul3A_621 : i32 to vector<16xi32>
      %add3A_626 = arith.addi %add3A_625, %mul3A_624 : vector<16xi32>
      %add3A_627 = arith.addi %add3A_626, %convert_element_type3A_606 : vector<16xi32>
      %jit3A_628 = arith.constant 6272 : i32
      %broadcast_in_dim3A_629 = vector.broadcast %jit3A_628 : i32 to vector<16xi32>
      %select_n3A_630 = arith.select %and3A_619, %add3A_627, %broadcast_in_dim3A_629 : vector<16xi1>, vector<16xi32>
      %mul3A_631 = arith.constant 3 : i32
      %mul3A_632 = vector.broadcast %mul3A_631 : i32 to vector<16xi32>
      %mul3A_633 = arith.muli %select_n3A_630, %mul3A_632 : vector<16xi32>
      %add3A_634 = arith.constant 0 : i32
      %add3A_635 = vector.broadcast %add3A_634 : i32 to vector<16xi32>
      %add3A_636 = arith.addi %mul3A_633, %add3A_635 : vector<16xi32>
      %mul3A_637 = arith.constant 3 : i32
      %mul3A_638 = arith.muli %mul3A_466, %mul3A_637 : i32
      %add3A_639 = arith.constant 0 : i32
      %add3A_640 = arith.addi %mul3A_638, %add3A_639 : i32
      %swap3A_641 = arith.index_cast %add3A_640 : i32 to index
      %swap3A_642 = tpu.vector_load %arg18[%swap3A_641] {strides = array<i32>} : memref<6144xi32, #tpu.memory_space<vmem>>, vector<16xi32>,
      %swap3A_643 = vector.shape_cast %swap3A_642 : vector<16xi32> to vector<16xi32>
      %swap3A_644 = vector.shape_cast %add3A_636 : vector<16xi32> to vector<16xi32>
      tpu.vector_store %arg18[%swap3A_641], %swap3A_644 {strides = array<i32>} : memref<6144xi32, #tpu.memory_space<vmem>>, vector<16xi32>,
      %add3A_645 = arith.constant 1 : i32
      %add3A_646 = vector.broadcast %add3A_645 : i32 to vector<16xi32>
      %add3A_647 = arith.addi %mul3A_633, %add3A_646 : vector<16xi32>
      %mul3A_648 = arith.constant 3 : i32
      %mul3A_649 = arith.muli %mul3A_466, %mul3A_648 : i32
      %add3A_650 = arith.constant 16 : i32
      %add3A_651 = arith.addi %mul3A_649, %add3A_650 : i32
      %swap3A_652 = arith.index_cast %add3A_651 : i32 to index
      %swap3A_653 = tpu.vector_load %arg18[%swap3A_652] {strides = array<i32>} : memref<6144xi32, #tpu.memory_space<vmem>>, vector<16xi32>,
      %swap3A_654 = vector.shape_cast %swap3A_653 : vector<16xi32> to vector<16xi32>
      %swap3A_655 = vector.shape_cast %add3A_647 : vector<16xi32> to vector<16xi32>
      tpu.vector_store %arg18[%swap3A_652], %swap3A_655 {strides = array<i32>} : memref<6144xi32, #tpu.memory_space<vmem>>, vector<16xi32>,
      %add3A_656 = arith.constant 2 : i32
      %add3A_657 = vector.broadcast %add3A_656 : i32 to vector<16xi32>
      %add3A_658 = arith.addi %mul3A_633, %add3A_657 : vector<16xi32>
      %mul3A_659 = arith.constant 3 : i32
      %mul3A_660 = arith.muli %mul3A_466, %mul3A_659 : i32
      %add3A_661 = arith.constant 32 : i32
      %add3A_662 = arith.addi %mul3A_660, %add3A_661 : i32
      %swap3A_663 = arith.index_cast %add3A_662 : i32 to index
      %swap3A_664 = tpu.vector_load %arg18[%swap3A_663] {strides = array<i32>} : memref<6144xi32, #tpu.memory_space<vmem>>, vector<16xi32>,
      %swap3A_665 = vector.shape_cast %swap3A_664 : vector<16xi32> to vector<16xi32>
      %swap3A_666 = vector.shape_cast %add3A_658 : vector<16xi32> to vector<16xi32>
      tpu.vector_store %arg18[%swap3A_663], %swap3A_666 {strides = array<i32>} : memref<6144xi32, #tpu.memory_space<vmem>>, vector<16xi32>,
      %mul3A_667 = arith.constant 6.250000e-02 : f32
      %mul3A_668 = vector.broadcast %mul3A_667 : f32 to vector<16xf32>
      %mul3A_669 = arith.mulf %min3A_500, %mul3A_668 : vector<16xf32>
      %mul3A_670 = arith.constant 6.250000e-02 : f32
      %mul3A_671 = vector.broadcast %mul3A_670 : f32 to vector<16xf32>
      %mul3A_672 = arith.mulf %min3A_494, %mul3A_671 : vector<16xf32>
      %convert_element_type3A_673 = arith.fptosi %mul3A_669 : vector<16xf32> to vector<16xi32>
      %convert_element_type3A_674 = arith.fptosi %mul3A_672 : vector<16xf32> to vector<16xi32>
      %convert_element_type3A_675 = arith.sitofp %convert_element_type3A_673 : vector<16xi32> to vector<16xf32>
      %gt3A_676 = arith.cmpf ogt, %mul3A_669, %convert_element_type3A_675 : vector<16xf32>
      %convert_element_type3A_677 = arith.sitofp %convert_element_type3A_674 : vector<16xi32> to vector<16xf32>
      %gt3A_678 = arith.cmpf ogt, %mul3A_672, %convert_element_type3A_677 : vector<16xf32>
      %lt3A_679 = arith.constant 13 : i32
      %lt3A_680 = vector.broadcast %lt3A_679 : i32 to vector<16xi32>
      %lt3A_681 = arith.cmpi slt, %convert_element_type3A_673, %lt3A_680 : vector<16xi32>
      %and3A_682 = arith.andi %gt3A_676, %lt3A_681 : vector<16xi1>
      %lt3A_683 = arith.constant 13 : i32
      %lt3A_684 = vector.broadcast %lt3A_683 : i32 to vector<16xi32>
      %lt3A_685 = arith.cmpi slt, %convert_element_type3A_674, %lt3A_684 : vector<16xi32>
      %and3A_686 = arith.andi %gt3A_678, %lt3A_685 : vector<16xi1>
      %and3A_687 = arith.andi %and3A_682, %and3A_686 : vector<16xi1>
      %mul3A_688 = arith.constant 196 : i32
      %mul3A_689 = arith.muli %select_n3A, %mul3A_688 : i32
      %mul3A_690 = arith.constant 14 : i32
      %mul3A_691 = vector.broadcast %mul3A_690 : i32 to vector<16xi32>
      %mul3A_692 = arith.muli %convert_element_type3A_673, %mul3A_691 : vector<16xi32>
      %add3A_693 = vector.broadcast %mul3A_689 : i32 to vector<16xi32>
      %add3A_694 = arith.addi %add3A_693, %mul3A_692 : vector<16xi32>
      %add3A_695 = arith.addi %add3A_694, %convert_element_type3A_674 : vector<16xi32>
      %jit3A_696 = arith.constant 1568 : i32
      %broadcast_in_dim3A_697 = vector.broadcast %jit3A_696 : i32 to vector<16xi32>
      %select_n3A_698 = arith.select %and3A_687, %add3A_695, %broadcast_in_dim3A_697 : vector<16xi1>, vector<16xi32>
      %mul3A_699 = arith.constant 6 : i32
      %mul3A_700 = vector.broadcast %mul3A_699 : i32 to vector<16xi32>
      %mul3A_701 = arith.muli %select_n3A_698, %mul3A_700 : vector<16xi32>
      %add3A_702 = arith.constant 0 : i32
      %add3A_703 = vector.broadcast %add3A_702 : i32 to vector<16xi32>
      %add3A_704 = arith.addi %mul3A_701, %add3A_703 : vector<16xi32>
      %mul3A_705 = arith.constant 6 : i32
      %mul3A_706 = arith.muli %mul3A_466, %mul3A_705 : i32
      %add3A_707 = arith.constant 0 : i32
      %add3A_708 = arith.addi %mul3A_706, %add3A_707 : i32
      %swap3A_709 = arith.index_cast %add3A_708 : i32 to index
      %swap3A_710 = tpu.vector_load %arg19[%swap3A_709] {strides = array<i32>} : memref<12288xi32, #tpu.memory_space<vmem>>, vector<16xi32>,
      %swap3A_711 = vector.shape_cast %swap3A_710 : vector<16xi32> to vector<16xi32>
      %swap3A_712 = vector.shape_cast %add3A_704 : vector<16xi32> to vector<16xi32>
      tpu.vector_store %arg19[%swap3A_709], %swap3A_712 {strides = array<i32>} : memref<12288xi32, #tpu.memory_space<vmem>>, vector<16xi32>,
      %add3A_713 = arith.constant 1 : i32
      %add3A_714 = vector.broadcast %add3A_713 : i32 to vector<16xi32>
      %add3A_715 = arith.addi %mul3A_701, %add3A_714 : vector<16xi32>
      %mul3A_716 = arith.constant 6 : i32
      %mul3A_717 = arith.muli %mul3A_466, %mul3A_716 : i32
      %add3A_718 = arith.constant 16 : i32
      %add3A_719 = arith.addi %mul3A_717, %add3A_718 : i32
      %swap3A_720 = arith.index_cast %add3A_719 : i32 to index
      %swap3A_721 = tpu.vector_load %arg19[%swap3A_720] {strides = array<i32>} : memref<12288xi32, #tpu.memory_space<vmem>>, vector<16xi32>,
      %swap3A_722 = vector.shape_cast %swap3A_721 : vector<16xi32> to vector<16xi32>
      %swap3A_723 = vector.shape_cast %add3A_715 : vector<16xi32> to vector<16xi32>
      tpu.vector_store %arg19[%swap3A_720], %swap3A_723 {strides = array<i32>} : memref<12288xi32, #tpu.memory_space<vmem>>, vector<16xi32>,
      %add3A_724 = arith.constant 2 : i32
      %add3A_725 = vector.broadcast %add3A_724 : i32 to vector<16xi32>
      %add3A_726 = arith.addi %mul3A_701, %add3A_725 : vector<16xi32>
      %mul3A_727 = arith.constant 6 : i32
      %mul3A_728 = arith.muli %mul3A_466, %mul3A_727 : i32
      %add3A_729 = arith.constant 32 : i32
      %add3A_730 = arith.addi %mul3A_728, %add3A_729 : i32
      %swap3A_731 = arith.index_cast %add3A_730 : i32 to index
      %swap3A_732 = tpu.vector_load %arg19[%swap3A_731] {strides = array<i32>} : memref<12288xi32, #tpu.memory_space<vmem>>, vector<16xi32>,
      %swap3A_733 = vector.shape_cast %swap3A_732 : vector<16xi32> to vector<16xi32>
      %swap3A_734 = vector.shape_cast %add3A_726 : vector<16xi32> to vector<16xi32>
      tpu.vector_store %arg19[%swap3A_731], %swap3A_734 {strides = array<i32>} : memref<12288xi32, #tpu.memory_space<vmem>>, vector<16xi32>,
      %add3A_735 = arith.constant 3 : i32
      %add3A_736 = vector.broadcast %add3A_735 : i32 to vector<16xi32>
      %add3A_737 = arith.addi %mul3A_701, %add3A_736 : vector<16xi32>
      %mul3A_738 = arith.constant 6 : i32
      %mul3A_739 = arith.muli %mul3A_466, %mul3A_738 : i32
      %add3A_740 = arith.constant 48 : i32
      %add3A_741 = arith.addi %mul3A_739, %add3A_740 : i32
      %swap3A_742 = arith.index_cast %add3A_741 : i32 to index
      %swap3A_743 = tpu.vector_load %arg19[%swap3A_742] {strides = array<i32>} : memref<12288xi32, #tpu.memory_space<vmem>>, vector<16xi32>,
      %swap3A_744 = vector.shape_cast %swap3A_743 : vector<16xi32> to vector<16xi32>
      %swap3A_745 = vector.shape_cast %add3A_737 : vector<16xi32> to vector<16xi32>
      tpu.vector_store %arg19[%swap3A_742], %swap3A_745 {strides = array<i32>} : memref<12288xi32, #tpu.memory_space<vmem>>, vector<16xi32>,
      %add3A_746 = arith.constant 4 : i32
      %add3A_747 = vector.broadcast %add3A_746 : i32 to vector<16xi32>
      %add3A_748 = arith.addi %mul3A_701, %add3A_747 : vector<16xi32>
      %mul3A_749 = arith.constant 6 : i32
      %mul3A_750 = arith.muli %mul3A_466, %mul3A_749 : i32
      %add3A_751 = arith.constant 64 : i32
      %add3A_752 = arith.addi %mul3A_750, %add3A_751 : i32
      %swap3A_753 = arith.index_cast %add3A_752 : i32 to index
      %swap3A_754 = tpu.vector_load %arg19[%swap3A_753] {strides = array<i32>} : memref<12288xi32, #tpu.memory_space<vmem>>, vector<16xi32>,
      %swap3A_755 = vector.shape_cast %swap3A_754 : vector<16xi32> to vector<16xi32>
      %swap3A_756 = vector.shape_cast %add3A_748 : vector<16xi32> to vector<16xi32>
      tpu.vector_store %arg19[%swap3A_753], %swap3A_756 {strides = array<i32>} : memref<12288xi32, #tpu.memory_space<vmem>>, vector<16xi32>,
      %add3A_757 = arith.constant 5 : i32
      %add3A_758 = vector.broadcast %add3A_757 : i32 to vector<16xi32>
      %add3A_759 = arith.addi %mul3A_701, %add3A_758 : vector<16xi32>
      %mul3A_760 = arith.constant 6 : i32
      %mul3A_761 = arith.muli %mul3A_466, %mul3A_760 : i32
      %add3A_762 = arith.constant 80 : i32
      %add3A_763 = arith.addi %mul3A_761, %add3A_762 : i32
      %swap3A_764 = arith.index_cast %add3A_763 : i32 to index
      %swap3A_765 = tpu.vector_load %arg19[%swap3A_764] {strides = array<i32>} : memref<12288xi32, #tpu.memory_space<vmem>>, vector<16xi32>,
      %swap3A_766 = vector.shape_cast %swap3A_765 : vector<16xi32> to vector<16xi32>
      %swap3A_767 = vector.shape_cast %add3A_759 : vector<16xi32> to vector<16xi32>
      tpu.vector_store %arg19[%swap3A_764], %swap3A_767 {strides = array<i32>} : memref<12288xi32, #tpu.memory_space<vmem>>, vector<16xi32>,
    }
    %scan3A_23 = arith.constant 128 : i32
    %dma_start3A = arith.constant 0 : i32
    %dma_start3A_24 = arith.constant 0 : i32
    %dma_start3A_25 = arith.constant 0 : i32
    %dma_start3A_26 = arith.constant 0 : i32
    %dma_start3A_27 = tpu.memref_slice %arg20[%dma_start3A, %dma_start3A_25, %dma_start3A_26] : memref<2x16x128xf32, #tpu.memory_space<vmem>> -> memref<1x16x128xf32, #tpu.memory_space<vmem>>
    %dma_start3A_28 = tpu.memref_squeeze %dma_start3A_27 : memref<1x16x128xf32, #tpu.memory_space<vmem>> -> memref<16x128xf32, #tpu.memory_space<vmem>>
    %dma_start3A_29 = arith.constant 0 : i32
    %dma_start3A_30 = tpu.memref_slice %arg16[%dma_start3A_29] : memref<2048xi32, #tpu.memory_space<vmem>> -> memref<16xi32, #tpu.memory_space<vmem>>
    %dma_start3A_31 = arith.constant 0 : i32
    %dma_start3A_32 = arith.constant 0 : i32
    %dma_start3A_33 = tpu.memref_slice %arg2[%dma_start3A_31, %dma_start3A_32] : memref<100360x128xf32, #tpu.memory_space<hbm>> -> memref<100360x128xf32, #tpu.memory_space<hbm>>
    %dma_start3A_34 = tpu.memref_slice %arg24[%dma_start3A_24] : memref<2x!tpu.dma_semaphore, #tpu.memory_space<semaphore_mem>> -> memref<1x!tpu.dma_semaphore, #tpu.memory_space<semaphore_mem>>
    %dma_start3A_35 = tpu.memref_squeeze %dma_start3A_34 : memref<1x!tpu.dma_semaphore, #tpu.memory_space<semaphore_mem>> -> memref<!tpu.dma_semaphore, #tpu.memory_space<semaphore_mem>>
    tpu.enqueue_indirect_dma source(%dma_start3A_33 : memref<100360x128xf32, #tpu.memory_space<hbm>>) target(%dma_start3A_28 : memref<16x128xf32, #tpu.memory_space<vmem>>) offsets(%dma_start3A_30 : memref<16xi32, #tpu.memory_space<vmem>>) semaphore(%dma_start3A_35 : memref<!tpu.dma_semaphore, #tpu.memory_space<semaphore_mem>>)
    %dma_start3A_36 = arith.constant 0 : i32
    %dma_start3A_37 = arith.constant 0 : i32
    %dma_start3A_38 = arith.constant 0 : i32
    %dma_start3A_39 = arith.constant 0 : i32
    %dma_start3A_40 = tpu.memref_slice %arg21[%dma_start3A_36, %dma_start3A_38, %dma_start3A_39] : memref<2x32x128xf32, #tpu.memory_space<vmem>> -> memref<1x32x128xf32, #tpu.memory_space<vmem>>
    %dma_start3A_41 = tpu.memref_squeeze %dma_start3A_40 : memref<1x32x128xf32, #tpu.memory_space<vmem>> -> memref<32x128xf32, #tpu.memory_space<vmem>>
    %dma_start3A_42 = arith.constant 0 : i32
    %dma_start3A_43 = tpu.memref_slice %arg17[%dma_start3A_42] : memref<4096xi32, #tpu.memory_space<vmem>> -> memref<32xi32, #tpu.memory_space<vmem>>
    %dma_start3A_44 = arith.constant 0 : i32
    %dma_start3A_45 = arith.constant 0 : i32
    %dma_start3A_46 = tpu.memref_slice %arg3[%dma_start3A_44, %dma_start3A_45] : memref<50192x128xf32, #tpu.memory_space<hbm>> -> memref<50192x128xf32, #tpu.memory_space<hbm>>
    %dma_start3A_47 = tpu.memref_slice %arg24[%dma_start3A_37] : memref<2x!tpu.dma_semaphore, #tpu.memory_space<semaphore_mem>> -> memref<1x!tpu.dma_semaphore, #tpu.memory_space<semaphore_mem>>
    %dma_start3A_48 = tpu.memref_squeeze %dma_start3A_47 : memref<1x!tpu.dma_semaphore, #tpu.memory_space<semaphore_mem>> -> memref<!tpu.dma_semaphore, #tpu.memory_space<semaphore_mem>>
    tpu.enqueue_indirect_dma source(%dma_start3A_46 : memref<50192x128xf32, #tpu.memory_space<hbm>>) target(%dma_start3A_41 : memref<32x128xf32, #tpu.memory_space<vmem>>) offsets(%dma_start3A_43 : memref<32xi32, #tpu.memory_space<vmem>>) semaphore(%dma_start3A_48 : memref<!tpu.dma_semaphore, #tpu.memory_space<semaphore_mem>>)
    %dma_start3A_49 = arith.constant 0 : i32
    %dma_start3A_50 = arith.constant 0 : i32
    %dma_start3A_51 = arith.constant 0 : i32
    %dma_start3A_52 = arith.constant 0 : i32
    %dma_start3A_53 = tpu.memref_slice %arg22[%dma_start3A_49, %dma_start3A_51, %dma_start3A_52] : memref<2x48x128xf32, #tpu.memory_space<vmem>> -> memref<1x48x128xf32, #tpu.memory_space<vmem>>
    %dma_start3A_54 = tpu.memref_squeeze %dma_start3A_53 : memref<1x48x128xf32, #tpu.memory_space<vmem>> -> memref<48x128xf32, #tpu.memory_space<vmem>>
    %dma_start3A_55 = arith.constant 0 : i32
    %dma_start3A_56 = tpu.memref_slice %arg18[%dma_start3A_55] : memref<6144xi32, #tpu.memory_space<vmem>> -> memref<48xi32, #tpu.memory_space<vmem>>
    %dma_start3A_57 = arith.constant 0 : i32
    %dma_start3A_58 = arith.constant 0 : i32
    %dma_start3A_59 = tpu.memref_slice %arg4[%dma_start3A_57, %dma_start3A_58] : memref<18840x128xf32, #tpu.memory_space<hbm>> -> memref<18840x128xf32, #tpu.memory_space<hbm>>
    %dma_start3A_60 = tpu.memref_slice %arg24[%dma_start3A_50] : memref<2x!tpu.dma_semaphore, #tpu.memory_space<semaphore_mem>> -> memref<1x!tpu.dma_semaphore, #tpu.memory_space<semaphore_mem>>
    %dma_start3A_61 = tpu.memref_squeeze %dma_start3A_60 : memref<1x!tpu.dma_semaphore, #tpu.memory_space<semaphore_mem>> -> memref<!tpu.dma_semaphore, #tpu.memory_space<semaphore_mem>>
    tpu.enqueue_indirect_dma source(%dma_start3A_59 : memref<18840x128xf32, #tpu.memory_space<hbm>>) target(%dma_start3A_54 : memref<48x128xf32, #tpu.memory_space<vmem>>) offsets(%dma_start3A_56 : memref<48xi32, #tpu.memory_space<vmem>>) semaphore(%dma_start3A_61 : memref<!tpu.dma_semaphore, #tpu.memory_space<semaphore_mem>>)
    %dma_start3A_62 = arith.constant 0 : i32
    %dma_start3A_63 = arith.constant 0 : i32
    %dma_start3A_64 = arith.constant 0 : i32
    %dma_start3A_65 = arith.constant 0 : i32
    %dma_start3A_66 = tpu.memref_slice %arg23[%dma_start3A_62, %dma_start3A_64, %dma_start3A_65] : memref<2x96x128xf32, #tpu.memory_space<vmem>> -> memref<1x96x128xf32, #tpu.memory_space<vmem>>
    %dma_start3A_67 = tpu.memref_squeeze %dma_start3A_66 : memref<1x96x128xf32, #tpu.memory_space<vmem>> -> memref<96x128xf32, #tpu.memory_space<vmem>>
    %dma_start3A_68 = arith.constant 0 : i32
    %dma_start3A_69 = tpu.memref_slice %arg19[%dma_start3A_68] : memref<12288xi32, #tpu.memory_space<vmem>> -> memref<96xi32, #tpu.memory_space<vmem>>
    %dma_start3A_70 = arith.constant 0 : i32
    %dma_start3A_71 = arith.constant 0 : i32
    %dma_start3A_72 = tpu.memref_slice %arg5[%dma_start3A_70, %dma_start3A_71] : memref<9456x128xf32, #tpu.memory_space<hbm>> -> memref<9456x128xf32, #tpu.memory_space<hbm>>
    %dma_start3A_73 = tpu.memref_slice %arg24[%dma_start3A_63] : memref<2x!tpu.dma_semaphore, #tpu.memory_space<semaphore_mem>> -> memref<1x!tpu.dma_semaphore, #tpu.memory_space<semaphore_mem>>
    %dma_start3A_74 = tpu.memref_squeeze %dma_start3A_73 : memref<1x!tpu.dma_semaphore, #tpu.memory_space<semaphore_mem>> -> memref<!tpu.dma_semaphore, #tpu.memory_space<semaphore_mem>>
    tpu.enqueue_indirect_dma source(%dma_start3A_72 : memref<9456x128xf32, #tpu.memory_space<hbm>>) target(%dma_start3A_67 : memref<96x128xf32, #tpu.memory_space<vmem>>) offsets(%dma_start3A_69 : memref<96xi32, #tpu.memory_space<vmem>>) semaphore(%dma_start3A_74 : memref<!tpu.dma_semaphore, #tpu.memory_space<semaphore_mem>>)
    %scan3A_75 = arith.constant 0 : i32
    %scan3A_76 = arith.constant 0 : i32
    %scan3A_77 = arith.constant 64 : i32
    %scan3A_78 = arith.addi %scan3A_76, %scan3A_77 : i32
    %scan3A_79 = arith.constant 1 : i32
    scf.for %scan3A_464 = %scan3A_76 to %scan3A_78 step %scan3A_79  : i32 {
      %mul3A_465 = arith.constant 2 : i32
      %mul3A_466 = arith.muli %scan3A_464, %mul3A_465 : i32
      %add3A_467 = arith.constant 0 : i32
      %add3A_468 = arith.addi %mul3A_466, %add3A_467 : i32
      %add3A_469 = arith.constant 1 : i32
      %add3A_470 = arith.addi %add3A_468, %add3A_469 : i32
      %lt3A = arith.constant 128 : i32
      %lt3A_471 = arith.cmpi slt, %add3A_470, %lt3A : i32
      %ge3A = arith.constant 2 : i32
      %ge3A_472 = arith.cmpi sge, %add3A_470, %ge3A : i32
      %and3A_473 = arith.andi %lt3A_471, %ge3A_472 : i1
      %convert_element_type3A = arith.extui %and3A_473 : i1 to i32
      %cond3A = arith.constant 0 : i32
      %cond3A_474 = arith.cmpi ne, %convert_element_type3A, %cond3A : i32
      scf.if %cond3A_474 {
        %dma_wait3A_1057 = arith.constant 1 : i32
        %dma_wait3A_1058 = arith.constant 1 : i32
        %dma_wait3A_1059 = arith.constant 0 : i32
        %dma_wait3A_1060 = arith.constant 0 : i32
        %dma_wait3A_1061 = tpu.memref_slice %arg20[%dma_wait3A_1057, %dma_wait3A_1059, %dma_wait3A_1060] : memref<2x16x128xf32, #tpu.memory_space<vmem>> -> memref<1x16x128xf32, #tpu.memory_space<vmem>>
        %dma_wait3A_1062 = tpu.memref_squeeze %dma_wait3A_1061 : memref<1x16x128xf32, #tpu.memory_space<vmem>> -> memref<16x128xf32, #tpu.memory_space<vmem>>
        %dma_wait3A_1063 = arith.constant 0 : i32
        %dma_wait3A_1064 = tpu.memref_slice %arg9[%mul3A_2, %dma_wait3A_1063] : memref<65536x128xf32, #tpu.memory_space<hbm>> -> memref<16x128xf32, #tpu.memory_space<hbm>>
        %dma_wait3A_1065 = tpu.memref_slice %arg25[%dma_wait3A_1058] : memref<2x!tpu.dma_semaphore, #tpu.memory_space<semaphore_mem>> -> memref<1x!tpu.dma_semaphore, #tpu.memory_space<semaphore_mem>>
        %dma_wait3A_1066 = tpu.memref_squeeze %dma_wait3A_1065 : memref<1x!tpu.dma_semaphore, #tpu.memory_space<semaphore_mem>> -> memref<!tpu.dma_semaphore, #tpu.memory_space<semaphore_mem>>
        %dma_wait3A_1067 = arith.constant 0 : i32
        %dma_wait3A_1068 = tpu.memref_slice %arg9[%mul3A_2, %dma_wait3A_1067] : memref<65536x128xf32, #tpu.memory_space<hbm>> -> memref<16x128xf32, #tpu.memory_space<hbm>>
        %dma_wait3A_1069 = arith.constant 0 : i32
        %dma_wait3A_1070 = arith.constant 0 : i32
        %dma_wait3A_1071 = tpu.memref_slice %arg20[%dma_wait3A_1057, %dma_wait3A_1069, %dma_wait3A_1070] : memref<2x16x128xf32, #tpu.memory_space<vmem>> -> memref<1x16x128xf32, #tpu.memory_space<vmem>>
        %dma_wait3A_1072 = tpu.memref_squeeze %dma_wait3A_1071 : memref<1x16x128xf32, #tpu.memory_space<vmem>> -> memref<16x128xf32, #tpu.memory_space<vmem>>
        tpu.wait_dma2 semaphore(%dma_wait3A_1066 : memref<!tpu.dma_semaphore, #tpu.memory_space<semaphore_mem>>) src(%dma_wait3A_1072 : memref<16x128xf32, #tpu.memory_space<vmem>>) dst(%dma_wait3A_1068 : memref<16x128xf32, #tpu.memory_space<hbm>>)
        %dma_wait3A_1073 = arith.constant 1 : i32
        %dma_wait3A_1074 = arith.constant 1 : i32
        %dma_wait3A_1075 = arith.constant 0 : i32
        %dma_wait3A_1076 = arith.constant 0 : i32
        %dma_wait3A_1077 = tpu.memref_slice %arg21[%dma_wait3A_1073, %dma_wait3A_1075, %dma_wait3A_1076] : memref<2x32x128xf32, #tpu.memory_space<vmem>> -> memref<1x16x128xf32, #tpu.memory_space<vmem>>
        %dma_wait3A_1078 = tpu.memref_squeeze %dma_wait3A_1077 : memref<1x16x128xf32, #tpu.memory_space<vmem>> -> memref<16x128xf32, #tpu.memory_space<vmem>>
        %dma_wait3A_1079 = arith.constant 0 : i32
        %dma_wait3A_1080 = tpu.memref_slice %arg10[%mul3A_2, %dma_wait3A_1079] : memref<65536x256xf32, #tpu.memory_space<hbm>> -> memref<16x128xf32, #tpu.memory_space<hbm>>
        %dma_wait3A_1081 = tpu.memref_slice %arg25[%dma_wait3A_1074] : memref<2x!tpu.dma_semaphore, #tpu.memory_space<semaphore_mem>> -> memref<1x!tpu.dma_semaphore, #tpu.memory_space<semaphore_mem>>
        %dma_wait3A_1082 = tpu.memref_squeeze %dma_wait3A_1081 : memref<1x!tpu.dma_semaphore, #tpu.memory_space<semaphore_mem>> -> memref<!tpu.dma_semaphore, #tpu.memory_space<semaphore_mem>>
        %dma_wait3A_1083 = arith.constant 0 : i32
        %dma_wait3A_1084 = tpu.memref_slice %arg10[%mul3A_2, %dma_wait3A_1083] : memref<65536x256xf32, #tpu.memory_space<hbm>> -> memref<16x128xf32, #tpu.memory_space<hbm>>
        %dma_wait3A_1085 = arith.constant 0 : i32
        %dma_wait3A_1086 = arith.constant 0 : i32
        %dma_wait3A_1087 = tpu.memref_slice %arg21[%dma_wait3A_1073, %dma_wait3A_1085, %dma_wait3A_1086] : memref<2x32x128xf32, #tpu.memory_space<vmem>> -> memref<1x16x128xf32, #tpu.memory_space<vmem>>
        %dma_wait3A_1088 = tpu.memref_squeeze %dma_wait3A_1087 : memref<1x16x128xf32, #tpu.memory_space<vmem>> -> memref<16x128xf32, #tpu.memory_space<vmem>>
        tpu.wait_dma2 semaphore(%dma_wait3A_1082 : memref<!tpu.dma_semaphore, #tpu.memory_space<semaphore_mem>>) src(%dma_wait3A_1088 : memref<16x128xf32, #tpu.memory_space<vmem>>) dst(%dma_wait3A_1084 : memref<16x128xf32, #tpu.memory_space<hbm>>)
        %dma_wait3A_1089 = arith.constant 1 : i32
        %dma_wait3A_1090 = arith.constant 1 : i32
        %dma_wait3A_1091 = arith.constant 16 : i32
        %dma_wait3A_1092 = arith.constant 0 : i32
        %dma_wait3A_1093 = tpu.memref_slice %arg21[%dma_wait3A_1089, %dma_wait3A_1091, %dma_wait3A_1092] : memref<2x32x128xf32, #tpu.memory_space<vmem>> -> memref<1x16x128xf32, #tpu.memory_space<vmem>>
        %dma_wait3A_1094 = tpu.memref_squeeze %dma_wait3A_1093 : memref<1x16x128xf32, #tpu.memory_space<vmem>> -> memref<16x128xf32, #tpu.memory_space<vmem>>
        %dma_wait3A_1095 = arith.constant 128 : i32
        %dma_wait3A_1096 = tpu.memref_slice %arg10[%mul3A_2, %dma_wait3A_1095] : memref<65536x256xf32, #tpu.memory_space<hbm>> -> memref<16x128xf32, #tpu.memory_space<hbm>>
        %dma_wait3A_1097 = tpu.memref_slice %arg25[%dma_wait3A_1090] : memref<2x!tpu.dma_semaphore, #tpu.memory_space<semaphore_mem>> -> memref<1x!tpu.dma_semaphore, #tpu.memory_space<semaphore_mem>>
        %dma_wait3A_1098 = tpu.memref_squeeze %dma_wait3A_1097 : memref<1x!tpu.dma_semaphore, #tpu.memory_space<semaphore_mem>> -> memref<!tpu.dma_semaphore, #tpu.memory_space<semaphore_mem>>
        %dma_wait3A_1099 = arith.constant 128 : i32
        %dma_wait3A_1100 = tpu.memref_slice %arg10[%mul3A_2, %dma_wait3A_1099] : memref<65536x256xf32, #tpu.memory_space<hbm>> -> memref<16x128xf32, #tpu.memory_space<hbm>>
        %dma_wait3A_1101 = arith.constant 16 : i32
        %dma_wait3A_1102 = arith.constant 0 : i32
        %dma_wait3A_1103 = tpu.memref_slice %arg21[%dma_wait3A_1089, %dma_wait3A_1101, %dma_wait3A_1102] : memref<2x32x128xf32, #tpu.memory_space<vmem>> -> memref<1x16x128xf32, #tpu.memory_space<vmem>>
        %dma_wait3A_1104 = tpu.memref_squeeze %dma_wait3A_1103 : memref<1x16x128xf32, #tpu.memory_space<vmem>> -> memref<16x128xf32, #tpu.memory_space<vmem>>
        tpu.wait_dma2 semaphore(%dma_wait3A_1098 : memref<!tpu.dma_semaphore, #tpu.memory_space<semaphore_mem>>) src(%dma_wait3A_1104 : memref<16x128xf32, #tpu.memory_space<vmem>>) dst(%dma_wait3A_1100 : memref<16x128xf32, #tpu.memory_space<hbm>>)
        %dma_wait3A_1105 = arith.constant 1 : i32
        %dma_wait3A_1106 = arith.constant 1 : i32
        %dma_wait3A_1107 = arith.constant 0 : i32
        %dma_wait3A_1108 = arith.constant 0 : i32
        %dma_wait3A_1109 = tpu.memref_slice %arg22[%dma_wait3A_1105, %dma_wait3A_1107, %dma_wait3A_1108] : memref<2x48x128xf32, #tpu.memory_space<vmem>> -> memref<1x16x128xf32, #tpu.memory_space<vmem>>
        %dma_wait3A_1110 = tpu.memref_squeeze %dma_wait3A_1109 : memref<1x16x128xf32, #tpu.memory_space<vmem>> -> memref<16x128xf32, #tpu.memory_space<vmem>>
        %dma_wait3A_1111 = arith.constant 0 : i32
        %dma_wait3A_1112 = tpu.memref_slice %arg11[%mul3A_2, %dma_wait3A_1111] : memref<65536x384xf32, #tpu.memory_space<hbm>> -> memref<16x128xf32, #tpu.memory_space<hbm>>
        %dma_wait3A_1113 = tpu.memref_slice %arg25[%dma_wait3A_1106] : memref<2x!tpu.dma_semaphore, #tpu.memory_space<semaphore_mem>> -> memref<1x!tpu.dma_semaphore, #tpu.memory_space<semaphore_mem>>
        %dma_wait3A_1114 = tpu.memref_squeeze %dma_wait3A_1113 : memref<1x!tpu.dma_semaphore, #tpu.memory_space<semaphore_mem>> -> memref<!tpu.dma_semaphore, #tpu.memory_space<semaphore_mem>>
        %dma_wait3A_1115 = arith.constant 0 : i32
        %dma_wait3A_1116 = tpu.memref_slice %arg11[%mul3A_2, %dma_wait3A_1115] : memref<65536x384xf32, #tpu.memory_space<hbm>> -> memref<16x128xf32, #tpu.memory_space<hbm>>
        %dma_wait3A_1117 = arith.constant 0 : i32
        %dma_wait3A_1118 = arith.constant 0 : i32
        %dma_wait3A_1119 = tpu.memref_slice %arg22[%dma_wait3A_1105, %dma_wait3A_1117, %dma_wait3A_1118] : memref<2x48x128xf32, #tpu.memory_space<vmem>> -> memref<1x16x128xf32, #tpu.memory_space<vmem>>
        %dma_wait3A_1120 = tpu.memref_squeeze %dma_wait3A_1119 : memref<1x16x128xf32, #tpu.memory_space<vmem>> -> memref<16x128xf32, #tpu.memory_space<vmem>>
        tpu.wait_dma2 semaphore(%dma_wait3A_1114 : memref<!tpu.dma_semaphore, #tpu.memory_space<semaphore_mem>>) src(%dma_wait3A_1120 : memref<16x128xf32, #tpu.memory_space<vmem>>) dst(%dma_wait3A_1116 : memref<16x128xf32, #tpu.memory_space<hbm>>)
        %dma_wait3A_1121 = arith.constant 1 : i32
        %dma_wait3A_1122 = arith.constant 1 : i32
        %dma_wait3A_1123 = arith.constant 16 : i32
        %dma_wait3A_1124 = arith.constant 0 : i32
        %dma_wait3A_1125 = tpu.memref_slice %arg22[%dma_wait3A_1121, %dma_wait3A_1123, %dma_wait3A_1124] : memref<2x48x128xf32, #tpu.memory_space<vmem>> -> memref<1x16x128xf32, #tpu.memory_space<vmem>>
        %dma_wait3A_1126 = tpu.memref_squeeze %dma_wait3A_1125 : memref<1x16x128xf32, #tpu.memory_space<vmem>> -> memref<16x128xf32, #tpu.memory_space<vmem>>
        %dma_wait3A_1127 = arith.constant 128 : i32
        %dma_wait3A_1128 = tpu.memref_slice %arg11[%mul3A_2, %dma_wait3A_1127] : memref<65536x384xf32, #tpu.memory_space<hbm>> -> memref<16x128xf32, #tpu.memory_space<hbm>>
        %dma_wait3A_1129 = tpu.memref_slice %arg25[%dma_wait3A_1122] : memref<2x!tpu.dma_semaphore, #tpu.memory_space<semaphore_mem>> -> memref<1x!tpu.dma_semaphore, #tpu.memory_space<semaphore_mem>>
        %dma_wait3A_1130 = tpu.memref_squeeze %dma_wait3A_1129 : memref<1x!tpu.dma_semaphore, #tpu.memory_space<semaphore_mem>> -> memref<!tpu.dma_semaphore, #tpu.memory_space<semaphore_mem>>
        %dma_wait3A_1131 = arith.constant 128 : i32
        %dma_wait3A_1132 = tpu.memref_slice %arg11[%mul3A_2, %dma_wait3A_1131] : memref<65536x384xf32, #tpu.memory_space<hbm>> -> memref<16x128xf32, #tpu.memory_space<hbm>>
        %dma_wait3A_1133 = arith.constant 16 : i32
        %dma_wait3A_1134 = arith.constant 0 : i32
        %dma_wait3A_1135 = tpu.memref_slice %arg22[%dma_wait3A_1121, %dma_wait3A_1133, %dma_wait3A_1134] : memref<2x48x128xf32, #tpu.memory_space<vmem>> -> memref<1x16x128xf32, #tpu.memory_space<vmem>>
        %dma_wait3A_1136 = tpu.memref_squeeze %dma_wait3A_1135 : memref<1x16x128xf32, #tpu.memory_space<vmem>> -> memref<16x128xf32, #tpu.memory_space<vmem>>
        tpu.wait_dma2 semaphore(%dma_wait3A_1130 : memref<!tpu.dma_semaphore, #tpu.memory_space<semaphore_mem>>) src(%dma_wait3A_1136 : memref<16x128xf32, #tpu.memory_space<vmem>>) dst(%dma_wait3A_1132 : memref<16x128xf32, #tpu.memory_space<hbm>>)
        %dma_wait3A_1137 = arith.constant 1 : i32
        %dma_wait3A_1138 = arith.constant 1 : i32
        %dma_wait3A_1139 = arith.constant 32 : i32
        %dma_wait3A_1140 = arith.constant 0 : i32
        %dma_wait3A_1141 = tpu.memref_slice %arg22[%dma_wait3A_1137, %dma_wait3A_1139, %dma_wait3A_1140] : memref<2x48x128xf32, #tpu.memory_space<vmem>> -> memref<1x16x128xf32, #tpu.memory_space<vmem>>
        %dma_wait3A_1142 = tpu.memref_squeeze %dma_wait3A_1141 : memref<1x16x128xf32, #tpu.memory_space<vmem>> -> memref<16x128xf32, #tpu.memory_space<vmem>>
        %dma_wait3A_1143 = arith.constant 256 : i32
        %dma_wait3A_1144 = tpu.memref_slice %arg11[%mul3A_2, %dma_wait3A_1143] : memref<65536x384xf32, #tpu.memory_space<hbm>> -> memref<16x128xf32, #tpu.memory_space<hbm>>
        %dma_wait3A_1145 = tpu.memref_slice %arg25[%dma_wait3A_1138] : memref<2x!tpu.dma_semaphore, #tpu.memory_space<semaphore_mem>> -> memref<1x!tpu.dma_semaphore, #tpu.memory_space<semaphore_mem>>
        %dma_wait3A_1146 = tpu.memref_squeeze %dma_wait3A_1145 : memref<1x!tpu.dma_semaphore, #tpu.memory_space<semaphore_mem>> -> memref<!tpu.dma_semaphore, #tpu.memory_space<semaphore_mem>>
        %dma_wait3A_1147 = arith.constant 256 : i32
        %dma_wait3A_1148 = tpu.memref_slice %arg11[%mul3A_2, %dma_wait3A_1147] : memref<65536x384xf32, #tpu.memory_space<hbm>> -> memref<16x128xf32, #tpu.memory_space<hbm>>
        %dma_wait3A_1149 = arith.constant 32 : i32
        %dma_wait3A_1150 = arith.constant 0 : i32
        %dma_wait3A_1151 = tpu.memref_slice %arg22[%dma_wait3A_1137, %dma_wait3A_1149, %dma_wait3A_1150] : memref<2x48x128xf32, #tpu.memory_space<vmem>> -> memref<1x16x128xf32, #tpu.memory_space<vmem>>
        %dma_wait3A_1152 = tpu.memref_squeeze %dma_wait3A_1151 : memref<1x16x128xf32, #tpu.memory_space<vmem>> -> memref<16x128xf32, #tpu.memory_space<vmem>>
        tpu.wait_dma2 semaphore(%dma_wait3A_1146 : memref<!tpu.dma_semaphore, #tpu.memory_space<semaphore_mem>>) src(%dma_wait3A_1152 : memref<16x128xf32, #tpu.memory_space<vmem>>) dst(%dma_wait3A_1148 : memref<16x128xf32, #tpu.memory_space<hbm>>)
        %dma_wait3A_1153 = arith.constant 1 : i32
        %dma_wait3A_1154 = arith.constant 1 : i32
        %dma_wait3A_1155 = arith.constant 0 : i32
        %dma_wait3A_1156 = arith.constant 0 : i32
        %dma_wait3A_1157 = tpu.memref_slice %arg23[%dma_wait3A_1153, %dma_wait3A_1155, %dma_wait3A_1156] : memref<2x96x128xf32, #tpu.memory_space<vmem>> -> memref<1x16x128xf32, #tpu.memory_space<vmem>>
        %dma_wait3A_1158 = tpu.memref_squeeze %dma_wait3A_1157 : memref<1x16x128xf32, #tpu.memory_space<vmem>> -> memref<16x128xf32, #tpu.memory_space<vmem>>
        %dma_wait3A_1159 = arith.constant 0 : i32
        %dma_wait3A_1160 = tpu.memref_slice %arg12[%mul3A_2, %dma_wait3A_1159] : memref<65536x768xf32, #tpu.memory_space<hbm>> -> memref<16x128xf32, #tpu.memory_space<hbm>>
        %dma_wait3A_1161 = tpu.memref_slice %arg25[%dma_wait3A_1154] : memref<2x!tpu.dma_semaphore, #tpu.memory_space<semaphore_mem>> -> memref<1x!tpu.dma_semaphore, #tpu.memory_space<semaphore_mem>>
        %dma_wait3A_1162 = tpu.memref_squeeze %dma_wait3A_1161 : memref<1x!tpu.dma_semaphore, #tpu.memory_space<semaphore_mem>> -> memref<!tpu.dma_semaphore, #tpu.memory_space<semaphore_mem>>
        %dma_wait3A_1163 = arith.constant 0 : i32
        %dma_wait3A_1164 = tpu.memref_slice %arg12[%mul3A_2, %dma_wait3A_1163] : memref<65536x768xf32, #tpu.memory_space<hbm>> -> memref<16x128xf32, #tpu.memory_space<hbm>>
        %dma_wait3A_1165 = arith.constant 0 : i32
        %dma_wait3A_1166 = arith.constant 0 : i32
        %dma_wait3A_1167 = tpu.memref_slice %arg23[%dma_wait3A_1153, %dma_wait3A_1165, %dma_wait3A_1166] : memref<2x96x128xf32, #tpu.memory_space<vmem>> -> memref<1x16x128xf32, #tpu.memory_space<vmem>>
        %dma_wait3A_1168 = tpu.memref_squeeze %dma_wait3A_1167 : memref<1x16x128xf32, #tpu.memory_space<vmem>> -> memref<16x128xf32, #tpu.memory_space<vmem>>
        tpu.wait_dma2 semaphore(%dma_wait3A_1162 : memref<!tpu.dma_semaphore, #tpu.memory_space<semaphore_mem>>) src(%dma_wait3A_1168 : memref<16x128xf32, #tpu.memory_space<vmem>>) dst(%dma_wait3A_1164 : memref<16x128xf32, #tpu.memory_space<hbm>>)
        %dma_wait3A_1169 = arith.constant 1 : i32
        %dma_wait3A_1170 = arith.constant 1 : i32
        %dma_wait3A_1171 = arith.constant 16 : i32
        %dma_wait3A_1172 = arith.constant 0 : i32
        %dma_wait3A_1173 = tpu.memref_slice %arg23[%dma_wait3A_1169, %dma_wait3A_1171, %dma_wait3A_1172] : memref<2x96x128xf32, #tpu.memory_space<vmem>> -> memref<1x16x128xf32, #tpu.memory_space<vmem>>
        %dma_wait3A_1174 = tpu.memref_squeeze %dma_wait3A_1173 : memref<1x16x128xf32, #tpu.memory_space<vmem>> -> memref<16x128xf32, #tpu.memory_space<vmem>>
        %dma_wait3A_1175 = arith.constant 128 : i32
        %dma_wait3A_1176 = tpu.memref_slice %arg12[%mul3A_2, %dma_wait3A_1175] : memref<65536x768xf32, #tpu.memory_space<hbm>> -> memref<16x128xf32, #tpu.memory_space<hbm>>
        %dma_wait3A_1177 = tpu.memref_slice %arg25[%dma_wait3A_1170] : memref<2x!tpu.dma_semaphore, #tpu.memory_space<semaphore_mem>> -> memref<1x!tpu.dma_semaphore, #tpu.memory_space<semaphore_mem>>
        %dma_wait3A_1178 = tpu.memref_squeeze %dma_wait3A_1177 : memref<1x!tpu.dma_semaphore, #tpu.memory_space<semaphore_mem>> -> memref<!tpu.dma_semaphore, #tpu.memory_space<semaphore_mem>>
        %dma_wait3A_1179 = arith.constant 128 : i32
        %dma_wait3A_1180 = tpu.memref_slice %arg12[%mul3A_2, %dma_wait3A_1179] : memref<65536x768xf32, #tpu.memory_space<hbm>> -> memref<16x128xf32, #tpu.memory_space<hbm>>
        %dma_wait3A_1181 = arith.constant 16 : i32
        %dma_wait3A_1182 = arith.constant 0 : i32
        %dma_wait3A_1183 = tpu.memref_slice %arg23[%dma_wait3A_1169, %dma_wait3A_1181, %dma_wait3A_1182] : memref<2x96x128xf32, #tpu.memory_space<vmem>> -> memref<1x16x128xf32, #tpu.memory_space<vmem>>
        %dma_wait3A_1184 = tpu.memref_squeeze %dma_wait3A_1183 : memref<1x16x128xf32, #tpu.memory_space<vmem>> -> memref<16x128xf32, #tpu.memory_space<vmem>>
        tpu.wait_dma2 semaphore(%dma_wait3A_1178 : memref<!tpu.dma_semaphore, #tpu.memory_space<semaphore_mem>>) src(%dma_wait3A_1184 : memref<16x128xf32, #tpu.memory_space<vmem>>) dst(%dma_wait3A_1180 : memref<16x128xf32, #tpu.memory_space<hbm>>)
        %dma_wait3A_1185 = arith.constant 1 : i32
        %dma_wait3A_1186 = arith.constant 1 : i32
        %dma_wait3A_1187 = arith.constant 32 : i32
        %dma_wait3A_1188 = arith.constant 0 : i32
        %dma_wait3A_1189 = tpu.memref_slice %arg23[%dma_wait3A_1185, %dma_wait3A_1187, %dma_wait3A_1188] : memref<2x96x128xf32, #tpu.memory_space<vmem>> -> memref<1x16x128xf32, #tpu.memory_space<vmem>>
        %dma_wait3A_1190 = tpu.memref_squeeze %dma_wait3A_1189 : memref<1x16x128xf32, #tpu.memory_space<vmem>> -> memref<16x128xf32, #tpu.memory_space<vmem>>
        %dma_wait3A_1191 = arith.constant 256 : i32
        %dma_wait3A_1192 = tpu.memref_slice %arg12[%mul3A_2, %dma_wait3A_1191] : memref<65536x768xf32, #tpu.memory_space<hbm>> -> memref<16x128xf32, #tpu.memory_space<hbm>>
        %dma_wait3A_1193 = tpu.memref_slice %arg25[%dma_wait3A_1186] : memref<2x!tpu.dma_semaphore, #tpu.memory_space<semaphore_mem>> -> memref<1x!tpu.dma_semaphore, #tpu.memory_space<semaphore_mem>>
        %dma_wait3A_1194 = tpu.memref_squeeze %dma_wait3A_1193 : memref<1x!tpu.dma_semaphore, #tpu.memory_space<semaphore_mem>> -> memref<!tpu.dma_semaphore, #tpu.memory_space<semaphore_mem>>
        %dma_wait3A_1195 = arith.constant 256 : i32
        %dma_wait3A_1196 = tpu.memref_slice %arg12[%mul3A_2, %dma_wait3A_1195] : memref<65536x768xf32, #tpu.memory_space<hbm>> -> memref<16x128xf32, #tpu.memory_space<hbm>>
        %dma_wait3A_1197 = arith.constant 32 : i32
        %dma_wait3A_1198 = arith.constant 0 : i32
        %dma_wait3A_1199 = tpu.memref_slice %arg23[%dma_wait3A_1185, %dma_wait3A_1197, %dma_wait3A_1198] : memref<2x96x128xf32, #tpu.memory_space<vmem>> -> memref<1x16x128xf32, #tpu.memory_space<vmem>>
        %dma_wait3A_1200 = tpu.memref_squeeze %dma_wait3A_1199 : memref<1x16x128xf32, #tpu.memory_space<vmem>> -> memref<16x128xf32, #tpu.memory_space<vmem>>
        tpu.wait_dma2 semaphore(%dma_wait3A_1194 : memref<!tpu.dma_semaphore, #tpu.memory_space<semaphore_mem>>) src(%dma_wait3A_1200 : memref<16x128xf32, #tpu.memory_space<vmem>>) dst(%dma_wait3A_1196 : memref<16x128xf32, #tpu.memory_space<hbm>>)
        %dma_wait3A_1201 = arith.constant 1 : i32
        %dma_wait3A_1202 = arith.constant 1 : i32
        %dma_wait3A_1203 = arith.constant 48 : i32
        %dma_wait3A_1204 = arith.constant 0 : i32
        %dma_wait3A_1205 = tpu.memref_slice %arg23[%dma_wait3A_1201, %dma_wait3A_1203, %dma_wait3A_1204] : memref<2x96x128xf32, #tpu.memory_space<vmem>> -> memref<1x16x128xf32, #tpu.memory_space<vmem>>
        %dma_wait3A_1206 = tpu.memref_squeeze %dma_wait3A_1205 : memref<1x16x128xf32, #tpu.memory_space<vmem>> -> memref<16x128xf32, #tpu.memory_space<vmem>>
        %dma_wait3A_1207 = arith.constant 384 : i32
        %dma_wait3A_1208 = tpu.memref_slice %arg12[%mul3A_2, %dma_wait3A_1207] : memref<65536x768xf32, #tpu.memory_space<hbm>> -> memref<16x128xf32, #tpu.memory_space<hbm>>
        %dma_wait3A_1209 = tpu.memref_slice %arg25[%dma_wait3A_1202] : memref<2x!tpu.dma_semaphore, #tpu.memory_space<semaphore_mem>> -> memref<1x!tpu.dma_semaphore, #tpu.memory_space<semaphore_mem>>
        %dma_wait3A_1210 = tpu.memref_squeeze %dma_wait3A_1209 : memref<1x!tpu.dma_semaphore, #tpu.memory_space<semaphore_mem>> -> memref<!tpu.dma_semaphore, #tpu.memory_space<semaphore_mem>>
        %dma_wait3A_1211 = arith.constant 384 : i32
        %dma_wait3A_1212 = tpu.memref_slice %arg12[%mul3A_2, %dma_wait3A_1211] : memref<65536x768xf32, #tpu.memory_space<hbm>> -> memref<16x128xf32, #tpu.memory_space<hbm>>
        %dma_wait3A_1213 = arith.constant 48 : i32
        %dma_wait3A_1214 = arith.constant 0 : i32
        %dma_wait3A_1215 = tpu.memref_slice %arg23[%dma_wait3A_1201, %dma_wait3A_1213, %dma_wait3A_1214] : memref<2x96x128xf32, #tpu.memory_space<vmem>> -> memref<1x16x128xf32, #tpu.memory_space<vmem>>
        %dma_wait3A_1216 = tpu.memref_squeeze %dma_wait3A_1215 : memref<1x16x128xf32, #tpu.memory_space<vmem>> -> memref<16x128xf32, #tpu.memory_space<vmem>>
        tpu.wait_dma2 semaphore(%dma_wait3A_1210 : memref<!tpu.dma_semaphore, #tpu.memory_space<semaphore_mem>>) src(%dma_wait3A_1216 : memref<16x128xf32, #tpu.memory_space<vmem>>) dst(%dma_wait3A_1212 : memref<16x128xf32, #tpu.memory_space<hbm>>)
        %dma_wait3A_1217 = arith.constant 1 : i32
        %dma_wait3A_1218 = arith.constant 1 : i32
        %dma_wait3A_1219 = arith.constant 64 : i32
        %dma_wait3A_1220 = arith.constant 0 : i32
        %dma_wait3A_1221 = tpu.memref_slice %arg23[%dma_wait3A_1217, %dma_wait3A_1219, %dma_wait3A_1220] : memref<2x96x128xf32, #tpu.memory_space<vmem>> -> memref<1x16x128xf32, #tpu.memory_space<vmem>>
        %dma_wait3A_1222 = tpu.memref_squeeze %dma_wait3A_1221 : memref<1x16x128xf32, #tpu.memory_space<vmem>> -> memref<16x128xf32, #tpu.memory_space<vmem>>
        %dma_wait3A_1223 = arith.constant 512 : i32
        %dma_wait3A_1224 = tpu.memref_slice %arg12[%mul3A_2, %dma_wait3A_1223] : memref<65536x768xf32, #tpu.memory_space<hbm>> -> memref<16x128xf32, #tpu.memory_space<hbm>>
        %dma_wait3A_1225 = tpu.memref_slice %arg25[%dma_wait3A_1218] : memref<2x!tpu.dma_semaphore, #tpu.memory_space<semaphore_mem>> -> memref<1x!tpu.dma_semaphore, #tpu.memory_space<semaphore_mem>>
        %dma_wait3A_1226 = tpu.memref_squeeze %dma_wait3A_1225 : memref<1x!tpu.dma_semaphore, #tpu.memory_space<semaphore_mem>> -> memref<!tpu.dma_semaphore, #tpu.memory_space<semaphore_mem>>
        %dma_wait3A_1227 = arith.constant 512 : i32
        %dma_wait3A_1228 = tpu.memref_slice %arg12[%mul3A_2, %dma_wait3A_1227] : memref<65536x768xf32, #tpu.memory_space<hbm>> -> memref<16x128xf32, #tpu.memory_space<hbm>>
        %dma_wait3A_1229 = arith.constant 64 : i32
        %dma_wait3A_1230 = arith.constant 0 : i32
        %dma_wait3A_1231 = tpu.memref_slice %arg23[%dma_wait3A_1217, %dma_wait3A_1229, %dma_wait3A_1230] : memref<2x96x128xf32, #tpu.memory_space<vmem>> -> memref<1x16x128xf32, #tpu.memory_space<vmem>>
        %dma_wait3A_1232 = tpu.memref_squeeze %dma_wait3A_1231 : memref<1x16x128xf32, #tpu.memory_space<vmem>> -> memref<16x128xf32, #tpu.memory_space<vmem>>
        tpu.wait_dma2 semaphore(%dma_wait3A_1226 : memref<!tpu.dma_semaphore, #tpu.memory_space<semaphore_mem>>) src(%dma_wait3A_1232 : memref<16x128xf32, #tpu.memory_space<vmem>>) dst(%dma_wait3A_1228 : memref<16x128xf32, #tpu.memory_space<hbm>>)
        %dma_wait3A_1233 = arith.constant 1 : i32
        %dma_wait3A_1234 = arith.constant 1 : i32
        %dma_wait3A_1235 = arith.constant 80 : i32
        %dma_wait3A_1236 = arith.constant 0 : i32
        %dma_wait3A_1237 = tpu.memref_slice %arg23[%dma_wait3A_1233, %dma_wait3A_1235, %dma_wait3A_1236] : memref<2x96x128xf32, #tpu.memory_space<vmem>> -> memref<1x16x128xf32, #tpu.memory_space<vmem>>
        %dma_wait3A_1238 = tpu.memref_squeeze %dma_wait3A_1237 : memref<1x16x128xf32, #tpu.memory_space<vmem>> -> memref<16x128xf32, #tpu.memory_space<vmem>>
        %dma_wait3A_1239 = arith.constant 640 : i32
        %dma_wait3A_1240 = tpu.memref_slice %arg12[%mul3A_2, %dma_wait3A_1239] : memref<65536x768xf32, #tpu.memory_space<hbm>> -> memref<16x128xf32, #tpu.memory_space<hbm>>
        %dma_wait3A_1241 = tpu.memref_slice %arg25[%dma_wait3A_1234] : memref<2x!tpu.dma_semaphore, #tpu.memory_space<semaphore_mem>> -> memref<1x!tpu.dma_semaphore, #tpu.memory_space<semaphore_mem>>
        %dma_wait3A_1242 = tpu.memref_squeeze %dma_wait3A_1241 : memref<1x!tpu.dma_semaphore, #tpu.memory_space<semaphore_mem>> -> memref<!tpu.dma_semaphore, #tpu.memory_space<semaphore_mem>>
        %dma_wait3A_1243 = arith.constant 640 : i32
        %dma_wait3A_1244 = tpu.memref_slice %arg12[%mul3A_2, %dma_wait3A_1243] : memref<65536x768xf32, #tpu.memory_space<hbm>> -> memref<16x128xf32, #tpu.memory_space<hbm>>
        %dma_wait3A_1245 = arith.constant 80 : i32
        %dma_wait3A_1246 = arith.constant 0 : i32
        %dma_wait3A_1247 = tpu.memref_slice %arg23[%dma_wait3A_1233, %dma_wait3A_1245, %dma_wait3A_1246] : memref<2x96x128xf32, #tpu.memory_space<vmem>> -> memref<1x16x128xf32, #tpu.memory_space<vmem>>
        %dma_wait3A_1248 = tpu.memref_squeeze %dma_wait3A_1247 : memref<1x16x128xf32, #tpu.memory_space<vmem>> -> memref<16x128xf32, #tpu.memory_space<vmem>>
        tpu.wait_dma2 semaphore(%dma_wait3A_1242 : memref<!tpu.dma_semaphore, #tpu.memory_space<semaphore_mem>>) src(%dma_wait3A_1248 : memref<16x128xf32, #tpu.memory_space<vmem>>) dst(%dma_wait3A_1244 : memref<16x128xf32, #tpu.memory_space<hbm>>)
      } else {
      }
      %lt3A_475 = arith.constant 128 : i32
      %lt3A_476 = arith.cmpi slt, %add3A_470, %lt3A_475 : i32
      %convert_element_type3A_477 = arith.extui %lt3A_476 : i1 to i32
      %cond3A_478 = arith.constant 0 : i32
      %cond3A_479 = arith.cmpi ne, %convert_element_type3A_477, %cond3A_478 : i32
      scf.if %cond3A_479 {
        %mul3A_1057 = arith.constant 16 : i32
        %mul3A_1058 = arith.muli %add3A_470, %mul3A_1057 : i32
        %dma_start3A_1059 = arith.constant 1 : i32
        %dma_start3A_1060 = arith.constant 1 : i32
        %dma_start3A_1061 = arith.constant 0 : i32
        %dma_start3A_1062 = arith.constant 0 : i32
        %dma_start3A_1063 = tpu.memref_slice %arg20[%dma_start3A_1059, %dma_start3A_1061, %dma_start3A_1062] : memref<2x16x128xf32, #tpu.memory_space<vmem>> -> memref<1x16x128xf32, #tpu.memory_space<vmem>>
        %dma_start3A_1064 = tpu.memref_squeeze %dma_start3A_1063 : memref<1x16x128xf32, #tpu.memory_space<vmem>> -> memref<16x128xf32, #tpu.memory_space<vmem>>
        %dma_start3A_1065 = tpu.memref_slice %arg16[%mul3A_1058] : memref<2048xi32, #tpu.memory_space<vmem>> -> memref<16xi32, #tpu.memory_space<vmem>>
        %dma_start3A_1066 = arith.constant 0 : i32
        %dma_start3A_1067 = arith.constant 0 : i32
        %dma_start3A_1068 = tpu.memref_slice %arg2[%dma_start3A_1066, %dma_start3A_1067] : memref<100360x128xf32, #tpu.memory_space<hbm>> -> memref<100360x128xf32, #tpu.memory_space<hbm>>
        %dma_start3A_1069 = tpu.memref_slice %arg24[%dma_start3A_1060] : memref<2x!tpu.dma_semaphore, #tpu.memory_space<semaphore_mem>> -> memref<1x!tpu.dma_semaphore, #tpu.memory_space<semaphore_mem>>
        %dma_start3A_1070 = tpu.memref_squeeze %dma_start3A_1069 : memref<1x!tpu.dma_semaphore, #tpu.memory_space<semaphore_mem>> -> memref<!tpu.dma_semaphore, #tpu.memory_space<semaphore_mem>>
        tpu.enqueue_indirect_dma source(%dma_start3A_1068 : memref<100360x128xf32, #tpu.memory_space<hbm>>) target(%dma_start3A_1064 : memref<16x128xf32, #tpu.memory_space<vmem>>) offsets(%dma_start3A_1065 : memref<16xi32, #tpu.memory_space<vmem>>) semaphore(%dma_start3A_1070 : memref<!tpu.dma_semaphore, #tpu.memory_space<semaphore_mem>>)
        %mul3A_1071 = arith.constant 32 : i32
        %mul3A_1072 = arith.muli %add3A_470, %mul3A_1071 : i32
        %dma_start3A_1073 = arith.constant 1 : i32
        %dma_start3A_1074 = arith.constant 1 : i32
        %dma_start3A_1075 = arith.constant 0 : i32
        %dma_start3A_1076 = arith.constant 0 : i32
        %dma_start3A_1077 = tpu.memref_slice %arg21[%dma_start3A_1073, %dma_start3A_1075, %dma_start3A_1076] : memref<2x32x128xf32, #tpu.memory_space<vmem>> -> memref<1x32x128xf32, #tpu.memory_space<vmem>>
        %dma_start3A_1078 = tpu.memref_squeeze %dma_start3A_1077 : memref<1x32x128xf32, #tpu.memory_space<vmem>> -> memref<32x128xf32, #tpu.memory_space<vmem>>
        %dma_start3A_1079 = tpu.memref_slice %arg17[%mul3A_1072] : memref<4096xi32, #tpu.memory_space<vmem>> -> memref<32xi32, #tpu.memory_space<vmem>>
        %dma_start3A_1080 = arith.constant 0 : i32
        %dma_start3A_1081 = arith.constant 0 : i32
        %dma_start3A_1082 = tpu.memref_slice %arg3[%dma_start3A_1080, %dma_start3A_1081] : memref<50192x128xf32, #tpu.memory_space<hbm>> -> memref<50192x128xf32, #tpu.memory_space<hbm>>
        %dma_start3A_1083 = tpu.memref_slice %arg24[%dma_start3A_1074] : memref<2x!tpu.dma_semaphore, #tpu.memory_space<semaphore_mem>> -> memref<1x!tpu.dma_semaphore, #tpu.memory_space<semaphore_mem>>
        %dma_start3A_1084 = tpu.memref_squeeze %dma_start3A_1083 : memref<1x!tpu.dma_semaphore, #tpu.memory_space<semaphore_mem>> -> memref<!tpu.dma_semaphore, #tpu.memory_space<semaphore_mem>>
        tpu.enqueue_indirect_dma source(%dma_start3A_1082 : memref<50192x128xf32, #tpu.memory_space<hbm>>) target(%dma_start3A_1078 : memref<32x128xf32, #tpu.memory_space<vmem>>) offsets(%dma_start3A_1079 : memref<32xi32, #tpu.memory_space<vmem>>) semaphore(%dma_start3A_1084 : memref<!tpu.dma_semaphore, #tpu.memory_space<semaphore_mem>>)
        %mul3A_1085 = arith.constant 48 : i32
        %mul3A_1086 = arith.muli %add3A_470, %mul3A_1085 : i32
        %dma_start3A_1087 = arith.constant 1 : i32
        %dma_start3A_1088 = arith.constant 1 : i32
        %dma_start3A_1089 = arith.constant 0 : i32
        %dma_start3A_1090 = arith.constant 0 : i32
        %dma_start3A_1091 = tpu.memref_slice %arg22[%dma_start3A_1087, %dma_start3A_1089, %dma_start3A_1090] : memref<2x48x128xf32, #tpu.memory_space<vmem>> -> memref<1x48x128xf32, #tpu.memory_space<vmem>>
        %dma_start3A_1092 = tpu.memref_squeeze %dma_start3A_1091 : memref<1x48x128xf32, #tpu.memory_space<vmem>> -> memref<48x128xf32, #tpu.memory_space<vmem>>
        %dma_start3A_1093 = tpu.memref_slice %arg18[%mul3A_1086] : memref<6144xi32, #tpu.memory_space<vmem>> -> memref<48xi32, #tpu.memory_space<vmem>>
        %dma_start3A_1094 = arith.constant 0 : i32
        %dma_start3A_1095 = arith.constant 0 : i32
        %dma_start3A_1096 = tpu.memref_slice %arg4[%dma_start3A_1094, %dma_start3A_1095] : memref<18840x128xf32, #tpu.memory_space<hbm>> -> memref<18840x128xf32, #tpu.memory_space<hbm>>
        %dma_start3A_1097 = tpu.memref_slice %arg24[%dma_start3A_1088] : memref<2x!tpu.dma_semaphore, #tpu.memory_space<semaphore_mem>> -> memref<1x!tpu.dma_semaphore, #tpu.memory_space<semaphore_mem>>
        %dma_start3A_1098 = tpu.memref_squeeze %dma_start3A_1097 : memref<1x!tpu.dma_semaphore, #tpu.memory_space<semaphore_mem>> -> memref<!tpu.dma_semaphore, #tpu.memory_space<semaphore_mem>>
        tpu.enqueue_indirect_dma source(%dma_start3A_1096 : memref<18840x128xf32, #tpu.memory_space<hbm>>) target(%dma_start3A_1092 : memref<48x128xf32, #tpu.memory_space<vmem>>) offsets(%dma_start3A_1093 : memref<48xi32, #tpu.memory_space<vmem>>) semaphore(%dma_start3A_1098 : memref<!tpu.dma_semaphore, #tpu.memory_space<semaphore_mem>>)
        %mul3A_1099 = arith.constant 96 : i32
        %mul3A_1100 = arith.muli %add3A_470, %mul3A_1099 : i32
        %dma_start3A_1101 = arith.constant 1 : i32
        %dma_start3A_1102 = arith.constant 1 : i32
        %dma_start3A_1103 = arith.constant 0 : i32
        %dma_start3A_1104 = arith.constant 0 : i32
        %dma_start3A_1105 = tpu.memref_slice %arg23[%dma_start3A_1101, %dma_start3A_1103, %dma_start3A_1104] : memref<2x96x128xf32, #tpu.memory_space<vmem>> -> memref<1x96x128xf32, #tpu.memory_space<vmem>>
        %dma_start3A_1106 = tpu.memref_squeeze %dma_start3A_1105 : memref<1x96x128xf32, #tpu.memory_space<vmem>> -> memref<96x128xf32, #tpu.memory_space<vmem>>
        %dma_start3A_1107 = tpu.memref_slice %arg19[%mul3A_1100] : memref<12288xi32, #tpu.memory_space<vmem>> -> memref<96xi32, #tpu.memory_space<vmem>>
        %dma_start3A_1108 = arith.constant 0 : i32
        %dma_start3A_1109 = arith.constant 0 : i32
        %dma_start3A_1110 = tpu.memref_slice %arg5[%dma_start3A_1108, %dma_start3A_1109] : memref<9456x128xf32, #tpu.memory_space<hbm>> -> memref<9456x128xf32, #tpu.memory_space<hbm>>
        %dma_start3A_1111 = tpu.memref_slice %arg24[%dma_start3A_1102] : memref<2x!tpu.dma_semaphore, #tpu.memory_space<semaphore_mem>> -> memref<1x!tpu.dma_semaphore, #tpu.memory_space<semaphore_mem>>
        %dma_start3A_1112 = tpu.memref_squeeze %dma_start3A_1111 : memref<1x!tpu.dma_semaphore, #tpu.memory_space<semaphore_mem>> -> memref<!tpu.dma_semaphore, #tpu.memory_space<semaphore_mem>>
        tpu.enqueue_indirect_dma source(%dma_start3A_1110 : memref<9456x128xf32, #tpu.memory_space<hbm>>) target(%dma_start3A_1106 : memref<96x128xf32, #tpu.memory_space<vmem>>) offsets(%dma_start3A_1107 : memref<96xi32, #tpu.memory_space<vmem>>) semaphore(%dma_start3A_1112 : memref<!tpu.dma_semaphore, #tpu.memory_space<semaphore_mem>>)
      } else {
      }
      %dma_wait3A_480 = arith.constant 0 : i32
      %dma_wait3A_481 = arith.constant 0 : i32
      %dma_wait3A_482 = arith.constant 0 : i32
      %dma_wait3A_483 = arith.constant 0 : i32
      %dma_wait3A_484 = tpu.memref_slice %arg20[%dma_wait3A_480, %dma_wait3A_482, %dma_wait3A_483] : memref<2x16x128xf32, #tpu.memory_space<vmem>> -> memref<1x16x128xf32, #tpu.memory_space<vmem>>
      %dma_wait3A_485 = tpu.memref_squeeze %dma_wait3A_484 : memref<1x16x128xf32, #tpu.memory_space<vmem>> -> memref<16x128xf32, #tpu.memory_space<vmem>>
      %dma_wait3A_486 = arith.constant 0 : i32
      %dma_wait3A_487 = tpu.memref_slice %arg16[%dma_wait3A_486] : memref<2048xi32, #tpu.memory_space<vmem>> -> memref<16xi32, #tpu.memory_space<vmem>>
      %dma_wait3A_488 = arith.constant 0 : i32
      %dma_wait3A_489 = arith.constant 0 : i32
      %dma_wait3A_490 = tpu.memref_slice %arg2[%dma_wait3A_488, %dma_wait3A_489] : memref<100360x128xf32, #tpu.memory_space<hbm>> -> memref<100360x128xf32, #tpu.memory_space<hbm>>
      %dma_wait3A_491 = tpu.memref_slice %arg24[%dma_wait3A_481] : memref<2x!tpu.dma_semaphore, #tpu.memory_space<semaphore_mem>> -> memref<1x!tpu.dma_semaphore, #tpu.memory_space<semaphore_mem>>
      %dma_wait3A_492 = tpu.memref_squeeze %dma_wait3A_491 : memref<1x!tpu.dma_semaphore, #tpu.memory_space<semaphore_mem>> -> memref<!tpu.dma_semaphore, #tpu.memory_space<semaphore_mem>>
      tpu.wait_indirect_dma semaphore(%dma_wait3A_492 : memref<!tpu.dma_semaphore, #tpu.memory_space<semaphore_mem>>) src(%dma_wait3A_490 : memref<100360x128xf32, #tpu.memory_space<hbm>>) dst(%dma_wait3A_485 : memref<16x128xf32, #tpu.memory_space<vmem>>)
      %dma_wait3A_493 = arith.constant 0 : i32
      %dma_wait3A_494 = arith.constant 0 : i32
      %dma_wait3A_495 = arith.constant 0 : i32
      %dma_wait3A_496 = arith.constant 0 : i32
      %dma_wait3A_497 = tpu.memref_slice %arg21[%dma_wait3A_493, %dma_wait3A_495, %dma_wait3A_496] : memref<2x32x128xf32, #tpu.memory_space<vmem>> -> memref<1x32x128xf32, #tpu.memory_space<vmem>>
      %dma_wait3A_498 = tpu.memref_squeeze %dma_wait3A_497 : memref<1x32x128xf32, #tpu.memory_space<vmem>> -> memref<32x128xf32, #tpu.memory_space<vmem>>
      %dma_wait3A_499 = arith.constant 0 : i32
      %dma_wait3A_500 = tpu.memref_slice %arg17[%dma_wait3A_499] : memref<4096xi32, #tpu.memory_space<vmem>> -> memref<32xi32, #tpu.memory_space<vmem>>
      %dma_wait3A_501 = arith.constant 0 : i32
      %dma_wait3A_502 = arith.constant 0 : i32
      %dma_wait3A_503 = tpu.memref_slice %arg3[%dma_wait3A_501, %dma_wait3A_502] : memref<50192x128xf32, #tpu.memory_space<hbm>> -> memref<50192x128xf32, #tpu.memory_space<hbm>>
      %dma_wait3A_504 = tpu.memref_slice %arg24[%dma_wait3A_494] : memref<2x!tpu.dma_semaphore, #tpu.memory_space<semaphore_mem>> -> memref<1x!tpu.dma_semaphore, #tpu.memory_space<semaphore_mem>>
      %dma_wait3A_505 = tpu.memref_squeeze %dma_wait3A_504 : memref<1x!tpu.dma_semaphore, #tpu.memory_space<semaphore_mem>> -> memref<!tpu.dma_semaphore, #tpu.memory_space<semaphore_mem>>
      tpu.wait_indirect_dma semaphore(%dma_wait3A_505 : memref<!tpu.dma_semaphore, #tpu.memory_space<semaphore_mem>>) src(%dma_wait3A_503 : memref<50192x128xf32, #tpu.memory_space<hbm>>) dst(%dma_wait3A_498 : memref<32x128xf32, #tpu.memory_space<vmem>>)
      %dma_wait3A_506 = arith.constant 0 : i32
      %dma_wait3A_507 = arith.constant 0 : i32
      %dma_wait3A_508 = arith.constant 0 : i32
      %dma_wait3A_509 = arith.constant 0 : i32
      %dma_wait3A_510 = tpu.memref_slice %arg22[%dma_wait3A_506, %dma_wait3A_508, %dma_wait3A_509] : memref<2x48x128xf32, #tpu.memory_space<vmem>> -> memref<1x48x128xf32, #tpu.memory_space<vmem>>
      %dma_wait3A_511 = tpu.memref_squeeze %dma_wait3A_510 : memref<1x48x128xf32, #tpu.memory_space<vmem>> -> memref<48x128xf32, #tpu.memory_space<vmem>>
      %dma_wait3A_512 = arith.constant 0 : i32
      %dma_wait3A_513 = tpu.memref_slice %arg18[%dma_wait3A_512] : memref<6144xi32, #tpu.memory_space<vmem>> -> memref<48xi32, #tpu.memory_space<vmem>>
      %dma_wait3A_514 = arith.constant 0 : i32
      %dma_wait3A_515 = arith.constant 0 : i32
      %dma_wait3A_516 = tpu.memref_slice %arg4[%dma_wait3A_514, %dma_wait3A_515] : memref<18840x128xf32, #tpu.memory_space<hbm>> -> memref<18840x128xf32, #tpu.memory_space<hbm>>
      %dma_wait3A_517 = tpu.memref_slice %arg24[%dma_wait3A_507] : memref<2x!tpu.dma_semaphore, #tpu.memory_space<semaphore_mem>> -> memref<1x!tpu.dma_semaphore, #tpu.memory_space<semaphore_mem>>
      %dma_wait3A_518 = tpu.memref_squeeze %dma_wait3A_517 : memref<1x!tpu.dma_semaphore, #tpu.memory_space<semaphore_mem>> -> memref<!tpu.dma_semaphore, #tpu.memory_space<semaphore_mem>>
      tpu.wait_indirect_dma semaphore(%dma_wait3A_518 : memref<!tpu.dma_semaphore, #tpu.memory_space<semaphore_mem>>) src(%dma_wait3A_516 : memref<18840x128xf32, #tpu.memory_space<hbm>>) dst(%dma_wait3A_511 : memref<48x128xf32, #tpu.memory_space<vmem>>)
      %dma_wait3A_519 = arith.constant 0 : i32
      %dma_wait3A_520 = arith.constant 0 : i32
      %dma_wait3A_521 = arith.constant 0 : i32
      %dma_wait3A_522 = arith.constant 0 : i32
      %dma_wait3A_523 = tpu.memref_slice %arg23[%dma_wait3A_519, %dma_wait3A_521, %dma_wait3A_522] : memref<2x96x128xf32, #tpu.memory_space<vmem>> -> memref<1x96x128xf32, #tpu.memory_space<vmem>>
      %dma_wait3A_524 = tpu.memref_squeeze %dma_wait3A_523 : memref<1x96x128xf32, #tpu.memory_space<vmem>> -> memref<96x128xf32, #tpu.memory_space<vmem>>
      %dma_wait3A_525 = arith.constant 0 : i32
      %dma_wait3A_526 = tpu.memref_slice %arg19[%dma_wait3A_525] : memref<12288xi32, #tpu.memory_space<vmem>> -> memref<96xi32, #tpu.memory_space<vmem>>
      %dma_wait3A_527 = arith.constant 0 : i32
      %dma_wait3A_528 = arith.constant 0 : i32
      %dma_wait3A_529 = tpu.memref_slice %arg5[%dma_wait3A_527, %dma_wait3A_528] : memref<9456x128xf32, #tpu.memory_space<hbm>> -> memref<9456x128xf32, #tpu.memory_space<hbm>>
      %dma_wait3A_530 = tpu.memref_slice %arg24[%dma_wait3A_520] : memref<2x!tpu.dma_semaphore, #tpu.memory_space<semaphore_mem>> -> memref<1x!tpu.dma_semaphore, #tpu.memory_space<semaphore_mem>>
      %dma_wait3A_531 = tpu.memref_squeeze %dma_wait3A_530 : memref<1x!tpu.dma_semaphore, #tpu.memory_space<semaphore_mem>> -> memref<!tpu.dma_semaphore, #tpu.memory_space<semaphore_mem>>
      tpu.wait_indirect_dma semaphore(%dma_wait3A_531 : memref<!tpu.dma_semaphore, #tpu.memory_space<semaphore_mem>>) src(%dma_wait3A_529 : memref<9456x128xf32, #tpu.memory_space<hbm>>) dst(%dma_wait3A_524 : memref<96x128xf32, #tpu.memory_space<vmem>>)
      %mul3A_532 = arith.constant 16 : i32
      %mul3A_533 = arith.muli %add3A_468, %mul3A_532 : i32
      %add3A_534 = arith.addi %mul3A_2, %mul3A_533 : i32
      %dma_start3A_535 = arith.constant 0 : i32
      %dma_start3A_536 = arith.constant 0 : i32
      %dma_start3A_537 = arith.constant 0 : i32
      %dma_start3A_538 = arith.constant 0 : i32
      %dma_start3A_539 = tpu.memref_slice %arg20[%dma_start3A_535, %dma_start3A_537, %dma_start3A_538] : memref<2x16x128xf32, #tpu.memory_space<vmem>> -> memref<1x16x128xf32, #tpu.memory_space<vmem>>
      %dma_start3A_540 = tpu.memref_squeeze %dma_start3A_539 : memref<1x16x128xf32, #tpu.memory_space<vmem>> -> memref<16x128xf32, #tpu.memory_space<vmem>>
      %dma_start3A_541 = arith.constant 0 : i32
      %dma_start3A_542 = tpu.memref_slice %arg9[%add3A_534, %dma_start3A_541] : memref<65536x128xf32, #tpu.memory_space<hbm>> -> memref<16x128xf32, #tpu.memory_space<hbm>>
      %dma_start3A_543 = tpu.memref_slice %arg25[%dma_start3A_536] : memref<2x!tpu.dma_semaphore, #tpu.memory_space<semaphore_mem>> -> memref<1x!tpu.dma_semaphore, #tpu.memory_space<semaphore_mem>>
      %dma_start3A_544 = tpu.memref_squeeze %dma_start3A_543 : memref<1x!tpu.dma_semaphore, #tpu.memory_space<semaphore_mem>> -> memref<!tpu.dma_semaphore, #tpu.memory_space<semaphore_mem>>
      %dma_start3A_545 = arith.constant 0 : i32
      %dma_start3A_546 = tpu.memref_slice %arg9[%add3A_534, %dma_start3A_545] : memref<65536x128xf32, #tpu.memory_space<hbm>> -> memref<16x128xf32, #tpu.memory_space<hbm>>
      %dma_start3A_547 = arith.constant 0 : i32
      %dma_start3A_548 = arith.constant 0 : i32
      %dma_start3A_549 = tpu.memref_slice %arg20[%dma_start3A_535, %dma_start3A_547, %dma_start3A_548] : memref<2x16x128xf32, #tpu.memory_space<vmem>> -> memref<1x16x128xf32, #tpu.memory_space<vmem>>
      %dma_start3A_550 = tpu.memref_squeeze %dma_start3A_549 : memref<1x16x128xf32, #tpu.memory_space<vmem>> -> memref<16x128xf32, #tpu.memory_space<vmem>>
      tpu.enqueue_dma source(%dma_start3A_550 : memref<16x128xf32, #tpu.memory_space<vmem>>) target(%dma_start3A_546 : memref<16x128xf32, #tpu.memory_space<hbm>>) target_semaphore(%dma_start3A_544 : memref<!tpu.dma_semaphore, #tpu.memory_space<semaphore_mem>>)
      %mul3A_551 = arith.constant 16 : i32
      %mul3A_552 = arith.muli %add3A_468, %mul3A_551 : i32
      %add3A_553 = arith.addi %mul3A_2, %mul3A_552 : i32
      %dma_start3A_554 = arith.constant 0 : i32
      %dma_start3A_555 = arith.constant 0 : i32
      %dma_start3A_556 = arith.constant 0 : i32
      %dma_start3A_557 = arith.constant 0 : i32
      %dma_start3A_558 = tpu.memref_slice %arg21[%dma_start3A_554, %dma_start3A_556, %dma_start3A_557] : memref<2x32x128xf32, #tpu.memory_space<vmem>> -> memref<1x16x128xf32, #tpu.memory_space<vmem>>
      %dma_start3A_559 = tpu.memref_squeeze %dma_start3A_558 : memref<1x16x128xf32, #tpu.memory_space<vmem>> -> memref<16x128xf32, #tpu.memory_space<vmem>>
      %dma_start3A_560 = arith.constant 0 : i32
      %dma_start3A_561 = tpu.memref_slice %arg10[%add3A_553, %dma_start3A_560] : memref<65536x256xf32, #tpu.memory_space<hbm>> -> memref<16x128xf32, #tpu.memory_space<hbm>>
      %dma_start3A_562 = tpu.memref_slice %arg25[%dma_start3A_555] : memref<2x!tpu.dma_semaphore, #tpu.memory_space<semaphore_mem>> -> memref<1x!tpu.dma_semaphore, #tpu.memory_space<semaphore_mem>>
      %dma_start3A_563 = tpu.memref_squeeze %dma_start3A_562 : memref<1x!tpu.dma_semaphore, #tpu.memory_space<semaphore_mem>> -> memref<!tpu.dma_semaphore, #tpu.memory_space<semaphore_mem>>
      %dma_start3A_564 = arith.constant 0 : i32
      %dma_start3A_565 = tpu.memref_slice %arg10[%add3A_553, %dma_start3A_564] : memref<65536x256xf32, #tpu.memory_space<hbm>> -> memref<16x128xf32, #tpu.memory_space<hbm>>
      %dma_start3A_566 = arith.constant 0 : i32
      %dma_start3A_567 = arith.constant 0 : i32
      %dma_start3A_568 = tpu.memref_slice %arg21[%dma_start3A_554, %dma_start3A_566, %dma_start3A_567] : memref<2x32x128xf32, #tpu.memory_space<vmem>> -> memref<1x16x128xf32, #tpu.memory_space<vmem>>
      %dma_start3A_569 = tpu.memref_squeeze %dma_start3A_568 : memref<1x16x128xf32, #tpu.memory_space<vmem>> -> memref<16x128xf32, #tpu.memory_space<vmem>>
      tpu.enqueue_dma source(%dma_start3A_569 : memref<16x128xf32, #tpu.memory_space<vmem>>) target(%dma_start3A_565 : memref<16x128xf32, #tpu.memory_space<hbm>>) target_semaphore(%dma_start3A_563 : memref<!tpu.dma_semaphore, #tpu.memory_space<semaphore_mem>>)
      %mul3A_570 = arith.constant 16 : i32
      %mul3A_571 = arith.muli %add3A_468, %mul3A_570 : i32
      %add3A_572 = arith.addi %mul3A_2, %mul3A_571 : i32
      %dma_start3A_573 = arith.constant 0 : i32
      %dma_start3A_574 = arith.constant 0 : i32
      %dma_start3A_575 = arith.constant 16 : i32
      %dma_start3A_576 = arith.constant 0 : i32
      %dma_start3A_577 = tpu.memref_slice %arg21[%dma_start3A_573, %dma_start3A_575, %dma_start3A_576] : memref<2x32x128xf32, #tpu.memory_space<vmem>> -> memref<1x16x128xf32, #tpu.memory_space<vmem>>
      %dma_start3A_578 = tpu.memref_squeeze %dma_start3A_577 : memref<1x16x128xf32, #tpu.memory_space<vmem>> -> memref<16x128xf32, #tpu.memory_space<vmem>>
      %dma_start3A_579 = arith.constant 128 : i32
      %dma_start3A_580 = tpu.memref_slice %arg10[%add3A_572, %dma_start3A_579] : memref<65536x256xf32, #tpu.memory_space<hbm>> -> memref<16x128xf32, #tpu.memory_space<hbm>>
      %dma_start3A_581 = tpu.memref_slice %arg25[%dma_start3A_574] : memref<2x!tpu.dma_semaphore, #tpu.memory_space<semaphore_mem>> -> memref<1x!tpu.dma_semaphore, #tpu.memory_space<semaphore_mem>>
      %dma_start3A_582 = tpu.memref_squeeze %dma_start3A_581 : memref<1x!tpu.dma_semaphore, #tpu.memory_space<semaphore_mem>> -> memref<!tpu.dma_semaphore, #tpu.memory_space<semaphore_mem>>
      %dma_start3A_583 = arith.constant 128 : i32
      %dma_start3A_584 = tpu.memref_slice %arg10[%add3A_572, %dma_start3A_583] : memref<65536x256xf32, #tpu.memory_space<hbm>> -> memref<16x128xf32, #tpu.memory_space<hbm>>
      %dma_start3A_585 = arith.constant 16 : i32
      %dma_start3A_586 = arith.constant 0 : i32
      %dma_start3A_587 = tpu.memref_slice %arg21[%dma_start3A_573, %dma_start3A_585, %dma_start3A_586] : memref<2x32x128xf32, #tpu.memory_space<vmem>> -> memref<1x16x128xf32, #tpu.memory_space<vmem>>
      %dma_start3A_588 = tpu.memref_squeeze %dma_start3A_587 : memref<1x16x128xf32, #tpu.memory_space<vmem>> -> memref<16x128xf32, #tpu.memory_space<vmem>>
      tpu.enqueue_dma source(%dma_start3A_588 : memref<16x128xf32, #tpu.memory_space<vmem>>) target(%dma_start3A_584 : memref<16x128xf32, #tpu.memory_space<hbm>>) target_semaphore(%dma_start3A_582 : memref<!tpu.dma_semaphore, #tpu.memory_space<semaphore_mem>>)
      %mul3A_589 = arith.constant 16 : i32
      %mul3A_590 = arith.muli %add3A_468, %mul3A_589 : i32
      %add3A_591 = arith.addi %mul3A_2, %mul3A_590 : i32
      %dma_start3A_592 = arith.constant 0 : i32
      %dma_start3A_593 = arith.constant 0 : i32
      %dma_start3A_594 = arith.constant 0 : i32
      %dma_start3A_595 = arith.constant 0 : i32
      %dma_start3A_596 = tpu.memref_slice %arg22[%dma_start3A_592, %dma_start3A_594, %dma_start3A_595] : memref<2x48x128xf32, #tpu.memory_space<vmem>> -> memref<1x16x128xf32, #tpu.memory_space<vmem>>
      %dma_start3A_597 = tpu.memref_squeeze %dma_start3A_596 : memref<1x16x128xf32, #tpu.memory_space<vmem>> -> memref<16x128xf32, #tpu.memory_space<vmem>>
      %dma_start3A_598 = arith.constant 0 : i32
      %dma_start3A_599 = tpu.memref_slice %arg11[%add3A_591, %dma_start3A_598] : memref<65536x384xf32, #tpu.memory_space<hbm>> -> memref<16x128xf32, #tpu.memory_space<hbm>>
      %dma_start3A_600 = tpu.memref_slice %arg25[%dma_start3A_593] : memref<2x!tpu.dma_semaphore, #tpu.memory_space<semaphore_mem>> -> memref<1x!tpu.dma_semaphore, #tpu.memory_space<semaphore_mem>>
      %dma_start3A_601 = tpu.memref_squeeze %dma_start3A_600 : memref<1x!tpu.dma_semaphore, #tpu.memory_space<semaphore_mem>> -> memref<!tpu.dma_semaphore, #tpu.memory_space<semaphore_mem>>
      %dma_start3A_602 = arith.constant 0 : i32
      %dma_start3A_603 = tpu.memref_slice %arg11[%add3A_591, %dma_start3A_602] : memref<65536x384xf32, #tpu.memory_space<hbm>> -> memref<16x128xf32, #tpu.memory_space<hbm>>
      %dma_start3A_604 = arith.constant 0 : i32
      %dma_start3A_605 = arith.constant 0 : i32
      %dma_start3A_606 = tpu.memref_slice %arg22[%dma_start3A_592, %dma_start3A_604, %dma_start3A_605] : memref<2x48x128xf32, #tpu.memory_space<vmem>> -> memref<1x16x128xf32, #tpu.memory_space<vmem>>
      %dma_start3A_607 = tpu.memref_squeeze %dma_start3A_606 : memref<1x16x128xf32, #tpu.memory_space<vmem>> -> memref<16x128xf32, #tpu.memory_space<vmem>>
      tpu.enqueue_dma source(%dma_start3A_607 : memref<16x128xf32, #tpu.memory_space<vmem>>) target(%dma_start3A_603 : memref<16x128xf32, #tpu.memory_space<hbm>>) target_semaphore(%dma_start3A_601 : memref<!tpu.dma_semaphore, #tpu.memory_space<semaphore_mem>>)
      %mul3A_608 = arith.constant 16 : i32
      %mul3A_609 = arith.muli %add3A_468, %mul3A_608 : i32
      %add3A_610 = arith.addi %mul3A_2, %mul3A_609 : i32
      %dma_start3A_611 = arith.constant 0 : i32
      %dma_start3A_612 = arith.constant 0 : i32
      %dma_start3A_613 = arith.constant 16 : i32
      %dma_start3A_614 = arith.constant 0 : i32
      %dma_start3A_615 = tpu.memref_slice %arg22[%dma_start3A_611, %dma_start3A_613, %dma_start3A_614] : memref<2x48x128xf32, #tpu.memory_space<vmem>> -> memref<1x16x128xf32, #tpu.memory_space<vmem>>
      %dma_start3A_616 = tpu.memref_squeeze %dma_start3A_615 : memref<1x16x128xf32, #tpu.memory_space<vmem>> -> memref<16x128xf32, #tpu.memory_space<vmem>>
      %dma_start3A_617 = arith.constant 128 : i32
      %dma_start3A_618 = tpu.memref_slice %arg11[%add3A_610, %dma_start3A_617] : memref<65536x384xf32, #tpu.memory_space<hbm>> -> memref<16x128xf32, #tpu.memory_space<hbm>>
      %dma_start3A_619 = tpu.memref_slice %arg25[%dma_start3A_612] : memref<2x!tpu.dma_semaphore, #tpu.memory_space<semaphore_mem>> -> memref<1x!tpu.dma_semaphore, #tpu.memory_space<semaphore_mem>>
      %dma_start3A_620 = tpu.memref_squeeze %dma_start3A_619 : memref<1x!tpu.dma_semaphore, #tpu.memory_space<semaphore_mem>> -> memref<!tpu.dma_semaphore, #tpu.memory_space<semaphore_mem>>
      %dma_start3A_621 = arith.constant 128 : i32
      %dma_start3A_622 = tpu.memref_slice %arg11[%add3A_610, %dma_start3A_621] : memref<65536x384xf32, #tpu.memory_space<hbm>> -> memref<16x128xf32, #tpu.memory_space<hbm>>
      %dma_start3A_623 = arith.constant 16 : i32
      %dma_start3A_624 = arith.constant 0 : i32
      %dma_start3A_625 = tpu.memref_slice %arg22[%dma_start3A_611, %dma_start3A_623, %dma_start3A_624] : memref<2x48x128xf32, #tpu.memory_space<vmem>> -> memref<1x16x128xf32, #tpu.memory_space<vmem>>
      %dma_start3A_626 = tpu.memref_squeeze %dma_start3A_625 : memref<1x16x128xf32, #tpu.memory_space<vmem>> -> memref<16x128xf32, #tpu.memory_space<vmem>>
      tpu.enqueue_dma source(%dma_start3A_626 : memref<16x128xf32, #tpu.memory_space<vmem>>) target(%dma_start3A_622 : memref<16x128xf32, #tpu.memory_space<hbm>>) target_semaphore(%dma_start3A_620 : memref<!tpu.dma_semaphore, #tpu.memory_space<semaphore_mem>>)
      %mul3A_627 = arith.constant 16 : i32
      %mul3A_628 = arith.muli %add3A_468, %mul3A_627 : i32
      %add3A_629 = arith.addi %mul3A_2, %mul3A_628 : i32
      %dma_start3A_630 = arith.constant 0 : i32
      %dma_start3A_631 = arith.constant 0 : i32
      %dma_start3A_632 = arith.constant 32 : i32
      %dma_start3A_633 = arith.constant 0 : i32
      %dma_start3A_634 = tpu.memref_slice %arg22[%dma_start3A_630, %dma_start3A_632, %dma_start3A_633] : memref<2x48x128xf32, #tpu.memory_space<vmem>> -> memref<1x16x128xf32, #tpu.memory_space<vmem>>
      %dma_start3A_635 = tpu.memref_squeeze %dma_start3A_634 : memref<1x16x128xf32, #tpu.memory_space<vmem>> -> memref<16x128xf32, #tpu.memory_space<vmem>>
      %dma_start3A_636 = arith.constant 256 : i32
      %dma_start3A_637 = tpu.memref_slice %arg11[%add3A_629, %dma_start3A_636] : memref<65536x384xf32, #tpu.memory_space<hbm>> -> memref<16x128xf32, #tpu.memory_space<hbm>>
      %dma_start3A_638 = tpu.memref_slice %arg25[%dma_start3A_631] : memref<2x!tpu.dma_semaphore, #tpu.memory_space<semaphore_mem>> -> memref<1x!tpu.dma_semaphore, #tpu.memory_space<semaphore_mem>>
      %dma_start3A_639 = tpu.memref_squeeze %dma_start3A_638 : memref<1x!tpu.dma_semaphore, #tpu.memory_space<semaphore_mem>> -> memref<!tpu.dma_semaphore, #tpu.memory_space<semaphore_mem>>
      %dma_start3A_640 = arith.constant 256 : i32
      %dma_start3A_641 = tpu.memref_slice %arg11[%add3A_629, %dma_start3A_640] : memref<65536x384xf32, #tpu.memory_space<hbm>> -> memref<16x128xf32, #tpu.memory_space<hbm>>
      %dma_start3A_642 = arith.constant 32 : i32
      %dma_start3A_643 = arith.constant 0 : i32
      %dma_start3A_644 = tpu.memref_slice %arg22[%dma_start3A_630, %dma_start3A_642, %dma_start3A_643] : memref<2x48x128xf32, #tpu.memory_space<vmem>> -> memref<1x16x128xf32, #tpu.memory_space<vmem>>
      %dma_start3A_645 = tpu.memref_squeeze %dma_start3A_644 : memref<1x16x128xf32, #tpu.memory_space<vmem>> -> memref<16x128xf32, #tpu.memory_space<vmem>>
      tpu.enqueue_dma source(%dma_start3A_645 : memref<16x128xf32, #tpu.memory_space<vmem>>) target(%dma_start3A_641 : memref<16x128xf32, #tpu.memory_space<hbm>>) target_semaphore(%dma_start3A_639 : memref<!tpu.dma_semaphore, #tpu.memory_space<semaphore_mem>>)
      %mul3A_646 = arith.constant 16 : i32
      %mul3A_647 = arith.muli %add3A_468, %mul3A_646 : i32
      %add3A_648 = arith.addi %mul3A_2, %mul3A_647 : i32
      %dma_start3A_649 = arith.constant 0 : i32
      %dma_start3A_650 = arith.constant 0 : i32
      %dma_start3A_651 = arith.constant 0 : i32
      %dma_start3A_652 = arith.constant 0 : i32
      %dma_start3A_653 = tpu.memref_slice %arg23[%dma_start3A_649, %dma_start3A_651, %dma_start3A_652] : memref<2x96x128xf32, #tpu.memory_space<vmem>> -> memref<1x16x128xf32, #tpu.memory_space<vmem>>
      %dma_start3A_654 = tpu.memref_squeeze %dma_start3A_653 : memref<1x16x128xf32, #tpu.memory_space<vmem>> -> memref<16x128xf32, #tpu.memory_space<vmem>>
      %dma_start3A_655 = arith.constant 0 : i32
      %dma_start3A_656 = tpu.memref_slice %arg12[%add3A_648, %dma_start3A_655] : memref<65536x768xf32, #tpu.memory_space<hbm>> -> memref<16x128xf32, #tpu.memory_space<hbm>>
      %dma_start3A_657 = tpu.memref_slice %arg25[%dma_start3A_650] : memref<2x!tpu.dma_semaphore, #tpu.memory_space<semaphore_mem>> -> memref<1x!tpu.dma_semaphore, #tpu.memory_space<semaphore_mem>>
      %dma_start3A_658 = tpu.memref_squeeze %dma_start3A_657 : memref<1x!tpu.dma_semaphore, #tpu.memory_space<semaphore_mem>> -> memref<!tpu.dma_semaphore, #tpu.memory_space<semaphore_mem>>
      %dma_start3A_659 = arith.constant 0 : i32
      %dma_start3A_660 = tpu.memref_slice %arg12[%add3A_648, %dma_start3A_659] : memref<65536x768xf32, #tpu.memory_space<hbm>> -> memref<16x128xf32, #tpu.memory_space<hbm>>
      %dma_start3A_661 = arith.constant 0 : i32
      %dma_start3A_662 = arith.constant 0 : i32
      %dma_start3A_663 = tpu.memref_slice %arg23[%dma_start3A_649, %dma_start3A_661, %dma_start3A_662] : memref<2x96x128xf32, #tpu.memory_space<vmem>> -> memref<1x16x128xf32, #tpu.memory_space<vmem>>
      %dma_start3A_664 = tpu.memref_squeeze %dma_start3A_663 : memref<1x16x128xf32, #tpu.memory_space<vmem>> -> memref<16x128xf32, #tpu.memory_space<vmem>>
      tpu.enqueue_dma source(%dma_start3A_664 : memref<16x128xf32, #tpu.memory_space<vmem>>) target(%dma_start3A_660 : memref<16x128xf32, #tpu.memory_space<hbm>>) target_semaphore(%dma_start3A_658 : memref<!tpu.dma_semaphore, #tpu.memory_space<semaphore_mem>>)
      %mul3A_665 = arith.constant 16 : i32
      %mul3A_666 = arith.muli %add3A_468, %mul3A_665 : i32
      %add3A_667 = arith.addi %mul3A_2, %mul3A_666 : i32
      %dma_start3A_668 = arith.constant 0 : i32
      %dma_start3A_669 = arith.constant 0 : i32
      %dma_start3A_670 = arith.constant 16 : i32
      %dma_start3A_671 = arith.constant 0 : i32
      %dma_start3A_672 = tpu.memref_slice %arg23[%dma_start3A_668, %dma_start3A_670, %dma_start3A_671] : memref<2x96x128xf32, #tpu.memory_space<vmem>> -> memref<1x16x128xf32, #tpu.memory_space<vmem>>
      %dma_start3A_673 = tpu.memref_squeeze %dma_start3A_672 : memref<1x16x128xf32, #tpu.memory_space<vmem>> -> memref<16x128xf32, #tpu.memory_space<vmem>>
      %dma_start3A_674 = arith.constant 128 : i32
      %dma_start3A_675 = tpu.memref_slice %arg12[%add3A_667, %dma_start3A_674] : memref<65536x768xf32, #tpu.memory_space<hbm>> -> memref<16x128xf32, #tpu.memory_space<hbm>>
      %dma_start3A_676 = tpu.memref_slice %arg25[%dma_start3A_669] : memref<2x!tpu.dma_semaphore, #tpu.memory_space<semaphore_mem>> -> memref<1x!tpu.dma_semaphore, #tpu.memory_space<semaphore_mem>>
      %dma_start3A_677 = tpu.memref_squeeze %dma_start3A_676 : memref<1x!tpu.dma_semaphore, #tpu.memory_space<semaphore_mem>> -> memref<!tpu.dma_semaphore, #tpu.memory_space<semaphore_mem>>
      %dma_start3A_678 = arith.constant 128 : i32
      %dma_start3A_679 = tpu.memref_slice %arg12[%add3A_667, %dma_start3A_678] : memref<65536x768xf32, #tpu.memory_space<hbm>> -> memref<16x128xf32, #tpu.memory_space<hbm>>
      %dma_start3A_680 = arith.constant 16 : i32
      %dma_start3A_681 = arith.constant 0 : i32
      %dma_start3A_682 = tpu.memref_slice %arg23[%dma_start3A_668, %dma_start3A_680, %dma_start3A_681] : memref<2x96x128xf32, #tpu.memory_space<vmem>> -> memref<1x16x128xf32, #tpu.memory_space<vmem>>
      %dma_start3A_683 = tpu.memref_squeeze %dma_start3A_682 : memref<1x16x128xf32, #tpu.memory_space<vmem>> -> memref<16x128xf32, #tpu.memory_space<vmem>>
      tpu.enqueue_dma source(%dma_start3A_683 : memref<16x128xf32, #tpu.memory_space<vmem>>) target(%dma_start3A_679 : memref<16x128xf32, #tpu.memory_space<hbm>>) target_semaphore(%dma_start3A_677 : memref<!tpu.dma_semaphore, #tpu.memory_space<semaphore_mem>>)
      %mul3A_684 = arith.constant 16 : i32
      %mul3A_685 = arith.muli %add3A_468, %mul3A_684 : i32
      %add3A_686 = arith.addi %mul3A_2, %mul3A_685 : i32
      %dma_start3A_687 = arith.constant 0 : i32
      %dma_start3A_688 = arith.constant 0 : i32
      %dma_start3A_689 = arith.constant 32 : i32
      %dma_start3A_690 = arith.constant 0 : i32
      %dma_start3A_691 = tpu.memref_slice %arg23[%dma_start3A_687, %dma_start3A_689, %dma_start3A_690] : memref<2x96x128xf32, #tpu.memory_space<vmem>> -> memref<1x16x128xf32, #tpu.memory_space<vmem>>
      %dma_start3A_692 = tpu.memref_squeeze %dma_start3A_691 : memref<1x16x128xf32, #tpu.memory_space<vmem>> -> memref<16x128xf32, #tpu.memory_space<vmem>>
      %dma_start3A_693 = arith.constant 256 : i32
      %dma_start3A_694 = tpu.memref_slice %arg12[%add3A_686, %dma_start3A_693] : memref<65536x768xf32, #tpu.memory_space<hbm>> -> memref<16x128xf32, #tpu.memory_space<hbm>>
      %dma_start3A_695 = tpu.memref_slice %arg25[%dma_start3A_688] : memref<2x!tpu.dma_semaphore, #tpu.memory_space<semaphore_mem>> -> memref<1x!tpu.dma_semaphore, #tpu.memory_space<semaphore_mem>>
      %dma_start3A_696 = tpu.memref_squeeze %dma_start3A_695 : memref<1x!tpu.dma_semaphore, #tpu.memory_space<semaphore_mem>> -> memref<!tpu.dma_semaphore, #tpu.memory_space<semaphore_mem>>
      %dma_start3A_697 = arith.constant 256 : i32
      %dma_start3A_698 = tpu.memref_slice %arg12[%add3A_686, %dma_start3A_697] : memref<65536x768xf32, #tpu.memory_space<hbm>> -> memref<16x128xf32, #tpu.memory_space<hbm>>
      %dma_start3A_699 = arith.constant 32 : i32
      %dma_start3A_700 = arith.constant 0 : i32
      %dma_start3A_701 = tpu.memref_slice %arg23[%dma_start3A_687, %dma_start3A_699, %dma_start3A_700] : memref<2x96x128xf32, #tpu.memory_space<vmem>> -> memref<1x16x128xf32, #tpu.memory_space<vmem>>
      %dma_start3A_702 = tpu.memref_squeeze %dma_start3A_701 : memref<1x16x128xf32, #tpu.memory_space<vmem>> -> memref<16x128xf32, #tpu.memory_space<vmem>>
      tpu.enqueue_dma source(%dma_start3A_702 : memref<16x128xf32, #tpu.memory_space<vmem>>) target(%dma_start3A_698 : memref<16x128xf32, #tpu.memory_space<hbm>>) target_semaphore(%dma_start3A_696 : memref<!tpu.dma_semaphore, #tpu.memory_space<semaphore_mem>>)
      %mul3A_703 = arith.constant 16 : i32
      %mul3A_704 = arith.muli %add3A_468, %mul3A_703 : i32
      %add3A_705 = arith.addi %mul3A_2, %mul3A_704 : i32
      %dma_start3A_706 = arith.constant 0 : i32
      %dma_start3A_707 = arith.constant 0 : i32
      %dma_start3A_708 = arith.constant 48 : i32
      %dma_start3A_709 = arith.constant 0 : i32
      %dma_start3A_710 = tpu.memref_slice %arg23[%dma_start3A_706, %dma_start3A_708, %dma_start3A_709] : memref<2x96x128xf32, #tpu.memory_space<vmem>> -> memref<1x16x128xf32, #tpu.memory_space<vmem>>
      %dma_start3A_711 = tpu.memref_squeeze %dma_start3A_710 : memref<1x16x128xf32, #tpu.memory_space<vmem>> -> memref<16x128xf32, #tpu.memory_space<vmem>>
      %dma_start3A_712 = arith.constant 384 : i32
      %dma_start3A_713 = tpu.memref_slice %arg12[%add3A_705, %dma_start3A_712] : memref<65536x768xf32, #tpu.memory_space<hbm>> -> memref<16x128xf32, #tpu.memory_space<hbm>>
      %dma_start3A_714 = tpu.memref_slice %arg25[%dma_start3A_707] : memref<2x!tpu.dma_semaphore, #tpu.memory_space<semaphore_mem>> -> memref<1x!tpu.dma_semaphore, #tpu.memory_space<semaphore_mem>>
      %dma_start3A_715 = tpu.memref_squeeze %dma_start3A_714 : memref<1x!tpu.dma_semaphore, #tpu.memory_space<semaphore_mem>> -> memref<!tpu.dma_semaphore, #tpu.memory_space<semaphore_mem>>
      %dma_start3A_716 = arith.constant 384 : i32
      %dma_start3A_717 = tpu.memref_slice %arg12[%add3A_705, %dma_start3A_716] : memref<65536x768xf32, #tpu.memory_space<hbm>> -> memref<16x128xf32, #tpu.memory_space<hbm>>
      %dma_start3A_718 = arith.constant 48 : i32
      %dma_start3A_719 = arith.constant 0 : i32
      %dma_start3A_720 = tpu.memref_slice %arg23[%dma_start3A_706, %dma_start3A_718, %dma_start3A_719] : memref<2x96x128xf32, #tpu.memory_space<vmem>> -> memref<1x16x128xf32, #tpu.memory_space<vmem>>
      %dma_start3A_721 = tpu.memref_squeeze %dma_start3A_720 : memref<1x16x128xf32, #tpu.memory_space<vmem>> -> memref<16x128xf32, #tpu.memory_space<vmem>>
      tpu.enqueue_dma source(%dma_start3A_721 : memref<16x128xf32, #tpu.memory_space<vmem>>) target(%dma_start3A_717 : memref<16x128xf32, #tpu.memory_space<hbm>>) target_semaphore(%dma_start3A_715 : memref<!tpu.dma_semaphore, #tpu.memory_space<semaphore_mem>>)
      %mul3A_722 = arith.constant 16 : i32
      %mul3A_723 = arith.muli %add3A_468, %mul3A_722 : i32
      %add3A_724 = arith.addi %mul3A_2, %mul3A_723 : i32
      %dma_start3A_725 = arith.constant 0 : i32
      %dma_start3A_726 = arith.constant 0 : i32
      %dma_start3A_727 = arith.constant 64 : i32
      %dma_start3A_728 = arith.constant 0 : i32
      %dma_start3A_729 = tpu.memref_slice %arg23[%dma_start3A_725, %dma_start3A_727, %dma_start3A_728] : memref<2x96x128xf32, #tpu.memory_space<vmem>> -> memref<1x16x128xf32, #tpu.memory_space<vmem>>
      %dma_start3A_730 = tpu.memref_squeeze %dma_start3A_729 : memref<1x16x128xf32, #tpu.memory_space<vmem>> -> memref<16x128xf32, #tpu.memory_space<vmem>>
      %dma_start3A_731 = arith.constant 512 : i32
      %dma_start3A_732 = tpu.memref_slice %arg12[%add3A_724, %dma_start3A_731] : memref<65536x768xf32, #tpu.memory_space<hbm>> -> memref<16x128xf32, #tpu.memory_space<hbm>>
      %dma_start3A_733 = tpu.memref_slice %arg25[%dma_start3A_726] : memref<2x!tpu.dma_semaphore, #tpu.memory_space<semaphore_mem>> -> memref<1x!tpu.dma_semaphore, #tpu.memory_space<semaphore_mem>>
      %dma_start3A_734 = tpu.memref_squeeze %dma_start3A_733 : memref<1x!tpu.dma_semaphore, #tpu.memory_space<semaphore_mem>> -> memref<!tpu.dma_semaphore, #tpu.memory_space<semaphore_mem>>
      %dma_start3A_735 = arith.constant 512 : i32
      %dma_start3A_736 = tpu.memref_slice %arg12[%add3A_724, %dma_start3A_735] : memref<65536x768xf32, #tpu.memory_space<hbm>> -> memref<16x128xf32, #tpu.memory_space<hbm>>
      %dma_start3A_737 = arith.constant 64 : i32
      %dma_start3A_738 = arith.constant 0 : i32
      %dma_start3A_739 = tpu.memref_slice %arg23[%dma_start3A_725, %dma_start3A_737, %dma_start3A_738] : memref<2x96x128xf32, #tpu.memory_space<vmem>> -> memref<1x16x128xf32, #tpu.memory_space<vmem>>
      %dma_start3A_740 = tpu.memref_squeeze %dma_start3A_739 : memref<1x16x128xf32, #tpu.memory_space<vmem>> -> memref<16x128xf32, #tpu.memory_space<vmem>>
      tpu.enqueue_dma source(%dma_start3A_740 : memref<16x128xf32, #tpu.memory_space<vmem>>) target(%dma_start3A_736 : memref<16x128xf32, #tpu.memory_space<hbm>>) target_semaphore(%dma_start3A_734 : memref<!tpu.dma_semaphore, #tpu.memory_space<semaphore_mem>>)
      %mul3A_741 = arith.constant 16 : i32
      %mul3A_742 = arith.muli %add3A_468, %mul3A_741 : i32
      %add3A_743 = arith.addi %mul3A_2, %mul3A_742 : i32
      %dma_start3A_744 = arith.constant 0 : i32
      %dma_start3A_745 = arith.constant 0 : i32
      %dma_start3A_746 = arith.constant 80 : i32
      %dma_start3A_747 = arith.constant 0 : i32
      %dma_start3A_748 = tpu.memref_slice %arg23[%dma_start3A_744, %dma_start3A_746, %dma_start3A_747] : memref<2x96x128xf32, #tpu.memory_space<vmem>> -> memref<1x16x128xf32, #tpu.memory_space<vmem>>
      %dma_start3A_749 = tpu.memref_squeeze %dma_start3A_748 : memref<1x16x128xf32, #tpu.memory_space<vmem>> -> memref<16x128xf32, #tpu.memory_space<vmem>>
      %dma_start3A_750 = arith.constant 640 : i32
      %dma_start3A_751 = tpu.memref_slice %arg12[%add3A_743, %dma_start3A_750] : memref<65536x768xf32, #tpu.memory_space<hbm>> -> memref<16x128xf32, #tpu.memory_space<hbm>>
      %dma_start3A_752 = tpu.memref_slice %arg25[%dma_start3A_745] : memref<2x!tpu.dma_semaphore, #tpu.memory_space<semaphore_mem>> -> memref<1x!tpu.dma_semaphore, #tpu.memory_space<semaphore_mem>>
      %dma_start3A_753 = tpu.memref_squeeze %dma_start3A_752 : memref<1x!tpu.dma_semaphore, #tpu.memory_space<semaphore_mem>> -> memref<!tpu.dma_semaphore, #tpu.memory_space<semaphore_mem>>
      %dma_start3A_754 = arith.constant 640 : i32
      %dma_start3A_755 = tpu.memref_slice %arg12[%add3A_743, %dma_start3A_754] : memref<65536x768xf32, #tpu.memory_space<hbm>> -> memref<16x128xf32, #tpu.memory_space<hbm>>
      %dma_start3A_756 = arith.constant 80 : i32
      %dma_start3A_757 = arith.constant 0 : i32
      %dma_start3A_758 = tpu.memref_slice %arg23[%dma_start3A_744, %dma_start3A_756, %dma_start3A_757] : memref<2x96x128xf32, #tpu.memory_space<vmem>> -> memref<1x16x128xf32, #tpu.memory_space<vmem>>
      %dma_start3A_759 = tpu.memref_squeeze %dma_start3A_758 : memref<1x16x128xf32, #tpu.memory_space<vmem>> -> memref<16x128xf32, #tpu.memory_space<vmem>>
      tpu.enqueue_dma source(%dma_start3A_759 : memref<16x128xf32, #tpu.memory_space<vmem>>) target(%dma_start3A_755 : memref<16x128xf32, #tpu.memory_space<hbm>>) target_semaphore(%dma_start3A_753 : memref<!tpu.dma_semaphore, #tpu.memory_space<semaphore_mem>>)
      %add3A_760 = arith.constant 1 : i32
      %add3A_761 = arith.addi %mul3A_466, %add3A_760 : i32
      %add3A_762 = arith.constant 1 : i32
      %add3A_763 = arith.addi %add3A_761, %add3A_762 : i32
      %lt3A_764 = arith.constant 128 : i32
      %lt3A_765 = arith.cmpi slt, %add3A_763, %lt3A_764 : i32
      %ge3A_766 = arith.constant 2 : i32
      %ge3A_767 = arith.cmpi sge, %add3A_763, %ge3A_766 : i32
      %and3A_768 = arith.andi %lt3A_765, %ge3A_767 : i1
      %convert_element_type3A_769 = arith.extui %and3A_768 : i1 to i32
      %cond3A_770 = arith.constant 0 : i32
      %cond3A_771 = arith.cmpi ne, %convert_element_type3A_769, %cond3A_770 : i32
      scf.if %cond3A_771 {
        %dma_wait3A_1057 = arith.constant 0 : i32
        %dma_wait3A_1058 = arith.constant 0 : i32
        %dma_wait3A_1059 = arith.constant 0 : i32
        %dma_wait3A_1060 = arith.constant 0 : i32
        %dma_wait3A_1061 = tpu.memref_slice %arg20[%dma_wait3A_1057, %dma_wait3A_1059, %dma_wait3A_1060] : memref<2x16x128xf32, #tpu.memory_space<vmem>> -> memref<1x16x128xf32, #tpu.memory_space<vmem>>
        %dma_wait3A_1062 = tpu.memref_squeeze %dma_wait3A_1061 : memref<1x16x128xf32, #tpu.memory_space<vmem>> -> memref<16x128xf32, #tpu.memory_space<vmem>>
        %dma_wait3A_1063 = arith.constant 0 : i32
        %dma_wait3A_1064 = tpu.memref_slice %arg9[%mul3A_2, %dma_wait3A_1063] : memref<65536x128xf32, #tpu.memory_space<hbm>> -> memref<16x128xf32, #tpu.memory_space<hbm>>
        %dma_wait3A_1065 = tpu.memref_slice %arg25[%dma_wait3A_1058] : memref<2x!tpu.dma_semaphore, #tpu.memory_space<semaphore_mem>> -> memref<1x!tpu.dma_semaphore, #tpu.memory_space<semaphore_mem>>
        %dma_wait3A_1066 = tpu.memref_squeeze %dma_wait3A_1065 : memref<1x!tpu.dma_semaphore, #tpu.memory_space<semaphore_mem>> -> memref<!tpu.dma_semaphore, #tpu.memory_space<semaphore_mem>>
        %dma_wait3A_1067 = arith.constant 0 : i32
        %dma_wait3A_1068 = tpu.memref_slice %arg9[%mul3A_2, %dma_wait3A_1067] : memref<65536x128xf32, #tpu.memory_space<hbm>> -> memref<16x128xf32, #tpu.memory_space<hbm>>
        %dma_wait3A_1069 = arith.constant 0 : i32
        %dma_wait3A_1070 = arith.constant 0 : i32
        %dma_wait3A_1071 = tpu.memref_slice %arg20[%dma_wait3A_1057, %dma_wait3A_1069, %dma_wait3A_1070] : memref<2x16x128xf32, #tpu.memory_space<vmem>> -> memref<1x16x128xf32, #tpu.memory_space<vmem>>
        %dma_wait3A_1072 = tpu.memref_squeeze %dma_wait3A_1071 : memref<1x16x128xf32, #tpu.memory_space<vmem>> -> memref<16x128xf32, #tpu.memory_space<vmem>>
        tpu.wait_dma2 semaphore(%dma_wait3A_1066 : memref<!tpu.dma_semaphore, #tpu.memory_space<semaphore_mem>>) src(%dma_wait3A_1072 : memref<16x128xf32, #tpu.memory_space<vmem>>) dst(%dma_wait3A_1068 : memref<16x128xf32, #tpu.memory_space<hbm>>)
        %dma_wait3A_1073 = arith.constant 0 : i32
        %dma_wait3A_1074 = arith.constant 0 : i32
        %dma_wait3A_1075 = arith.constant 0 : i32
        %dma_wait3A_1076 = arith.constant 0 : i32
        %dma_wait3A_1077 = tpu.memref_slice %arg21[%dma_wait3A_1073, %dma_wait3A_1075, %dma_wait3A_1076] : memref<2x32x128xf32, #tpu.memory_space<vmem>> -> memref<1x16x128xf32, #tpu.memory_space<vmem>>
        %dma_wait3A_1078 = tpu.memref_squeeze %dma_wait3A_1077 : memref<1x16x128xf32, #tpu.memory_space<vmem>> -> memref<16x128xf32, #tpu.memory_space<vmem>>
        %dma_wait3A_1079 = arith.constant 0 : i32
        %dma_wait3A_1080 = tpu.memref_slice %arg10[%mul3A_2, %dma_wait3A_1079] : memref<65536x256xf32, #tpu.memory_space<hbm>> -> memref<16x128xf32, #tpu.memory_space<hbm>>
        %dma_wait3A_1081 = tpu.memref_slice %arg25[%dma_wait3A_1074] : memref<2x!tpu.dma_semaphore, #tpu.memory_space<semaphore_mem>> -> memref<1x!tpu.dma_semaphore, #tpu.memory_space<semaphore_mem>>
        %dma_wait3A_1082 = tpu.memref_squeeze %dma_wait3A_1081 : memref<1x!tpu.dma_semaphore, #tpu.memory_space<semaphore_mem>> -> memref<!tpu.dma_semaphore, #tpu.memory_space<semaphore_mem>>
        %dma_wait3A_1083 = arith.constant 0 : i32
        %dma_wait3A_1084 = tpu.memref_slice %arg10[%mul3A_2, %dma_wait3A_1083] : memref<65536x256xf32, #tpu.memory_space<hbm>> -> memref<16x128xf32, #tpu.memory_space<hbm>>
        %dma_wait3A_1085 = arith.constant 0 : i32
        %dma_wait3A_1086 = arith.constant 0 : i32
        %dma_wait3A_1087 = tpu.memref_slice %arg21[%dma_wait3A_1073, %dma_wait3A_1085, %dma_wait3A_1086] : memref<2x32x128xf32, #tpu.memory_space<vmem>> -> memref<1x16x128xf32, #tpu.memory_space<vmem>>
        %dma_wait3A_1088 = tpu.memref_squeeze %dma_wait3A_1087 : memref<1x16x128xf32, #tpu.memory_space<vmem>> -> memref<16x128xf32, #tpu.memory_space<vmem>>
        tpu.wait_dma2 semaphore(%dma_wait3A_1082 : memref<!tpu.dma_semaphore, #tpu.memory_space<semaphore_mem>>) src(%dma_wait3A_1088 : memref<16x128xf32, #tpu.memory_space<vmem>>) dst(%dma_wait3A_1084 : memref<16x128xf32, #tpu.memory_space<hbm>>)
        %dma_wait3A_1089 = arith.constant 0 : i32
        %dma_wait3A_1090 = arith.constant 0 : i32
        %dma_wait3A_1091 = arith.constant 16 : i32
        %dma_wait3A_1092 = arith.constant 0 : i32
        %dma_wait3A_1093 = tpu.memref_slice %arg21[%dma_wait3A_1089, %dma_wait3A_1091, %dma_wait3A_1092] : memref<2x32x128xf32, #tpu.memory_space<vmem>> -> memref<1x16x128xf32, #tpu.memory_space<vmem>>
        %dma_wait3A_1094 = tpu.memref_squeeze %dma_wait3A_1093 : memref<1x16x128xf32, #tpu.memory_space<vmem>> -> memref<16x128xf32, #tpu.memory_space<vmem>>
        %dma_wait3A_1095 = arith.constant 128 : i32
        %dma_wait3A_1096 = tpu.memref_slice %arg10[%mul3A_2, %dma_wait3A_1095] : memref<65536x256xf32, #tpu.memory_space<hbm>> -> memref<16x128xf32, #tpu.memory_space<hbm>>
        %dma_wait3A_1097 = tpu.memref_slice %arg25[%dma_wait3A_1090] : memref<2x!tpu.dma_semaphore, #tpu.memory_space<semaphore_mem>> -> memref<1x!tpu.dma_semaphore, #tpu.memory_space<semaphore_mem>>
        %dma_wait3A_1098 = tpu.memref_squeeze %dma_wait3A_1097 : memref<1x!tpu.dma_semaphore, #tpu.memory_space<semaphore_mem>> -> memref<!tpu.dma_semaphore, #tpu.memory_space<semaphore_mem>>
        %dma_wait3A_1099 = arith.constant 128 : i32
        %dma_wait3A_1100 = tpu.memref_slice %arg10[%mul3A_2, %dma_wait3A_1099] : memref<65536x256xf32, #tpu.memory_space<hbm>> -> memref<16x128xf32, #tpu.memory_space<hbm>>
        %dma_wait3A_1101 = arith.constant 16 : i32
        %dma_wait3A_1102 = arith.constant 0 : i32
        %dma_wait3A_1103 = tpu.memref_slice %arg21[%dma_wait3A_1089, %dma_wait3A_1101, %dma_wait3A_1102] : memref<2x32x128xf32, #tpu.memory_space<vmem>> -> memref<1x16x128xf32, #tpu.memory_space<vmem>>
        %dma_wait3A_1104 = tpu.memref_squeeze %dma_wait3A_1103 : memref<1x16x128xf32, #tpu.memory_space<vmem>> -> memref<16x128xf32, #tpu.memory_space<vmem>>
        tpu.wait_dma2 semaphore(%dma_wait3A_1098 : memref<!tpu.dma_semaphore, #tpu.memory_space<semaphore_mem>>) src(%dma_wait3A_1104 : memref<16x128xf32, #tpu.memory_space<vmem>>) dst(%dma_wait3A_1100 : memref<16x128xf32, #tpu.memory_space<hbm>>)
        %dma_wait3A_1105 = arith.constant 0 : i32
        %dma_wait3A_1106 = arith.constant 0 : i32
        %dma_wait3A_1107 = arith.constant 0 : i32
        %dma_wait3A_1108 = arith.constant 0 : i32
        %dma_wait3A_1109 = tpu.memref_slice %arg22[%dma_wait3A_1105, %dma_wait3A_1107, %dma_wait3A_1108] : memref<2x48x128xf32, #tpu.memory_space<vmem>> -> memref<1x16x128xf32, #tpu.memory_space<vmem>>
        %dma_wait3A_1110 = tpu.memref_squeeze %dma_wait3A_1109 : memref<1x16x128xf32, #tpu.memory_space<vmem>> -> memref<16x128xf32, #tpu.memory_space<vmem>>
        %dma_wait3A_1111 = arith.constant 0 : i32
        %dma_wait3A_1112 = tpu.memref_slice %arg11[%mul3A_2, %dma_wait3A_1111] : memref<65536x384xf32, #tpu.memory_space<hbm>> -> memref<16x128xf32, #tpu.memory_space<hbm>>
        %dma_wait3A_1113 = tpu.memref_slice %arg25[%dma_wait3A_1106] : memref<2x!tpu.dma_semaphore, #tpu.memory_space<semaphore_mem>> -> memref<1x!tpu.dma_semaphore, #tpu.memory_space<semaphore_mem>>
        %dma_wait3A_1114 = tpu.memref_squeeze %dma_wait3A_1113 : memref<1x!tpu.dma_semaphore, #tpu.memory_space<semaphore_mem>> -> memref<!tpu.dma_semaphore, #tpu.memory_space<semaphore_mem>>
        %dma_wait3A_1115 = arith.constant 0 : i32
        %dma_wait3A_1116 = tpu.memref_slice %arg11[%mul3A_2, %dma_wait3A_1115] : memref<65536x384xf32, #tpu.memory_space<hbm>> -> memref<16x128xf32, #tpu.memory_space<hbm>>
        %dma_wait3A_1117 = arith.constant 0 : i32
        %dma_wait3A_1118 = arith.constant 0 : i32
        %dma_wait3A_1119 = tpu.memref_slice %arg22[%dma_wait3A_1105, %dma_wait3A_1117, %dma_wait3A_1118] : memref<2x48x128xf32, #tpu.memory_space<vmem>> -> memref<1x16x128xf32, #tpu.memory_space<vmem>>
        %dma_wait3A_1120 = tpu.memref_squeeze %dma_wait3A_1119 : memref<1x16x128xf32, #tpu.memory_space<vmem>> -> memref<16x128xf32, #tpu.memory_space<vmem>>
        tpu.wait_dma2 semaphore(%dma_wait3A_1114 : memref<!tpu.dma_semaphore, #tpu.memory_space<semaphore_mem>>) src(%dma_wait3A_1120 : memref<16x128xf32, #tpu.memory_space<vmem>>) dst(%dma_wait3A_1116 : memref<16x128xf32, #tpu.memory_space<hbm>>)
        %dma_wait3A_1121 = arith.constant 0 : i32
        %dma_wait3A_1122 = arith.constant 0 : i32
        %dma_wait3A_1123 = arith.constant 16 : i32
        %dma_wait3A_1124 = arith.constant 0 : i32
        %dma_wait3A_1125 = tpu.memref_slice %arg22[%dma_wait3A_1121, %dma_wait3A_1123, %dma_wait3A_1124] : memref<2x48x128xf32, #tpu.memory_space<vmem>> -> memref<1x16x128xf32, #tpu.memory_space<vmem>>
        %dma_wait3A_1126 = tpu.memref_squeeze %dma_wait3A_1125 : memref<1x16x128xf32, #tpu.memory_space<vmem>> -> memref<16x128xf32, #tpu.memory_space<vmem>>
        %dma_wait3A_1127 = arith.constant 128 : i32
        %dma_wait3A_1128 = tpu.memref_slice %arg11[%mul3A_2, %dma_wait3A_1127] : memref<65536x384xf32, #tpu.memory_space<hbm>> -> memref<16x128xf32, #tpu.memory_space<hbm>>
        %dma_wait3A_1129 = tpu.memref_slice %arg25[%dma_wait3A_1122] : memref<2x!tpu.dma_semaphore, #tpu.memory_space<semaphore_mem>> -> memref<1x!tpu.dma_semaphore, #tpu.memory_space<semaphore_mem>>
        %dma_wait3A_1130 = tpu.memref_squeeze %dma_wait3A_1129 : memref<1x!tpu.dma_semaphore, #tpu.memory_space<semaphore_mem>> -> memref<!tpu.dma_semaphore, #tpu.memory_space<semaphore_mem>>
        %dma_wait3A_1131 = arith.constant 128 : i32
        %dma_wait3A_1132 = tpu.memref_slice %arg11[%mul3A_2, %dma_wait3A_1131] : memref<65536x384xf32, #tpu.memory_space<hbm>> -> memref<16x128xf32, #tpu.memory_space<hbm>>
        %dma_wait3A_1133 = arith.constant 16 : i32
        %dma_wait3A_1134 = arith.constant 0 : i32
        %dma_wait3A_1135 = tpu.memref_slice %arg22[%dma_wait3A_1121, %dma_wait3A_1133, %dma_wait3A_1134] : memref<2x48x128xf32, #tpu.memory_space<vmem>> -> memref<1x16x128xf32, #tpu.memory_space<vmem>>
        %dma_wait3A_1136 = tpu.memref_squeeze %dma_wait3A_1135 : memref<1x16x128xf32, #tpu.memory_space<vmem>> -> memref<16x128xf32, #tpu.memory_space<vmem>>
        tpu.wait_dma2 semaphore(%dma_wait3A_1130 : memref<!tpu.dma_semaphore, #tpu.memory_space<semaphore_mem>>) src(%dma_wait3A_1136 : memref<16x128xf32, #tpu.memory_space<vmem>>) dst(%dma_wait3A_1132 : memref<16x128xf32, #tpu.memory_space<hbm>>)
        %dma_wait3A_1137 = arith.constant 0 : i32
        %dma_wait3A_1138 = arith.constant 0 : i32
        %dma_wait3A_1139 = arith.constant 32 : i32
        %dma_wait3A_1140 = arith.constant 0 : i32
        %dma_wait3A_1141 = tpu.memref_slice %arg22[%dma_wait3A_1137, %dma_wait3A_1139, %dma_wait3A_1140] : memref<2x48x128xf32, #tpu.memory_space<vmem>> -> memref<1x16x128xf32, #tpu.memory_space<vmem>>
        %dma_wait3A_1142 = tpu.memref_squeeze %dma_wait3A_1141 : memref<1x16x128xf32, #tpu.memory_space<vmem>> -> memref<16x128xf32, #tpu.memory_space<vmem>>
        %dma_wait3A_1143 = arith.constant 256 : i32
        %dma_wait3A_1144 = tpu.memref_slice %arg11[%mul3A_2, %dma_wait3A_1143] : memref<65536x384xf32, #tpu.memory_space<hbm>> -> memref<16x128xf32, #tpu.memory_space<hbm>>
        %dma_wait3A_1145 = tpu.memref_slice %arg25[%dma_wait3A_1138] : memref<2x!tpu.dma_semaphore, #tpu.memory_space<semaphore_mem>> -> memref<1x!tpu.dma_semaphore, #tpu.memory_space<semaphore_mem>>
        %dma_wait3A_1146 = tpu.memref_squeeze %dma_wait3A_1145 : memref<1x!tpu.dma_semaphore, #tpu.memory_space<semaphore_mem>> -> memref<!tpu.dma_semaphore, #tpu.memory_space<semaphore_mem>>
        %dma_wait3A_1147 = arith.constant 256 : i32
        %dma_wait3A_1148 = tpu.memref_slice %arg11[%mul3A_2, %dma_wait3A_1147] : memref<65536x384xf32, #tpu.memory_space<hbm>> -> memref<16x128xf32, #tpu.memory_space<hbm>>
        %dma_wait3A_1149 = arith.constant 32 : i32
        %dma_wait3A_1150 = arith.constant 0 : i32
        %dma_wait3A_1151 = tpu.memref_slice %arg22[%dma_wait3A_1137, %dma_wait3A_1149, %dma_wait3A_1150] : memref<2x48x128xf32, #tpu.memory_space<vmem>> -> memref<1x16x128xf32, #tpu.memory_space<vmem>>
        %dma_wait3A_1152 = tpu.memref_squeeze %dma_wait3A_1151 : memref<1x16x128xf32, #tpu.memory_space<vmem>> -> memref<16x128xf32, #tpu.memory_space<vmem>>
        tpu.wait_dma2 semaphore(%dma_wait3A_1146 : memref<!tpu.dma_semaphore, #tpu.memory_space<semaphore_mem>>) src(%dma_wait3A_1152 : memref<16x128xf32, #tpu.memory_space<vmem>>) dst(%dma_wait3A_1148 : memref<16x128xf32, #tpu.memory_space<hbm>>)
        %dma_wait3A_1153 = arith.constant 0 : i32
        %dma_wait3A_1154 = arith.constant 0 : i32
        %dma_wait3A_1155 = arith.constant 0 : i32
        %dma_wait3A_1156 = arith.constant 0 : i32
        %dma_wait3A_1157 = tpu.memref_slice %arg23[%dma_wait3A_1153, %dma_wait3A_1155, %dma_wait3A_1156] : memref<2x96x128xf32, #tpu.memory_space<vmem>> -> memref<1x16x128xf32, #tpu.memory_space<vmem>>
        %dma_wait3A_1158 = tpu.memref_squeeze %dma_wait3A_1157 : memref<1x16x128xf32, #tpu.memory_space<vmem>> -> memref<16x128xf32, #tpu.memory_space<vmem>>
        %dma_wait3A_1159 = arith.constant 0 : i32
        %dma_wait3A_1160 = tpu.memref_slice %arg12[%mul3A_2, %dma_wait3A_1159] : memref<65536x768xf32, #tpu.memory_space<hbm>> -> memref<16x128xf32, #tpu.memory_space<hbm>>
        %dma_wait3A_1161 = tpu.memref_slice %arg25[%dma_wait3A_1154] : memref<2x!tpu.dma_semaphore, #tpu.memory_space<semaphore_mem>> -> memref<1x!tpu.dma_semaphore, #tpu.memory_space<semaphore_mem>>
        %dma_wait3A_1162 = tpu.memref_squeeze %dma_wait3A_1161 : memref<1x!tpu.dma_semaphore, #tpu.memory_space<semaphore_mem>> -> memref<!tpu.dma_semaphore, #tpu.memory_space<semaphore_mem>>
        %dma_wait3A_1163 = arith.constant 0 : i32
        %dma_wait3A_1164 = tpu.memref_slice %arg12[%mul3A_2, %dma_wait3A_1163] : memref<65536x768xf32, #tpu.memory_space<hbm>> -> memref<16x128xf32, #tpu.memory_space<hbm>>
        %dma_wait3A_1165 = arith.constant 0 : i32
        %dma_wait3A_1166 = arith.constant 0 : i32
        %dma_wait3A_1167 = tpu.memref_slice %arg23[%dma_wait3A_1153, %dma_wait3A_1165, %dma_wait3A_1166] : memref<2x96x128xf32, #tpu.memory_space<vmem>> -> memref<1x16x128xf32, #tpu.memory_space<vmem>>
        %dma_wait3A_1168 = tpu.memref_squeeze %dma_wait3A_1167 : memref<1x16x128xf32, #tpu.memory_space<vmem>> -> memref<16x128xf32, #tpu.memory_space<vmem>>
        tpu.wait_dma2 semaphore(%dma_wait3A_1162 : memref<!tpu.dma_semaphore, #tpu.memory_space<semaphore_mem>>) src(%dma_wait3A_1168 : memref<16x128xf32, #tpu.memory_space<vmem>>) dst(%dma_wait3A_1164 : memref<16x128xf32, #tpu.memory_space<hbm>>)
        %dma_wait3A_1169 = arith.constant 0 : i32
        %dma_wait3A_1170 = arith.constant 0 : i32
        %dma_wait3A_1171 = arith.constant 16 : i32
        %dma_wait3A_1172 = arith.constant 0 : i32
        %dma_wait3A_1173 = tpu.memref_slice %arg23[%dma_wait3A_1169, %dma_wait3A_1171, %dma_wait3A_1172] : memref<2x96x128xf32, #tpu.memory_space<vmem>> -> memref<1x16x128xf32, #tpu.memory_space<vmem>>
        %dma_wait3A_1174 = tpu.memref_squeeze %dma_wait3A_1173 : memref<1x16x128xf32, #tpu.memory_space<vmem>> -> memref<16x128xf32, #tpu.memory_space<vmem>>
        %dma_wait3A_1175 = arith.constant 128 : i32
        %dma_wait3A_1176 = tpu.memref_slice %arg12[%mul3A_2, %dma_wait3A_1175] : memref<65536x768xf32, #tpu.memory_space<hbm>> -> memref<16x128xf32, #tpu.memory_space<hbm>>
        %dma_wait3A_1177 = tpu.memref_slice %arg25[%dma_wait3A_1170] : memref<2x!tpu.dma_semaphore, #tpu.memory_space<semaphore_mem>> -> memref<1x!tpu.dma_semaphore, #tpu.memory_space<semaphore_mem>>
        %dma_wait3A_1178 = tpu.memref_squeeze %dma_wait3A_1177 : memref<1x!tpu.dma_semaphore, #tpu.memory_space<semaphore_mem>> -> memref<!tpu.dma_semaphore, #tpu.memory_space<semaphore_mem>>
        %dma_wait3A_1179 = arith.constant 128 : i32
        %dma_wait3A_1180 = tpu.memref_slice %arg12[%mul3A_2, %dma_wait3A_1179] : memref<65536x768xf32, #tpu.memory_space<hbm>> -> memref<16x128xf32, #tpu.memory_space<hbm>>
        %dma_wait3A_1181 = arith.constant 16 : i32
        %dma_wait3A_1182 = arith.constant 0 : i32
        %dma_wait3A_1183 = tpu.memref_slice %arg23[%dma_wait3A_1169, %dma_wait3A_1181, %dma_wait3A_1182] : memref<2x96x128xf32, #tpu.memory_space<vmem>> -> memref<1x16x128xf32, #tpu.memory_space<vmem>>
        %dma_wait3A_1184 = tpu.memref_squeeze %dma_wait3A_1183 : memref<1x16x128xf32, #tpu.memory_space<vmem>> -> memref<16x128xf32, #tpu.memory_space<vmem>>
        tpu.wait_dma2 semaphore(%dma_wait3A_1178 : memref<!tpu.dma_semaphore, #tpu.memory_space<semaphore_mem>>) src(%dma_wait3A_1184 : memref<16x128xf32, #tpu.memory_space<vmem>>) dst(%dma_wait3A_1180 : memref<16x128xf32, #tpu.memory_space<hbm>>)
        %dma_wait3A_1185 = arith.constant 0 : i32
        %dma_wait3A_1186 = arith.constant 0 : i32
        %dma_wait3A_1187 = arith.constant 32 : i32
        %dma_wait3A_1188 = arith.constant 0 : i32
        %dma_wait3A_1189 = tpu.memref_slice %arg23[%dma_wait3A_1185, %dma_wait3A_1187, %dma_wait3A_1188] : memref<2x96x128xf32, #tpu.memory_space<vmem>> -> memref<1x16x128xf32, #tpu.memory_space<vmem>>
        %dma_wait3A_1190 = tpu.memref_squeeze %dma_wait3A_1189 : memref<1x16x128xf32, #tpu.memory_space<vmem>> -> memref<16x128xf32, #tpu.memory_space<vmem>>
        %dma_wait3A_1191 = arith.constant 256 : i32
        %dma_wait3A_1192 = tpu.memref_slice %arg12[%mul3A_2, %dma_wait3A_1191] : memref<65536x768xf32, #tpu.memory_space<hbm>> -> memref<16x128xf32, #tpu.memory_space<hbm>>
        %dma_wait3A_1193 = tpu.memref_slice %arg25[%dma_wait3A_1186] : memref<2x!tpu.dma_semaphore, #tpu.memory_space<semaphore_mem>> -> memref<1x!tpu.dma_semaphore, #tpu.memory_space<semaphore_mem>>
        %dma_wait3A_1194 = tpu.memref_squeeze %dma_wait3A_1193 : memref<1x!tpu.dma_semaphore, #tpu.memory_space<semaphore_mem>> -> memref<!tpu.dma_semaphore, #tpu.memory_space<semaphore_mem>>
        %dma_wait3A_1195 = arith.constant 256 : i32
        %dma_wait3A_1196 = tpu.memref_slice %arg12[%mul3A_2, %dma_wait3A_1195] : memref<65536x768xf32, #tpu.memory_space<hbm>> -> memref<16x128xf32, #tpu.memory_space<hbm>>
        %dma_wait3A_1197 = arith.constant 32 : i32
        %dma_wait3A_1198 = arith.constant 0 : i32
        %dma_wait3A_1199 = tpu.memref_slice %arg23[%dma_wait3A_1185, %dma_wait3A_1197, %dma_wait3A_1198] : memref<2x96x128xf32, #tpu.memory_space<vmem>> -> memref<1x16x128xf32, #tpu.memory_space<vmem>>
        %dma_wait3A_1200 = tpu.memref_squeeze %dma_wait3A_1199 : memref<1x16x128xf32, #tpu.memory_space<vmem>> -> memref<16x128xf32, #tpu.memory_space<vmem>>
        tpu.wait_dma2 semaphore(%dma_wait3A_1194 : memref<!tpu.dma_semaphore, #tpu.memory_space<semaphore_mem>>) src(%dma_wait3A_1200 : memref<16x128xf32, #tpu.memory_space<vmem>>) dst(%dma_wait3A_1196 : memref<16x128xf32, #tpu.memory_space<hbm>>)
        %dma_wait3A_1201 = arith.constant 0 : i32
        %dma_wait3A_1202 = arith.constant 0 : i32
        %dma_wait3A_1203 = arith.constant 48 : i32
        %dma_wait3A_1204 = arith.constant 0 : i32
        %dma_wait3A_1205 = tpu.memref_slice %arg23[%dma_wait3A_1201, %dma_wait3A_1203, %dma_wait3A_1204] : memref<2x96x128xf32, #tpu.memory_space<vmem>> -> memref<1x16x128xf32, #tpu.memory_space<vmem>>
        %dma_wait3A_1206 = tpu.memref_squeeze %dma_wait3A_1205 : memref<1x16x128xf32, #tpu.memory_space<vmem>> -> memref<16x128xf32, #tpu.memory_space<vmem>>
        %dma_wait3A_1207 = arith.constant 384 : i32
        %dma_wait3A_1208 = tpu.memref_slice %arg12[%mul3A_2, %dma_wait3A_1207] : memref<65536x768xf32, #tpu.memory_space<hbm>> -> memref<16x128xf32, #tpu.memory_space<hbm>>
        %dma_wait3A_1209 = tpu.memref_slice %arg25[%dma_wait3A_1202] : memref<2x!tpu.dma_semaphore, #tpu.memory_space<semaphore_mem>> -> memref<1x!tpu.dma_semaphore, #tpu.memory_space<semaphore_mem>>
        %dma_wait3A_1210 = tpu.memref_squeeze %dma_wait3A_1209 : memref<1x!tpu.dma_semaphore, #tpu.memory_space<semaphore_mem>> -> memref<!tpu.dma_semaphore, #tpu.memory_space<semaphore_mem>>
        %dma_wait3A_1211 = arith.constant 384 : i32
        %dma_wait3A_1212 = tpu.memref_slice %arg12[%mul3A_2, %dma_wait3A_1211] : memref<65536x768xf32, #tpu.memory_space<hbm>> -> memref<16x128xf32, #tpu.memory_space<hbm>>
        %dma_wait3A_1213 = arith.constant 48 : i32
        %dma_wait3A_1214 = arith.constant 0 : i32
        %dma_wait3A_1215 = tpu.memref_slice %arg23[%dma_wait3A_1201, %dma_wait3A_1213, %dma_wait3A_1214] : memref<2x96x128xf32, #tpu.memory_space<vmem>> -> memref<1x16x128xf32, #tpu.memory_space<vmem>>
        %dma_wait3A_1216 = tpu.memref_squeeze %dma_wait3A_1215 : memref<1x16x128xf32, #tpu.memory_space<vmem>> -> memref<16x128xf32, #tpu.memory_space<vmem>>
        tpu.wait_dma2 semaphore(%dma_wait3A_1210 : memref<!tpu.dma_semaphore, #tpu.memory_space<semaphore_mem>>) src(%dma_wait3A_1216 : memref<16x128xf32, #tpu.memory_space<vmem>>) dst(%dma_wait3A_1212 : memref<16x128xf32, #tpu.memory_space<hbm>>)
        %dma_wait3A_1217 = arith.constant 0 : i32
        %dma_wait3A_1218 = arith.constant 0 : i32
        %dma_wait3A_1219 = arith.constant 64 : i32
        %dma_wait3A_1220 = arith.constant 0 : i32
        %dma_wait3A_1221 = tpu.memref_slice %arg23[%dma_wait3A_1217, %dma_wait3A_1219, %dma_wait3A_1220] : memref<2x96x128xf32, #tpu.memory_space<vmem>> -> memref<1x16x128xf32, #tpu.memory_space<vmem>>
        %dma_wait3A_1222 = tpu.memref_squeeze %dma_wait3A_1221 : memref<1x16x128xf32, #tpu.memory_space<vmem>> -> memref<16x128xf32, #tpu.memory_space<vmem>>
        %dma_wait3A_1223 = arith.constant 512 : i32
        %dma_wait3A_1224 = tpu.memref_slice %arg12[%mul3A_2, %dma_wait3A_1223] : memref<65536x768xf32, #tpu.memory_space<hbm>> -> memref<16x128xf32, #tpu.memory_space<hbm>>
        %dma_wait3A_1225 = tpu.memref_slice %arg25[%dma_wait3A_1218] : memref<2x!tpu.dma_semaphore, #tpu.memory_space<semaphore_mem>> -> memref<1x!tpu.dma_semaphore, #tpu.memory_space<semaphore_mem>>
        %dma_wait3A_1226 = tpu.memref_squeeze %dma_wait3A_1225 : memref<1x!tpu.dma_semaphore, #tpu.memory_space<semaphore_mem>> -> memref<!tpu.dma_semaphore, #tpu.memory_space<semaphore_mem>>
        %dma_wait3A_1227 = arith.constant 512 : i32
        %dma_wait3A_1228 = tpu.memref_slice %arg12[%mul3A_2, %dma_wait3A_1227] : memref<65536x768xf32, #tpu.memory_space<hbm>> -> memref<16x128xf32, #tpu.memory_space<hbm>>
        %dma_wait3A_1229 = arith.constant 64 : i32
        %dma_wait3A_1230 = arith.constant 0 : i32
        %dma_wait3A_1231 = tpu.memref_slice %arg23[%dma_wait3A_1217, %dma_wait3A_1229, %dma_wait3A_1230] : memref<2x96x128xf32, #tpu.memory_space<vmem>> -> memref<1x16x128xf32, #tpu.memory_space<vmem>>
        %dma_wait3A_1232 = tpu.memref_squeeze %dma_wait3A_1231 : memref<1x16x128xf32, #tpu.memory_space<vmem>> -> memref<16x128xf32, #tpu.memory_space<vmem>>
        tpu.wait_dma2 semaphore(%dma_wait3A_1226 : memref<!tpu.dma_semaphore, #tpu.memory_space<semaphore_mem>>) src(%dma_wait3A_1232 : memref<16x128xf32, #tpu.memory_space<vmem>>) dst(%dma_wait3A_1228 : memref<16x128xf32, #tpu.memory_space<hbm>>)
        %dma_wait3A_1233 = arith.constant 0 : i32
        %dma_wait3A_1234 = arith.constant 0 : i32
        %dma_wait3A_1235 = arith.constant 80 : i32
        %dma_wait3A_1236 = arith.constant 0 : i32
        %dma_wait3A_1237 = tpu.memref_slice %arg23[%dma_wait3A_1233, %dma_wait3A_1235, %dma_wait3A_1236] : memref<2x96x128xf32, #tpu.memory_space<vmem>> -> memref<1x16x128xf32, #tpu.memory_space<vmem>>
        %dma_wait3A_1238 = tpu.memref_squeeze %dma_wait3A_1237 : memref<1x16x128xf32, #tpu.memory_space<vmem>> -> memref<16x128xf32, #tpu.memory_space<vmem>>
        %dma_wait3A_1239 = arith.constant 640 : i32
        %dma_wait3A_1240 = tpu.memref_slice %arg12[%mul3A_2, %dma_wait3A_1239] : memref<65536x768xf32, #tpu.memory_space<hbm>> -> memref<16x128xf32, #tpu.memory_space<hbm>>
        %dma_wait3A_1241 = tpu.memref_slice %arg25[%dma_wait3A_1234] : memref<2x!tpu.dma_semaphore, #tpu.memory_space<semaphore_mem>> -> memref<1x!tpu.dma_semaphore, #tpu.memory_space<semaphore_mem>>
        %dma_wait3A_1242 = tpu.memref_squeeze %dma_wait3A_1241 : memref<1x!tpu.dma_semaphore, #tpu.memory_space<semaphore_mem>> -> memref<!tpu.dma_semaphore, #tpu.memory_space<semaphore_mem>>
        %dma_wait3A_1243 = arith.constant 640 : i32
        %dma_wait3A_1244 = tpu.memref_slice %arg12[%mul3A_2, %dma_wait3A_1243] : memref<65536x768xf32, #tpu.memory_space<hbm>> -> memref<16x128xf32, #tpu.memory_space<hbm>>
        %dma_wait3A_1245 = arith.constant 80 : i32
        %dma_wait3A_1246 = arith.constant 0 : i32
        %dma_wait3A_1247 = tpu.memref_slice %arg23[%dma_wait3A_1233, %dma_wait3A_1245, %dma_wait3A_1246] : memref<2x96x128xf32, #tpu.memory_space<vmem>> -> memref<1x16x128xf32, #tpu.memory_space<vmem>>
        %dma_wait3A_1248 = tpu.memref_squeeze %dma_wait3A_1247 : memref<1x16x128xf32, #tpu.memory_space<vmem>> -> memref<16x128xf32, #tpu.memory_space<vmem>>
        tpu.wait_dma2 semaphore(%dma_wait3A_1242 : memref<!tpu.dma_semaphore, #tpu.memory_space<semaphore_mem>>) src(%dma_wait3A_1248 : memref<16x128xf32, #tpu.memory_space<vmem>>) dst(%dma_wait3A_1244 : memref<16x128xf32, #tpu.memory_space<hbm>>)
      } else {
      }
      %lt3A_772 = arith.constant 128 : i32
      %lt3A_773 = arith.cmpi slt, %add3A_763, %lt3A_772 : i32
      %convert_element_type3A_774 = arith.extui %lt3A_773 : i1 to i32
      %cond3A_775 = arith.constant 0 : i32
      %cond3A_776 = arith.cmpi ne, %convert_element_type3A_774, %cond3A_775 : i32
      scf.if %cond3A_776 {
        %mul3A_1057 = arith.constant 16 : i32
        %mul3A_1058 = arith.muli %add3A_763, %mul3A_1057 : i32
        %dma_start3A_1059 = arith.constant 0 : i32
        %dma_start3A_1060 = arith.constant 0 : i32
        %dma_start3A_1061 = arith.constant 0 : i32
        %dma_start3A_1062 = arith.constant 0 : i32
        %dma_start3A_1063 = tpu.memref_slice %arg20[%dma_start3A_1059, %dma_start3A_1061, %dma_start3A_1062] : memref<2x16x128xf32, #tpu.memory_space<vmem>> -> memref<1x16x128xf32, #tpu.memory_space<vmem>>
        %dma_start3A_1064 = tpu.memref_squeeze %dma_start3A_1063 : memref<1x16x128xf32, #tpu.memory_space<vmem>> -> memref<16x128xf32, #tpu.memory_space<vmem>>
        %dma_start3A_1065 = tpu.memref_slice %arg16[%mul3A_1058] : memref<2048xi32, #tpu.memory_space<vmem>> -> memref<16xi32, #tpu.memory_space<vmem>>
        %dma_start3A_1066 = arith.constant 0 : i32
        %dma_start3A_1067 = arith.constant 0 : i32
        %dma_start3A_1068 = tpu.memref_slice %arg2[%dma_start3A_1066, %dma_start3A_1067] : memref<100360x128xf32, #tpu.memory_space<hbm>> -> memref<100360x128xf32, #tpu.memory_space<hbm>>
        %dma_start3A_1069 = tpu.memref_slice %arg24[%dma_start3A_1060] : memref<2x!tpu.dma_semaphore, #tpu.memory_space<semaphore_mem>> -> memref<1x!tpu.dma_semaphore, #tpu.memory_space<semaphore_mem>>
        %dma_start3A_1070 = tpu.memref_squeeze %dma_start3A_1069 : memref<1x!tpu.dma_semaphore, #tpu.memory_space<semaphore_mem>> -> memref<!tpu.dma_semaphore, #tpu.memory_space<semaphore_mem>>
        tpu.enqueue_indirect_dma source(%dma_start3A_1068 : memref<100360x128xf32, #tpu.memory_space<hbm>>) target(%dma_start3A_1064 : memref<16x128xf32, #tpu.memory_space<vmem>>) offsets(%dma_start3A_1065 : memref<16xi32, #tpu.memory_space<vmem>>) semaphore(%dma_start3A_1070 : memref<!tpu.dma_semaphore, #tpu.memory_space<semaphore_mem>>)
        %mul3A_1071 = arith.constant 32 : i32
        %mul3A_1072 = arith.muli %add3A_763, %mul3A_1071 : i32
        %dma_start3A_1073 = arith.constant 0 : i32
        %dma_start3A_1074 = arith.constant 0 : i32
        %dma_start3A_1075 = arith.constant 0 : i32
        %dma_start3A_1076 = arith.constant 0 : i32
        %dma_start3A_1077 = tpu.memref_slice %arg21[%dma_start3A_1073, %dma_start3A_1075, %dma_start3A_1076] : memref<2x32x128xf32, #tpu.memory_space<vmem>> -> memref<1x32x128xf32, #tpu.memory_space<vmem>>
        %dma_start3A_1078 = tpu.memref_squeeze %dma_start3A_1077 : memref<1x32x128xf32, #tpu.memory_space<vmem>> -> memref<32x128xf32, #tpu.memory_space<vmem>>
        %dma_start3A_1079 = tpu.memref_slice %arg17[%mul3A_1072] : memref<4096xi32, #tpu.memory_space<vmem>> -> memref<32xi32, #tpu.memory_space<vmem>>
        %dma_start3A_1080 = arith.constant 0 : i32
        %dma_start3A_1081 = arith.constant 0 : i32
        %dma_start3A_1082 = tpu.memref_slice %arg3[%dma_start3A_1080, %dma_start3A_1081] : memref<50192x128xf32, #tpu.memory_space<hbm>> -> memref<50192x128xf32, #tpu.memory_space<hbm>>
        %dma_start3A_1083 = tpu.memref_slice %arg24[%dma_start3A_1074] : memref<2x!tpu.dma_semaphore, #tpu.memory_space<semaphore_mem>> -> memref<1x!tpu.dma_semaphore, #tpu.memory_space<semaphore_mem>>
        %dma_start3A_1084 = tpu.memref_squeeze %dma_start3A_1083 : memref<1x!tpu.dma_semaphore, #tpu.memory_space<semaphore_mem>> -> memref<!tpu.dma_semaphore, #tpu.memory_space<semaphore_mem>>
        tpu.enqueue_indirect_dma source(%dma_start3A_1082 : memref<50192x128xf32, #tpu.memory_space<hbm>>) target(%dma_start3A_1078 : memref<32x128xf32, #tpu.memory_space<vmem>>) offsets(%dma_start3A_1079 : memref<32xi32, #tpu.memory_space<vmem>>) semaphore(%dma_start3A_1084 : memref<!tpu.dma_semaphore, #tpu.memory_space<semaphore_mem>>)
        %mul3A_1085 = arith.constant 48 : i32
        %mul3A_1086 = arith.muli %add3A_763, %mul3A_1085 : i32
        %dma_start3A_1087 = arith.constant 0 : i32
        %dma_start3A_1088 = arith.constant 0 : i32
        %dma_start3A_1089 = arith.constant 0 : i32
        %dma_start3A_1090 = arith.constant 0 : i32
        %dma_start3A_1091 = tpu.memref_slice %arg22[%dma_start3A_1087, %dma_start3A_1089, %dma_start3A_1090] : memref<2x48x128xf32, #tpu.memory_space<vmem>> -> memref<1x48x128xf32, #tpu.memory_space<vmem>>
        %dma_start3A_1092 = tpu.memref_squeeze %dma_start3A_1091 : memref<1x48x128xf32, #tpu.memory_space<vmem>> -> memref<48x128xf32, #tpu.memory_space<vmem>>
        %dma_start3A_1093 = tpu.memref_slice %arg18[%mul3A_1086] : memref<6144xi32, #tpu.memory_space<vmem>> -> memref<48xi32, #tpu.memory_space<vmem>>
        %dma_start3A_1094 = arith.constant 0 : i32
        %dma_start3A_1095 = arith.constant 0 : i32
        %dma_start3A_1096 = tpu.memref_slice %arg4[%dma_start3A_1094, %dma_start3A_1095] : memref<18840x128xf32, #tpu.memory_space<hbm>> -> memref<18840x128xf32, #tpu.memory_space<hbm>>
        %dma_start3A_1097 = tpu.memref_slice %arg24[%dma_start3A_1088] : memref<2x!tpu.dma_semaphore, #tpu.memory_space<semaphore_mem>> -> memref<1x!tpu.dma_semaphore, #tpu.memory_space<semaphore_mem>>
        %dma_start3A_1098 = tpu.memref_squeeze %dma_start3A_1097 : memref<1x!tpu.dma_semaphore, #tpu.memory_space<semaphore_mem>> -> memref<!tpu.dma_semaphore, #tpu.memory_space<semaphore_mem>>
        tpu.enqueue_indirect_dma source(%dma_start3A_1096 : memref<18840x128xf32, #tpu.memory_space<hbm>>) target(%dma_start3A_1092 : memref<48x128xf32, #tpu.memory_space<vmem>>) offsets(%dma_start3A_1093 : memref<48xi32, #tpu.memory_space<vmem>>) semaphore(%dma_start3A_1098 : memref<!tpu.dma_semaphore, #tpu.memory_space<semaphore_mem>>)
        %mul3A_1099 = arith.constant 96 : i32
        %mul3A_1100 = arith.muli %add3A_763, %mul3A_1099 : i32
        %dma_start3A_1101 = arith.constant 0 : i32
        %dma_start3A_1102 = arith.constant 0 : i32
        %dma_start3A_1103 = arith.constant 0 : i32
        %dma_start3A_1104 = arith.constant 0 : i32
        %dma_start3A_1105 = tpu.memref_slice %arg23[%dma_start3A_1101, %dma_start3A_1103, %dma_start3A_1104] : memref<2x96x128xf32, #tpu.memory_space<vmem>> -> memref<1x96x128xf32, #tpu.memory_space<vmem>>
        %dma_start3A_1106 = tpu.memref_squeeze %dma_start3A_1105 : memref<1x96x128xf32, #tpu.memory_space<vmem>> -> memref<96x128xf32, #tpu.memory_space<vmem>>
        %dma_start3A_1107 = tpu.memref_slice %arg19[%mul3A_1100] : memref<12288xi32, #tpu.memory_space<vmem>> -> memref<96xi32, #tpu.memory_space<vmem>>
        %dma_start3A_1108 = arith.constant 0 : i32
        %dma_start3A_1109 = arith.constant 0 : i32
        %dma_start3A_1110 = tpu.memref_slice %arg5[%dma_start3A_1108, %dma_start3A_1109] : memref<9456x128xf32, #tpu.memory_space<hbm>> -> memref<9456x128xf32, #tpu.memory_space<hbm>>
        %dma_start3A_1111 = tpu.memref_slice %arg24[%dma_start3A_1102] : memref<2x!tpu.dma_semaphore, #tpu.memory_space<semaphore_mem>> -> memref<1x!tpu.dma_semaphore, #tpu.memory_space<semaphore_mem>>
        %dma_start3A_1112 = tpu.memref_squeeze %dma_start3A_1111 : memref<1x!tpu.dma_semaphore, #tpu.memory_space<semaphore_mem>> -> memref<!tpu.dma_semaphore, #tpu.memory_space<semaphore_mem>>
        tpu.enqueue_indirect_dma source(%dma_start3A_1110 : memref<9456x128xf32, #tpu.memory_space<hbm>>) target(%dma_start3A_1106 : memref<96x128xf32, #tpu.memory_space<vmem>>) offsets(%dma_start3A_1107 : memref<96xi32, #tpu.memory_space<vmem>>) semaphore(%dma_start3A_1112 : memref<!tpu.dma_semaphore, #tpu.memory_space<semaphore_mem>>)
      } else {
      }
      %dma_wait3A_777 = arith.constant 1 : i32
      %dma_wait3A_778 = arith.constant 1 : i32
      %dma_wait3A_779 = arith.constant 0 : i32
      %dma_wait3A_780 = arith.constant 0 : i32
      %dma_wait3A_781 = tpu.memref_slice %arg20[%dma_wait3A_777, %dma_wait3A_779, %dma_wait3A_780] : memref<2x16x128xf32, #tpu.memory_space<vmem>> -> memref<1x16x128xf32, #tpu.memory_space<vmem>>
      %dma_wait3A_782 = tpu.memref_squeeze %dma_wait3A_781 : memref<1x16x128xf32, #tpu.memory_space<vmem>> -> memref<16x128xf32, #tpu.memory_space<vmem>>
      %dma_wait3A_783 = arith.constant 0 : i32
      %dma_wait3A_784 = tpu.memref_slice %arg16[%dma_wait3A_783] : memref<2048xi32, #tpu.memory_space<vmem>> -> memref<16xi32, #tpu.memory_space<vmem>>
      %dma_wait3A_785 = arith.constant 0 : i32
      %dma_wait3A_786 = arith.constant 0 : i32
      %dma_wait3A_787 = tpu.memref_slice %arg2[%dma_wait3A_785, %dma_wait3A_786] : memref<100360x128xf32, #tpu.memory_space<hbm>> -> memref<100360x128xf32, #tpu.memory_space<hbm>>
      %dma_wait3A_788 = tpu.memref_slice %arg24[%dma_wait3A_778] : memref<2x!tpu.dma_semaphore, #tpu.memory_space<semaphore_mem>> -> memref<1x!tpu.dma_semaphore, #tpu.memory_space<semaphore_mem>>
      %dma_wait3A_789 = tpu.memref_squeeze %dma_wait3A_788 : memref<1x!tpu.dma_semaphore, #tpu.memory_space<semaphore_mem>> -> memref<!tpu.dma_semaphore, #tpu.memory_space<semaphore_mem>>
      tpu.wait_indirect_dma semaphore(%dma_wait3A_789 : memref<!tpu.dma_semaphore, #tpu.memory_space<semaphore_mem>>) src(%dma_wait3A_787 : memref<100360x128xf32, #tpu.memory_space<hbm>>) dst(%dma_wait3A_782 : memref<16x128xf32, #tpu.memory_space<vmem>>)
      %dma_wait3A_790 = arith.constant 1 : i32
      %dma_wait3A_791 = arith.constant 1 : i32
      %dma_wait3A_792 = arith.constant 0 : i32
      %dma_wait3A_793 = arith.constant 0 : i32
      %dma_wait3A_794 = tpu.memref_slice %arg21[%dma_wait3A_790, %dma_wait3A_792, %dma_wait3A_793] : memref<2x32x128xf32, #tpu.memory_space<vmem>> -> memref<1x32x128xf32, #tpu.memory_space<vmem>>
      %dma_wait3A_795 = tpu.memref_squeeze %dma_wait3A_794 : memref<1x32x128xf32, #tpu.memory_space<vmem>> -> memref<32x128xf32, #tpu.memory_space<vmem>>
      %dma_wait3A_796 = arith.constant 0 : i32
      %dma_wait3A_797 = tpu.memref_slice %arg17[%dma_wait3A_796] : memref<4096xi32, #tpu.memory_space<vmem>> -> memref<32xi32, #tpu.memory_space<vmem>>
      %dma_wait3A_798 = arith.constant 0 : i32
      %dma_wait3A_799 = arith.constant 0 : i32
      %dma_wait3A_800 = tpu.memref_slice %arg3[%dma_wait3A_798, %dma_wait3A_799] : memref<50192x128xf32, #tpu.memory_space<hbm>> -> memref<50192x128xf32, #tpu.memory_space<hbm>>
      %dma_wait3A_801 = tpu.memref_slice %arg24[%dma_wait3A_791] : memref<2x!tpu.dma_semaphore, #tpu.memory_space<semaphore_mem>> -> memref<1x!tpu.dma_semaphore, #tpu.memory_space<semaphore_mem>>
      %dma_wait3A_802 = tpu.memref_squeeze %dma_wait3A_801 : memref<1x!tpu.dma_semaphore, #tpu.memory_space<semaphore_mem>> -> memref<!tpu.dma_semaphore, #tpu.memory_space<semaphore_mem>>
      tpu.wait_indirect_dma semaphore(%dma_wait3A_802 : memref<!tpu.dma_semaphore, #tpu.memory_space<semaphore_mem>>) src(%dma_wait3A_800 : memref<50192x128xf32, #tpu.memory_space<hbm>>) dst(%dma_wait3A_795 : memref<32x128xf32, #tpu.memory_space<vmem>>)
      %dma_wait3A_803 = arith.constant 1 : i32
      %dma_wait3A_804 = arith.constant 1 : i32
      %dma_wait3A_805 = arith.constant 0 : i32
      %dma_wait3A_806 = arith.constant 0 : i32
      %dma_wait3A_807 = tpu.memref_slice %arg22[%dma_wait3A_803, %dma_wait3A_805, %dma_wait3A_806] : memref<2x48x128xf32, #tpu.memory_space<vmem>> -> memref<1x48x128xf32, #tpu.memory_space<vmem>>
      %dma_wait3A_808 = tpu.memref_squeeze %dma_wait3A_807 : memref<1x48x128xf32, #tpu.memory_space<vmem>> -> memref<48x128xf32, #tpu.memory_space<vmem>>
      %dma_wait3A_809 = arith.constant 0 : i32
      %dma_wait3A_810 = tpu.memref_slice %arg18[%dma_wait3A_809] : memref<6144xi32, #tpu.memory_space<vmem>> -> memref<48xi32, #tpu.memory_space<vmem>>
      %dma_wait3A_811 = arith.constant 0 : i32
      %dma_wait3A_812 = arith.constant 0 : i32
      %dma_wait3A_813 = tpu.memref_slice %arg4[%dma_wait3A_811, %dma_wait3A_812] : memref<18840x128xf32, #tpu.memory_space<hbm>> -> memref<18840x128xf32, #tpu.memory_space<hbm>>
      %dma_wait3A_814 = tpu.memref_slice %arg24[%dma_wait3A_804] : memref<2x!tpu.dma_semaphore, #tpu.memory_space<semaphore_mem>> -> memref<1x!tpu.dma_semaphore, #tpu.memory_space<semaphore_mem>>
      %dma_wait3A_815 = tpu.memref_squeeze %dma_wait3A_814 : memref<1x!tpu.dma_semaphore, #tpu.memory_space<semaphore_mem>> -> memref<!tpu.dma_semaphore, #tpu.memory_space<semaphore_mem>>
      tpu.wait_indirect_dma semaphore(%dma_wait3A_815 : memref<!tpu.dma_semaphore, #tpu.memory_space<semaphore_mem>>) src(%dma_wait3A_813 : memref<18840x128xf32, #tpu.memory_space<hbm>>) dst(%dma_wait3A_808 : memref<48x128xf32, #tpu.memory_space<vmem>>)
      %dma_wait3A_816 = arith.constant 1 : i32
      %dma_wait3A_817 = arith.constant 1 : i32
      %dma_wait3A_818 = arith.constant 0 : i32
      %dma_wait3A_819 = arith.constant 0 : i32
      %dma_wait3A_820 = tpu.memref_slice %arg23[%dma_wait3A_816, %dma_wait3A_818, %dma_wait3A_819] : memref<2x96x128xf32, #tpu.memory_space<vmem>> -> memref<1x96x128xf32, #tpu.memory_space<vmem>>
      %dma_wait3A_821 = tpu.memref_squeeze %dma_wait3A_820 : memref<1x96x128xf32, #tpu.memory_space<vmem>> -> memref<96x128xf32, #tpu.memory_space<vmem>>
      %dma_wait3A_822 = arith.constant 0 : i32
      %dma_wait3A_823 = tpu.memref_slice %arg19[%dma_wait3A_822] : memref<12288xi32, #tpu.memory_space<vmem>> -> memref<96xi32, #tpu.memory_space<vmem>>
      %dma_wait3A_824 = arith.constant 0 : i32
      %dma_wait3A_825 = arith.constant 0 : i32
      %dma_wait3A_826 = tpu.memref_slice %arg5[%dma_wait3A_824, %dma_wait3A_825] : memref<9456x128xf32, #tpu.memory_space<hbm>> -> memref<9456x128xf32, #tpu.memory_space<hbm>>
      %dma_wait3A_827 = tpu.memref_slice %arg24[%dma_wait3A_817] : memref<2x!tpu.dma_semaphore, #tpu.memory_space<semaphore_mem>> -> memref<1x!tpu.dma_semaphore, #tpu.memory_space<semaphore_mem>>
      %dma_wait3A_828 = tpu.memref_squeeze %dma_wait3A_827 : memref<1x!tpu.dma_semaphore, #tpu.memory_space<semaphore_mem>> -> memref<!tpu.dma_semaphore, #tpu.memory_space<semaphore_mem>>
      tpu.wait_indirect_dma semaphore(%dma_wait3A_828 : memref<!tpu.dma_semaphore, #tpu.memory_space<semaphore_mem>>) src(%dma_wait3A_826 : memref<9456x128xf32, #tpu.memory_space<hbm>>) dst(%dma_wait3A_821 : memref<96x128xf32, #tpu.memory_space<vmem>>)
      %mul3A_829 = arith.constant 16 : i32
      %mul3A_830 = arith.muli %add3A_761, %mul3A_829 : i32
      %add3A_831 = arith.addi %mul3A_2, %mul3A_830 : i32
      %dma_start3A_832 = arith.constant 1 : i32
      %dma_start3A_833 = arith.constant 1 : i32
      %dma_start3A_834 = arith.constant 0 : i32
      %dma_start3A_835 = arith.constant 0 : i32
      %dma_start3A_836 = tpu.memref_slice %arg20[%dma_start3A_832, %dma_start3A_834, %dma_start3A_835] : memref<2x16x128xf32, #tpu.memory_space<vmem>> -> memref<1x16x128xf32, #tpu.memory_space<vmem>>
      %dma_start3A_837 = tpu.memref_squeeze %dma_start3A_836 : memref<1x16x128xf32, #tpu.memory_space<vmem>> -> memref<16x128xf32, #tpu.memory_space<vmem>>
      %dma_start3A_838 = arith.constant 0 : i32
      %dma_start3A_839 = tpu.memref_slice %arg9[%add3A_831, %dma_start3A_838] : memref<65536x128xf32, #tpu.memory_space<hbm>> -> memref<16x128xf32, #tpu.memory_space<hbm>>
      %dma_start3A_840 = tpu.memref_slice %arg25[%dma_start3A_833] : memref<2x!tpu.dma_semaphore, #tpu.memory_space<semaphore_mem>> -> memref<1x!tpu.dma_semaphore, #tpu.memory_space<semaphore_mem>>
      %dma_start3A_841 = tpu.memref_squeeze %dma_start3A_840 : memref<1x!tpu.dma_semaphore, #tpu.memory_space<semaphore_mem>> -> memref<!tpu.dma_semaphore, #tpu.memory_space<semaphore_mem>>
      %dma_start3A_842 = arith.constant 0 : i32
      %dma_start3A_843 = tpu.memref_slice %arg9[%add3A_831, %dma_start3A_842] : memref<65536x128xf32, #tpu.memory_space<hbm>> -> memref<16x128xf32, #tpu.memory_space<hbm>>
      %dma_start3A_844 = arith.constant 0 : i32
      %dma_start3A_845 = arith.constant 0 : i32
      %dma_start3A_846 = tpu.memref_slice %arg20[%dma_start3A_832, %dma_start3A_844, %dma_start3A_845] : memref<2x16x128xf32, #tpu.memory_space<vmem>> -> memref<1x16x128xf32, #tpu.memory_space<vmem>>
      %dma_start3A_847 = tpu.memref_squeeze %dma_start3A_846 : memref<1x16x128xf32, #tpu.memory_space<vmem>> -> memref<16x128xf32, #tpu.memory_space<vmem>>
      tpu.enqueue_dma source(%dma_start3A_847 : memref<16x128xf32, #tpu.memory_space<vmem>>) target(%dma_start3A_843 : memref<16x128xf32, #tpu.memory_space<hbm>>) target_semaphore(%dma_start3A_841 : memref<!tpu.dma_semaphore, #tpu.memory_space<semaphore_mem>>)
      %mul3A_848 = arith.constant 16 : i32
      %mul3A_849 = arith.muli %add3A_761, %mul3A_848 : i32
      %add3A_850 = arith.addi %mul3A_2, %mul3A_849 : i32
      %dma_start3A_851 = arith.constant 1 : i32
      %dma_start3A_852 = arith.constant 1 : i32
      %dma_start3A_853 = arith.constant 0 : i32
      %dma_start3A_854 = arith.constant 0 : i32
      %dma_start3A_855 = tpu.memref_slice %arg21[%dma_start3A_851, %dma_start3A_853, %dma_start3A_854] : memref<2x32x128xf32, #tpu.memory_space<vmem>> -> memref<1x16x128xf32, #tpu.memory_space<vmem>>
      %dma_start3A_856 = tpu.memref_squeeze %dma_start3A_855 : memref<1x16x128xf32, #tpu.memory_space<vmem>> -> memref<16x128xf32, #tpu.memory_space<vmem>>
      %dma_start3A_857 = arith.constant 0 : i32
      %dma_start3A_858 = tpu.memref_slice %arg10[%add3A_850, %dma_start3A_857] : memref<65536x256xf32, #tpu.memory_space<hbm>> -> memref<16x128xf32, #tpu.memory_space<hbm>>
      %dma_start3A_859 = tpu.memref_slice %arg25[%dma_start3A_852] : memref<2x!tpu.dma_semaphore, #tpu.memory_space<semaphore_mem>> -> memref<1x!tpu.dma_semaphore, #tpu.memory_space<semaphore_mem>>
      %dma_start3A_860 = tpu.memref_squeeze %dma_start3A_859 : memref<1x!tpu.dma_semaphore, #tpu.memory_space<semaphore_mem>> -> memref<!tpu.dma_semaphore, #tpu.memory_space<semaphore_mem>>
      %dma_start3A_861 = arith.constant 0 : i32
      %dma_start3A_862 = tpu.memref_slice %arg10[%add3A_850, %dma_start3A_861] : memref<65536x256xf32, #tpu.memory_space<hbm>> -> memref<16x128xf32, #tpu.memory_space<hbm>>
      %dma_start3A_863 = arith.constant 0 : i32
      %dma_start3A_864 = arith.constant 0 : i32
      %dma_start3A_865 = tpu.memref_slice %arg21[%dma_start3A_851, %dma_start3A_863, %dma_start3A_864] : memref<2x32x128xf32, #tpu.memory_space<vmem>> -> memref<1x16x128xf32, #tpu.memory_space<vmem>>
      %dma_start3A_866 = tpu.memref_squeeze %dma_start3A_865 : memref<1x16x128xf32, #tpu.memory_space<vmem>> -> memref<16x128xf32, #tpu.memory_space<vmem>>
      tpu.enqueue_dma source(%dma_start3A_866 : memref<16x128xf32, #tpu.memory_space<vmem>>) target(%dma_start3A_862 : memref<16x128xf32, #tpu.memory_space<hbm>>) target_semaphore(%dma_start3A_860 : memref<!tpu.dma_semaphore, #tpu.memory_space<semaphore_mem>>)
      %mul3A_867 = arith.constant 16 : i32
      %mul3A_868 = arith.muli %add3A_761, %mul3A_867 : i32
      %add3A_869 = arith.addi %mul3A_2, %mul3A_868 : i32
      %dma_start3A_870 = arith.constant 1 : i32
      %dma_start3A_871 = arith.constant 1 : i32
      %dma_start3A_872 = arith.constant 16 : i32
      %dma_start3A_873 = arith.constant 0 : i32
      %dma_start3A_874 = tpu.memref_slice %arg21[%dma_start3A_870, %dma_start3A_872, %dma_start3A_873] : memref<2x32x128xf32, #tpu.memory_space<vmem>> -> memref<1x16x128xf32, #tpu.memory_space<vmem>>
      %dma_start3A_875 = tpu.memref_squeeze %dma_start3A_874 : memref<1x16x128xf32, #tpu.memory_space<vmem>> -> memref<16x128xf32, #tpu.memory_space<vmem>>
      %dma_start3A_876 = arith.constant 128 : i32
      %dma_start3A_877 = tpu.memref_slice %arg10[%add3A_869, %dma_start3A_876] : memref<65536x256xf32, #tpu.memory_space<hbm>> -> memref<16x128xf32, #tpu.memory_space<hbm>>
      %dma_start3A_878 = tpu.memref_slice %arg25[%dma_start3A_871] : memref<2x!tpu.dma_semaphore, #tpu.memory_space<semaphore_mem>> -> memref<1x!tpu.dma_semaphore, #tpu.memory_space<semaphore_mem>>
      %dma_start3A_879 = tpu.memref_squeeze %dma_start3A_878 : memref<1x!tpu.dma_semaphore, #tpu.memory_space<semaphore_mem>> -> memref<!tpu.dma_semaphore, #tpu.memory_space<semaphore_mem>>
      %dma_start3A_880 = arith.constant 128 : i32
      %dma_start3A_881 = tpu.memref_slice %arg10[%add3A_869, %dma_start3A_880] : memref<65536x256xf32, #tpu.memory_space<hbm>> -> memref<16x128xf32, #tpu.memory_space<hbm>>
      %dma_start3A_882 = arith.constant 16 : i32
      %dma_start3A_883 = arith.constant 0 : i32
      %dma_start3A_884 = tpu.memref_slice %arg21[%dma_start3A_870, %dma_start3A_882, %dma_start3A_883] : memref<2x32x128xf32, #tpu.memory_space<vmem>> -> memref<1x16x128xf32, #tpu.memory_space<vmem>>
      %dma_start3A_885 = tpu.memref_squeeze %dma_start3A_884 : memref<1x16x128xf32, #tpu.memory_space<vmem>> -> memref<16x128xf32, #tpu.memory_space<vmem>>
      tpu.enqueue_dma source(%dma_start3A_885 : memref<16x128xf32, #tpu.memory_space<vmem>>) target(%dma_start3A_881 : memref<16x128xf32, #tpu.memory_space<hbm>>) target_semaphore(%dma_start3A_879 : memref<!tpu.dma_semaphore, #tpu.memory_space<semaphore_mem>>)
      %mul3A_886 = arith.constant 16 : i32
      %mul3A_887 = arith.muli %add3A_761, %mul3A_886 : i32
      %add3A_888 = arith.addi %mul3A_2, %mul3A_887 : i32
      %dma_start3A_889 = arith.constant 1 : i32
      %dma_start3A_890 = arith.constant 1 : i32
      %dma_start3A_891 = arith.constant 0 : i32
      %dma_start3A_892 = arith.constant 0 : i32
      %dma_start3A_893 = tpu.memref_slice %arg22[%dma_start3A_889, %dma_start3A_891, %dma_start3A_892] : memref<2x48x128xf32, #tpu.memory_space<vmem>> -> memref<1x16x128xf32, #tpu.memory_space<vmem>>
      %dma_start3A_894 = tpu.memref_squeeze %dma_start3A_893 : memref<1x16x128xf32, #tpu.memory_space<vmem>> -> memref<16x128xf32, #tpu.memory_space<vmem>>
      %dma_start3A_895 = arith.constant 0 : i32
      %dma_start3A_896 = tpu.memref_slice %arg11[%add3A_888, %dma_start3A_895] : memref<65536x384xf32, #tpu.memory_space<hbm>> -> memref<16x128xf32, #tpu.memory_space<hbm>>
      %dma_start3A_897 = tpu.memref_slice %arg25[%dma_start3A_890] : memref<2x!tpu.dma_semaphore, #tpu.memory_space<semaphore_mem>> -> memref<1x!tpu.dma_semaphore, #tpu.memory_space<semaphore_mem>>
      %dma_start3A_898 = tpu.memref_squeeze %dma_start3A_897 : memref<1x!tpu.dma_semaphore, #tpu.memory_space<semaphore_mem>> -> memref<!tpu.dma_semaphore, #tpu.memory_space<semaphore_mem>>
      %dma_start3A_899 = arith.constant 0 : i32
      %dma_start3A_900 = tpu.memref_slice %arg11[%add3A_888, %dma_start3A_899] : memref<65536x384xf32, #tpu.memory_space<hbm>> -> memref<16x128xf32, #tpu.memory_space<hbm>>
      %dma_start3A_901 = arith.constant 0 : i32
      %dma_start3A_902 = arith.constant 0 : i32
      %dma_start3A_903 = tpu.memref_slice %arg22[%dma_start3A_889, %dma_start3A_901, %dma_start3A_902] : memref<2x48x128xf32, #tpu.memory_space<vmem>> -> memref<1x16x128xf32, #tpu.memory_space<vmem>>
      %dma_start3A_904 = tpu.memref_squeeze %dma_start3A_903 : memref<1x16x128xf32, #tpu.memory_space<vmem>> -> memref<16x128xf32, #tpu.memory_space<vmem>>
      tpu.enqueue_dma source(%dma_start3A_904 : memref<16x128xf32, #tpu.memory_space<vmem>>) target(%dma_start3A_900 : memref<16x128xf32, #tpu.memory_space<hbm>>) target_semaphore(%dma_start3A_898 : memref<!tpu.dma_semaphore, #tpu.memory_space<semaphore_mem>>)
      %mul3A_905 = arith.constant 16 : i32
      %mul3A_906 = arith.muli %add3A_761, %mul3A_905 : i32
      %add3A_907 = arith.addi %mul3A_2, %mul3A_906 : i32
      %dma_start3A_908 = arith.constant 1 : i32
      %dma_start3A_909 = arith.constant 1 : i32
      %dma_start3A_910 = arith.constant 16 : i32
      %dma_start3A_911 = arith.constant 0 : i32
      %dma_start3A_912 = tpu.memref_slice %arg22[%dma_start3A_908, %dma_start3A_910, %dma_start3A_911] : memref<2x48x128xf32, #tpu.memory_space<vmem>> -> memref<1x16x128xf32, #tpu.memory_space<vmem>>
      %dma_start3A_913 = tpu.memref_squeeze %dma_start3A_912 : memref<1x16x128xf32, #tpu.memory_space<vmem>> -> memref<16x128xf32, #tpu.memory_space<vmem>>
      %dma_start3A_914 = arith.constant 128 : i32
      %dma_start3A_915 = tpu.memref_slice %arg11[%add3A_907, %dma_start3A_914] : memref<65536x384xf32, #tpu.memory_space<hbm>> -> memref<16x128xf32, #tpu.memory_space<hbm>>
      %dma_start3A_916 = tpu.memref_slice %arg25[%dma_start3A_909] : memref<2x!tpu.dma_semaphore, #tpu.memory_space<semaphore_mem>> -> memref<1x!tpu.dma_semaphore, #tpu.memory_space<semaphore_mem>>
      %dma_start3A_917 = tpu.memref_squeeze %dma_start3A_916 : memref<1x!tpu.dma_semaphore, #tpu.memory_space<semaphore_mem>> -> memref<!tpu.dma_semaphore, #tpu.memory_space<semaphore_mem>>
      %dma_start3A_918 = arith.constant 128 : i32
      %dma_start3A_919 = tpu.memref_slice %arg11[%add3A_907, %dma_start3A_918] : memref<65536x384xf32, #tpu.memory_space<hbm>> -> memref<16x128xf32, #tpu.memory_space<hbm>>
      %dma_start3A_920 = arith.constant 16 : i32
      %dma_start3A_921 = arith.constant 0 : i32
      %dma_start3A_922 = tpu.memref_slice %arg22[%dma_start3A_908, %dma_start3A_920, %dma_start3A_921] : memref<2x48x128xf32, #tpu.memory_space<vmem>> -> memref<1x16x128xf32, #tpu.memory_space<vmem>>
      %dma_start3A_923 = tpu.memref_squeeze %dma_start3A_922 : memref<1x16x128xf32, #tpu.memory_space<vmem>> -> memref<16x128xf32, #tpu.memory_space<vmem>>
      tpu.enqueue_dma source(%dma_start3A_923 : memref<16x128xf32, #tpu.memory_space<vmem>>) target(%dma_start3A_919 : memref<16x128xf32, #tpu.memory_space<hbm>>) target_semaphore(%dma_start3A_917 : memref<!tpu.dma_semaphore, #tpu.memory_space<semaphore_mem>>)
      %mul3A_924 = arith.constant 16 : i32
      %mul3A_925 = arith.muli %add3A_761, %mul3A_924 : i32
      %add3A_926 = arith.addi %mul3A_2, %mul3A_925 : i32
      %dma_start3A_927 = arith.constant 1 : i32
      %dma_start3A_928 = arith.constant 1 : i32
      %dma_start3A_929 = arith.constant 32 : i32
      %dma_start3A_930 = arith.constant 0 : i32
      %dma_start3A_931 = tpu.memref_slice %arg22[%dma_start3A_927, %dma_start3A_929, %dma_start3A_930] : memref<2x48x128xf32, #tpu.memory_space<vmem>> -> memref<1x16x128xf32, #tpu.memory_space<vmem>>
      %dma_start3A_932 = tpu.memref_squeeze %dma_start3A_931 : memref<1x16x128xf32, #tpu.memory_space<vmem>> -> memref<16x128xf32, #tpu.memory_space<vmem>>
      %dma_start3A_933 = arith.constant 256 : i32
      %dma_start3A_934 = tpu.memref_slice %arg11[%add3A_926, %dma_start3A_933] : memref<65536x384xf32, #tpu.memory_space<hbm>> -> memref<16x128xf32, #tpu.memory_space<hbm>>
      %dma_start3A_935 = tpu.memref_slice %arg25[%dma_start3A_928] : memref<2x!tpu.dma_semaphore, #tpu.memory_space<semaphore_mem>> -> memref<1x!tpu.dma_semaphore, #tpu.memory_space<semaphore_mem>>
      %dma_start3A_936 = tpu.memref_squeeze %dma_start3A_935 : memref<1x!tpu.dma_semaphore, #tpu.memory_space<semaphore_mem>> -> memref<!tpu.dma_semaphore, #tpu.memory_space<semaphore_mem>>
      %dma_start3A_937 = arith.constant 256 : i32
      %dma_start3A_938 = tpu.memref_slice %arg11[%add3A_926, %dma_start3A_937] : memref<65536x384xf32, #tpu.memory_space<hbm>> -> memref<16x128xf32, #tpu.memory_space<hbm>>
      %dma_start3A_939 = arith.constant 32 : i32
      %dma_start3A_940 = arith.constant 0 : i32
      %dma_start3A_941 = tpu.memref_slice %arg22[%dma_start3A_927, %dma_start3A_939, %dma_start3A_940] : memref<2x48x128xf32, #tpu.memory_space<vmem>> -> memref<1x16x128xf32, #tpu.memory_space<vmem>>
      %dma_start3A_942 = tpu.memref_squeeze %dma_start3A_941 : memref<1x16x128xf32, #tpu.memory_space<vmem>> -> memref<16x128xf32, #tpu.memory_space<vmem>>
      tpu.enqueue_dma source(%dma_start3A_942 : memref<16x128xf32, #tpu.memory_space<vmem>>) target(%dma_start3A_938 : memref<16x128xf32, #tpu.memory_space<hbm>>) target_semaphore(%dma_start3A_936 : memref<!tpu.dma_semaphore, #tpu.memory_space<semaphore_mem>>)
      %mul3A_943 = arith.constant 16 : i32
      %mul3A_944 = arith.muli %add3A_761, %mul3A_943 : i32
      %add3A_945 = arith.addi %mul3A_2, %mul3A_944 : i32
      %dma_start3A_946 = arith.constant 1 : i32
      %dma_start3A_947 = arith.constant 1 : i32
      %dma_start3A_948 = arith.constant 0 : i32
      %dma_start3A_949 = arith.constant 0 : i32
      %dma_start3A_950 = tpu.memref_slice %arg23[%dma_start3A_946, %dma_start3A_948, %dma_start3A_949] : memref<2x96x128xf32, #tpu.memory_space<vmem>> -> memref<1x16x128xf32, #tpu.memory_space<vmem>>
      %dma_start3A_951 = tpu.memref_squeeze %dma_start3A_950 : memref<1x16x128xf32, #tpu.memory_space<vmem>> -> memref<16x128xf32, #tpu.memory_space<vmem>>
      %dma_start3A_952 = arith.constant 0 : i32
      %dma_start3A_953 = tpu.memref_slice %arg12[%add3A_945, %dma_start3A_952] : memref<65536x768xf32, #tpu.memory_space<hbm>> -> memref<16x128xf32, #tpu.memory_space<hbm>>
      %dma_start3A_954 = tpu.memref_slice %arg25[%dma_start3A_947] : memref<2x!tpu.dma_semaphore, #tpu.memory_space<semaphore_mem>> -> memref<1x!tpu.dma_semaphore, #tpu.memory_space<semaphore_mem>>
      %dma_start3A_955 = tpu.memref_squeeze %dma_start3A_954 : memref<1x!tpu.dma_semaphore, #tpu.memory_space<semaphore_mem>> -> memref<!tpu.dma_semaphore, #tpu.memory_space<semaphore_mem>>
      %dma_start3A_956 = arith.constant 0 : i32
      %dma_start3A_957 = tpu.memref_slice %arg12[%add3A_945, %dma_start3A_956] : memref<65536x768xf32, #tpu.memory_space<hbm>> -> memref<16x128xf32, #tpu.memory_space<hbm>>
      %dma_start3A_958 = arith.constant 0 : i32
      %dma_start3A_959 = arith.constant 0 : i32
      %dma_start3A_960 = tpu.memref_slice %arg23[%dma_start3A_946, %dma_start3A_958, %dma_start3A_959] : memref<2x96x128xf32, #tpu.memory_space<vmem>> -> memref<1x16x128xf32, #tpu.memory_space<vmem>>
      %dma_start3A_961 = tpu.memref_squeeze %dma_start3A_960 : memref<1x16x128xf32, #tpu.memory_space<vmem>> -> memref<16x128xf32, #tpu.memory_space<vmem>>
      tpu.enqueue_dma source(%dma_start3A_961 : memref<16x128xf32, #tpu.memory_space<vmem>>) target(%dma_start3A_957 : memref<16x128xf32, #tpu.memory_space<hbm>>) target_semaphore(%dma_start3A_955 : memref<!tpu.dma_semaphore, #tpu.memory_space<semaphore_mem>>)
      %mul3A_962 = arith.constant 16 : i32
      %mul3A_963 = arith.muli %add3A_761, %mul3A_962 : i32
      %add3A_964 = arith.addi %mul3A_2, %mul3A_963 : i32
      %dma_start3A_965 = arith.constant 1 : i32
      %dma_start3A_966 = arith.constant 1 : i32
      %dma_start3A_967 = arith.constant 16 : i32
      %dma_start3A_968 = arith.constant 0 : i32
      %dma_start3A_969 = tpu.memref_slice %arg23[%dma_start3A_965, %dma_start3A_967, %dma_start3A_968] : memref<2x96x128xf32, #tpu.memory_space<vmem>> -> memref<1x16x128xf32, #tpu.memory_space<vmem>>
      %dma_start3A_970 = tpu.memref_squeeze %dma_start3A_969 : memref<1x16x128xf32, #tpu.memory_space<vmem>> -> memref<16x128xf32, #tpu.memory_space<vmem>>
      %dma_start3A_971 = arith.constant 128 : i32
      %dma_start3A_972 = tpu.memref_slice %arg12[%add3A_964, %dma_start3A_971] : memref<65536x768xf32, #tpu.memory_space<hbm>> -> memref<16x128xf32, #tpu.memory_space<hbm>>
      %dma_start3A_973 = tpu.memref_slice %arg25[%dma_start3A_966] : memref<2x!tpu.dma_semaphore, #tpu.memory_space<semaphore_mem>> -> memref<1x!tpu.dma_semaphore, #tpu.memory_space<semaphore_mem>>
      %dma_start3A_974 = tpu.memref_squeeze %dma_start3A_973 : memref<1x!tpu.dma_semaphore, #tpu.memory_space<semaphore_mem>> -> memref<!tpu.dma_semaphore, #tpu.memory_space<semaphore_mem>>
      %dma_start3A_975 = arith.constant 128 : i32
      %dma_start3A_976 = tpu.memref_slice %arg12[%add3A_964, %dma_start3A_975] : memref<65536x768xf32, #tpu.memory_space<hbm>> -> memref<16x128xf32, #tpu.memory_space<hbm>>
      %dma_start3A_977 = arith.constant 16 : i32
      %dma_start3A_978 = arith.constant 0 : i32
      %dma_start3A_979 = tpu.memref_slice %arg23[%dma_start3A_965, %dma_start3A_977, %dma_start3A_978] : memref<2x96x128xf32, #tpu.memory_space<vmem>> -> memref<1x16x128xf32, #tpu.memory_space<vmem>>
      %dma_start3A_980 = tpu.memref_squeeze %dma_start3A_979 : memref<1x16x128xf32, #tpu.memory_space<vmem>> -> memref<16x128xf32, #tpu.memory_space<vmem>>
      tpu.enqueue_dma source(%dma_start3A_980 : memref<16x128xf32, #tpu.memory_space<vmem>>) target(%dma_start3A_976 : memref<16x128xf32, #tpu.memory_space<hbm>>) target_semaphore(%dma_start3A_974 : memref<!tpu.dma_semaphore, #tpu.memory_space<semaphore_mem>>)
      %mul3A_981 = arith.constant 16 : i32
      %mul3A_982 = arith.muli %add3A_761, %mul3A_981 : i32
      %add3A_983 = arith.addi %mul3A_2, %mul3A_982 : i32
      %dma_start3A_984 = arith.constant 1 : i32
      %dma_start3A_985 = arith.constant 1 : i32
      %dma_start3A_986 = arith.constant 32 : i32
      %dma_start3A_987 = arith.constant 0 : i32
      %dma_start3A_988 = tpu.memref_slice %arg23[%dma_start3A_984, %dma_start3A_986, %dma_start3A_987] : memref<2x96x128xf32, #tpu.memory_space<vmem>> -> memref<1x16x128xf32, #tpu.memory_space<vmem>>
      %dma_start3A_989 = tpu.memref_squeeze %dma_start3A_988 : memref<1x16x128xf32, #tpu.memory_space<vmem>> -> memref<16x128xf32, #tpu.memory_space<vmem>>
      %dma_start3A_990 = arith.constant 256 : i32
      %dma_start3A_991 = tpu.memref_slice %arg12[%add3A_983, %dma_start3A_990] : memref<65536x768xf32, #tpu.memory_space<hbm>> -> memref<16x128xf32, #tpu.memory_space<hbm>>
      %dma_start3A_992 = tpu.memref_slice %arg25[%dma_start3A_985] : memref<2x!tpu.dma_semaphore, #tpu.memory_space<semaphore_mem>> -> memref<1x!tpu.dma_semaphore, #tpu.memory_space<semaphore_mem>>
      %dma_start3A_993 = tpu.memref_squeeze %dma_start3A_992 : memref<1x!tpu.dma_semaphore, #tpu.memory_space<semaphore_mem>> -> memref<!tpu.dma_semaphore, #tpu.memory_space<semaphore_mem>>
      %dma_start3A_994 = arith.constant 256 : i32
      %dma_start3A_995 = tpu.memref_slice %arg12[%add3A_983, %dma_start3A_994] : memref<65536x768xf32, #tpu.memory_space<hbm>> -> memref<16x128xf32, #tpu.memory_space<hbm>>
      %dma_start3A_996 = arith.constant 32 : i32
      %dma_start3A_997 = arith.constant 0 : i32
      %dma_start3A_998 = tpu.memref_slice %arg23[%dma_start3A_984, %dma_start3A_996, %dma_start3A_997] : memref<2x96x128xf32, #tpu.memory_space<vmem>> -> memref<1x16x128xf32, #tpu.memory_space<vmem>>
      %dma_start3A_999 = tpu.memref_squeeze %dma_start3A_998 : memref<1x16x128xf32, #tpu.memory_space<vmem>> -> memref<16x128xf32, #tpu.memory_space<vmem>>
      tpu.enqueue_dma source(%dma_start3A_999 : memref<16x128xf32, #tpu.memory_space<vmem>>) target(%dma_start3A_995 : memref<16x128xf32, #tpu.memory_space<hbm>>) target_semaphore(%dma_start3A_993 : memref<!tpu.dma_semaphore, #tpu.memory_space<semaphore_mem>>)
      %mul3A_1000 = arith.constant 16 : i32
      %mul3A_1001 = arith.muli %add3A_761, %mul3A_1000 : i32
      %add3A_1002 = arith.addi %mul3A_2, %mul3A_1001 : i32
      %dma_start3A_1003 = arith.constant 1 : i32
      %dma_start3A_1004 = arith.constant 1 : i32
      %dma_start3A_1005 = arith.constant 48 : i32
      %dma_start3A_1006 = arith.constant 0 : i32
      %dma_start3A_1007 = tpu.memref_slice %arg23[%dma_start3A_1003, %dma_start3A_1005, %dma_start3A_1006] : memref<2x96x128xf32, #tpu.memory_space<vmem>> -> memref<1x16x128xf32, #tpu.memory_space<vmem>>
      %dma_start3A_1008 = tpu.memref_squeeze %dma_start3A_1007 : memref<1x16x128xf32, #tpu.memory_space<vmem>> -> memref<16x128xf32, #tpu.memory_space<vmem>>
      %dma_start3A_1009 = arith.constant 384 : i32
      %dma_start3A_1010 = tpu.memref_slice %arg12[%add3A_1002, %dma_start3A_1009] : memref<65536x768xf32, #tpu.memory_space<hbm>> -> memref<16x128xf32, #tpu.memory_space<hbm>>
      %dma_start3A_1011 = tpu.memref_slice %arg25[%dma_start3A_1004] : memref<2x!tpu.dma_semaphore, #tpu.memory_space<semaphore_mem>> -> memref<1x!tpu.dma_semaphore, #tpu.memory_space<semaphore_mem>>
      %dma_start3A_1012 = tpu.memref_squeeze %dma_start3A_1011 : memref<1x!tpu.dma_semaphore, #tpu.memory_space<semaphore_mem>> -> memref<!tpu.dma_semaphore, #tpu.memory_space<semaphore_mem>>
      %dma_start3A_1013 = arith.constant 384 : i32
      %dma_start3A_1014 = tpu.memref_slice %arg12[%add3A_1002, %dma_start3A_1013] : memref<65536x768xf32, #tpu.memory_space<hbm>> -> memref<16x128xf32, #tpu.memory_space<hbm>>
      %dma_start3A_1015 = arith.constant 48 : i32
      %dma_start3A_1016 = arith.constant 0 : i32
      %dma_start3A_1017 = tpu.memref_slice %arg23[%dma_start3A_1003, %dma_start3A_1015, %dma_start3A_1016] : memref<2x96x128xf32, #tpu.memory_space<vmem>> -> memref<1x16x128xf32, #tpu.memory_space<vmem>>
      %dma_start3A_1018 = tpu.memref_squeeze %dma_start3A_1017 : memref<1x16x128xf32, #tpu.memory_space<vmem>> -> memref<16x128xf32, #tpu.memory_space<vmem>>
      tpu.enqueue_dma source(%dma_start3A_1018 : memref<16x128xf32, #tpu.memory_space<vmem>>) target(%dma_start3A_1014 : memref<16x128xf32, #tpu.memory_space<hbm>>) target_semaphore(%dma_start3A_1012 : memref<!tpu.dma_semaphore, #tpu.memory_space<semaphore_mem>>)
      %mul3A_1019 = arith.constant 16 : i32
      %mul3A_1020 = arith.muli %add3A_761, %mul3A_1019 : i32
      %add3A_1021 = arith.addi %mul3A_2, %mul3A_1020 : i32
      %dma_start3A_1022 = arith.constant 1 : i32
      %dma_start3A_1023 = arith.constant 1 : i32
      %dma_start3A_1024 = arith.constant 64 : i32
      %dma_start3A_1025 = arith.constant 0 : i32
      %dma_start3A_1026 = tpu.memref_slice %arg23[%dma_start3A_1022, %dma_start3A_1024, %dma_start3A_1025] : memref<2x96x128xf32, #tpu.memory_space<vmem>> -> memref<1x16x128xf32, #tpu.memory_space<vmem>>
      %dma_start3A_1027 = tpu.memref_squeeze %dma_start3A_1026 : memref<1x16x128xf32, #tpu.memory_space<vmem>> -> memref<16x128xf32, #tpu.memory_space<vmem>>
      %dma_start3A_1028 = arith.constant 512 : i32
      %dma_start3A_1029 = tpu.memref_slice %arg12[%add3A_1021, %dma_start3A_1028] : memref<65536x768xf32, #tpu.memory_space<hbm>> -> memref<16x128xf32, #tpu.memory_space<hbm>>
      %dma_start3A_1030 = tpu.memref_slice %arg25[%dma_start3A_1023] : memref<2x!tpu.dma_semaphore, #tpu.memory_space<semaphore_mem>> -> memref<1x!tpu.dma_semaphore, #tpu.memory_space<semaphore_mem>>
      %dma_start3A_1031 = tpu.memref_squeeze %dma_start3A_1030 : memref<1x!tpu.dma_semaphore, #tpu.memory_space<semaphore_mem>> -> memref<!tpu.dma_semaphore, #tpu.memory_space<semaphore_mem>>
      %dma_start3A_1032 = arith.constant 512 : i32
      %dma_start3A_1033 = tpu.memref_slice %arg12[%add3A_1021, %dma_start3A_1032] : memref<65536x768xf32, #tpu.memory_space<hbm>> -> memref<16x128xf32, #tpu.memory_space<hbm>>
      %dma_start3A_1034 = arith.constant 64 : i32
      %dma_start3A_1035 = arith.constant 0 : i32
      %dma_start3A_1036 = tpu.memref_slice %arg23[%dma_start3A_1022, %dma_start3A_1034, %dma_start3A_1035] : memref<2x96x128xf32, #tpu.memory_space<vmem>> -> memref<1x16x128xf32, #tpu.memory_space<vmem>>
      %dma_start3A_1037 = tpu.memref_squeeze %dma_start3A_1036 : memref<1x16x128xf32, #tpu.memory_space<vmem>> -> memref<16x128xf32, #tpu.memory_space<vmem>>
      tpu.enqueue_dma source(%dma_start3A_1037 : memref<16x128xf32, #tpu.memory_space<vmem>>) target(%dma_start3A_1033 : memref<16x128xf32, #tpu.memory_space<hbm>>) target_semaphore(%dma_start3A_1031 : memref<!tpu.dma_semaphore, #tpu.memory_space<semaphore_mem>>)
      %mul3A_1038 = arith.constant 16 : i32
      %mul3A_1039 = arith.muli %add3A_761, %mul3A_1038 : i32
      %add3A_1040 = arith.addi %mul3A_2, %mul3A_1039 : i32
      %dma_start3A_1041 = arith.constant 1 : i32
      %dma_start3A_1042 = arith.constant 1 : i32
      %dma_start3A_1043 = arith.constant 80 : i32
      %dma_start3A_1044 = arith.constant 0 : i32
      %dma_start3A_1045 = tpu.memref_slice %arg23[%dma_start3A_1041, %dma_start3A_1043, %dma_start3A_1044] : memref<2x96x128xf32, #tpu.memory_space<vmem>> -> memref<1x16x128xf32, #tpu.memory_space<vmem>>
      %dma_start3A_1046 = tpu.memref_squeeze %dma_start3A_1045 : memref<1x16x128xf32, #tpu.memory_space<vmem>> -> memref<16x128xf32, #tpu.memory_space<vmem>>
      %dma_start3A_1047 = arith.constant 640 : i32
      %dma_start3A_1048 = tpu.memref_slice %arg12[%add3A_1040, %dma_start3A_1047] : memref<65536x768xf32, #tpu.memory_space<hbm>> -> memref<16x128xf32, #tpu.memory_space<hbm>>
      %dma_start3A_1049 = tpu.memref_slice %arg25[%dma_start3A_1042] : memref<2x!tpu.dma_semaphore, #tpu.memory_space<semaphore_mem>> -> memref<1x!tpu.dma_semaphore, #tpu.memory_space<semaphore_mem>>
      %dma_start3A_1050 = tpu.memref_squeeze %dma_start3A_1049 : memref<1x!tpu.dma_semaphore, #tpu.memory_space<semaphore_mem>> -> memref<!tpu.dma_semaphore, #tpu.memory_space<semaphore_mem>>
      %dma_start3A_1051 = arith.constant 640 : i32
      %dma_start3A_1052 = tpu.memref_slice %arg12[%add3A_1040, %dma_start3A_1051] : memref<65536x768xf32, #tpu.memory_space<hbm>> -> memref<16x128xf32, #tpu.memory_space<hbm>>
      %dma_start3A_1053 = arith.constant 80 : i32
      %dma_start3A_1054 = arith.constant 0 : i32
      %dma_start3A_1055 = tpu.memref_slice %arg23[%dma_start3A_1041, %dma_start3A_1053, %dma_start3A_1054] : memref<2x96x128xf32, #tpu.memory_space<vmem>> -> memref<1x16x128xf32, #tpu.memory_space<vmem>>
      %dma_start3A_1056 = tpu.memref_squeeze %dma_start3A_1055 : memref<1x16x128xf32, #tpu.memory_space<vmem>> -> memref<16x128xf32, #tpu.memory_space<vmem>>
      tpu.enqueue_dma source(%dma_start3A_1056 : memref<16x128xf32, #tpu.memory_space<vmem>>) target(%dma_start3A_1052 : memref<16x128xf32, #tpu.memory_space<hbm>>) target_semaphore(%dma_start3A_1050 : memref<!tpu.dma_semaphore, #tpu.memory_space<semaphore_mem>>)
    }
    %scan3A_80 = arith.constant 64 : i32
    %dma_wait3A = arith.constant 0 : i32
    %dma_wait3A_81 = arith.constant 0 : i32
    %dma_wait3A_82 = arith.constant 0 : i32
    %dma_wait3A_83 = arith.constant 0 : i32
    %dma_wait3A_84 = tpu.memref_slice %arg20[%dma_wait3A, %dma_wait3A_82, %dma_wait3A_83] : memref<2x16x128xf32, #tpu.memory_space<vmem>> -> memref<1x16x128xf32, #tpu.memory_space<vmem>>
    %dma_wait3A_85 = tpu.memref_squeeze %dma_wait3A_84 : memref<1x16x128xf32, #tpu.memory_space<vmem>> -> memref<16x128xf32, #tpu.memory_space<vmem>>
    %dma_wait3A_86 = arith.constant 0 : i32
    %dma_wait3A_87 = tpu.memref_slice %arg9[%mul3A_2, %dma_wait3A_86] : memref<65536x128xf32, #tpu.memory_space<hbm>> -> memref<16x128xf32, #tpu.memory_space<hbm>>
    %dma_wait3A_88 = tpu.memref_slice %arg25[%dma_wait3A_81] : memref<2x!tpu.dma_semaphore, #tpu.memory_space<semaphore_mem>> -> memref<1x!tpu.dma_semaphore, #tpu.memory_space<semaphore_mem>>
    %dma_wait3A_89 = tpu.memref_squeeze %dma_wait3A_88 : memref<1x!tpu.dma_semaphore, #tpu.memory_space<semaphore_mem>> -> memref<!tpu.dma_semaphore, #tpu.memory_space<semaphore_mem>>
    %dma_wait3A_90 = arith.constant 0 : i32
    %dma_wait3A_91 = tpu.memref_slice %arg9[%mul3A_2, %dma_wait3A_90] : memref<65536x128xf32, #tpu.memory_space<hbm>> -> memref<16x128xf32, #tpu.memory_space<hbm>>
    %dma_wait3A_92 = arith.constant 0 : i32
    %dma_wait3A_93 = arith.constant 0 : i32
    %dma_wait3A_94 = tpu.memref_slice %arg20[%dma_wait3A, %dma_wait3A_92, %dma_wait3A_93] : memref<2x16x128xf32, #tpu.memory_space<vmem>> -> memref<1x16x128xf32, #tpu.memory_space<vmem>>
    %dma_wait3A_95 = tpu.memref_squeeze %dma_wait3A_94 : memref<1x16x128xf32, #tpu.memory_space<vmem>> -> memref<16x128xf32, #tpu.memory_space<vmem>>
    tpu.wait_dma2 semaphore(%dma_wait3A_89 : memref<!tpu.dma_semaphore, #tpu.memory_space<semaphore_mem>>) src(%dma_wait3A_95 : memref<16x128xf32, #tpu.memory_space<vmem>>) dst(%dma_wait3A_91 : memref<16x128xf32, #tpu.memory_space<hbm>>)
    %dma_wait3A_96 = arith.constant 0 : i32
    %dma_wait3A_97 = arith.constant 0 : i32
    %dma_wait3A_98 = arith.constant 0 : i32
    %dma_wait3A_99 = arith.constant 0 : i32
    %dma_wait3A_100 = tpu.memref_slice %arg21[%dma_wait3A_96, %dma_wait3A_98, %dma_wait3A_99] : memref<2x32x128xf32, #tpu.memory_space<vmem>> -> memref<1x16x128xf32, #tpu.memory_space<vmem>>
    %dma_wait3A_101 = tpu.memref_squeeze %dma_wait3A_100 : memref<1x16x128xf32, #tpu.memory_space<vmem>> -> memref<16x128xf32, #tpu.memory_space<vmem>>
    %dma_wait3A_102 = arith.constant 0 : i32
    %dma_wait3A_103 = tpu.memref_slice %arg10[%mul3A_2, %dma_wait3A_102] : memref<65536x256xf32, #tpu.memory_space<hbm>> -> memref<16x128xf32, #tpu.memory_space<hbm>>
    %dma_wait3A_104 = tpu.memref_slice %arg25[%dma_wait3A_97] : memref<2x!tpu.dma_semaphore, #tpu.memory_space<semaphore_mem>> -> memref<1x!tpu.dma_semaphore, #tpu.memory_space<semaphore_mem>>
    %dma_wait3A_105 = tpu.memref_squeeze %dma_wait3A_104 : memref<1x!tpu.dma_semaphore, #tpu.memory_space<semaphore_mem>> -> memref<!tpu.dma_semaphore, #tpu.memory_space<semaphore_mem>>
    %dma_wait3A_106 = arith.constant 0 : i32
    %dma_wait3A_107 = tpu.memref_slice %arg10[%mul3A_2, %dma_wait3A_106] : memref<65536x256xf32, #tpu.memory_space<hbm>> -> memref<16x128xf32, #tpu.memory_space<hbm>>
    %dma_wait3A_108 = arith.constant 0 : i32
    %dma_wait3A_109 = arith.constant 0 : i32
    %dma_wait3A_110 = tpu.memref_slice %arg21[%dma_wait3A_96, %dma_wait3A_108, %dma_wait3A_109] : memref<2x32x128xf32, #tpu.memory_space<vmem>> -> memref<1x16x128xf32, #tpu.memory_space<vmem>>
    %dma_wait3A_111 = tpu.memref_squeeze %dma_wait3A_110 : memref<1x16x128xf32, #tpu.memory_space<vmem>> -> memref<16x128xf32, #tpu.memory_space<vmem>>
    tpu.wait_dma2 semaphore(%dma_wait3A_105 : memref<!tpu.dma_semaphore, #tpu.memory_space<semaphore_mem>>) src(%dma_wait3A_111 : memref<16x128xf32, #tpu.memory_space<vmem>>) dst(%dma_wait3A_107 : memref<16x128xf32, #tpu.memory_space<hbm>>)
    %dma_wait3A_112 = arith.constant 0 : i32
    %dma_wait3A_113 = arith.constant 0 : i32
    %dma_wait3A_114 = arith.constant 16 : i32
    %dma_wait3A_115 = arith.constant 0 : i32
    %dma_wait3A_116 = tpu.memref_slice %arg21[%dma_wait3A_112, %dma_wait3A_114, %dma_wait3A_115] : memref<2x32x128xf32, #tpu.memory_space<vmem>> -> memref<1x16x128xf32, #tpu.memory_space<vmem>>
    %dma_wait3A_117 = tpu.memref_squeeze %dma_wait3A_116 : memref<1x16x128xf32, #tpu.memory_space<vmem>> -> memref<16x128xf32, #tpu.memory_space<vmem>>
    %dma_wait3A_118 = arith.constant 128 : i32
    %dma_wait3A_119 = tpu.memref_slice %arg10[%mul3A_2, %dma_wait3A_118] : memref<65536x256xf32, #tpu.memory_space<hbm>> -> memref<16x128xf32, #tpu.memory_space<hbm>>
    %dma_wait3A_120 = tpu.memref_slice %arg25[%dma_wait3A_113] : memref<2x!tpu.dma_semaphore, #tpu.memory_space<semaphore_mem>> -> memref<1x!tpu.dma_semaphore, #tpu.memory_space<semaphore_mem>>
    %dma_wait3A_121 = tpu.memref_squeeze %dma_wait3A_120 : memref<1x!tpu.dma_semaphore, #tpu.memory_space<semaphore_mem>> -> memref<!tpu.dma_semaphore, #tpu.memory_space<semaphore_mem>>
    %dma_wait3A_122 = arith.constant 128 : i32
    %dma_wait3A_123 = tpu.memref_slice %arg10[%mul3A_2, %dma_wait3A_122] : memref<65536x256xf32, #tpu.memory_space<hbm>> -> memref<16x128xf32, #tpu.memory_space<hbm>>
    %dma_wait3A_124 = arith.constant 16 : i32
    %dma_wait3A_125 = arith.constant 0 : i32
    %dma_wait3A_126 = tpu.memref_slice %arg21[%dma_wait3A_112, %dma_wait3A_124, %dma_wait3A_125] : memref<2x32x128xf32, #tpu.memory_space<vmem>> -> memref<1x16x128xf32, #tpu.memory_space<vmem>>
    %dma_wait3A_127 = tpu.memref_squeeze %dma_wait3A_126 : memref<1x16x128xf32, #tpu.memory_space<vmem>> -> memref<16x128xf32, #tpu.memory_space<vmem>>
    tpu.wait_dma2 semaphore(%dma_wait3A_121 : memref<!tpu.dma_semaphore, #tpu.memory_space<semaphore_mem>>) src(%dma_wait3A_127 : memref<16x128xf32, #tpu.memory_space<vmem>>) dst(%dma_wait3A_123 : memref<16x128xf32, #tpu.memory_space<hbm>>)
    %dma_wait3A_128 = arith.constant 0 : i32
    %dma_wait3A_129 = arith.constant 0 : i32
    %dma_wait3A_130 = arith.constant 0 : i32
    %dma_wait3A_131 = arith.constant 0 : i32
    %dma_wait3A_132 = tpu.memref_slice %arg22[%dma_wait3A_128, %dma_wait3A_130, %dma_wait3A_131] : memref<2x48x128xf32, #tpu.memory_space<vmem>> -> memref<1x16x128xf32, #tpu.memory_space<vmem>>
    %dma_wait3A_133 = tpu.memref_squeeze %dma_wait3A_132 : memref<1x16x128xf32, #tpu.memory_space<vmem>> -> memref<16x128xf32, #tpu.memory_space<vmem>>
    %dma_wait3A_134 = arith.constant 0 : i32
    %dma_wait3A_135 = tpu.memref_slice %arg11[%mul3A_2, %dma_wait3A_134] : memref<65536x384xf32, #tpu.memory_space<hbm>> -> memref<16x128xf32, #tpu.memory_space<hbm>>
    %dma_wait3A_136 = tpu.memref_slice %arg25[%dma_wait3A_129] : memref<2x!tpu.dma_semaphore, #tpu.memory_space<semaphore_mem>> -> memref<1x!tpu.dma_semaphore, #tpu.memory_space<semaphore_mem>>
    %dma_wait3A_137 = tpu.memref_squeeze %dma_wait3A_136 : memref<1x!tpu.dma_semaphore, #tpu.memory_space<semaphore_mem>> -> memref<!tpu.dma_semaphore, #tpu.memory_space<semaphore_mem>>
    %dma_wait3A_138 = arith.constant 0 : i32
    %dma_wait3A_139 = tpu.memref_slice %arg11[%mul3A_2, %dma_wait3A_138] : memref<65536x384xf32, #tpu.memory_space<hbm>> -> memref<16x128xf32, #tpu.memory_space<hbm>>
    %dma_wait3A_140 = arith.constant 0 : i32
    %dma_wait3A_141 = arith.constant 0 : i32
    %dma_wait3A_142 = tpu.memref_slice %arg22[%dma_wait3A_128, %dma_wait3A_140, %dma_wait3A_141] : memref<2x48x128xf32, #tpu.memory_space<vmem>> -> memref<1x16x128xf32, #tpu.memory_space<vmem>>
    %dma_wait3A_143 = tpu.memref_squeeze %dma_wait3A_142 : memref<1x16x128xf32, #tpu.memory_space<vmem>> -> memref<16x128xf32, #tpu.memory_space<vmem>>
    tpu.wait_dma2 semaphore(%dma_wait3A_137 : memref<!tpu.dma_semaphore, #tpu.memory_space<semaphore_mem>>) src(%dma_wait3A_143 : memref<16x128xf32, #tpu.memory_space<vmem>>) dst(%dma_wait3A_139 : memref<16x128xf32, #tpu.memory_space<hbm>>)
    %dma_wait3A_144 = arith.constant 0 : i32
    %dma_wait3A_145 = arith.constant 0 : i32
    %dma_wait3A_146 = arith.constant 16 : i32
    %dma_wait3A_147 = arith.constant 0 : i32
    %dma_wait3A_148 = tpu.memref_slice %arg22[%dma_wait3A_144, %dma_wait3A_146, %dma_wait3A_147] : memref<2x48x128xf32, #tpu.memory_space<vmem>> -> memref<1x16x128xf32, #tpu.memory_space<vmem>>
    %dma_wait3A_149 = tpu.memref_squeeze %dma_wait3A_148 : memref<1x16x128xf32, #tpu.memory_space<vmem>> -> memref<16x128xf32, #tpu.memory_space<vmem>>
    %dma_wait3A_150 = arith.constant 128 : i32
    %dma_wait3A_151 = tpu.memref_slice %arg11[%mul3A_2, %dma_wait3A_150] : memref<65536x384xf32, #tpu.memory_space<hbm>> -> memref<16x128xf32, #tpu.memory_space<hbm>>
    %dma_wait3A_152 = tpu.memref_slice %arg25[%dma_wait3A_145] : memref<2x!tpu.dma_semaphore, #tpu.memory_space<semaphore_mem>> -> memref<1x!tpu.dma_semaphore, #tpu.memory_space<semaphore_mem>>
    %dma_wait3A_153 = tpu.memref_squeeze %dma_wait3A_152 : memref<1x!tpu.dma_semaphore, #tpu.memory_space<semaphore_mem>> -> memref<!tpu.dma_semaphore, #tpu.memory_space<semaphore_mem>>
    %dma_wait3A_154 = arith.constant 128 : i32
    %dma_wait3A_155 = tpu.memref_slice %arg11[%mul3A_2, %dma_wait3A_154] : memref<65536x384xf32, #tpu.memory_space<hbm>> -> memref<16x128xf32, #tpu.memory_space<hbm>>
    %dma_wait3A_156 = arith.constant 16 : i32
    %dma_wait3A_157 = arith.constant 0 : i32
    %dma_wait3A_158 = tpu.memref_slice %arg22[%dma_wait3A_144, %dma_wait3A_156, %dma_wait3A_157] : memref<2x48x128xf32, #tpu.memory_space<vmem>> -> memref<1x16x128xf32, #tpu.memory_space<vmem>>
    %dma_wait3A_159 = tpu.memref_squeeze %dma_wait3A_158 : memref<1x16x128xf32, #tpu.memory_space<vmem>> -> memref<16x128xf32, #tpu.memory_space<vmem>>
    tpu.wait_dma2 semaphore(%dma_wait3A_153 : memref<!tpu.dma_semaphore, #tpu.memory_space<semaphore_mem>>) src(%dma_wait3A_159 : memref<16x128xf32, #tpu.memory_space<vmem>>) dst(%dma_wait3A_155 : memref<16x128xf32, #tpu.memory_space<hbm>>)
    %dma_wait3A_160 = arith.constant 0 : i32
    %dma_wait3A_161 = arith.constant 0 : i32
    %dma_wait3A_162 = arith.constant 32 : i32
    %dma_wait3A_163 = arith.constant 0 : i32
    %dma_wait3A_164 = tpu.memref_slice %arg22[%dma_wait3A_160, %dma_wait3A_162, %dma_wait3A_163] : memref<2x48x128xf32, #tpu.memory_space<vmem>> -> memref<1x16x128xf32, #tpu.memory_space<vmem>>
    %dma_wait3A_165 = tpu.memref_squeeze %dma_wait3A_164 : memref<1x16x128xf32, #tpu.memory_space<vmem>> -> memref<16x128xf32, #tpu.memory_space<vmem>>
    %dma_wait3A_166 = arith.constant 256 : i32
    %dma_wait3A_167 = tpu.memref_slice %arg11[%mul3A_2, %dma_wait3A_166] : memref<65536x384xf32, #tpu.memory_space<hbm>> -> memref<16x128xf32, #tpu.memory_space<hbm>>
    %dma_wait3A_168 = tpu.memref_slice %arg25[%dma_wait3A_161] : memref<2x!tpu.dma_semaphore, #tpu.memory_space<semaphore_mem>> -> memref<1x!tpu.dma_semaphore, #tpu.memory_space<semaphore_mem>>
    %dma_wait3A_169 = tpu.memref_squeeze %dma_wait3A_168 : memref<1x!tpu.dma_semaphore, #tpu.memory_space<semaphore_mem>> -> memref<!tpu.dma_semaphore, #tpu.memory_space<semaphore_mem>>
    %dma_wait3A_170 = arith.constant 256 : i32
    %dma_wait3A_171 = tpu.memref_slice %arg11[%mul3A_2, %dma_wait3A_170] : memref<65536x384xf32, #tpu.memory_space<hbm>> -> memref<16x128xf32, #tpu.memory_space<hbm>>
    %dma_wait3A_172 = arith.constant 32 : i32
    %dma_wait3A_173 = arith.constant 0 : i32
    %dma_wait3A_174 = tpu.memref_slice %arg22[%dma_wait3A_160, %dma_wait3A_172, %dma_wait3A_173] : memref<2x48x128xf32, #tpu.memory_space<vmem>> -> memref<1x16x128xf32, #tpu.memory_space<vmem>>
    %dma_wait3A_175 = tpu.memref_squeeze %dma_wait3A_174 : memref<1x16x128xf32, #tpu.memory_space<vmem>> -> memref<16x128xf32, #tpu.memory_space<vmem>>
    tpu.wait_dma2 semaphore(%dma_wait3A_169 : memref<!tpu.dma_semaphore, #tpu.memory_space<semaphore_mem>>) src(%dma_wait3A_175 : memref<16x128xf32, #tpu.memory_space<vmem>>) dst(%dma_wait3A_171 : memref<16x128xf32, #tpu.memory_space<hbm>>)
    %dma_wait3A_176 = arith.constant 0 : i32
    %dma_wait3A_177 = arith.constant 0 : i32
    %dma_wait3A_178 = arith.constant 0 : i32
    %dma_wait3A_179 = arith.constant 0 : i32
    %dma_wait3A_180 = tpu.memref_slice %arg23[%dma_wait3A_176, %dma_wait3A_178, %dma_wait3A_179] : memref<2x96x128xf32, #tpu.memory_space<vmem>> -> memref<1x16x128xf32, #tpu.memory_space<vmem>>
    %dma_wait3A_181 = tpu.memref_squeeze %dma_wait3A_180 : memref<1x16x128xf32, #tpu.memory_space<vmem>> -> memref<16x128xf32, #tpu.memory_space<vmem>>
    %dma_wait3A_182 = arith.constant 0 : i32
    %dma_wait3A_183 = tpu.memref_slice %arg12[%mul3A_2, %dma_wait3A_182] : memref<65536x768xf32, #tpu.memory_space<hbm>> -> memref<16x128xf32, #tpu.memory_space<hbm>>
    %dma_wait3A_184 = tpu.memref_slice %arg25[%dma_wait3A_177] : memref<2x!tpu.dma_semaphore, #tpu.memory_space<semaphore_mem>> -> memref<1x!tpu.dma_semaphore, #tpu.memory_space<semaphore_mem>>
    %dma_wait3A_185 = tpu.memref_squeeze %dma_wait3A_184 : memref<1x!tpu.dma_semaphore, #tpu.memory_space<semaphore_mem>> -> memref<!tpu.dma_semaphore, #tpu.memory_space<semaphore_mem>>
    %dma_wait3A_186 = arith.constant 0 : i32
    %dma_wait3A_187 = tpu.memref_slice %arg12[%mul3A_2, %dma_wait3A_186] : memref<65536x768xf32, #tpu.memory_space<hbm>> -> memref<16x128xf32, #tpu.memory_space<hbm>>
    %dma_wait3A_188 = arith.constant 0 : i32
    %dma_wait3A_189 = arith.constant 0 : i32
    %dma_wait3A_190 = tpu.memref_slice %arg23[%dma_wait3A_176, %dma_wait3A_188, %dma_wait3A_189] : memref<2x96x128xf32, #tpu.memory_space<vmem>> -> memref<1x16x128xf32, #tpu.memory_space<vmem>>
    %dma_wait3A_191 = tpu.memref_squeeze %dma_wait3A_190 : memref<1x16x128xf32, #tpu.memory_space<vmem>> -> memref<16x128xf32, #tpu.memory_space<vmem>>
    tpu.wait_dma2 semaphore(%dma_wait3A_185 : memref<!tpu.dma_semaphore, #tpu.memory_space<semaphore_mem>>) src(%dma_wait3A_191 : memref<16x128xf32, #tpu.memory_space<vmem>>) dst(%dma_wait3A_187 : memref<16x128xf32, #tpu.memory_space<hbm>>)
    %dma_wait3A_192 = arith.constant 0 : i32
    %dma_wait3A_193 = arith.constant 0 : i32
    %dma_wait3A_194 = arith.constant 16 : i32
    %dma_wait3A_195 = arith.constant 0 : i32
    %dma_wait3A_196 = tpu.memref_slice %arg23[%dma_wait3A_192, %dma_wait3A_194, %dma_wait3A_195] : memref<2x96x128xf32, #tpu.memory_space<vmem>> -> memref<1x16x128xf32, #tpu.memory_space<vmem>>
    %dma_wait3A_197 = tpu.memref_squeeze %dma_wait3A_196 : memref<1x16x128xf32, #tpu.memory_space<vmem>> -> memref<16x128xf32, #tpu.memory_space<vmem>>
    %dma_wait3A_198 = arith.constant 128 : i32
    %dma_wait3A_199 = tpu.memref_slice %arg12[%mul3A_2, %dma_wait3A_198] : memref<65536x768xf32, #tpu.memory_space<hbm>> -> memref<16x128xf32, #tpu.memory_space<hbm>>
    %dma_wait3A_200 = tpu.memref_slice %arg25[%dma_wait3A_193] : memref<2x!tpu.dma_semaphore, #tpu.memory_space<semaphore_mem>> -> memref<1x!tpu.dma_semaphore, #tpu.memory_space<semaphore_mem>>
    %dma_wait3A_201 = tpu.memref_squeeze %dma_wait3A_200 : memref<1x!tpu.dma_semaphore, #tpu.memory_space<semaphore_mem>> -> memref<!tpu.dma_semaphore, #tpu.memory_space<semaphore_mem>>
    %dma_wait3A_202 = arith.constant 128 : i32
    %dma_wait3A_203 = tpu.memref_slice %arg12[%mul3A_2, %dma_wait3A_202] : memref<65536x768xf32, #tpu.memory_space<hbm>> -> memref<16x128xf32, #tpu.memory_space<hbm>>
    %dma_wait3A_204 = arith.constant 16 : i32
    %dma_wait3A_205 = arith.constant 0 : i32
    %dma_wait3A_206 = tpu.memref_slice %arg23[%dma_wait3A_192, %dma_wait3A_204, %dma_wait3A_205] : memref<2x96x128xf32, #tpu.memory_space<vmem>> -> memref<1x16x128xf32, #tpu.memory_space<vmem>>
    %dma_wait3A_207 = tpu.memref_squeeze %dma_wait3A_206 : memref<1x16x128xf32, #tpu.memory_space<vmem>> -> memref<16x128xf32, #tpu.memory_space<vmem>>
    tpu.wait_dma2 semaphore(%dma_wait3A_201 : memref<!tpu.dma_semaphore, #tpu.memory_space<semaphore_mem>>) src(%dma_wait3A_207 : memref<16x128xf32, #tpu.memory_space<vmem>>) dst(%dma_wait3A_203 : memref<16x128xf32, #tpu.memory_space<hbm>>)
    %dma_wait3A_208 = arith.constant 0 : i32
    %dma_wait3A_209 = arith.constant 0 : i32
    %dma_wait3A_210 = arith.constant 32 : i32
    %dma_wait3A_211 = arith.constant 0 : i32
    %dma_wait3A_212 = tpu.memref_slice %arg23[%dma_wait3A_208, %dma_wait3A_210, %dma_wait3A_211] : memref<2x96x128xf32, #tpu.memory_space<vmem>> -> memref<1x16x128xf32, #tpu.memory_space<vmem>>
    %dma_wait3A_213 = tpu.memref_squeeze %dma_wait3A_212 : memref<1x16x128xf32, #tpu.memory_space<vmem>> -> memref<16x128xf32, #tpu.memory_space<vmem>>
    %dma_wait3A_214 = arith.constant 256 : i32
    %dma_wait3A_215 = tpu.memref_slice %arg12[%mul3A_2, %dma_wait3A_214] : memref<65536x768xf32, #tpu.memory_space<hbm>> -> memref<16x128xf32, #tpu.memory_space<hbm>>
    %dma_wait3A_216 = tpu.memref_slice %arg25[%dma_wait3A_209] : memref<2x!tpu.dma_semaphore, #tpu.memory_space<semaphore_mem>> -> memref<1x!tpu.dma_semaphore, #tpu.memory_space<semaphore_mem>>
    %dma_wait3A_217 = tpu.memref_squeeze %dma_wait3A_216 : memref<1x!tpu.dma_semaphore, #tpu.memory_space<semaphore_mem>> -> memref<!tpu.dma_semaphore, #tpu.memory_space<semaphore_mem>>
    %dma_wait3A_218 = arith.constant 256 : i32
    %dma_wait3A_219 = tpu.memref_slice %arg12[%mul3A_2, %dma_wait3A_218] : memref<65536x768xf32, #tpu.memory_space<hbm>> -> memref<16x128xf32, #tpu.memory_space<hbm>>
    %dma_wait3A_220 = arith.constant 32 : i32
    %dma_wait3A_221 = arith.constant 0 : i32
    %dma_wait3A_222 = tpu.memref_slice %arg23[%dma_wait3A_208, %dma_wait3A_220, %dma_wait3A_221] : memref<2x96x128xf32, #tpu.memory_space<vmem>> -> memref<1x16x128xf32, #tpu.memory_space<vmem>>
    %dma_wait3A_223 = tpu.memref_squeeze %dma_wait3A_222 : memref<1x16x128xf32, #tpu.memory_space<vmem>> -> memref<16x128xf32, #tpu.memory_space<vmem>>
    tpu.wait_dma2 semaphore(%dma_wait3A_217 : memref<!tpu.dma_semaphore, #tpu.memory_space<semaphore_mem>>) src(%dma_wait3A_223 : memref<16x128xf32, #tpu.memory_space<vmem>>) dst(%dma_wait3A_219 : memref<16x128xf32, #tpu.memory_space<hbm>>)
    %dma_wait3A_224 = arith.constant 0 : i32
    %dma_wait3A_225 = arith.constant 0 : i32
    %dma_wait3A_226 = arith.constant 48 : i32
    %dma_wait3A_227 = arith.constant 0 : i32
    %dma_wait3A_228 = tpu.memref_slice %arg23[%dma_wait3A_224, %dma_wait3A_226, %dma_wait3A_227] : memref<2x96x128xf32, #tpu.memory_space<vmem>> -> memref<1x16x128xf32, #tpu.memory_space<vmem>>
    %dma_wait3A_229 = tpu.memref_squeeze %dma_wait3A_228 : memref<1x16x128xf32, #tpu.memory_space<vmem>> -> memref<16x128xf32, #tpu.memory_space<vmem>>
    %dma_wait3A_230 = arith.constant 384 : i32
    %dma_wait3A_231 = tpu.memref_slice %arg12[%mul3A_2, %dma_wait3A_230] : memref<65536x768xf32, #tpu.memory_space<hbm>> -> memref<16x128xf32, #tpu.memory_space<hbm>>
    %dma_wait3A_232 = tpu.memref_slice %arg25[%dma_wait3A_225] : memref<2x!tpu.dma_semaphore, #tpu.memory_space<semaphore_mem>> -> memref<1x!tpu.dma_semaphore, #tpu.memory_space<semaphore_mem>>
    %dma_wait3A_233 = tpu.memref_squeeze %dma_wait3A_232 : memref<1x!tpu.dma_semaphore, #tpu.memory_space<semaphore_mem>> -> memref<!tpu.dma_semaphore, #tpu.memory_space<semaphore_mem>>
    %dma_wait3A_234 = arith.constant 384 : i32
    %dma_wait3A_235 = tpu.memref_slice %arg12[%mul3A_2, %dma_wait3A_234] : memref<65536x768xf32, #tpu.memory_space<hbm>> -> memref<16x128xf32, #tpu.memory_space<hbm>>
    %dma_wait3A_236 = arith.constant 48 : i32
    %dma_wait3A_237 = arith.constant 0 : i32
    %dma_wait3A_238 = tpu.memref_slice %arg23[%dma_wait3A_224, %dma_wait3A_236, %dma_wait3A_237] : memref<2x96x128xf32, #tpu.memory_space<vmem>> -> memref<1x16x128xf32, #tpu.memory_space<vmem>>
    %dma_wait3A_239 = tpu.memref_squeeze %dma_wait3A_238 : memref<1x16x128xf32, #tpu.memory_space<vmem>> -> memref<16x128xf32, #tpu.memory_space<vmem>>
    tpu.wait_dma2 semaphore(%dma_wait3A_233 : memref<!tpu.dma_semaphore, #tpu.memory_space<semaphore_mem>>) src(%dma_wait3A_239 : memref<16x128xf32, #tpu.memory_space<vmem>>) dst(%dma_wait3A_235 : memref<16x128xf32, #tpu.memory_space<hbm>>)
    %dma_wait3A_240 = arith.constant 0 : i32
    %dma_wait3A_241 = arith.constant 0 : i32
    %dma_wait3A_242 = arith.constant 64 : i32
    %dma_wait3A_243 = arith.constant 0 : i32
    %dma_wait3A_244 = tpu.memref_slice %arg23[%dma_wait3A_240, %dma_wait3A_242, %dma_wait3A_243] : memref<2x96x128xf32, #tpu.memory_space<vmem>> -> memref<1x16x128xf32, #tpu.memory_space<vmem>>
    %dma_wait3A_245 = tpu.memref_squeeze %dma_wait3A_244 : memref<1x16x128xf32, #tpu.memory_space<vmem>> -> memref<16x128xf32, #tpu.memory_space<vmem>>
    %dma_wait3A_246 = arith.constant 512 : i32
    %dma_wait3A_247 = tpu.memref_slice %arg12[%mul3A_2, %dma_wait3A_246] : memref<65536x768xf32, #tpu.memory_space<hbm>> -> memref<16x128xf32, #tpu.memory_space<hbm>>
    %dma_wait3A_248 = tpu.memref_slice %arg25[%dma_wait3A_241] : memref<2x!tpu.dma_semaphore, #tpu.memory_space<semaphore_mem>> -> memref<1x!tpu.dma_semaphore, #tpu.memory_space<semaphore_mem>>
    %dma_wait3A_249 = tpu.memref_squeeze %dma_wait3A_248 : memref<1x!tpu.dma_semaphore, #tpu.memory_space<semaphore_mem>> -> memref<!tpu.dma_semaphore, #tpu.memory_space<semaphore_mem>>
    %dma_wait3A_250 = arith.constant 512 : i32
    %dma_wait3A_251 = tpu.memref_slice %arg12[%mul3A_2, %dma_wait3A_250] : memref<65536x768xf32, #tpu.memory_space<hbm>> -> memref<16x128xf32, #tpu.memory_space<hbm>>
    %dma_wait3A_252 = arith.constant 64 : i32
    %dma_wait3A_253 = arith.constant 0 : i32
    %dma_wait3A_254 = tpu.memref_slice %arg23[%dma_wait3A_240, %dma_wait3A_252, %dma_wait3A_253] : memref<2x96x128xf32, #tpu.memory_space<vmem>> -> memref<1x16x128xf32, #tpu.memory_space<vmem>>
    %dma_wait3A_255 = tpu.memref_squeeze %dma_wait3A_254 : memref<1x16x128xf32, #tpu.memory_space<vmem>> -> memref<16x128xf32, #tpu.memory_space<vmem>>
    tpu.wait_dma2 semaphore(%dma_wait3A_249 : memref<!tpu.dma_semaphore, #tpu.memory_space<semaphore_mem>>) src(%dma_wait3A_255 : memref<16x128xf32, #tpu.memory_space<vmem>>) dst(%dma_wait3A_251 : memref<16x128xf32, #tpu.memory_space<hbm>>)
    %dma_wait3A_256 = arith.constant 0 : i32
    %dma_wait3A_257 = arith.constant 0 : i32
    %dma_wait3A_258 = arith.constant 80 : i32
    %dma_wait3A_259 = arith.constant 0 : i32
    %dma_wait3A_260 = tpu.memref_slice %arg23[%dma_wait3A_256, %dma_wait3A_258, %dma_wait3A_259] : memref<2x96x128xf32, #tpu.memory_space<vmem>> -> memref<1x16x128xf32, #tpu.memory_space<vmem>>
    %dma_wait3A_261 = tpu.memref_squeeze %dma_wait3A_260 : memref<1x16x128xf32, #tpu.memory_space<vmem>> -> memref<16x128xf32, #tpu.memory_space<vmem>>
    %dma_wait3A_262 = arith.constant 640 : i32
    %dma_wait3A_263 = tpu.memref_slice %arg12[%mul3A_2, %dma_wait3A_262] : memref<65536x768xf32, #tpu.memory_space<hbm>> -> memref<16x128xf32, #tpu.memory_space<hbm>>
    %dma_wait3A_264 = tpu.memref_slice %arg25[%dma_wait3A_257] : memref<2x!tpu.dma_semaphore, #tpu.memory_space<semaphore_mem>> -> memref<1x!tpu.dma_semaphore, #tpu.memory_space<semaphore_mem>>
    %dma_wait3A_265 = tpu.memref_squeeze %dma_wait3A_264 : memref<1x!tpu.dma_semaphore, #tpu.memory_space<semaphore_mem>> -> memref<!tpu.dma_semaphore, #tpu.memory_space<semaphore_mem>>
    %dma_wait3A_266 = arith.constant 640 : i32
    %dma_wait3A_267 = tpu.memref_slice %arg12[%mul3A_2, %dma_wait3A_266] : memref<65536x768xf32, #tpu.memory_space<hbm>> -> memref<16x128xf32, #tpu.memory_space<hbm>>
    %dma_wait3A_268 = arith.constant 80 : i32
    %dma_wait3A_269 = arith.constant 0 : i32
    %dma_wait3A_270 = tpu.memref_slice %arg23[%dma_wait3A_256, %dma_wait3A_268, %dma_wait3A_269] : memref<2x96x128xf32, #tpu.memory_space<vmem>> -> memref<1x16x128xf32, #tpu.memory_space<vmem>>
    %dma_wait3A_271 = tpu.memref_squeeze %dma_wait3A_270 : memref<1x16x128xf32, #tpu.memory_space<vmem>> -> memref<16x128xf32, #tpu.memory_space<vmem>>
    tpu.wait_dma2 semaphore(%dma_wait3A_265 : memref<!tpu.dma_semaphore, #tpu.memory_space<semaphore_mem>>) src(%dma_wait3A_271 : memref<16x128xf32, #tpu.memory_space<vmem>>) dst(%dma_wait3A_267 : memref<16x128xf32, #tpu.memory_space<hbm>>)
    %dma_wait3A_272 = arith.constant 1 : i32
    %dma_wait3A_273 = arith.constant 1 : i32
    %dma_wait3A_274 = arith.constant 0 : i32
    %dma_wait3A_275 = arith.constant 0 : i32
    %dma_wait3A_276 = tpu.memref_slice %arg20[%dma_wait3A_272, %dma_wait3A_274, %dma_wait3A_275] : memref<2x16x128xf32, #tpu.memory_space<vmem>> -> memref<1x16x128xf32, #tpu.memory_space<vmem>>
    %dma_wait3A_277 = tpu.memref_squeeze %dma_wait3A_276 : memref<1x16x128xf32, #tpu.memory_space<vmem>> -> memref<16x128xf32, #tpu.memory_space<vmem>>
    %dma_wait3A_278 = arith.constant 0 : i32
    %dma_wait3A_279 = tpu.memref_slice %arg9[%mul3A_2, %dma_wait3A_278] : memref<65536x128xf32, #tpu.memory_space<hbm>> -> memref<16x128xf32, #tpu.memory_space<hbm>>
    %dma_wait3A_280 = tpu.memref_slice %arg25[%dma_wait3A_273] : memref<2x!tpu.dma_semaphore, #tpu.memory_space<semaphore_mem>> -> memref<1x!tpu.dma_semaphore, #tpu.memory_space<semaphore_mem>>
    %dma_wait3A_281 = tpu.memref_squeeze %dma_wait3A_280 : memref<1x!tpu.dma_semaphore, #tpu.memory_space<semaphore_mem>> -> memref<!tpu.dma_semaphore, #tpu.memory_space<semaphore_mem>>
    %dma_wait3A_282 = arith.constant 0 : i32
    %dma_wait3A_283 = tpu.memref_slice %arg9[%mul3A_2, %dma_wait3A_282] : memref<65536x128xf32, #tpu.memory_space<hbm>> -> memref<16x128xf32, #tpu.memory_space<hbm>>
    %dma_wait3A_284 = arith.constant 0 : i32
    %dma_wait3A_285 = arith.constant 0 : i32
    %dma_wait3A_286 = tpu.memref_slice %arg20[%dma_wait3A_272, %dma_wait3A_284, %dma_wait3A_285] : memref<2x16x128xf32, #tpu.memory_space<vmem>> -> memref<1x16x128xf32, #tpu.memory_space<vmem>>
    %dma_wait3A_287 = tpu.memref_squeeze %dma_wait3A_286 : memref<1x16x128xf32, #tpu.memory_space<vmem>> -> memref<16x128xf32, #tpu.memory_space<vmem>>
    tpu.wait_dma2 semaphore(%dma_wait3A_281 : memref<!tpu.dma_semaphore, #tpu.memory_space<semaphore_mem>>) src(%dma_wait3A_287 : memref<16x128xf32, #tpu.memory_space<vmem>>) dst(%dma_wait3A_283 : memref<16x128xf32, #tpu.memory_space<hbm>>)
    %dma_wait3A_288 = arith.constant 1 : i32
    %dma_wait3A_289 = arith.constant 1 : i32
    %dma_wait3A_290 = arith.constant 0 : i32
    %dma_wait3A_291 = arith.constant 0 : i32
    %dma_wait3A_292 = tpu.memref_slice %arg21[%dma_wait3A_288, %dma_wait3A_290, %dma_wait3A_291] : memref<2x32x128xf32, #tpu.memory_space<vmem>> -> memref<1x16x128xf32, #tpu.memory_space<vmem>>
    %dma_wait3A_293 = tpu.memref_squeeze %dma_wait3A_292 : memref<1x16x128xf32, #tpu.memory_space<vmem>> -> memref<16x128xf32, #tpu.memory_space<vmem>>
    %dma_wait3A_294 = arith.constant 0 : i32
    %dma_wait3A_295 = tpu.memref_slice %arg10[%mul3A_2, %dma_wait3A_294] : memref<65536x256xf32, #tpu.memory_space<hbm>> -> memref<16x128xf32, #tpu.memory_space<hbm>>
    %dma_wait3A_296 = tpu.memref_slice %arg25[%dma_wait3A_289] : memref<2x!tpu.dma_semaphore, #tpu.memory_space<semaphore_mem>> -> memref<1x!tpu.dma_semaphore, #tpu.memory_space<semaphore_mem>>
    %dma_wait3A_297 = tpu.memref_squeeze %dma_wait3A_296 : memref<1x!tpu.dma_semaphore, #tpu.memory_space<semaphore_mem>> -> memref<!tpu.dma_semaphore, #tpu.memory_space<semaphore_mem>>
    %dma_wait3A_298 = arith.constant 0 : i32
    %dma_wait3A_299 = tpu.memref_slice %arg10[%mul3A_2, %dma_wait3A_298] : memref<65536x256xf32, #tpu.memory_space<hbm>> -> memref<16x128xf32, #tpu.memory_space<hbm>>
    %dma_wait3A_300 = arith.constant 0 : i32
    %dma_wait3A_301 = arith.constant 0 : i32
    %dma_wait3A_302 = tpu.memref_slice %arg21[%dma_wait3A_288, %dma_wait3A_300, %dma_wait3A_301] : memref<2x32x128xf32, #tpu.memory_space<vmem>> -> memref<1x16x128xf32, #tpu.memory_space<vmem>>
    %dma_wait3A_303 = tpu.memref_squeeze %dma_wait3A_302 : memref<1x16x128xf32, #tpu.memory_space<vmem>> -> memref<16x128xf32, #tpu.memory_space<vmem>>
    tpu.wait_dma2 semaphore(%dma_wait3A_297 : memref<!tpu.dma_semaphore, #tpu.memory_space<semaphore_mem>>) src(%dma_wait3A_303 : memref<16x128xf32, #tpu.memory_space<vmem>>) dst(%dma_wait3A_299 : memref<16x128xf32, #tpu.memory_space<hbm>>)
    %dma_wait3A_304 = arith.constant 1 : i32
    %dma_wait3A_305 = arith.constant 1 : i32
    %dma_wait3A_306 = arith.constant 16 : i32
    %dma_wait3A_307 = arith.constant 0 : i32
    %dma_wait3A_308 = tpu.memref_slice %arg21[%dma_wait3A_304, %dma_wait3A_306, %dma_wait3A_307] : memref<2x32x128xf32, #tpu.memory_space<vmem>> -> memref<1x16x128xf32, #tpu.memory_space<vmem>>
    %dma_wait3A_309 = tpu.memref_squeeze %dma_wait3A_308 : memref<1x16x128xf32, #tpu.memory_space<vmem>> -> memref<16x128xf32, #tpu.memory_space<vmem>>
    %dma_wait3A_310 = arith.constant 128 : i32
    %dma_wait3A_311 = tpu.memref_slice %arg10[%mul3A_2, %dma_wait3A_310] : memref<65536x256xf32, #tpu.memory_space<hbm>> -> memref<16x128xf32, #tpu.memory_space<hbm>>
    %dma_wait3A_312 = tpu.memref_slice %arg25[%dma_wait3A_305] : memref<2x!tpu.dma_semaphore, #tpu.memory_space<semaphore_mem>> -> memref<1x!tpu.dma_semaphore, #tpu.memory_space<semaphore_mem>>
    %dma_wait3A_313 = tpu.memref_squeeze %dma_wait3A_312 : memref<1x!tpu.dma_semaphore, #tpu.memory_space<semaphore_mem>> -> memref<!tpu.dma_semaphore, #tpu.memory_space<semaphore_mem>>
    %dma_wait3A_314 = arith.constant 128 : i32
    %dma_wait3A_315 = tpu.memref_slice %arg10[%mul3A_2, %dma_wait3A_314] : memref<65536x256xf32, #tpu.memory_space<hbm>> -> memref<16x128xf32, #tpu.memory_space<hbm>>
    %dma_wait3A_316 = arith.constant 16 : i32
    %dma_wait3A_317 = arith.constant 0 : i32
    %dma_wait3A_318 = tpu.memref_slice %arg21[%dma_wait3A_304, %dma_wait3A_316, %dma_wait3A_317] : memref<2x32x128xf32, #tpu.memory_space<vmem>> -> memref<1x16x128xf32, #tpu.memory_space<vmem>>
    %dma_wait3A_319 = tpu.memref_squeeze %dma_wait3A_318 : memref<1x16x128xf32, #tpu.memory_space<vmem>> -> memref<16x128xf32, #tpu.memory_space<vmem>>
    tpu.wait_dma2 semaphore(%dma_wait3A_313 : memref<!tpu.dma_semaphore, #tpu.memory_space<semaphore_mem>>) src(%dma_wait3A_319 : memref<16x128xf32, #tpu.memory_space<vmem>>) dst(%dma_wait3A_315 : memref<16x128xf32, #tpu.memory_space<hbm>>)
    %dma_wait3A_320 = arith.constant 1 : i32
    %dma_wait3A_321 = arith.constant 1 : i32
    %dma_wait3A_322 = arith.constant 0 : i32
    %dma_wait3A_323 = arith.constant 0 : i32
    %dma_wait3A_324 = tpu.memref_slice %arg22[%dma_wait3A_320, %dma_wait3A_322, %dma_wait3A_323] : memref<2x48x128xf32, #tpu.memory_space<vmem>> -> memref<1x16x128xf32, #tpu.memory_space<vmem>>
    %dma_wait3A_325 = tpu.memref_squeeze %dma_wait3A_324 : memref<1x16x128xf32, #tpu.memory_space<vmem>> -> memref<16x128xf32, #tpu.memory_space<vmem>>
    %dma_wait3A_326 = arith.constant 0 : i32
    %dma_wait3A_327 = tpu.memref_slice %arg11[%mul3A_2, %dma_wait3A_326] : memref<65536x384xf32, #tpu.memory_space<hbm>> -> memref<16x128xf32, #tpu.memory_space<hbm>>
    %dma_wait3A_328 = tpu.memref_slice %arg25[%dma_wait3A_321] : memref<2x!tpu.dma_semaphore, #tpu.memory_space<semaphore_mem>> -> memref<1x!tpu.dma_semaphore, #tpu.memory_space<semaphore_mem>>
    %dma_wait3A_329 = tpu.memref_squeeze %dma_wait3A_328 : memref<1x!tpu.dma_semaphore, #tpu.memory_space<semaphore_mem>> -> memref<!tpu.dma_semaphore, #tpu.memory_space<semaphore_mem>>
    %dma_wait3A_330 = arith.constant 0 : i32
    %dma_wait3A_331 = tpu.memref_slice %arg11[%mul3A_2, %dma_wait3A_330] : memref<65536x384xf32, #tpu.memory_space<hbm>> -> memref<16x128xf32, #tpu.memory_space<hbm>>
    %dma_wait3A_332 = arith.constant 0 : i32
    %dma_wait3A_333 = arith.constant 0 : i32
    %dma_wait3A_334 = tpu.memref_slice %arg22[%dma_wait3A_320, %dma_wait3A_332, %dma_wait3A_333] : memref<2x48x128xf32, #tpu.memory_space<vmem>> -> memref<1x16x128xf32, #tpu.memory_space<vmem>>
    %dma_wait3A_335 = tpu.memref_squeeze %dma_wait3A_334 : memref<1x16x128xf32, #tpu.memory_space<vmem>> -> memref<16x128xf32, #tpu.memory_space<vmem>>
    tpu.wait_dma2 semaphore(%dma_wait3A_329 : memref<!tpu.dma_semaphore, #tpu.memory_space<semaphore_mem>>) src(%dma_wait3A_335 : memref<16x128xf32, #tpu.memory_space<vmem>>) dst(%dma_wait3A_331 : memref<16x128xf32, #tpu.memory_space<hbm>>)
    %dma_wait3A_336 = arith.constant 1 : i32
    %dma_wait3A_337 = arith.constant 1 : i32
    %dma_wait3A_338 = arith.constant 16 : i32
    %dma_wait3A_339 = arith.constant 0 : i32
    %dma_wait3A_340 = tpu.memref_slice %arg22[%dma_wait3A_336, %dma_wait3A_338, %dma_wait3A_339] : memref<2x48x128xf32, #tpu.memory_space<vmem>> -> memref<1x16x128xf32, #tpu.memory_space<vmem>>
    %dma_wait3A_341 = tpu.memref_squeeze %dma_wait3A_340 : memref<1x16x128xf32, #tpu.memory_space<vmem>> -> memref<16x128xf32, #tpu.memory_space<vmem>>
    %dma_wait3A_342 = arith.constant 128 : i32
    %dma_wait3A_343 = tpu.memref_slice %arg11[%mul3A_2, %dma_wait3A_342] : memref<65536x384xf32, #tpu.memory_space<hbm>> -> memref<16x128xf32, #tpu.memory_space<hbm>>
    %dma_wait3A_344 = tpu.memref_slice %arg25[%dma_wait3A_337] : memref<2x!tpu.dma_semaphore, #tpu.memory_space<semaphore_mem>> -> memref<1x!tpu.dma_semaphore, #tpu.memory_space<semaphore_mem>>
    %dma_wait3A_345 = tpu.memref_squeeze %dma_wait3A_344 : memref<1x!tpu.dma_semaphore, #tpu.memory_space<semaphore_mem>> -> memref<!tpu.dma_semaphore, #tpu.memory_space<semaphore_mem>>
    %dma_wait3A_346 = arith.constant 128 : i32
    %dma_wait3A_347 = tpu.memref_slice %arg11[%mul3A_2, %dma_wait3A_346] : memref<65536x384xf32, #tpu.memory_space<hbm>> -> memref<16x128xf32, #tpu.memory_space<hbm>>
    %dma_wait3A_348 = arith.constant 16 : i32
    %dma_wait3A_349 = arith.constant 0 : i32
    %dma_wait3A_350 = tpu.memref_slice %arg22[%dma_wait3A_336, %dma_wait3A_348, %dma_wait3A_349] : memref<2x48x128xf32, #tpu.memory_space<vmem>> -> memref<1x16x128xf32, #tpu.memory_space<vmem>>
    %dma_wait3A_351 = tpu.memref_squeeze %dma_wait3A_350 : memref<1x16x128xf32, #tpu.memory_space<vmem>> -> memref<16x128xf32, #tpu.memory_space<vmem>>
    tpu.wait_dma2 semaphore(%dma_wait3A_345 : memref<!tpu.dma_semaphore, #tpu.memory_space<semaphore_mem>>) src(%dma_wait3A_351 : memref<16x128xf32, #tpu.memory_space<vmem>>) dst(%dma_wait3A_347 : memref<16x128xf32, #tpu.memory_space<hbm>>)
    %dma_wait3A_352 = arith.constant 1 : i32
    %dma_wait3A_353 = arith.constant 1 : i32
    %dma_wait3A_354 = arith.constant 32 : i32
    %dma_wait3A_355 = arith.constant 0 : i32
    %dma_wait3A_356 = tpu.memref_slice %arg22[%dma_wait3A_352, %dma_wait3A_354, %dma_wait3A_355] : memref<2x48x128xf32, #tpu.memory_space<vmem>> -> memref<1x16x128xf32, #tpu.memory_space<vmem>>
    %dma_wait3A_357 = tpu.memref_squeeze %dma_wait3A_356 : memref<1x16x128xf32, #tpu.memory_space<vmem>> -> memref<16x128xf32, #tpu.memory_space<vmem>>
    %dma_wait3A_358 = arith.constant 256 : i32
    %dma_wait3A_359 = tpu.memref_slice %arg11[%mul3A_2, %dma_wait3A_358] : memref<65536x384xf32, #tpu.memory_space<hbm>> -> memref<16x128xf32, #tpu.memory_space<hbm>>
    %dma_wait3A_360 = tpu.memref_slice %arg25[%dma_wait3A_353] : memref<2x!tpu.dma_semaphore, #tpu.memory_space<semaphore_mem>> -> memref<1x!tpu.dma_semaphore, #tpu.memory_space<semaphore_mem>>
    %dma_wait3A_361 = tpu.memref_squeeze %dma_wait3A_360 : memref<1x!tpu.dma_semaphore, #tpu.memory_space<semaphore_mem>> -> memref<!tpu.dma_semaphore, #tpu.memory_space<semaphore_mem>>
    %dma_wait3A_362 = arith.constant 256 : i32
    %dma_wait3A_363 = tpu.memref_slice %arg11[%mul3A_2, %dma_wait3A_362] : memref<65536x384xf32, #tpu.memory_space<hbm>> -> memref<16x128xf32, #tpu.memory_space<hbm>>
    %dma_wait3A_364 = arith.constant 32 : i32
    %dma_wait3A_365 = arith.constant 0 : i32
    %dma_wait3A_366 = tpu.memref_slice %arg22[%dma_wait3A_352, %dma_wait3A_364, %dma_wait3A_365] : memref<2x48x128xf32, #tpu.memory_space<vmem>> -> memref<1x16x128xf32, #tpu.memory_space<vmem>>
    %dma_wait3A_367 = tpu.memref_squeeze %dma_wait3A_366 : memref<1x16x128xf32, #tpu.memory_space<vmem>> -> memref<16x128xf32, #tpu.memory_space<vmem>>
    tpu.wait_dma2 semaphore(%dma_wait3A_361 : memref<!tpu.dma_semaphore, #tpu.memory_space<semaphore_mem>>) src(%dma_wait3A_367 : memref<16x128xf32, #tpu.memory_space<vmem>>) dst(%dma_wait3A_363 : memref<16x128xf32, #tpu.memory_space<hbm>>)
    %dma_wait3A_368 = arith.constant 1 : i32
    %dma_wait3A_369 = arith.constant 1 : i32
    %dma_wait3A_370 = arith.constant 0 : i32
    %dma_wait3A_371 = arith.constant 0 : i32
    %dma_wait3A_372 = tpu.memref_slice %arg23[%dma_wait3A_368, %dma_wait3A_370, %dma_wait3A_371] : memref<2x96x128xf32, #tpu.memory_space<vmem>> -> memref<1x16x128xf32, #tpu.memory_space<vmem>>
    %dma_wait3A_373 = tpu.memref_squeeze %dma_wait3A_372 : memref<1x16x128xf32, #tpu.memory_space<vmem>> -> memref<16x128xf32, #tpu.memory_space<vmem>>
    %dma_wait3A_374 = arith.constant 0 : i32
    %dma_wait3A_375 = tpu.memref_slice %arg12[%mul3A_2, %dma_wait3A_374] : memref<65536x768xf32, #tpu.memory_space<hbm>> -> memref<16x128xf32, #tpu.memory_space<hbm>>
    %dma_wait3A_376 = tpu.memref_slice %arg25[%dma_wait3A_369] : memref<2x!tpu.dma_semaphore, #tpu.memory_space<semaphore_mem>> -> memref<1x!tpu.dma_semaphore, #tpu.memory_space<semaphore_mem>>
    %dma_wait3A_377 = tpu.memref_squeeze %dma_wait3A_376 : memref<1x!tpu.dma_semaphore, #tpu.memory_space<semaphore_mem>> -> memref<!tpu.dma_semaphore, #tpu.memory_space<semaphore_mem>>
    %dma_wait3A_378 = arith.constant 0 : i32
    %dma_wait3A_379 = tpu.memref_slice %arg12[%mul3A_2, %dma_wait3A_378] : memref<65536x768xf32, #tpu.memory_space<hbm>> -> memref<16x128xf32, #tpu.memory_space<hbm>>
    %dma_wait3A_380 = arith.constant 0 : i32
    %dma_wait3A_381 = arith.constant 0 : i32
    %dma_wait3A_382 = tpu.memref_slice %arg23[%dma_wait3A_368, %dma_wait3A_380, %dma_wait3A_381] : memref<2x96x128xf32, #tpu.memory_space<vmem>> -> memref<1x16x128xf32, #tpu.memory_space<vmem>>
    %dma_wait3A_383 = tpu.memref_squeeze %dma_wait3A_382 : memref<1x16x128xf32, #tpu.memory_space<vmem>> -> memref<16x128xf32, #tpu.memory_space<vmem>>
    tpu.wait_dma2 semaphore(%dma_wait3A_377 : memref<!tpu.dma_semaphore, #tpu.memory_space<semaphore_mem>>) src(%dma_wait3A_383 : memref<16x128xf32, #tpu.memory_space<vmem>>) dst(%dma_wait3A_379 : memref<16x128xf32, #tpu.memory_space<hbm>>)
    %dma_wait3A_384 = arith.constant 1 : i32
    %dma_wait3A_385 = arith.constant 1 : i32
    %dma_wait3A_386 = arith.constant 16 : i32
    %dma_wait3A_387 = arith.constant 0 : i32
    %dma_wait3A_388 = tpu.memref_slice %arg23[%dma_wait3A_384, %dma_wait3A_386, %dma_wait3A_387] : memref<2x96x128xf32, #tpu.memory_space<vmem>> -> memref<1x16x128xf32, #tpu.memory_space<vmem>>
    %dma_wait3A_389 = tpu.memref_squeeze %dma_wait3A_388 : memref<1x16x128xf32, #tpu.memory_space<vmem>> -> memref<16x128xf32, #tpu.memory_space<vmem>>
    %dma_wait3A_390 = arith.constant 128 : i32
    %dma_wait3A_391 = tpu.memref_slice %arg12[%mul3A_2, %dma_wait3A_390] : memref<65536x768xf32, #tpu.memory_space<hbm>> -> memref<16x128xf32, #tpu.memory_space<hbm>>
    %dma_wait3A_392 = tpu.memref_slice %arg25[%dma_wait3A_385] : memref<2x!tpu.dma_semaphore, #tpu.memory_space<semaphore_mem>> -> memref<1x!tpu.dma_semaphore, #tpu.memory_space<semaphore_mem>>
    %dma_wait3A_393 = tpu.memref_squeeze %dma_wait3A_392 : memref<1x!tpu.dma_semaphore, #tpu.memory_space<semaphore_mem>> -> memref<!tpu.dma_semaphore, #tpu.memory_space<semaphore_mem>>
    %dma_wait3A_394 = arith.constant 128 : i32
    %dma_wait3A_395 = tpu.memref_slice %arg12[%mul3A_2, %dma_wait3A_394] : memref<65536x768xf32, #tpu.memory_space<hbm>> -> memref<16x128xf32, #tpu.memory_space<hbm>>
    %dma_wait3A_396 = arith.constant 16 : i32
    %dma_wait3A_397 = arith.constant 0 : i32
    %dma_wait3A_398 = tpu.memref_slice %arg23[%dma_wait3A_384, %dma_wait3A_396, %dma_wait3A_397] : memref<2x96x128xf32, #tpu.memory_space<vmem>> -> memref<1x16x128xf32, #tpu.memory_space<vmem>>
    %dma_wait3A_399 = tpu.memref_squeeze %dma_wait3A_398 : memref<1x16x128xf32, #tpu.memory_space<vmem>> -> memref<16x128xf32, #tpu.memory_space<vmem>>
    tpu.wait_dma2 semaphore(%dma_wait3A_393 : memref<!tpu.dma_semaphore, #tpu.memory_space<semaphore_mem>>) src(%dma_wait3A_399 : memref<16x128xf32, #tpu.memory_space<vmem>>) dst(%dma_wait3A_395 : memref<16x128xf32, #tpu.memory_space<hbm>>)
    %dma_wait3A_400 = arith.constant 1 : i32
    %dma_wait3A_401 = arith.constant 1 : i32
    %dma_wait3A_402 = arith.constant 32 : i32
    %dma_wait3A_403 = arith.constant 0 : i32
    %dma_wait3A_404 = tpu.memref_slice %arg23[%dma_wait3A_400, %dma_wait3A_402, %dma_wait3A_403] : memref<2x96x128xf32, #tpu.memory_space<vmem>> -> memref<1x16x128xf32, #tpu.memory_space<vmem>>
    %dma_wait3A_405 = tpu.memref_squeeze %dma_wait3A_404 : memref<1x16x128xf32, #tpu.memory_space<vmem>> -> memref<16x128xf32, #tpu.memory_space<vmem>>
    %dma_wait3A_406 = arith.constant 256 : i32
    %dma_wait3A_407 = tpu.memref_slice %arg12[%mul3A_2, %dma_wait3A_406] : memref<65536x768xf32, #tpu.memory_space<hbm>> -> memref<16x128xf32, #tpu.memory_space<hbm>>
    %dma_wait3A_408 = tpu.memref_slice %arg25[%dma_wait3A_401] : memref<2x!tpu.dma_semaphore, #tpu.memory_space<semaphore_mem>> -> memref<1x!tpu.dma_semaphore, #tpu.memory_space<semaphore_mem>>
    %dma_wait3A_409 = tpu.memref_squeeze %dma_wait3A_408 : memref<1x!tpu.dma_semaphore, #tpu.memory_space<semaphore_mem>> -> memref<!tpu.dma_semaphore, #tpu.memory_space<semaphore_mem>>
    %dma_wait3A_410 = arith.constant 256 : i32
    %dma_wait3A_411 = tpu.memref_slice %arg12[%mul3A_2, %dma_wait3A_410] : memref<65536x768xf32, #tpu.memory_space<hbm>> -> memref<16x128xf32, #tpu.memory_space<hbm>>
    %dma_wait3A_412 = arith.constant 32 : i32
    %dma_wait3A_413 = arith.constant 0 : i32
    %dma_wait3A_414 = tpu.memref_slice %arg23[%dma_wait3A_400, %dma_wait3A_412, %dma_wait3A_413] : memref<2x96x128xf32, #tpu.memory_space<vmem>> -> memref<1x16x128xf32, #tpu.memory_space<vmem>>
    %dma_wait3A_415 = tpu.memref_squeeze %dma_wait3A_414 : memref<1x16x128xf32, #tpu.memory_space<vmem>> -> memref<16x128xf32, #tpu.memory_space<vmem>>
    tpu.wait_dma2 semaphore(%dma_wait3A_409 : memref<!tpu.dma_semaphore, #tpu.memory_space<semaphore_mem>>) src(%dma_wait3A_415 : memref<16x128xf32, #tpu.memory_space<vmem>>) dst(%dma_wait3A_411 : memref<16x128xf32, #tpu.memory_space<hbm>>)
    %dma_wait3A_416 = arith.constant 1 : i32
    %dma_wait3A_417 = arith.constant 1 : i32
    %dma_wait3A_418 = arith.constant 48 : i32
    %dma_wait3A_419 = arith.constant 0 : i32
    %dma_wait3A_420 = tpu.memref_slice %arg23[%dma_wait3A_416, %dma_wait3A_418, %dma_wait3A_419] : memref<2x96x128xf32, #tpu.memory_space<vmem>> -> memref<1x16x128xf32, #tpu.memory_space<vmem>>
    %dma_wait3A_421 = tpu.memref_squeeze %dma_wait3A_420 : memref<1x16x128xf32, #tpu.memory_space<vmem>> -> memref<16x128xf32, #tpu.memory_space<vmem>>
    %dma_wait3A_422 = arith.constant 384 : i32
    %dma_wait3A_423 = tpu.memref_slice %arg12[%mul3A_2, %dma_wait3A_422] : memref<65536x768xf32, #tpu.memory_space<hbm>> -> memref<16x128xf32, #tpu.memory_space<hbm>>
    %dma_wait3A_424 = tpu.memref_slice %arg25[%dma_wait3A_417] : memref<2x!tpu.dma_semaphore, #tpu.memory_space<semaphore_mem>> -> memref<1x!tpu.dma_semaphore, #tpu.memory_space<semaphore_mem>>
    %dma_wait3A_425 = tpu.memref_squeeze %dma_wait3A_424 : memref<1x!tpu.dma_semaphore, #tpu.memory_space<semaphore_mem>> -> memref<!tpu.dma_semaphore, #tpu.memory_space<semaphore_mem>>
    %dma_wait3A_426 = arith.constant 384 : i32
    %dma_wait3A_427 = tpu.memref_slice %arg12[%mul3A_2, %dma_wait3A_426] : memref<65536x768xf32, #tpu.memory_space<hbm>> -> memref<16x128xf32, #tpu.memory_space<hbm>>
    %dma_wait3A_428 = arith.constant 48 : i32
    %dma_wait3A_429 = arith.constant 0 : i32
    %dma_wait3A_430 = tpu.memref_slice %arg23[%dma_wait3A_416, %dma_wait3A_428, %dma_wait3A_429] : memref<2x96x128xf32, #tpu.memory_space<vmem>> -> memref<1x16x128xf32, #tpu.memory_space<vmem>>
    %dma_wait3A_431 = tpu.memref_squeeze %dma_wait3A_430 : memref<1x16x128xf32, #tpu.memory_space<vmem>> -> memref<16x128xf32, #tpu.memory_space<vmem>>
    tpu.wait_dma2 semaphore(%dma_wait3A_425 : memref<!tpu.dma_semaphore, #tpu.memory_space<semaphore_mem>>) src(%dma_wait3A_431 : memref<16x128xf32, #tpu.memory_space<vmem>>) dst(%dma_wait3A_427 : memref<16x128xf32, #tpu.memory_space<hbm>>)
    %dma_wait3A_432 = arith.constant 1 : i32
    %dma_wait3A_433 = arith.constant 1 : i32
    %dma_wait3A_434 = arith.constant 64 : i32
    %dma_wait3A_435 = arith.constant 0 : i32
    %dma_wait3A_436 = tpu.memref_slice %arg23[%dma_wait3A_432, %dma_wait3A_434, %dma_wait3A_435] : memref<2x96x128xf32, #tpu.memory_space<vmem>> -> memref<1x16x128xf32, #tpu.memory_space<vmem>>
    %dma_wait3A_437 = tpu.memref_squeeze %dma_wait3A_436 : memref<1x16x128xf32, #tpu.memory_space<vmem>> -> memref<16x128xf32, #tpu.memory_space<vmem>>
    %dma_wait3A_438 = arith.constant 512 : i32
    %dma_wait3A_439 = tpu.memref_slice %arg12[%mul3A_2, %dma_wait3A_438] : memref<65536x768xf32, #tpu.memory_space<hbm>> -> memref<16x128xf32, #tpu.memory_space<hbm>>
    %dma_wait3A_440 = tpu.memref_slice %arg25[%dma_wait3A_433] : memref<2x!tpu.dma_semaphore, #tpu.memory_space<semaphore_mem>> -> memref<1x!tpu.dma_semaphore, #tpu.memory_space<semaphore_mem>>
    %dma_wait3A_441 = tpu.memref_squeeze %dma_wait3A_440 : memref<1x!tpu.dma_semaphore, #tpu.memory_space<semaphore_mem>> -> memref<!tpu.dma_semaphore, #tpu.memory_space<semaphore_mem>>
    %dma_wait3A_442 = arith.constant 512 : i32
    %dma_wait3A_443 = tpu.memref_slice %arg12[%mul3A_2, %dma_wait3A_442] : memref<65536x768xf32, #tpu.memory_space<hbm>> -> memref<16x128xf32, #tpu.memory_space<hbm>>
    %dma_wait3A_444 = arith.constant 64 : i32
    %dma_wait3A_445 = arith.constant 0 : i32
    %dma_wait3A_446 = tpu.memref_slice %arg23[%dma_wait3A_432, %dma_wait3A_444, %dma_wait3A_445] : memref<2x96x128xf32, #tpu.memory_space<vmem>> -> memref<1x16x128xf32, #tpu.memory_space<vmem>>
    %dma_wait3A_447 = tpu.memref_squeeze %dma_wait3A_446 : memref<1x16x128xf32, #tpu.memory_space<vmem>> -> memref<16x128xf32, #tpu.memory_space<vmem>>
    tpu.wait_dma2 semaphore(%dma_wait3A_441 : memref<!tpu.dma_semaphore, #tpu.memory_space<semaphore_mem>>) src(%dma_wait3A_447 : memref<16x128xf32, #tpu.memory_space<vmem>>) dst(%dma_wait3A_443 : memref<16x128xf32, #tpu.memory_space<hbm>>)
    %dma_wait3A_448 = arith.constant 1 : i32
    %dma_wait3A_449 = arith.constant 1 : i32
    %dma_wait3A_450 = arith.constant 80 : i32
    %dma_wait3A_451 = arith.constant 0 : i32
    %dma_wait3A_452 = tpu.memref_slice %arg23[%dma_wait3A_448, %dma_wait3A_450, %dma_wait3A_451] : memref<2x96x128xf32, #tpu.memory_space<vmem>> -> memref<1x16x128xf32, #tpu.memory_space<vmem>>
    %dma_wait3A_453 = tpu.memref_squeeze %dma_wait3A_452 : memref<1x16x128xf32, #tpu.memory_space<vmem>> -> memref<16x128xf32, #tpu.memory_space<vmem>>
    %dma_wait3A_454 = arith.constant 640 : i32
    %dma_wait3A_455 = tpu.memref_slice %arg12[%mul3A_2, %dma_wait3A_454] : memref<65536x768xf32, #tpu.memory_space<hbm>> -> memref<16x128xf32, #tpu.memory_space<hbm>>
    %dma_wait3A_456 = tpu.memref_slice %arg25[%dma_wait3A_449] : memref<2x!tpu.dma_semaphore, #tpu.memory_space<semaphore_mem>> -> memref<1x!tpu.dma_semaphore, #tpu.memory_space<semaphore_mem>>
    %dma_wait3A_457 = tpu.memref_squeeze %dma_wait3A_456 : memref<1x!tpu.dma_semaphore, #tpu.memory_space<semaphore_mem>> -> memref<!tpu.dma_semaphore, #tpu.memory_space<semaphore_mem>>
    %dma_wait3A_458 = arith.constant 640 : i32
    %dma_wait3A_459 = tpu.memref_slice %arg12[%mul3A_2, %dma_wait3A_458] : memref<65536x768xf32, #tpu.memory_space<hbm>> -> memref<16x128xf32, #tpu.memory_space<hbm>>
    %dma_wait3A_460 = arith.constant 80 : i32
    %dma_wait3A_461 = arith.constant 0 : i32
    %dma_wait3A_462 = tpu.memref_slice %arg23[%dma_wait3A_448, %dma_wait3A_460, %dma_wait3A_461] : memref<2x96x128xf32, #tpu.memory_space<vmem>> -> memref<1x16x128xf32, #tpu.memory_space<vmem>>
    %dma_wait3A_463 = tpu.memref_squeeze %dma_wait3A_462 : memref<1x16x128xf32, #tpu.memory_space<vmem>> -> memref<16x128xf32, #tpu.memory_space<vmem>>
    tpu.wait_dma2 semaphore(%dma_wait3A_457 : memref<!tpu.dma_semaphore, #tpu.memory_space<semaphore_mem>>) src(%dma_wait3A_463 : memref<16x128xf32, #tpu.memory_space<vmem>>) dst(%dma_wait3A_459 : memref<16x128xf32, #tpu.memory_space<hbm>>)
    return
  }
}

</mosaic_0001>

<sc_bundles>
// kernel: kernel.3.cloned.1.call-start
scs
__scs_entry_jumppad:
0x0: {  	(pc) =	sbr.rel $0x88, $3  }
0x1: {  	(tag) =	ssettag $0x0;
	lr =	simm.s32 $0x1  }
0x2: {  	[smem:$0x3F9C] =	sst lr;
	_ =	strace $0xD0000000  }
0x3: {  	_ = 	snop  }
0x4: {  	_ = 	snop  }
0x5: {  	_ = 	snop  }
0x6: {  	_ = 	snop  }
0x7: {  	_ = 	snop  }
__scs_overlays_trampoline_lowered:
0x8: {  	[smem:$0x3FAB] =	sst s0  }
0x9: {  	[smem:$0x3FAC] =	sst s1  }
0xa: {  	[smem:$0x3FAD] =	sst s2  }
0xb: {  	[smem:$0x3FAE] =	sst s3  }
0xc: {  	[smem:$0x3FAF] =	sst s4  }
0xd: {  	[smem:$0x3FB0] =	sst s5  }
0xe: {  	[smem:$0x3FB1] =	sst s6  }
0xf: {  	[smem:$0x3FB2] =	sst s7  }
0x10: {  	[smem:$0x3FB3] =	sst s8  }
0x11: {  	[smem:$0x3FB4] =	sst s9;
	s0 =	simm.s32 @!p0 $0x0  }
0x12: {  	s1 =	sld [smem:$0x3F9A];
	s0 =	simm.s32 @p0 $0x1  }
0x13: {  	[smem:$0x3FB5] =	sst s0;
	s0 =	simm.s32 @!p1 $0x0  }
0x14: {  	s2 =	sld [smem:$0x3F99];
	s0 =	simm.s32 @p1 $0x1  }
0x15: {  	[smem:$0x3FB6] =	sst s0;
	s0 =	simm.s32 @!p2 $0x0  }
0x16: {  	s3 =	sld [smem:$0x3FDB];
	s0 =	simm.s32 @p2 $0x1  }
0x17: {  	s4 =	simm.s32 $0x1BF5;
	[smem:$0x3FB8] =	sst s0  }
0x18: {  	s0 =	sld [smem:$0x3F9B];
	_ =	swait.ge [sflag:s4], $0x0  }
0x19: {  	s7 =	sld [smem:$0x3F9C]  }
0x1a: {  	s8 =	sadd.s32 $0xFFFFE003, lr  }
0x1b: {  	s9 =	sadd.s32 $0xFFFFFEF7, lr;
	s5 =	simm.s32 $0xFFFFFFFF;
	p2 =	slt.u32 s8, $0xFFFFF086  }
0x1c: {  	p1 =	slt.u32 s9, $0xF7A;
	s5 =	simm.s32 @!p2 $0x0  }
0x1d: {  	s5 =	simm.s32 @p1 $0x1;
	p0 =	seq.s32 s7, s2  }
0x1e: {  	s7 =	smul.u32 @!p0 $0xF7A, s2;
	p2 =	seq.s32 @!p0 s5, $0x0  }
0x1f: {  	s9 =	smul.u32 $0xF7A, s1;
	s8 =	simm.s32 @!p0 $0x1BF5;
	p2 =	por !p2, p0  }
0x20: {  	[sflag:s8] =	ssyncset.s32 @!p0 $0xFFFFF086;
	s6 =	sadd.s32 @!p0 s3, s7;
	s7 =	simm.s32 @!p0 $0x108  }
0x21: {  	s3 =	sadd.s32 s3, s9;
	s6 =	sadd.s32 @!p0 $0x88, s6;
	s7 =	simm.s32 @p2 $0x1082  }
0x22: {  	[simem:s7], [sflag:s8] =	dma.local @!p0 [hbm:s6], $0xF7A  }
0x23: {  	s9 =	sor.u32 $0xD0000000, s2;
	s6 =	simm.s32 $0x108;
	_ =	swait.ge @!p0 [sflag:s8], $0x0  }
0x24: {  	s3 =	sadd.s32 $0x88, s3;
	s6 =	simm.s32 @!p1 $0x1082;
	[sflag:s4] =	ssyncset.s32 $0xFFFFF086  }
0x25: {  	[simem:s6], [sflag:s4] =	dma.local [hbm:s3], $0xF7A  }
0x26: {  	[smem:$0x3F9C] =	sst s1;
	(tag) =	ssettag s2;
	_ =	strace s9  }
0x27: {  	s1 =	sld [smem:$0x3FAC]  }
0x28: {  	s2 =	sld [smem:$0x3FAD]  }
0x29: {  	s4 =	sld [smem:$0x3FAF]  }
0x2a: {  	p0 =	seq.s32 s5, $0x0;
	s5 =	sld [smem:$0x3FB0]  }
0x2b: {  	s6 =	sld [smem:$0x3FB1]  }
0x2c: {  	s7 =	sld [smem:$0x3FB2]  }
0x2d: {  	s3 =	simm.s32 $0x108;
	s8 =	sld [smem:$0x3FB3]  }
0x2e: {  	s3 =	simm.s32 @!p0 $0x1082;
	s9 =	sld [smem:$0x3FB4]  }
0x2f: {  	lr =	sadd.s32 s0, s3;
	s0 =	sld [smem:$0x3FAB]  }
0x30: {  	s3 =	sld [smem:$0x3FAE]  }
0x31: {  	[smem:$0x3FB7] =	sst s10  }
0x32: {  	s10 =	sld [smem:$0x3FB5];
	_ =	sdelay $0x3  }
0x33: {  	p0 =	seq.s32 s10, $0x1;
	s10 =	sld [smem:$0x3FB7];
	_ =	sdelay $0x3  }
0x34: {  	[smem:$0x3FB7] =	sst s10  }
0x35: {  	s10 =	sld [smem:$0x3FB6];
	_ =	sdelay $0x3  }
0x36: {  	p1 =	seq.s32 s10, $0x1;
	s10 =	sld [smem:$0x3FB7];
	_ =	sdelay $0x3  }
0x37: {  	[smem:$0x3FB7] =	sst s10  }
0x38: {  	s10 =	sld [smem:$0x3FB8]  }
0x39: {  	_ = 	snop;
	(pc) =	sbr.ind lr, $3  }
0x3a: {  	_ = 	snop  }
0x3b: {  	_ = 	snop  }
0x3c: {  	p2 =	seq.s32 s10, $0x1;
	s10 =	sld [smem:$0x3FB7]  }
0x3d: {  	_ =	shalt  }
0x3e: {  	_ =	shalt  }
0x3f: {  	_ =	shalt  }
0x40: {  	_ =	shalt  }
0x41: {  	_ =	shalt  }
0x42: {  	_ =	shalt  }
0x43: {  	_ =	shalt  }
0x44: {  	_ =	shalt  }
0x45: {  	_ =	shalt  }
0x46: {  	_ =	shalt  }
0x47: {  	_ =	shalt  }
0x48: {  	_ =	shalt  }
0x49: {  	_ =	shalt  }
0x4a: {  	_ =	shalt  }
0x4b: {  	_ =	shalt  }
0x4c: {  	_ =	shalt  }
0x4d: {  	_ =	shalt  }
0x4e: {  	_ =	shalt  }
0x4f: {  	_ =	shalt  }
0x50: {  	_ =	shalt  }
0x51: {  	_ =	shalt  }
0x52: {  	_ =	shalt  }
0x53: {  	_ =	shalt  }
0x54: {  	_ =	shalt  }
0x55: {  	_ =	shalt  }
0x56: {  	_ =	shalt  }
0x57: {  	_ =	shalt  }
0x58: {  	_ =	shalt  }
0x59: {  	_ =	shalt  }
0x5a: {  	_ =	shalt  }
0x5b: {  	_ =	shalt  }
0x5c: {  	_ =	shalt  }
0x5d: {  	_ =	shalt  }
0x5e: {  	_ =	shalt  }
0x5f: {  	_ =	shalt  }
0x60: {  	_ =	shalt  }
0x61: {  	_ =	shalt  }
0x62: {  	_ =	shalt  }
0x63: {  	_ =	shalt  }
0x64: {  	_ =	shalt  }
0x65: {  	_ =	shalt  }
0x66: {  	_ =	shalt  }
0x67: {  	_ =	shalt  }
0x68: {  	_ =	shalt  }
0x69: {  	_ =	shalt  }
0x6a: {  	_ =	shalt  }
0x6b: {  	_ =	shalt  }
0x6c: {  	_ =	shalt  }
0x6d: {  	_ =	shalt  }
0x6e: {  	_ =	shalt  }
0x6f: {  	_ =	shalt  }
0x70: {  	_ =	shalt  }
0x71: {  	_ =	shalt  }
0x72: {  	_ =	shalt  }
0x73: {  	_ =	shalt  }
0x74: {  	_ =	shalt  }
0x75: {  	_ =	shalt  }
0x76: {  	_ =	shalt  }
0x77: {  	_ =	shalt  }
0x78: {  	_ =	shalt  }
0x79: {  	_ =	shalt  }
0x7a: {  	_ =	shalt  }
0x7b: {  	_ =	shalt  }
0x7c: {  	_ =	shalt  }
0x7d: {  	_ =	shalt  }
0x7e: {  	_ =	shalt  }
0x7f: {  	_ =	shalt  }
0x80: {  	_ =	shalt  }
0x81: {  	_ =	shalt  }
0x82: {  	_ =	shalt  }
0x83: {  	_ =	shalt  }
0x84: {  	_ =	shalt  }
0x85: {  	_ =	shalt  }
0x86: {  	_ =	shalt  }
0x87: {  	_ =	shalt  }
.Lfunc_end0:
.L_simem_size_0:
called_computation.2_lowered:
.L_overlay_start_0:
0x88: {  	s2 =	sld [smem:$0x3FD9]  }
0x89: {  	s3 =	sld [smem:$0x3FFE];
	_ =	sdelay $0x1  }
0x8a: {  	s1 =	srdreg.scid  }
0x8b: {  	s0 =	sand.u32 $0x1, s1  }
0x8c: {  	s17 =	sshll.u32 s0, $0xA;
	s2 =	sadd.s32 s3, s2  }
0x8d: {  	s2 =	sadd.s32 s2, s17  }
0x8e: {  	[smem:$0x3FC3] =	sst s2  }
0x8f: {  	_ = 	snop  }
0x90: {  	s2 =	sld [smem:$0x3FD0];
	(tm) =	ssettm $0x1  }
0x91: {  	s18 =	sld [smem:$0x3FFB];
	_ =	sdelay $0x3  }
0x92: {  	_ =	strace s18  }
0x93: {  	s3 =	sld [smem:$0x3FFC];
	_ =	sdelay $0x3  }
0x94: {  	_ =	strace s3  }
0x95: {  	s3 =	sld [smem:$0x3FFD];
	_ =	sdelay $0x3  }
0x96: {  	_ =	strace s3  }
0x97: {  	_ =	strace $0x8FFFFFFF  }
0x98: {  	s19 =	sld [smem:$0x3FDB];
	_ =	sdelay $0x1  }
0x99: {  	s4 =	simm.s32 $_scs_section_size  }
0x9a: {  	s5 =	simm.s32 $_size__tile_overlayer_lowered;
	s6 =	simm.s32 $_tile_overlayer_lowered  }
0x9b: {  	s22 =	simm.s32 $0x1BFF;
	s21 =	sshll.u32 s6, $0x1;
	s3 =	sadd.s32 s4, s19  }
0x9c: {  	s7 =	simm.s32 $0x0;
	s20 =	sshll.u32 s5, $0x1;
	s5 =	sadd.s32 s21, s3  }
0x9d: {  	[timem:s7], [sflag:s22] =	dma.local [hbm:s5], s20  }
0x9e: {  	_ =	swait.ge [sflag:s22], s20  }
0x9f: {  	s4 =	ssub.s32 $0x0, s20;
	[sflag:s22] =	ssyncset.done $0x0  }
0xa0: {  	[sflag:s22] =	ssyncadd.s32 s4;
	_ =	sdelay $0x1  }
0xa1: {  	s23 =	simm.s32 $0x1B8B  }
0xa2: {  	_ =	swait.ge [sflag:s23], $0x1  }
0xa3: {  	[sflag:s23] =	ssyncset.done $0x0  }
0xa4: {  	s25 =	simm.s32 $0x1B8E;
	s24 =	sld [smem:$0x3FFE];
	[sflag:s23] =	ssyncadd.s32 $0xFFFFFFFF  }
0xa5: {  	s26 =	simm.s32 $execute0_lowered;
	[smem:$0x3FD2] =	sst s25  }
0xa6: {  	s5 =	sshll.u32 s26, $0x1;
	_ =	strace $0x80000049;
	[dreg:$0x1] =	wrdreg $0xFFFFFFFF  }
0xa7: {  	s28 =	simm.s32 $_size_execute0_lowered;
	s3 =	sadd.s32 s3, s5;
	[dreg:$0x0] =	wrdreg $0x0  }
0xa8: {  	s5 =	sshll.u32 s28, $0x1;
	[dreg:$0x2] =	wrdreg s3  }
0xa9: {  	[dreg:$0x3] =	wrdreg s5  }
0xaa: {  	[dreg:$0x4] =	wrdreg $0xC0  }
0xab: {  	_ =	task [dreg:s7], $0x5FFFF  }
0xac: {  	[dreg:$0x1] =	wrdreg $0xFFFFFFFF  }
0xad: {  	[dreg:$0x0] =	wrdreg $0x60  }
0xae: {  	[dreg:$0x2] =	wrdreg s24  }
0xaf: {  	[dreg:$0x3] =	wrdreg s2  }
0xb0: {  	[dreg:$0x4] =	wrdreg $0x9  }
0xb1: {  	_ =	task.clear_ibuf [dreg:s7], $0x5FFFF;
	_ =	strace $0x90000049  }
0xb2: {  	s29 =	simm.s32 $0x9;
	_ =	strace $0x8000004B  }
0xb3: {  	_ =	swait.ge [sflag:s29], $0x1  }
0xb4: {  	[sflag:s29] =	ssyncadd.s32 $0xFFFFFFFF  }
0xb5: {  	_ =	strace $0x9000004B  }
0xb6: {  	_ =	sfence  }
0xb7: {  	s30 =	sld [smem:$0x0];
	_ =	sdelay $0x2  }
0xb8: {  	s31 =	sshll.u32 s1, $0xD;
	s1 =	sshrl.u32 s1, $0x2  }
0xb9: {  	s3 =	sand.u32 $0x4000, s31;
	s1 =	sadd.s32 s1, s30  }
0xba: {  	s0 =	sor.u32 s3, s0;
	s1 =	sshll.u32 s1, $0x11  }
0xbb: {  	s0 =	sor.u32 s1, s0  }
0xbc: {  	s0 =	sadd.s32 $0x8F2B, s0  }
0xbd: {  	[sflag:s0] =	ssyncadd.remote.s32 $0x1  }
0xbe: {  	_ =	sfence.sel $0xFFFF  }
0xbf: {  	[dreg:$0x0] =	wrdreg $0xFFFFFFFF;
	(pc) =	sbr.abs _section_cstart, $3  }
0xc0: {  	[dreg:$0x1] =	wrdreg $0xFFFFFFFF  }
0xc1: {  	_ =	task.clear_ibuf [dreg:s7], $0x2FFFF;
	_ =	strace $0x9FFFFFFF  }
0xc2: {  	(tm) =	ssettm $0x7FFFFFFF  }
0xc3: {  	_ =	shalt  }
tec
execute0_lowered:
.L_overlay_start_1:
0x0: {  	(tag) =	ssettag $0x1  }
0x1: {  	s0 =	rddreg [dreg:$0x0]  }
0x2: {  	s1 =	rddreg [dreg:$0x1];
	s22 =	simm.s32 $0x0  }
0x3: {  	s3 =	srdreg.scid;
	s15 =	stileid.u32;
	s20 =	simm.s32 $0x9000  }
0x4: {  	s29 =	simm.s32 $0x20;
	s30 =	simm.s32 $0x8000;
	s31 =	simm.s32 $0x9800  }
0x5: {  	s28 =	simm.s32 $0x2;
	[smem:$0x7FF] =	sst s22;
	s11 =	sand.u32 $0x1, s3  }
0x6: {  	s3 =	sadd.s32 $0x13AE00, s0;
	s6 =	sshll.u32 s15, $0x9;
	s4 =	sadd.s32 $0x76C00, s0  }
0x7: {  	s5 =	sadd.s32 $0x2D200, s0;
	s8 =	sshll.u32 s15, $0x10;
	s9 =	sshll.u32 s15, $0x11  }
0x8: {  	s10 =	sshll.u32 s15, $0xC;
	s2 =	sshrl.u32 s15, $0x1;
	s15 =	simm.s32 $0x10000  }
0x9: {  	_ =	strace $0x8000004A;
	s7 =	sshll.u32 s11, $0x8;
	s12 =	sshll.u32 s11, $0xB  }
0xa: {  	s13 =	sadd.s32 s8, s0;
	s14 =	sadd.s32 s9, s0;
	[dreg:$0x7] =	wrdreg s20  }
0xb: {  	s23 =	ssub.s32 $0x2, s11;
	[dreg:$0xe] =	wrdreg s15;
	s15 =	simm.s32 $0x800  }
0xc: {  	s20 =	simm.s32 $0x11800;
	s7 =	sor.u32 s7, s6;
	s6 =	sadd.s32 $0x8200, s0  }
0xd: {  	s21 =	sor.u32 s12, s10;
	s25 =	sshrl.u32 s23, $0x1;
	[dreg:$0x13] =	wrdreg s20  }
0xe: {  	s7 =	sadd.s32 s7, s0;
	s0 =	sadd.s32 $0x5C3000, s0;
	s24 =	sshrl.u32 s21, $0x3  }
0xf: {  	s8 =	sor.u32 $0x10, s21;
	s21 =	simm.s32 $0xB000;
	[dreg:$0x17] =	wrdreg s0  }
0x10: {  	s10 =	smul.u32 $0xC4, s2;
	s16 =	sadd.s32 $0x6200, s7;
	[dreg:$0x8] =	wrdreg s21  }
0x11: {  	s20 =	simm.s32 $0x60;
	s19 =	sadd.s32 $0x4200, s7;
	[dreg:$0x18] =	wrdreg s16  }
0x12: {  	s26 =	smul.u32 $0x300, s24;
	s7 =	sadd.s32 $0x2200, s7;
	[dreg:$0x19] =	wrdreg s19  }
0x13: {  	s0 =	ssub.s32 s23, s25;
	s23 =	simm.s32 $0xB800;
	[dreg:$0x1a] =	wrdreg s7  }
0x14: {  	s9 =	smul.u32 $0x180, s24;
	s24 =	simm.s32 $0xE000;
	[dreg:$0x9] =	wrdreg s23  }
0x15: {  	s8 =	sshrl.u32 s8, $0x3;
	s21 =	simm.s32 $0x12000;
	[dreg:$0xa] =	wrdreg s24  }
0x16: {  	s25 =	sshll.u32 s11, $0xF;
	s17 =	smul.u32 $0x180, s8;
	[dreg:$0x14] =	wrdreg s21  }
0x17: {  	s18 =	smul.u32 $0x300, s8;
	s0 =	smax.u32 s0, $0x1;
	[dreg:$0x4] =	wrdreg s9  }
0x18: {  	s8 =	smul.u32 $0x3100, s2;
	s16 =	simm.s32 $0xA000;
	[dreg:$0x1b] =	wrdreg s0  }
0x19: {  	s7 =	smul.u32 $0xC40, s2;
	s19 =	simm.s32 $0x11000;
	[dreg:$0xf] =	wrdreg s16  }
0x1a: {  	s23 =	simm.s32 $0x12800;
	s24 =	simm.s32 $0x13000;
	[dreg:$0x12] =	wrdreg s19  }
0x1b: {  	s21 =	simm.s32 $0x400;
	s12 =	sadd.s32 s26, s1;
	[dreg:$0x15] =	wrdreg s23  }
0x1c: {  	s9 =	smul.u32 $0x310, s2;
	s26 =	simm.s32 $0xE800;
	[dreg:$0x16] =	wrdreg s24  }
0x1d: {  	s2 =	simm.s32 $0xF000;
	s19 =	simm.s32 $0x30;
	[dreg:$0x3] =	wrdreg s12  }
0x1e: {  	s0 =	simm.s32 $0xA800;
	s23 =	simm.s32 $0xD800;
	[dreg:$0x5] =	wrdreg s17  }
0x1f: {  	s16 =	simm.s32 $0x1;
	s24 =	simm.s32 $0xC00;
	[dreg:$0xb] =	wrdreg s26  }
0x20: {  	s1 =	sadd.s32 s18, s1;
	[dreg:$0xc] =	wrdreg s2;
	s12 =	simm.s32 $0xF800  }
0x21: {  	s17 =	simm.s32 $0xC800;
	s18 =	simm.s32 $0xD000;
	[dreg:$0x6] =	wrdreg s1  }
0x22: {  	s26 =	simm.s32 $0x7800;
	s1 =	sadd.s32 s25, s13;
	[dreg:$0xd] =	wrdreg s12  }
0x23: {  	s13 =	sshll.u32 s11, $0x10;
	[dreg:$0x10] =	wrdreg s17;
	s1 =	sadd.s32 $0x2C3000, s1  }
0x24: {  	s2 =	simm.s32 $0x8800;
	[dreg:$0x1c] =	wrdreg s1;
	s1 =	sadd.s32 s13, s14  }
0x25: {  	v3 =	vmov s10;
	[dreg:$0x11] =	wrdreg s18;
	s25 =	simm.s32 $0x10;
	s1 =	sadd.s32 $0x3C3000, s1  }
0x26: {  	v0 =	vmov s8;
	v1 =	vmov s7;
	s18 =	simm.s32 $0x1800;
	v2 =	vmov s9;
	[dreg:$0x1d] =	wrdreg s1;
	s1 =	simm.s32 $0x0  }
.LBB2_1:
0x27: {  	[dreg:$0x1e] =	wrdreg s1  }
0x28: {  	s7 =	rddreg [dreg:$0x18];
	s8 =	simm.s32 $0x5  }
0x29: {  	[tilespmem:s22], [sflag:$0x5] =	stream.linear.gather [hbm4b:s7+s22], $0x800, $0x38;
	[tilespmem:$0x13800] =	vst v63  }
0x2a: {  	_ =	swait.ge [sflag:s8], $0x800  }
0x2b: {  	[sflag:s8] =	ssyncset.done $0x0  }
0x2c: {  	s14 =	rddreg [dreg:$0x19];
	[sflag:s8] =	ssyncadd.s32 $0xFFFFF800  }
0x2d: {  	[tilespmem:s15], [sflag:$0x5] =	stream.linear.gather [hbm4b:s14+s22], $0x800, $0x38;
	[tilespmem:$0x13800] =	vst v63  }
0x2e: {  	_ =	swait.ge [sflag:s8], $0x800  }
0x2f: {  	[sflag:s8] =	ssyncset.done $0x0  }
0x30: {  	s9 =	simm.s32 $0x1000;
	s17 =	rddreg [dreg:$0x1a];
	[sflag:s8] =	ssyncadd.s32 $0xFFFFF800  }
0x31: {  	[tilespmem:s9], [sflag:$0x5] =	stream.linear.gather [hbm4b:s17+s22], $0x800, $0x38;
	[tilespmem:$0x13800] =	vst v63  }
0x32: {  	_ =	swait.ge [sflag:s8], $0x800  }
0x33: {  	[sflag:s8] =	ssyncset.done $0x0  }
0x34: {  	[sflag:s8] =	ssyncadd.s32 $0xFFFFF800;
	s8 =	simm.s32 $0x0  }
0x35: {  	v4 =	vld [tilespmem:s8+$0x1000];
	_ =	sdelay $0x4  }
0x36: {  	(erf) = vrcp.f32 v4  }
0x37: {  	v4 =	vsub.f32 $0.0e+00, v4;
	_ =	sdelay $0x1  }
0x38: {  	(erf) = vrcp.f32 v4;
	_ =	sdelay $0x1  }
0x39: {  	v4 =	vld [tilespmem:s8+$0x800];
	_ =	sdelay $0x2  }
0x3a: {  	v5 =	vld [tilespmem:s8+$0x0]  }
0x3b: {  	v6 =	vpop (erf)  }
0x3c: {  	v4 =	vmul.f32 v6, v4;
	_ =	sdelay $0x1  }
0x3d: {  	v6 =	vpop (erf);
	v4 =	vmul.f32 $2.480000000e+02, v4  }
0x3e: {  	v5 =	vmul.f32 v6, v5  }
0x3f: {  	v4 =	vadd.f32 $1.115000000e+02, v4  }
0x40: {  	v5 =	vmul.f32 $2.480000000e+02, v5  }
0x41: {  	v4 =	vmax.f32 v4, $0.0e+00  }
0x42: {  	v5 =	vadd.f32 $1.115000000e+02, v5;
	v6 =	vmin.f32 v4, $2.230000000e+02  }
0x43: {  	v7 =	vmul.f32 $5.000000000e-01, v6;
	v8 =	vmul.f32 $2.500000000e-01, v6  }
0x44: {  	v5 =	vmax.f32 v5, $0.0e+00;
	v4 =	vmul.f32 $1.250000000e-01, v6;
	v6 =	vmul.f32 $6.250000000e-02, v6  }
0x45: {  	v9 =	vmin.f32 v5, $2.230000000e+02;
	v5 =	vtrunc.f32 v7  }
0x46: {  	v11 =	vtrunc.f32 v8;
	v10 =	vtrunc.f32 v6  }
0x47: {  	v13 =	vmul.f32 $1.250000000e-01, v9;
	v14 =	vmul.f32 $5.000000000e-01, v9  }
0x48: {  	v12 =	vcvt.f32.s32 v5;
	vm2 =	vgt.f32 v7, v5;
	v7 =	vcvt.f32.s32 v11  }
0x49: {  	vm0 =	vgt.f32 v8, v11;
	v5 =	vtrunc.f32 v4;
	v8 =	vmul.f32 $6.250000000e-02, v9  }
0x4a: {  	s11 =	simm.s32 $0x4830;
	vm1 =	vgt.f32 v6, v10;
	v15 =	vtrunc.f32 v13;
	v6 =	vcvt.f32.s32 v5  }
0x4b: {  	s12 =	simm.s32 $0x2010;
	s13 =	simm.s32 $0x3010;
	s10 =	simm.s32 $0x2010;
	v17 =	vtrunc.f32 v14;
	v11 =	vadd.s32 v12, v0;
	vm3 =	vlt.s32 v12, $0x6F  }
0x4c: {  	s7 =	simm.s32 $0x4830;
	s14 =	simm.s32 $0x40;
	s9 =	simm.s32 $0x3010;
	v16 =	vcvt.f32.s32 v17;
	v12 =	vcvt.f32.s32 v15;
	vm2 =	vmand vm3, vm2  }
.LBB2_2:
0x4d: {  	vm3 =	vgt.f32 v14, v17;
	vm4 =	vgt.f32 v13, v15;
	v13 =	vtrunc.f32 v8;
	s11 =	sadd.s32 $0x60, s11;
	s12 =	sadd.s32 $0x20, s12;
	s13 =	sadd.s32 $0x30, s13  }
0x4e: {  	p0 =	sne.s32 s14, $0x1FC0;
	s17 =	smov.u32 s14;
	s14 =	sadd.s32 $0x40, s14;
	vm5 =	vlt.s32 v16, $0x6F;
	v14 =	vmul.u32 $0x70, v16;
	v15 =	vcvt.f32.s32 v13  }
0x4f: {  	v9 =	vmul.f32 $2.500000000e-01, v9;
	v10 =	vcvt.f32.s32 v10;
	vm3 =	vmand vm5, vm3  }
0x50: {  	vm2 =	vmand vm2, vm3;
	v11 =	vadd.s32 v14, v11;
	vm3 =	vlt.s32 v12, $0x1B  }
0x51: {  	v12 =	vmul.u32 $0x1C, v12;
	v11 =	vnsel vm2, $0x18800, v11;
	vm2 =	vmand vm3, vm4  }
0x52: {  	v14 =	vadd.s32 v6, v2;
	vm3 =	vlt.s32 v10, $0xD;
	v10 =	vadd.s32 v10, v3  }
0x53: {  	v16 =	vtrunc.f32 v9;
	v12 =	vadd.s32 v12, v14;
	vm1 =	vmand vm3, vm1  }
0x54: {  	v14 =	vcvt.f32.s32 v16;
	vm3 =	vlt.s32 v15, $0xD;
	v12 =	vmul.u32 $0x3, v12  }
0x55: {  	vm5 =	vlt.s32 v7, $0x37;
	v7 =	vadd.s32 v7, v1;
	vm4 =	vgt.f32 v9, v16  }
0x56: {  	vm7 =	vgt.f32 v8, v13;
	vm6 =	vlt.s32 v14, $0x37;
	v9 =	vmul.u32 $0x38, v14  }
0x57: {  	vm0 =	vmand vm5, vm0;
	vm5 =	vgt.f32 v4, v5;
	v4 =	vmul.u32 $0xE, v15  }
0x58: {  	vm4 =	vmand vm6, vm4;
	vm6 =	vlt.s32 v6, $0x1B;
	v5 =	vadd.s32 v9, v7;
	[tilespmem:s8+$0x1800] =	vst v11  }
0x59: {  	v4 =	vadd.s32 v4, v10;
	vm0 =	vmand vm0, vm4;
	v5 =	vshll.u32 v5, $0x1  }
0x5a: {  	v4 =	vmul.u32 $0x6, v4;
	v5 =	vnsel vm0, $0xC400, v5;
	vm0 =	vmand vm6, vm5  }
0x5b: {  	vm0 =	vmand vm0, vm2;
	[tilespmem:s10+$0xFFFFFFF0] =	vst v5;
	v5 =	vor.u32 $0x1, v5  }
0x5c: {  	[tilespmem:s10+$0x0] =	vst v5;
	v5 =	vnsel vm0, $0x4980, v12;
	s10 =	smov.u32 s12  }
0x5d: {  	vm0 =	vmand vm3, vm7;
	[tilespmem:s9+$0xFFFFFFF0] =	vst v5;
	v6 =	vadd.s32 $0x1, v5  }
0x5e: {  	v5 =	vadd.s32 $0x2, v5;
	vm0 =	vmand vm1, vm0;
	[tilespmem:s9+$0x0] =	vst v6  }
0x5f: {  	s8 =	sshra.s32 s17, $0x2;
	v4 =	vnsel vm0, $0x24C0, v4;
	[tilespmem:s9+$0x10] =	vst v5;
	s9 =	smov.u32 s13  }
0x60: {  	v5 =	vor.u32 $0x1, v4;
	[tilespmem:s7+$0xFFFFFFD0] =	vst v4  }
0x61: {  	[tilespmem:s7+$0xFFFFFFE0] =	vst v5;
	v5 =	vadd.s32 $0x2, v4  }
0x62: {  	[tilespmem:s7+$0xFFFFFFF0] =	vst v5;
	v5 =	vadd.s32 $0x3, v4  }
0x63: {  	[tilespmem:s7+$0x0] =	vst v5;
	v5 =	vadd.s32 $0x4, v4  }
0x64: {  	v4 =	vadd.s32 $0x5, v4;
	[tilespmem:s7+$0x10] =	vst v5  }
0x65: {  	[tilespmem:s7+$0x20] =	vst v4;
	s7 =	smov.u32 s11  }
0x66: {  	v4 =	vld [tilespmem:s8+$0x1000];
	_ =	sdelay $0x4  }
0x67: {  	v5 =	vsub.f32 $0.0e+00, v4;
	(erf) = vrcp.f32 v4;
	_ =	sdelay $0x1  }
0x68: {  	(erf) = vrcp.f32 v5  }
0x69: {  	v4 =	vld [tilespmem:s8+$0x800];
	_ =	sdelay $0x1  }
0x6a: {  	v5 =	vld [tilespmem:s8+$0x0];
	_ =	sdelay $0x3  }
0x6b: {  	v6 =	vpop (erf)  }
0x6c: {  	v4 =	vmul.f32 v6, v4  }
0x6d: {  	v6 =	vpop (erf)  }
0x6e: {  	v4 =	vmul.f32 $2.480000000e+02, v4;
	v5 =	vmul.f32 v6, v5;
	_ =	sdelay $0x1  }
0x6f: {  	v4 =	vadd.f32 $1.115000000e+02, v4;
	v5 =	vmul.f32 $2.480000000e+02, v5;
	_ =	sdelay $0x1  }
0x70: {  	v5 =	vadd.f32 $1.115000000e+02, v5;
	v4 =	vmax.f32 v4, $0.0e+00  }
0x71: {  	v6 =	vmin.f32 v4, $2.230000000e+02  }
0x72: {  	v7 =	vmul.f32 $5.000000000e-01, v6;
	v8 =	vmul.f32 $2.500000000e-01, v6  }
0x73: {  	v5 =	vmax.f32 v5, $0.0e+00;
	v4 =	vmul.f32 $1.250000000e-01, v6;
	v6 =	vmul.f32 $6.250000000e-02, v6  }
0x74: {  	v9 =	vmin.f32 v5, $2.230000000e+02;
	v5 =	vtrunc.f32 v7;
	v11 =	vtrunc.f32 v8  }
0x75: {  	v10 =	vtrunc.f32 v6;
	v12 =	vcvt.f32.s32 v5;
	vm0 =	vgt.f32 v8, v11  }
.Ltmp0:
0x76: {  	v13 =	vmul.f32 $1.250000000e-01, v9;
	vm2 =	vgt.f32 v7, v5;
	v7 =	vcvt.f32.s32 v11;
	(pc) =	sbr.rel @p0 .LBB2_2-.Ltmp0, $4  }
0x77: {  	v14 =	vmul.f32 $5.000000000e-01, v9;
	v5 =	vtrunc.f32 v4;
	vm1 =	vgt.f32 v6, v10  }
0x78: {  	v15 =	vtrunc.f32 v13;
	v6 =	vcvt.f32.s32 v5;
	v11 =	vadd.s32 v12, v0  }
0x79: {  	v8 =	vmul.f32 $6.250000000e-02, v9;
	v17 =	vtrunc.f32 v14;
	vm3 =	vlt.s32 v12, $0x6F  }
0x7a: {  	v16 =	vcvt.f32.s32 v17;
	v12 =	vcvt.f32.s32 v15;
	vm2 =	vmand vm3, vm2  }
0x7b: {  	vm3 =	vgt.f32 v14, v17;
	v54 =	vtrunc.f32 v8  }
0x7c: {  	vm4 =	vgt.f32 v13, v15;
	v9 =	vmul.f32 $2.500000000e-01, v9;
	v10 =	vcvt.f32.s32 v10  }
0x7d: {  	v58 =	vadd.s32 v6, v2;
	vm8 =	vlt.s32 v7, $0x37;
	v62 =	vadd.s32 v7, v1  }
0x7e: {  	vm10 =	vgt.f32 v4, v5;
	vm11 =	vlt.s32 v6, $0x1B;
	vm5 =	vlt.s32 v16, $0x6F  }
0x7f: {  	v55 =	vmul.u32 $0x70, v16;
	v56 =	vcvt.f32.s32 v54;
	vm13 =	vlt.s32 v12, $0x1B  }
0x80: {  	v57 =	vmul.u32 $0x1C, v12;
	vm0 =	vmand vm8, vm0;
	v59 =	vtrunc.f32 v9  }
0x81: {  	vm12 =	vmand vm11, vm10;
	vm3 =	vmand vm5, vm3;
	v60 =	vcvt.f32.s32 v59  }
0x82: {  	vm14 =	vlt.s32 v10, $0xD;
	v10 =	vadd.s32 v10, v3;
	vm2 =	vmand vm2, vm3  }
0x83: {  	v11 =	vadd.s32 v55, v11;
	v12 =	vadd.s32 v57, v58;
	v61 =	vmul.u32 $0x38, v60  }
0x84: {  	vm1 =	vmand vm14, vm1;
	vm15 =	vgt.f32 v9, v59;
	vm9 =	vlt.s32 v60, $0x37  }
0x85: {  	v5 =	vmul.u32 $0xE, v56;
	vm3 =	vmand vm9, vm15;
	v4 =	vadd.s32 v61, v62  }
0x86: {  	v11 =	vnsel vm2, $0x18800, v11;
	vm0 =	vmand vm0, vm3;
	v4 =	vshll.u32 v4, $0x1  }
0x87: {  	vm2 =	vmand vm13, vm4;
	v12 =	vmul.u32 $0x3, v12;
	[tilespmem:s8+$0x1800] =	vst v11;
	v4 =	vnsel vm0, $0xC400, v4  }
0x88: {  	vm14 =	vgt.f32 v8, v54;
	vm0 =	vmand vm12, vm2;
	[tilespmem:s10+$0xFFFFFFF0] =	vst v4;
	v4 =	vor.u32 $0x1, v4  }
0x89: {  	vm13 =	vlt.s32 v56, $0xD;
	v5 =	vadd.s32 v5, v10;
	[tilespmem:s10+$0x0] =	vst v4;
	v4 =	vnsel vm0, $0x4980, v12  }
0x8a: {  	v5 =	vmul.u32 $0x6, v5;
	vm15 =	vmand vm13, vm14;
	[tilespmem:s9+$0xFFFFFFF0] =	vst v4;
	v63 =	vadd.s32 $0x1, v4  }
0x8b: {  	vm0 =	vmand vm1, vm15;
	v4 =	vadd.s32 $0x2, v4;
	[tilespmem:s9+$0x0] =	vst v63  }
0x8c: {  	[tilespmem:s9+$0x10] =	vst v4;
	v4 =	vnsel vm0, $0x24C0, v5  }
0x8d: {  	[tilespmem:s7+$0xFFFFFFD0] =	vst v4;
	v5 =	vor.u32 $0x1, v4  }
0x8e: {  	[tilespmem:s7+$0xFFFFFFE0] =	vst v5;
	v5 =	vadd.s32 $0x2, v4  }
0x8f: {  	[tilespmem:s7+$0xFFFFFFF0] =	vst v5;
	v5 =	vadd.s32 $0x3, v4  }
0x90: {  	[tilespmem:s7+$0x0] =	vst v5;
	v5 =	vadd.s32 $0x4, v4  }
0x91: {  	v4 =	vadd.s32 $0x5, v4;
	[tilespmem:s7+$0x10] =	vst v5  }
0x92: {  	[tilespmem:s7+$0x20] =	vst v4  }
0x93: {  	[tilespmem:s26], [sflag:$0x1] =	stream.indirect.gather [hbm4b:s3+s25], $0x80, s18, s25, $0xb8;
	[tilespmem:$0x13800] =	vst v63  }
0x94: {  	p0 =	por $0x1, $0x1;
	s8 =	simm.s32 $0x2000  }
0x95: {  	[tilespmem:s2], [sflag:$0x1] =	stream.indirect.gather [hbm4b:s4+s29], $0x80, s8, s29, $0xb8;
	[tilespmem:$0x13800] =	vst v63  }
0x96: {  	p0 =	por p0, p0;
	s9 =	simm.s32 $0x3000  }
0x97: {  	[tilespmem:s0], [sflag:$0x1] =	stream.indirect.gather [hbm4b:s5+s19], $0x80, s9, s19, $0xb8;
	[tilespmem:$0x13800] =	vst v63  }
0x98: {  	s10 =	simm.s32 $0x4800;
	s7 =	simm.s32 @!p0 $0x4  }
0x99: {  	[tilespmem:s23], [sflag:$0x1] =	stream.indirect.gather [hbm4b:s6+s20], $0x80, s10, s20, $0xb8;
	[tilespmem:$0x13800] =	vst v63  }
0x9a: {  	_ =	swait.ge @!p0 [sflag:s7], $0x800  }
0x9b: {  	[sflag:s7] =	ssyncset.done @!p0 $0x0  }
0x9c: {  	[sflag:s7] =	ssyncadd.s32 @!p0 $0xFFFFF800  }
0x9d: {  	_ =	swait.ge @!p0 [sflag:s7], $0x800  }
0x9e: {  	[sflag:s7] =	ssyncset.done @!p0 $0x0  }
0x9f: {  	[sflag:s7] =	ssyncadd.s32 @!p0 $0xFFFFF800  }
0xa0: {  	_ =	swait.ge @!p0 [sflag:s7], $0x800  }
0xa1: {  	[sflag:s7] =	ssyncset.done @!p0 $0x0  }
0xa2: {  	[sflag:s7] =	ssyncadd.s32 @!p0 $0xFFFFF800  }
0xa3: {  	_ =	swait.ge @!p0 [sflag:s7], $0x800  }
0xa4: {  	[sflag:s7] =	ssyncset.done @!p0 $0x0  }
0xa5: {  	[sflag:s7] =	ssyncadd.s32 @!p0 $0xFFFFF800  }
0xa6: {  	_ =	swait.ge @!p0 [sflag:s7], $0x800  }
0xa7: {  	[sflag:s7] =	ssyncset.done @!p0 $0x0  }
0xa8: {  	[sflag:s7] =	ssyncadd.s32 @!p0 $0xFFFFF800  }
0xa9: {  	_ =	swait.ge @!p0 [sflag:s7], $0x800  }
0xaa: {  	[sflag:s7] =	ssyncset.done @!p0 $0x0  }
0xab: {  	[sflag:s7] =	ssyncadd.s32 @!p0 $0xFFFFF800  }
0xac: {  	_ =	swait.ge @!p0 [sflag:s7], $0x800  }
0xad: {  	[sflag:s7] =	ssyncset.done @!p0 $0x0  }
0xae: {  	[sflag:s7] =	ssyncadd.s32 @!p0 $0xFFFFF800  }
0xaf: {  	_ =	swait.ge @!p0 [sflag:s7], $0x800  }
0xb0: {  	[sflag:s7] =	ssyncset.done @!p0 $0x0  }
0xb1: {  	[sflag:s7] =	ssyncadd.s32 @!p0 $0xFFFFF800  }
0xb2: {  	_ =	swait.ge @!p0 [sflag:s7], $0x800  }
0xb3: {  	[sflag:s7] =	ssyncset.done @!p0 $0x0  }
0xb4: {  	[sflag:s7] =	ssyncadd.s32 @!p0 $0xFFFFF800  }
0xb5: {  	_ =	swait.ge @!p0 [sflag:s7], $0x800  }
0xb6: {  	[sflag:s7] =	ssyncset.done @!p0 $0x0  }
0xb7: {  	[sflag:s7] =	ssyncadd.s32 @!p0 $0xFFFFF800  }
0xb8: {  	_ =	swait.ge @!p0 [sflag:s7], $0x800  }
0xb9: {  	[sflag:s7] =	ssyncset.done @!p0 $0x0  }
0xba: {  	[sflag:s7] =	ssyncadd.s32 @!p0 $0xFFFFF800  }
0xbb: {  	_ =	swait.ge @!p0 [sflag:s7], $0x800  }
0xbc: {  	[sflag:s7] =	ssyncset.done @!p0 $0x0  }
0xbd: {  	s11 =	simm.s32 $0x1810;
	[sflag:s7] =	ssyncadd.s32 @!p0 $0xFFFFF800  }
0xbe: {  	[tilespmem:s30], [sflag:$0x2] =	stream.indirect.gather [hbm4b:s3+s25], $0x80, s11, s25, $0xb8;
	[tilespmem:$0x13800] =	vst v63  }
0xbf: {  	s12 =	simm.s32 $0x2020  }
0xc0: {  	[tilespmem:s31], [sflag:$0x2] =	stream.indirect.gather [hbm4b:s4+s29], $0x80, s12, s29, $0xb8;
	[tilespmem:$0x13800] =	vst v63  }
0xc1: {  	s13 =	simm.s32 $0x3030;
	s1 =	simm.s32 $0xC000  }
0xc2: {  	[tilespmem:s1], [sflag:$0x2] =	stream.indirect.gather [hbm4b:s5+s19], $0x80, s13, s19, $0xb8;
	[tilespmem:$0x13800] =	vst v63  }
0xc3: {  	s14 =	simm.s32 $0x4860;
	s31 =	simm.s32 $0x10800  }
0xc4: {  	[tilespmem:s31], [sflag:$0x2] =	stream.indirect.gather [hbm4b:s6+s20], $0x80, s14, s20, $0xb8;
	[tilespmem:$0x13800] =	vst v63  }
0xc5: {  	_ =	swait.ge [sflag:s16], $0x800  }
0xc6: {  	[sflag:s16] =	ssyncset.done $0x0  }
0xc7: {  	[sflag:s16] =	ssyncadd.s32 $0xFFFFF800  }
0xc8: {  	_ =	swait.ge [sflag:s16], $0x1000  }
0xc9: {  	[sflag:s16] =	ssyncset.done $0x0  }
0xca: {  	[sflag:s16] =	ssyncadd.s32 $0xFFFFF000  }
0xcb: {  	_ =	swait.ge [sflag:s16], $0x1800  }
0xcc: {  	[sflag:s16] =	ssyncset.done $0x0  }
0xcd: {  	[sflag:s16] =	ssyncadd.s32 $0xFFFFE800  }
0xce: {  	_ =	swait.ge [sflag:s16], $0x3000  }
0xcf: {  	s17 =	rddreg [dreg:$0x4]  }
0xd0: {  	[sflag:s16] =	ssyncset.done $0x0;
	s19 =	rddreg [dreg:$0x1c]  }
0xd1: {  	s10 =	rddreg [dreg:$0x7];
	[sflag:s16] =	ssyncadd.s32 $0xFFFFD000  }
0xd2: {  	[hbm4b:s19+s22] =	stream.linear.scatter [tilespmem:s26], [sflag:$0x3], $0x800, $0x38;
	[tilespmem:$0x13800] =	vst v63  }
0xd3: {  	s20 =	rddreg [dreg:$0x1d]  }
0xd4: {  	[hbm4b:s20+s21] =	stream.strided.scatter [tilespmem:s2], [sflag:$0x3], $0x800, s15, s21, $0x38;
	[tilespmem:$0x13800] =	vst v63  }
0xd5: {  	s14 =	rddreg [dreg:$0x17];
	s11 =	sadd.s32 $0x80, s20  }
0xd6: {  	[hbm4b:s11+s21] =	stream.strided.scatter [tilespmem:s10], [sflag:$0x3], $0x800, s15, s21, $0x38;
	[tilespmem:$0x13800] =	vst v63  }
0xd7: {  	s13 =	rddreg [dreg:$0x3];
	s7 =	sadd.s32 s14, s17  }
0xd8: {  	[hbm4b:s7+s21] =	stream.strided.scatter [tilespmem:s0], [sflag:$0x3], $0x800, s24, s21, $0x38;
	[tilespmem:$0x13800] =	vst v63  }
0xd9: {  	s17 =	rddreg [dreg:$0x8];
	s2 =	sadd.s32 $0x80, s7  }
0xda: {  	[hbm4b:s2+s21] =	stream.strided.scatter [tilespmem:s17], [sflag:$0x3], $0x800, s24, s21, $0x38;
	[tilespmem:$0x13800] =	vst v63  }
0xdb: {  	s11 =	rddreg [dreg:$0x9];
	s7 =	sadd.s32 $0x100, s7  }
0xdc: {  	[hbm4b:s7+s21] =	stream.strided.scatter [tilespmem:s11], [sflag:$0x3], $0x800, s24, s21, $0x38;
	[tilespmem:$0x13800] =	vst v63  }
0xdd: {  	s7 =	sadd.s32 $0x0, s13  }
0xde: {  	[hbm4b:s7+s21] =	stream.strided.scatter [tilespmem:s23], [sflag:$0x3], $0x800, s18, s21, $0x38;
	[tilespmem:$0x13800] =	vst v63  }
0xdf: {  	s13 =	rddreg [dreg:$0xa];
	s17 =	sadd.s32 $0x80, s7  }
0xe0: {  	[hbm4b:s17+s21] =	stream.strided.scatter [tilespmem:s13], [sflag:$0x3], $0x800, s18, s21, $0x38;
	[tilespmem:$0x13800] =	vst v63  }
0xe1: {  	s0 =	sadd.s32 $0x100, s7;
	s23 =	rddreg [dreg:$0xb]  }
0xe2: {  	[hbm4b:s0+s21] =	stream.strided.scatter [tilespmem:s23], [sflag:$0x3], $0x800, s18, s21, $0x38;
	[tilespmem:$0x13800] =	vst v63  }
0xe3: {  	s2 =	rddreg [dreg:$0xc];
	s11 =	sadd.s32 $0x180, s7  }
0xe4: {  	[hbm4b:s11+s21] =	stream.strided.scatter [tilespmem:s2], [sflag:$0x3], $0x800, s18, s21, $0x38;
	[tilespmem:$0x13800] =	vst v63  }
0xe5: {  	s13 =	rddreg [dreg:$0xd];
	s17 =	sadd.s32 $0x200, s7  }
0xe6: {  	[hbm4b:s17+s21] =	stream.strided.scatter [tilespmem:s13], [sflag:$0x3], $0x800, s18, s21, $0x38;
	[tilespmem:$0x13800] =	vst v63  }
0xe7: {  	p0 =	por $0x0, $0x0;
	s7 =	sadd.s32 $0x280, s7;
	s23 =	rddreg [dreg:$0xe]  }
0xe8: {  	[hbm4b:s7+s21] =	stream.strided.scatter [tilespmem:s23], [sflag:$0x3], $0x800, s18, s21, $0x38;
	[tilespmem:$0x13800] =	vst v63  }
0xe9: {  	s7 =	simm.s32 @!p0 $0x3  }
0xea: {  	_ =	swait.ge @!p0 [sflag:s7], $0x800  }
0xeb: {  	[sflag:s7] =	ssyncset.done @!p0 $0x0  }
0xec: {  	[sflag:s7] =	ssyncadd.s32 @!p0 $0xFFFFF800  }
0xed: {  	_ =	swait.ge @!p0 [sflag:s7], $0x800  }
0xee: {  	[sflag:s7] =	ssyncset.done @!p0 $0x0  }
0xef: {  	[sflag:s7] =	ssyncadd.s32 @!p0 $0xFFFFF800  }
0xf0: {  	_ =	swait.ge @!p0 [sflag:s7], $0x800  }
0xf1: {  	[sflag:s7] =	ssyncset.done @!p0 $0x0  }
0xf2: {  	[sflag:s7] =	ssyncadd.s32 @!p0 $0xFFFFF800  }
0xf3: {  	_ =	swait.ge @!p0 [sflag:s7], $0x800  }
0xf4: {  	[sflag:s7] =	ssyncset.done @!p0 $0x0  }
0xf5: {  	[sflag:s7] =	ssyncadd.s32 @!p0 $0xFFFFF800  }
0xf6: {  	_ =	swait.ge @!p0 [sflag:s7], $0x800  }
0xf7: {  	[sflag:s7] =	ssyncset.done @!p0 $0x0  }
0xf8: {  	[sflag:s7] =	ssyncadd.s32 @!p0 $0xFFFFF800  }
0xf9: {  	_ =	swait.ge @!p0 [sflag:s7], $0x800  }
0xfa: {  	[sflag:s7] =	ssyncset.done @!p0 $0x0  }
0xfb: {  	[sflag:s7] =	ssyncadd.s32 @!p0 $0xFFFFF800  }
0xfc: {  	_ =	swait.ge @!p0 [sflag:s7], $0x800  }
0xfd: {  	[sflag:s7] =	ssyncset.done @!p0 $0x0  }
0xfe: {  	[sflag:s7] =	ssyncadd.s32 @!p0 $0xFFFFF800  }
0xff: {  	_ =	swait.ge @!p0 [sflag:s7], $0x800  }
0x100: {  	[sflag:s7] =	ssyncset.done @!p0 $0x0  }
0x101: {  	[sflag:s7] =	ssyncadd.s32 @!p0 $0xFFFFF800  }
0x102: {  	_ =	swait.ge @!p0 [sflag:s7], $0x800  }
0x103: {  	[sflag:s7] =	ssyncset.done @!p0 $0x0  }
0x104: {  	[sflag:s7] =	ssyncadd.s32 @!p0 $0xFFFFF800  }
0x105: {  	_ =	swait.ge @!p0 [sflag:s7], $0x800  }
0x106: {  	[sflag:s7] =	ssyncset.done @!p0 $0x0  }
0x107: {  	[sflag:s7] =	ssyncadd.s32 @!p0 $0xFFFFF800  }
0x108: {  	_ =	swait.ge @!p0 [sflag:s7], $0x800  }
0x109: {  	[sflag:s7] =	ssyncset.done @!p0 $0x0  }
0x10a: {  	[sflag:s7] =	ssyncadd.s32 @!p0 $0xFFFFF800  }
0x10b: {  	_ =	swait.ge @!p0 [sflag:s7], $0x800  }
0x10c: {  	s8 =	simm.s32 @!p0 $0x7800;
	[sflag:s7] =	ssyncset.done @!p0 $0x0  }
0x10d: {  	s9 =	simm.s32 @!p0 $0x1820;
	s10 =	simm.s32 @!p0 $0x10;
	[sflag:s7] =	ssyncadd.s32 @!p0 $0xFFFFF800  }
0x10e: {  	[tilespmem:s8], [sflag:$0x1] =	stream.indirect.gather @!p0 [hbm4b:s3+s10], $0x80, s9, s10, $0xb8;
	[tilespmem:$0x13800] =	vst v63  }
0x10f: {  	s7 =	simm.s32 @!p0 $0x8800;
	s8 =	simm.s32 @!p0 $0x2040;
	s9 =	simm.s32 @!p0 $0x20  }
0x110: {  	[tilespmem:s7], [sflag:$0x1] =	stream.indirect.gather @!p0 [hbm4b:s4+s9], $0x80, s8, s9, $0xb8;
	[tilespmem:$0x13800] =	vst v63  }
0x111: {  	s7 =	simm.s32 @!p0 $0x3060;
	s8 =	simm.s32 @!p0 $0x30;
	s9 =	simm.s32 @!p0 $0xA800  }
0x112: {  	[tilespmem:s9], [sflag:$0x1] =	stream.indirect.gather @!p0 [hbm4b:s5+s8], $0x80, s7, s8, $0xb8;
	[tilespmem:$0x13800] =	vst v63  }
0x113: {  	s7 =	simm.s32 @!p0 $0x48C0;
	s8 =	simm.s32 @!p0 $0x60;
	s9 =	simm.s32 @!p0 $0xD800  }
0x114: {  	[tilespmem:s9], [sflag:$0x1] =	stream.indirect.gather @!p0 [hbm4b:s6+s8], $0x80, s7, s8, $0xb8;
	[tilespmem:$0x13800] =	vst v63  }
0x115: {  	_ =	swait.ge [sflag:s28], $0x800  }
0x116: {  	[sflag:s28] =	ssyncset.done $0x0  }
0x117: {  	[sflag:s28] =	ssyncadd.s32 $0xFFFFF800  }
0x118: {  	_ =	swait.ge [sflag:s28], $0x1000  }
0x119: {  	[sflag:s28] =	ssyncset.done $0x0  }
0x11a: {  	[sflag:s28] =	ssyncadd.s32 $0xFFFFF000  }
0x11b: {  	_ =	swait.ge [sflag:s28], $0x1800  }
0x11c: {  	[sflag:s28] =	ssyncset.done $0x0  }
0x11d: {  	[sflag:s28] =	ssyncadd.s32 $0xFFFFE800  }
0x11e: {  	_ =	swait.ge [sflag:s28], $0x3000  }
0x11f: {  	p6 =	por $0x0, $0x0;
	s12 =	simm.s32 $0x9800;
	[sflag:s28] =	ssyncset.done $0x0  }
0x120: {  	s0 =	sadd.s32 $0x100, s19;
	s2 =	rddreg [dreg:$0x5];
	[sflag:s28] =	ssyncadd.s32 $0xFFFFD000  }
0x121: {  	[hbm4b:s0+s22] =	stream.linear.scatter [tilespmem:s30], [sflag:$0x4], $0x800, $0x38;
	[tilespmem:$0x13800] =	vst v63  }
0x122: {  	s13 =	sadd.s32 $0x280, s20;
	s10 =	sadd.s32 $0x200, s20;
	s11 =	rddreg [dreg:$0xf]  }
0x123: {  	[hbm4b:s10+s21] =	stream.strided.scatter [tilespmem:s12], [sflag:$0x4], $0x800, s15, s21, $0x38;
	[tilespmem:$0x13800] =	vst v63  }
0x124: {  	p0 =	por p6, p6;
	s8 =	simm.s32 $0x2060;
	s17 =	rddreg [dreg:$0x6]  }
0x125: {  	[hbm4b:s13+s21] =	stream.strided.scatter [tilespmem:s11], [sflag:$0x4], $0x800, s15, s21, $0x38;
	[tilespmem:$0x13800] =	vst v63  }
0x126: {  	s9 =	simm.s32 $0x1830;
	s23 =	rddreg [dreg:$0x10];
	s22 =	sadd.s32 s14, s2  }
0x127: {  	[hbm4b:s22+s21] =	stream.strided.scatter [tilespmem:s1], [sflag:$0x4], $0x800, s24, s21, $0x38;
	[tilespmem:$0x13800] =	vst v63  }
0x128: {  	s2 =	rddreg [dreg:$0x11];
	s30 =	simm.s32 $0x0;
	s0 =	sadd.s32 $0x80, s22  }
0x129: {  	[hbm4b:s0+s21] =	stream.strided.scatter [tilespmem:s23], [sflag:$0x4], $0x800, s24, s21, $0x38;
	[tilespmem:$0x13800] =	vst v63  }
0x12a: {  	s7 =	sadd.s32 $0x100, s22;
	s12 =	sadd.s32 $0x0, s17;
	s17 =	simm.s32 $0x1800  }
0x12b: {  	[hbm4b:s7+s21] =	stream.strided.scatter [tilespmem:s2], [sflag:$0x4], $0x800, s24, s21, $0x38;
	[tilespmem:$0x13800] =	vst v63  }
0x12c: {  	s10 =	sadd.s32 $0x180, s12;
	s11 =	simm.s32 $0xC00;
	s13 =	rddreg [dreg:$0x12]  }
0x12d: {  	[hbm4b:s12+s21] =	stream.strided.scatter [tilespmem:s31], [sflag:$0x4], $0x800, s18, s21, $0x38;
	[tilespmem:$0x13800] =	vst v63  }
0x12e: {  	s22 =	sadd.s32 $0x80, s12;
	s23 =	rddreg [dreg:$0x13];
	s0 =	sadd.s32 $0x100, s12  }
0x12f: {  	[hbm4b:s22+s21] =	stream.strided.scatter [tilespmem:s13], [sflag:$0x4], $0x800, s18, s21, $0x38;
	[tilespmem:$0x13800] =	vst v63  }
0x130: {  	s2 =	rddreg [dreg:$0x14];
	s7 =	sadd.s32 $0x600, s14;
	s14 =	sadd.s32 $0x200, s19  }
0x131: {  	[hbm4b:s0+s21] =	stream.strided.scatter [tilespmem:s23], [sflag:$0x4], $0x800, s18, s21, $0x38;
	[tilespmem:$0x13800] =	vst v63  }
0x132: {  	s13 =	simm.s32 $0x4920;
	s22 =	rddreg [dreg:$0x15];
	s23 =	sadd.s32 $0x200, s12  }
0x133: {  	[hbm4b:s10+s21] =	stream.strided.scatter [tilespmem:s2], [sflag:$0x4], $0x800, s18, s21, $0x38;
	[tilespmem:$0x13800] =	vst v63  }
0x134: {  	s0 =	simm.s32 $0x8000;
	s10 =	simm.s32 $0x3090;
	s2 =	simm.s32 $0x9800  }
0x135: {  	[hbm4b:s23+s21] =	stream.strided.scatter [tilespmem:s22], [sflag:$0x4], $0x800, s18, s21, $0x38;
	[tilespmem:$0x13800] =	vst v63  }
0x136: {  	s22 =	rddreg [dreg:$0x16];
	s23 =	sadd.s32 $0x280, s12;
	s12 =	sadd.s32 $0x400, s20  }
.LBB2_4:
0x137: {  	s20 =	simm.s32 @!p0 $0x4  }
0x138: {  	[hbm4b:s23+s21] =	stream.strided.scatter [tilespmem:s22], [sflag:$0x4], $0x800, s18, s21, $0x38;
	[tilespmem:$0x13800] =	vst v63  }
0x139: {  	_ =	swait.ge @!p0 [sflag:s20], $0x800  }
0x13a: {  	[sflag:s20] =	ssyncset.done @!p0 $0x0  }
0x13b: {  	[sflag:s20] =	ssyncadd.s32 @!p0 $0xFFFFF800  }
0x13c: {  	_ =	swait.ge @!p0 [sflag:s20], $0x800  }
0x13d: {  	[sflag:s20] =	ssyncset.done @!p0 $0x0  }
0x13e: {  	[sflag:s20] =	ssyncadd.s32 @!p0 $0xFFFFF800  }
0x13f: {  	_ =	swait.ge @!p0 [sflag:s20], $0x800  }
0x140: {  	[sflag:s20] =	ssyncset.done @!p0 $0x0  }
0x141: {  	[sflag:s20] =	ssyncadd.s32 @!p0 $0xFFFFF800  }
0x142: {  	_ =	swait.ge @!p0 [sflag:s20], $0x800  }
0x143: {  	[sflag:s20] =	ssyncset.done @!p0 $0x0  }
0x144: {  	[sflag:s20] =	ssyncadd.s32 @!p0 $0xFFFFF800  }
0x145: {  	_ =	swait.ge @!p0 [sflag:s20], $0x800  }
0x146: {  	[sflag:s20] =	ssyncset.done @!p0 $0x0  }
0x147: {  	[sflag:s20] =	ssyncadd.s32 @!p0 $0xFFFFF800  }
0x148: {  	_ =	swait.ge @!p0 [sflag:s20], $0x800  }
0x149: {  	[sflag:s20] =	ssyncset.done @!p0 $0x0  }
0x14a: {  	[sflag:s20] =	ssyncadd.s32 @!p0 $0xFFFFF800  }
0x14b: {  	_ =	swait.ge @!p0 [sflag:s20], $0x800  }
0x14c: {  	[sflag:s20] =	ssyncset.done @!p0 $0x0  }
0x14d: {  	[sflag:s20] =	ssyncadd.s32 @!p0 $0xFFFFF800  }
0x14e: {  	_ =	swait.ge @!p0 [sflag:s20], $0x800  }
0x14f: {  	[sflag:s20] =	ssyncset.done @!p0 $0x0  }
0x150: {  	[sflag:s20] =	ssyncadd.s32 @!p0 $0xFFFFF800  }
0x151: {  	_ =	swait.ge @!p0 [sflag:s20], $0x800  }
0x152: {  	[sflag:s20] =	ssyncset.done @!p0 $0x0  }
0x153: {  	[sflag:s20] =	ssyncadd.s32 @!p0 $0xFFFFF800  }
0x154: {  	_ =	swait.ge @!p0 [sflag:s20], $0x800  }
0x155: {  	[sflag:s20] =	ssyncset.done @!p0 $0x0  }
0x156: {  	[sflag:s20] =	ssyncadd.s32 @!p0 $0xFFFFF800  }
0x157: {  	_ =	swait.ge @!p0 [sflag:s20], $0x800  }
0x158: {  	[sflag:s20] =	ssyncset.done @!p0 $0x0  }
0x159: {  	[sflag:s20] =	ssyncadd.s32 @!p0 $0xFFFFF800  }
0x15a: {  	_ =	swait.ge @!p0 [sflag:s20], $0x800  }
0x15b: {  	[sflag:s20] =	ssyncset.done @!p0 $0x0  }
0x15c: {  	[sflag:s20] =	ssyncadd.s32 @!p0 $0xFFFFF800  }
0x15d: {  	[tilespmem:s0], [sflag:$0x2] =	stream.indirect.gather [hbm4b:s3+s25], $0x80, s9, s25, $0xb8;
	[tilespmem:$0x13800] =	vst v63  }
0x15e: {  	_ = 	snop  }
0x15f: {  	[tilespmem:s2], [sflag:$0x2] =	stream.indirect.gather [hbm4b:s4+s29], $0x80, s8, s29, $0xb8;
	[tilespmem:$0x13800] =	vst v63  }
0x160: {  	s22 =	simm.s32 $0x30  }
0x161: {  	[tilespmem:s1], [sflag:$0x2] =	stream.indirect.gather [hbm4b:s5+s22], $0x80, s10, s22, $0xb8;
	[tilespmem:$0x13800] =	vst v63  }
0x162: {  	s23 =	simm.s32 $0x60  }
0x163: {  	[tilespmem:s31], [sflag:$0x2] =	stream.indirect.gather [hbm4b:s6+s23], $0x80, s13, s23, $0xb8;
	[tilespmem:$0x13800] =	vst v63  }
0x164: {  	_ =	swait.ge [sflag:s16], $0x800  }
0x165: {  	[sflag:s16] =	ssyncset.done $0x0  }
0x166: {  	[sflag:s16] =	ssyncadd.s32 $0xFFFFF800  }
0x167: {  	_ =	swait.ge [sflag:s16], $0x1000  }
0x168: {  	[sflag:s16] =	ssyncset.done $0x0  }
0x169: {  	[sflag:s16] =	ssyncadd.s32 $0xFFFFF000  }
0x16a: {  	_ =	swait.ge [sflag:s16], $0x1800  }
0x16b: {  	[sflag:s16] =	ssyncset.done $0x0  }
0x16c: {  	[sflag:s16] =	ssyncadd.s32 $0xFFFFE800  }
0x16d: {  	_ =	swait.ge [sflag:s16], $0x3000  }
0x16e: {  	[sflag:s16] =	ssyncset.done $0x0  }
0x16f: {  	[sflag:s16] =	ssyncadd.s32 $0xFFFFD000  }
0x170: {  	[hbm4b:s14+s30] =	stream.linear.scatter [tilespmem:s26], [sflag:$0x3], $0x800, $0x38;
	[tilespmem:$0x13800] =	vst v63  }
0x171: {  	s25 =	simm.s32 $0x8800;
	s20 =	rddreg [dreg:$0x4]  }
0x172: {  	[hbm4b:s12+s21] =	stream.strided.scatter [tilespmem:s25], [sflag:$0x3], $0x800, s15, s21, $0x38;
	[tilespmem:$0x13800] =	vst v63  }
0x173: {  	s22 =	rddreg [dreg:$0x7];
	s26 =	sadd.s32 $0x80, s12  }
0x174: {  	[hbm4b:s26+s21] =	stream.strided.scatter [tilespmem:s22], [sflag:$0x3], $0x800, s15, s21, $0x38;
	[tilespmem:$0x13800] =	vst v63  }
0x175: {  	s20 =	sadd.s32 s7, s20;
	s25 =	rddreg [dreg:$0x3];
	s26 =	simm.s32 $0xA800  }
0x176: {  	[hbm4b:s20+s21] =	stream.strided.scatter [tilespmem:s26], [sflag:$0x3], $0x800, s24, s21, $0x38;
	[tilespmem:$0x13800] =	vst v63  }
0x177: {  	s23 =	sadd.s32 $0x80, s20;
	s22 =	rddreg [dreg:$0x8]  }
0x178: {  	[hbm4b:s23+s21] =	stream.strided.scatter [tilespmem:s22], [sflag:$0x3], $0x800, s24, s21, $0x38;
	[tilespmem:$0x13800] =	vst v63  }
0x179: {  	s19 =	smov.u32 s11;
	s26 =	rddreg [dreg:$0x9];
	s20 =	sadd.s32 $0x100, s20  }
0x17a: {  	[hbm4b:s20+s21] =	stream.strided.scatter [tilespmem:s26], [sflag:$0x3], $0x800, s24, s21, $0x38;
	[tilespmem:$0x13800] =	vst v63  }
0x17b: {  	s20 =	sadd.s32 s19, s25;
	s25 =	simm.s32 $0xD800  }
0x17c: {  	[hbm4b:s20+s21] =	stream.strided.scatter [tilespmem:s25], [sflag:$0x3], $0x800, s18, s21, $0x38;
	[tilespmem:$0x13800] =	vst v63  }
0x17d: {  	s22 =	rddreg [dreg:$0xa];
	s26 =	sadd.s32 $0x80, s20  }
0x17e: {  	[hbm4b:s26+s21] =	stream.strided.scatter [tilespmem:s22], [sflag:$0x3], $0x800, s18, s21, $0x38;
	[tilespmem:$0x13800] =	vst v63  }
0x17f: {  	s25 =	rddreg [dreg:$0xb];
	s26 =	sadd.s32 $0x100, s20  }
0x180: {  	[hbm4b:s26+s21] =	stream.strided.scatter [tilespmem:s25], [sflag:$0x3], $0x800, s18, s21, $0x38;
	[tilespmem:$0x13800] =	vst v63  }
0x181: {  	p2 =	seq.s32 s17, $0x0;
	s23 =	rddreg [dreg:$0xc];
	s26 =	sadd.s32 $0x180, s20  }
0x182: {  	[hbm4b:s26+s21] =	stream.strided.scatter [tilespmem:s23], [sflag:$0x3], $0x800, s18, s21, $0x38;
	[tilespmem:$0x13800] =	vst v63  }
0x183: {  	p0 =	por p2, p2;
	s25 =	rddreg [dreg:$0xd];
	s23 =	sadd.s32 $0x200, s20  }
0x184: {  	[hbm4b:s23+s21] =	stream.strided.scatter [tilespmem:s25], [sflag:$0x3], $0x800, s18, s21, $0x38;
	[tilespmem:$0x13800] =	vst v63  }
0x185: {  	p2 =	seq.s32 s19, $0x2F400;
	s26 =	rddreg [dreg:$0xe];
	s20 =	sadd.s32 $0x280, s20  }
0x186: {  	[hbm4b:s20+s21] =	stream.strided.scatter [tilespmem:s26], [sflag:$0x3], $0x800, s18, s21, $0x38;
	[tilespmem:$0x13800] =	vst v63  }
0x187: {  	s20 =	simm.s32 @!p2 $0x3  }
0x188: {  	_ =	swait.ge @!p2 [sflag:s20], $0x800  }
0x189: {  	[sflag:s20] =	ssyncset.done @!p2 $0x0  }
0x18a: {  	[sflag:s20] =	ssyncadd.s32 @!p2 $0xFFFFF800  }
0x18b: {  	_ =	swait.ge @!p2 [sflag:s20], $0x800  }
0x18c: {  	[sflag:s20] =	ssyncset.done @!p2 $0x0  }
0x18d: {  	[sflag:s20] =	ssyncadd.s32 @!p2 $0xFFFFF800  }
0x18e: {  	_ =	swait.ge @!p2 [sflag:s20], $0x800  }
0x18f: {  	[sflag:s20] =	ssyncset.done @!p2 $0x0  }
0x190: {  	[sflag:s20] =	ssyncadd.s32 @!p2 $0xFFFFF800  }
0x191: {  	_ =	swait.ge @!p2 [sflag:s20], $0x800  }
0x192: {  	[sflag:s20] =	ssyncset.done @!p2 $0x0  }
0x193: {  	[sflag:s20] =	ssyncadd.s32 @!p2 $0xFFFFF800  }
0x194: {  	_ =	swait.ge @!p2 [sflag:s20], $0x800  }
0x195: {  	[sflag:s20] =	ssyncset.done @!p2 $0x0  }
0x196: {  	[sflag:s20] =	ssyncadd.s32 @!p2 $0xFFFFF800  }
0x197: {  	_ =	swait.ge @!p2 [sflag:s20], $0x800  }
0x198: {  	[sflag:s20] =	ssyncset.done @!p2 $0x0  }
0x199: {  	[sflag:s20] =	ssyncadd.s32 @!p2 $0xFFFFF800  }
0x19a: {  	_ =	swait.ge @!p2 [sflag:s20], $0x800  }
0x19b: {  	[sflag:s20] =	ssyncset.done @!p2 $0x0  }
0x19c: {  	[sflag:s20] =	ssyncadd.s32 @!p2 $0xFFFFF800  }
0x19d: {  	_ =	swait.ge @!p2 [sflag:s20], $0x800  }
0x19e: {  	[sflag:s20] =	ssyncset.done @!p2 $0x0  }
0x19f: {  	[sflag:s20] =	ssyncadd.s32 @!p2 $0xFFFFF800  }
0x1a0: {  	_ =	swait.ge @!p2 [sflag:s20], $0x800  }
0x1a1: {  	[sflag:s20] =	ssyncset.done @!p2 $0x0  }
0x1a2: {  	[sflag:s20] =	ssyncadd.s32 @!p2 $0xFFFFF800  }
0x1a3: {  	_ =	swait.ge @!p2 [sflag:s20], $0x800  }
0x1a4: {  	[sflag:s20] =	ssyncset.done @!p2 $0x0  }
0x1a5: {  	[sflag:s20] =	ssyncadd.s32 @!p2 $0xFFFFF800  }
0x1a6: {  	_ =	swait.ge @!p2 [sflag:s20], $0x800  }
0x1a7: {  	[sflag:s20] =	ssyncset.done @!p2 $0x0  }
0x1a8: {  	[sflag:s20] =	ssyncadd.s32 @!p2 $0xFFFFF800  }
0x1a9: {  	_ =	swait.ge @!p2 [sflag:s20], $0x800  }
0x1aa: {  	s22 =	simm.s32 @!p2 $0x7800;
	[sflag:s20] =	ssyncset.done @!p2 $0x0  }
0x1ab: {  	s25 =	sadd.s32 @!p2 $0x10, s9;
	s26 =	simm.s32 @!p2 $0x10;
	[sflag:s20] =	ssyncadd.s32 @!p2 $0xFFFFF800  }
0x1ac: {  	[tilespmem:s22], [sflag:$0x1] =	stream.indirect.gather @!p2 [hbm4b:s3+s26], $0x80, s25, s26, $0xb8;
	[tilespmem:$0x13800] =	vst v63  }
0x1ad: {  	s29 =	simm.s32 @!p2 $0x20;
	s23 =	simm.s32 @!p2 $0x8800;
	s20 =	sadd.s32 @!p2 $0x20, s8  }
0x1ae: {  	[tilespmem:s23], [sflag:$0x1] =	stream.indirect.gather @!p2 [hbm4b:s4+s29], $0x80, s20, s29, $0xb8;
	[tilespmem:$0x13800] =	vst v63  }
0x1af: {  	s22 =	sadd.s32 @!p2 $0x30, s10;
	s25 =	simm.s32 @!p2 $0x30;
	s26 =	simm.s32 @!p2 $0xA800  }
0x1b0: {  	[tilespmem:s26], [sflag:$0x1] =	stream.indirect.gather @!p2 [hbm4b:s5+s25], $0x80, s22, s25, $0xb8;
	[tilespmem:$0x13800] =	vst v63  }
0x1b1: {  	s20 =	sadd.s32 @!p2 $0x60, s13;
	s23 =	simm.s32 @!p2 $0x60;
	s29 =	simm.s32 @!p2 $0xD800  }
0x1b2: {  	[tilespmem:s29], [sflag:$0x1] =	stream.indirect.gather @!p2 [hbm4b:s6+s23], $0x80, s20, s23, $0xb8;
	[tilespmem:$0x13800] =	vst v63  }
0x1b3: {  	_ =	swait.ge [sflag:s28], $0x800  }
0x1b4: {  	[sflag:s28] =	ssyncset.done $0x0  }
0x1b5: {  	[sflag:s28] =	ssyncadd.s32 $0xFFFFF800  }
0x1b6: {  	_ =	swait.ge [sflag:s28], $0x1000  }
0x1b7: {  	[sflag:s28] =	ssyncset.done $0x0  }
0x1b8: {  	[sflag:s28] =	ssyncadd.s32 $0xFFFFF000  }
0x1b9: {  	_ =	swait.ge [sflag:s28], $0x1800  }
0x1ba: {  	[sflag:s28] =	ssyncset.done $0x0  }
0x1bb: {  	[sflag:s28] =	ssyncadd.s32 $0xFFFFE800  }
0x1bc: {  	_ =	swait.ge [sflag:s28], $0x3000  }
0x1bd: {  	s11 =	smov.u32 s17;
	[sflag:s28] =	ssyncset.done $0x0  }
0x1be: {  	s17 =	sadd.s32 $0xC00, s17;
	s26 =	sadd.s32 $0x100, s14;
	[sflag:s28] =	ssyncadd.s32 $0xFFFFD000  }
0x1bf: {  	[hbm4b:s26+s30] =	stream.linear.scatter [tilespmem:s0], [sflag:$0x4], $0x800, $0x38;
	[tilespmem:$0x13800] =	vst v63  }
0x1c0: {  	p1 =	sne.s32 s17, $0x30000;
	s23 =	sadd.s32 $0x200, s12;
	s22 =	rddreg [dreg:$0x5]  }
0x1c1: {  	[hbm4b:s23+s21] =	stream.strided.scatter [tilespmem:s2], [sflag:$0x4], $0x800, s15, s21, $0x38;
	[tilespmem:$0x13800] =	vst v63  }
0x1c2: {  	s9 =	sadd.s32 $0x20, s9;
	s20 =	sadd.s32 $0x280, s12;
	s25 =	rddreg [dreg:$0xf]  }
0x1c3: {  	[hbm4b:s20+s21] =	stream.strided.scatter [tilespmem:s25], [sflag:$0x4], $0x800, s15, s21, $0x38;
	[tilespmem:$0x13800] =	vst v63  }
0x1c4: {  	s8 =	sadd.s32 $0x40, s8;
	s22 =	sadd.s32 s7, s22;
	s26 =	rddreg [dreg:$0x6]  }
0x1c5: {  	[hbm4b:s22+s21] =	stream.strided.scatter [tilespmem:s1], [sflag:$0x4], $0x800, s24, s21, $0x38;
	[tilespmem:$0x13800] =	vst v63  }
0x1c6: {  	s10 =	sadd.s32 $0x60, s10;
	s23 =	rddreg [dreg:$0x10];
	s20 =	sadd.s32 $0x80, s22  }
0x1c7: {  	[hbm4b:s20+s21] =	stream.strided.scatter [tilespmem:s23], [sflag:$0x4], $0x800, s24, s21, $0x38;
	[tilespmem:$0x13800] =	vst v63  }
0x1c8: {  	s13 =	sadd.s32 $0xC0, s13;
	s25 =	rddreg [dreg:$0x11];
	s22 =	sadd.s32 $0x100, s22  }
0x1c9: {  	[hbm4b:s22+s21] =	stream.strided.scatter [tilespmem:s25], [sflag:$0x4], $0x800, s24, s21, $0x38;
	[tilespmem:$0x13800] =	vst v63  }
0x1ca: {  	s14 =	sadd.s32 $0x200, s14;
	s29 =	rddreg [dreg:$0x15];
	s19 =	sadd.s32 s19, s26  }
0x1cb: {  	[hbm4b:s19+s21] =	stream.strided.scatter [tilespmem:s31], [sflag:$0x4], $0x800, s18, s21, $0x38;
	[tilespmem:$0x13800] =	vst v63  }
0x1cc: {  	s12 =	sadd.s32 $0x400, s12;
	s20 =	rddreg [dreg:$0x12];
	s22 =	sadd.s32 $0x80, s19  }
0x1cd: {  	[hbm4b:s22+s21] =	stream.strided.scatter [tilespmem:s20], [sflag:$0x4], $0x800, s18, s21, $0x38;
	[tilespmem:$0x13800] =	vst v63  }
0x1ce: {  	s7 =	sadd.s32 $0x600, s7;
	s23 =	rddreg [dreg:$0x13];
	s25 =	sadd.s32 $0x100, s19  }
0x1cf: {  	[hbm4b:s25+s21] =	stream.strided.scatter [tilespmem:s23], [sflag:$0x4], $0x800, s18, s21, $0x38;
	[tilespmem:$0x13800] =	vst v63  }
.Ltmp1:
0x1d0: {  	s26 =	rddreg [dreg:$0x14];
	s20 =	sadd.s32 $0x180, s19;
	(pc) =	sbr.rel @p1 .LBB2_4-.Ltmp1, $4  }
0x1d1: {  	[hbm4b:s20+s21] =	stream.strided.scatter [tilespmem:s26], [sflag:$0x4], $0x800, s18, s21, $0x38;
	[tilespmem:$0x13800] =	vst v63  }
0x1d2: {  	s22 =	rddreg [dreg:$0x16];
	s25 =	sadd.s32 $0x200, s19;
	s23 =	sadd.s32 $0x280, s19  }
0x1d3: {  	[hbm4b:s25+s21] =	stream.strided.scatter [tilespmem:s29], [sflag:$0x4], $0x800, s18, s21, $0x38;
	[tilespmem:$0x13800] =	vst v63  }
0x1d4: {  	s26 =	simm.s32 $0x7800;
	s29 =	simm.s32 $0x20;
	s25 =	simm.s32 $0x10  }
0x1d5: {  	s17 =	simm.s32 @!p0 $0x4  }
0x1d6: {  	[hbm4b:s23+s21] =	stream.strided.scatter [tilespmem:s22], [sflag:$0x4], $0x800, s18, s21, $0x38;
	[tilespmem:$0x13800] =	vst v63  }
0x1d7: {  	_ =	swait.ge @!p0 [sflag:s17], $0x800  }
0x1d8: {  	[sflag:s17] =	ssyncset.done @!p0 $0x0  }
0x1d9: {  	[sflag:s17] =	ssyncadd.s32 @!p0 $0xFFFFF800  }
0x1da: {  	_ =	swait.ge @!p0 [sflag:s17], $0x800  }
0x1db: {  	[sflag:s17] =	ssyncset.done @!p0 $0x0  }
0x1dc: {  	[sflag:s17] =	ssyncadd.s32 @!p0 $0xFFFFF800  }
0x1dd: {  	_ =	swait.ge @!p0 [sflag:s17], $0x800  }
0x1de: {  	[sflag:s17] =	ssyncset.done @!p0 $0x0  }
0x1df: {  	[sflag:s17] =	ssyncadd.s32 @!p0 $0xFFFFF800  }
0x1e0: {  	_ =	swait.ge @!p0 [sflag:s17], $0x800  }
0x1e1: {  	[sflag:s17] =	ssyncset.done @!p0 $0x0  }
0x1e2: {  	[sflag:s17] =	ssyncadd.s32 @!p0 $0xFFFFF800  }
0x1e3: {  	_ =	swait.ge @!p0 [sflag:s17], $0x800  }
0x1e4: {  	[sflag:s17] =	ssyncset.done @!p0 $0x0  }
0x1e5: {  	[sflag:s17] =	ssyncadd.s32 @!p0 $0xFFFFF800  }
0x1e6: {  	_ =	swait.ge @!p0 [sflag:s17], $0x800  }
0x1e7: {  	[sflag:s17] =	ssyncset.done @!p0 $0x0  }
0x1e8: {  	[sflag:s17] =	ssyncadd.s32 @!p0 $0xFFFFF800  }
0x1e9: {  	_ =	swait.ge @!p0 [sflag:s17], $0x800  }
0x1ea: {  	[sflag:s17] =	ssyncset.done @!p0 $0x0  }
0x1eb: {  	[sflag:s17] =	ssyncadd.s32 @!p0 $0xFFFFF800  }
0x1ec: {  	_ =	swait.ge @!p0 [sflag:s17], $0x800  }
0x1ed: {  	[sflag:s17] =	ssyncset.done @!p0 $0x0  }
0x1ee: {  	[sflag:s17] =	ssyncadd.s32 @!p0 $0xFFFFF800  }
0x1ef: {  	_ =	swait.ge @!p0 [sflag:s17], $0x800  }
0x1f0: {  	[sflag:s17] =	ssyncset.done @!p0 $0x0  }
0x1f1: {  	[sflag:s17] =	ssyncadd.s32 @!p0 $0xFFFFF800  }
0x1f2: {  	_ =	swait.ge @!p0 [sflag:s17], $0x800  }
0x1f3: {  	[sflag:s17] =	ssyncset.done @!p0 $0x0  }
0x1f4: {  	[sflag:s17] =	ssyncadd.s32 @!p0 $0xFFFFF800  }
0x1f5: {  	_ =	swait.ge @!p0 [sflag:s17], $0x800  }
0x1f6: {  	[sflag:s17] =	ssyncset.done @!p0 $0x0  }
0x1f7: {  	[sflag:s17] =	ssyncadd.s32 @!p0 $0xFFFFF800  }
0x1f8: {  	_ =	swait.ge @!p0 [sflag:s17], $0x800  }
0x1f9: {  	[sflag:s17] =	ssyncset.done @!p0 $0x0  }
0x1fa: {  	[sflag:s17] =	ssyncadd.s32 @!p0 $0xFFFFF800  }
0x1fb: {  	[tilespmem:s0], [sflag:$0x2] =	stream.indirect.gather [hbm4b:s3+s25], $0x80, s9, s25, $0xb8;
	[tilespmem:$0x13800] =	vst v63  }
0x1fc: {  	_ = 	snop  }
0x1fd: {  	[tilespmem:s2], [sflag:$0x2] =	stream.indirect.gather [hbm4b:s4+s29], $0x80, s8, s29, $0xb8;
	[tilespmem:$0x13800] =	vst v63  }
0x1fe: {  	s20 =	simm.s32 $0x30  }
0x1ff: {  	[tilespmem:s1], [sflag:$0x2] =	stream.indirect.gather [hbm4b:s5+s20], $0x80, s10, s20, $0xb8;
	[tilespmem:$0x13800] =	vst v63  }
0x200: {  	s22 =	simm.s32 $0x60  }
0x201: {  	[tilespmem:s31], [sflag:$0x2] =	stream.indirect.gather [hbm4b:s6+s22], $0x80, s13, s22, $0xb8;
	[tilespmem:$0x13800] =	vst v63  }
0x202: {  	_ =	swait.ge [sflag:s16], $0x800  }
0x203: {  	[sflag:s16] =	ssyncset.done $0x0  }
0x204: {  	[sflag:s16] =	ssyncadd.s32 $0xFFFFF800  }
0x205: {  	_ =	swait.ge [sflag:s16], $0x1000  }
0x206: {  	[sflag:s16] =	ssyncset.done $0x0  }
0x207: {  	[sflag:s16] =	ssyncadd.s32 $0xFFFFF000  }
0x208: {  	_ =	swait.ge [sflag:s16], $0x1800  }
0x209: {  	[sflag:s16] =	ssyncset.done $0x0  }
0x20a: {  	[sflag:s16] =	ssyncadd.s32 $0xFFFFE800  }
0x20b: {  	_ =	swait.ge [sflag:s16], $0x3000  }
0x20c: {  	[sflag:s16] =	ssyncset.done $0x0  }
0x20d: {  	[sflag:s16] =	ssyncadd.s32 $0xFFFFD000  }
0x20e: {  	[hbm4b:s14+s30] =	stream.linear.scatter [tilespmem:s26], [sflag:$0x3], $0x800, $0x38;
	[tilespmem:$0x13800] =	vst v63  }
0x20f: {  	s20 =	simm.s32 $0x8800;
	s23 =	rddreg [dreg:$0x4]  }
0x210: {  	[hbm4b:s12+s21] =	stream.strided.scatter [tilespmem:s20], [sflag:$0x3], $0x800, s15, s21, $0x38;
	[tilespmem:$0x13800] =	vst v63  }
0x211: {  	s22 =	sadd.s32 $0x80, s12;
	s19 =	rddreg [dreg:$0x7]  }
0x212: {  	[hbm4b:s22+s21] =	stream.strided.scatter [tilespmem:s19], [sflag:$0x3], $0x800, s15, s21, $0x38;
	[tilespmem:$0x13800] =	vst v63  }
0x213: {  	s17 =	sadd.s32 s7, s23;
	s23 =	simm.s32 $0xA800;
	s20 =	rddreg [dreg:$0x3]  }
0x214: {  	[hbm4b:s17+s21] =	stream.strided.scatter [tilespmem:s23], [sflag:$0x3], $0x800, s24, s21, $0x38;
	[tilespmem:$0x13800] =	vst v63  }
0x215: {  	s19 =	rddreg [dreg:$0x8];
	s22 =	sadd.s32 $0x80, s17  }
0x216: {  	[hbm4b:s22+s21] =	stream.strided.scatter [tilespmem:s19], [sflag:$0x3], $0x800, s24, s21, $0x38;
	[tilespmem:$0x13800] =	vst v63  }
0x217: {  	s23 =	rddreg [dreg:$0x9];
	s17 =	sadd.s32 $0x100, s17  }
0x218: {  	[hbm4b:s17+s21] =	stream.strided.scatter [tilespmem:s23], [sflag:$0x3], $0x800, s24, s21, $0x38;
	[tilespmem:$0x13800] =	vst v63  }
0x219: {  	s22 =	simm.s32 $0xD800;
	s17 =	sadd.s32 s11, s20  }
0x21a: {  	[hbm4b:s17+s21] =	stream.strided.scatter [tilespmem:s22], [sflag:$0x3], $0x800, s18, s21, $0x38;
	[tilespmem:$0x13800] =	vst v63  }
0x21b: {  	s19 =	rddreg [dreg:$0xa];
	s23 =	sadd.s32 $0x80, s17  }
0x21c: {  	[hbm4b:s23+s21] =	stream.strided.scatter [tilespmem:s19], [sflag:$0x3], $0x800, s18, s21, $0x38;
	[tilespmem:$0x13800] =	vst v63  }
0x21d: {  	s22 =	rddreg [dreg:$0xb];
	s23 =	sadd.s32 $0x100, s17  }
0x21e: {  	[hbm4b:s23+s21] =	stream.strided.scatter [tilespmem:s22], [sflag:$0x3], $0x800, s18, s21, $0x38;
	[tilespmem:$0x13800] =	vst v63  }
0x21f: {  	s20 =	rddreg [dreg:$0xc];
	s23 =	sadd.s32 $0x180, s17  }
0x220: {  	[hbm4b:s23+s21] =	stream.strided.scatter [tilespmem:s20], [sflag:$0x3], $0x800, s18, s21, $0x38;
	[tilespmem:$0x13800] =	vst v63  }
0x221: {  	s22 =	rddreg [dreg:$0xd];
	s20 =	sadd.s32 $0x200, s17  }
0x222: {  	[hbm4b:s20+s21] =	stream.strided.scatter [tilespmem:s22], [sflag:$0x3], $0x800, s18, s21, $0x38;
	[tilespmem:$0x13800] =	vst v63  }
0x223: {  	p0 =	seq.s32 s11, $0x2F400;
	s23 =	rddreg [dreg:$0xe];
	s17 =	sadd.s32 $0x280, s17  }
0x224: {  	[hbm4b:s17+s21] =	stream.strided.scatter [tilespmem:s23], [sflag:$0x3], $0x800, s18, s21, $0x38;
	[tilespmem:$0x13800] =	vst v63  }
0x225: {  	s17 =	simm.s32 @!p0 $0x3  }
0x226: {  	_ =	swait.ge @!p0 [sflag:s17], $0x800  }
0x227: {  	[sflag:s17] =	ssyncset.done @!p0 $0x0  }
0x228: {  	[sflag:s17] =	ssyncadd.s32 @!p0 $0xFFFFF800  }
0x229: {  	_ =	swait.ge @!p0 [sflag:s17], $0x800  }
0x22a: {  	[sflag:s17] =	ssyncset.done @!p0 $0x0  }
0x22b: {  	[sflag:s17] =	ssyncadd.s32 @!p0 $0xFFFFF800  }
0x22c: {  	_ =	swait.ge @!p0 [sflag:s17], $0x800  }
0x22d: {  	[sflag:s17] =	ssyncset.done @!p0 $0x0  }
0x22e: {  	[sflag:s17] =	ssyncadd.s32 @!p0 $0xFFFFF800  }
0x22f: {  	_ =	swait.ge @!p0 [sflag:s17], $0x800  }
0x230: {  	[sflag:s17] =	ssyncset.done @!p0 $0x0  }
0x231: {  	[sflag:s17] =	ssyncadd.s32 @!p0 $0xFFFFF800  }
0x232: {  	_ =	swait.ge @!p0 [sflag:s17], $0x800  }
0x233: {  	[sflag:s17] =	ssyncset.done @!p0 $0x0  }
0x234: {  	[sflag:s17] =	ssyncadd.s32 @!p0 $0xFFFFF800  }
0x235: {  	_ =	swait.ge @!p0 [sflag:s17], $0x800  }
0x236: {  	[sflag:s17] =	ssyncset.done @!p0 $0x0  }
0x237: {  	[sflag:s17] =	ssyncadd.s32 @!p0 $0xFFFFF800  }
0x238: {  	_ =	swait.ge @!p0 [sflag:s17], $0x800  }
0x239: {  	[sflag:s17] =	ssyncset.done @!p0 $0x0  }
0x23a: {  	[sflag:s17] =	ssyncadd.s32 @!p0 $0xFFFFF800  }
0x23b: {  	_ =	swait.ge @!p0 [sflag:s17], $0x800  }
0x23c: {  	[sflag:s17] =	ssyncset.done @!p0 $0x0  }
0x23d: {  	[sflag:s17] =	ssyncadd.s32 @!p0 $0xFFFFF800  }
0x23e: {  	_ =	swait.ge @!p0 [sflag:s17], $0x800  }
0x23f: {  	[sflag:s17] =	ssyncset.done @!p0 $0x0  }
0x240: {  	[sflag:s17] =	ssyncadd.s32 @!p0 $0xFFFFF800  }
0x241: {  	_ =	swait.ge @!p0 [sflag:s17], $0x800  }
0x242: {  	[sflag:s17] =	ssyncset.done @!p0 $0x0  }
0x243: {  	[sflag:s17] =	ssyncadd.s32 @!p0 $0xFFFFF800  }
0x244: {  	_ =	swait.ge @!p0 [sflag:s17], $0x800  }
0x245: {  	[sflag:s17] =	ssyncset.done @!p0 $0x0  }
0x246: {  	[sflag:s17] =	ssyncadd.s32 @!p0 $0xFFFFF800  }
0x247: {  	_ =	swait.ge @!p0 [sflag:s17], $0x800  }
0x248: {  	s9 =	sadd.s32 @!p0 $0x10, s9;
	[sflag:s17] =	ssyncset.done @!p0 $0x0  }
0x249: {  	s19 =	simm.s32 @!p0 $0x7800;
	[sflag:s17] =	ssyncadd.s32 @!p0 $0xFFFFF800;
	s17 =	simm.s32 @!p0 $0x10  }
0x24a: {  	[tilespmem:s19], [sflag:$0x1] =	stream.indirect.gather @!p0 [hbm4b:s3+s17], $0x80, s9, s17, $0xb8;
	[tilespmem:$0x13800] =	vst v63  }
0x24b: {  	s8 =	sadd.s32 @!p0 $0x20, s8;
	s9 =	simm.s32 @!p0 $0x8800;
	s17 =	simm.s32 @!p0 $0x20  }
0x24c: {  	[tilespmem:s9], [sflag:$0x1] =	stream.indirect.gather @!p0 [hbm4b:s4+s17], $0x80, s8, s17, $0xb8;
	[tilespmem:$0x13800] =	vst v63  }
0x24d: {  	s8 =	sadd.s32 @!p0 $0x30, s10;
	s9 =	simm.s32 @!p0 $0x30;
	s10 =	simm.s32 @!p0 $0xA800  }
0x24e: {  	[tilespmem:s10], [sflag:$0x1] =	stream.indirect.gather @!p0 [hbm4b:s5+s9], $0x80, s8, s9, $0xb8;
	[tilespmem:$0x13800] =	vst v63  }
0x24f: {  	s8 =	sadd.s32 @!p0 $0x60, s13;
	s9 =	simm.s32 @!p0 $0x60;
	s10 =	simm.s32 @!p0 $0xD800  }
0x250: {  	[tilespmem:s10], [sflag:$0x1] =	stream.indirect.gather @!p0 [hbm4b:s6+s9], $0x80, s8, s9, $0xb8;
	[tilespmem:$0x13800] =	vst v63  }
0x251: {  	_ =	swait.ge [sflag:s28], $0x800  }
0x252: {  	[sflag:s28] =	ssyncset.done $0x0  }
0x253: {  	[sflag:s28] =	ssyncadd.s32 $0xFFFFF800  }
0x254: {  	_ =	swait.ge [sflag:s28], $0x1000  }
0x255: {  	[sflag:s28] =	ssyncset.done $0x0  }
0x256: {  	[sflag:s28] =	ssyncadd.s32 $0xFFFFF000  }
0x257: {  	_ =	swait.ge [sflag:s28], $0x1800  }
0x258: {  	[sflag:s28] =	ssyncset.done $0x0  }
0x259: {  	[sflag:s28] =	ssyncadd.s32 $0xFFFFE800  }
0x25a: {  	_ =	swait.ge [sflag:s28], $0x3000  }
0x25b: {  	[sflag:s28] =	ssyncset.done $0x0  }
0x25c: {  	s23 =	sadd.s32 $0x100, s14;
	[sflag:s28] =	ssyncadd.s32 $0xFFFFD000  }
0x25d: {  	[hbm4b:s23+s30] =	stream.linear.scatter [tilespmem:s0], [sflag:$0x4], $0x800, $0x38;
	[tilespmem:$0x13800] =	vst v63  }
0x25e: {  	s9 =	sadd.s32 $0x200, s12;
	s10 =	rddreg [dreg:$0xf]  }
0x25f: {  	[hbm4b:s9+s21] =	stream.strided.scatter [tilespmem:s2], [sflag:$0x4], $0x800, s15, s21, $0x38;
	[tilespmem:$0x13800] =	vst v63  }
0x260: {  	s14 =	sadd.s32 $0x280, s12;
	s13 =	rddreg [dreg:$0x5]  }
0x261: {  	[hbm4b:s14+s21] =	stream.strided.scatter [tilespmem:s10], [sflag:$0x4], $0x800, s15, s21, $0x38;
	[tilespmem:$0x13800] =	vst v63  }
0x262: {  	s19 =	rddreg [dreg:$0x10];
	s17 =	sadd.s32 s7, s13  }
0x263: {  	[hbm4b:s17+s21] =	stream.strided.scatter [tilespmem:s1], [sflag:$0x4], $0x800, s24, s21, $0x38;
	[tilespmem:$0x13800] =	vst v63  }
0x264: {  	s22 =	rddreg [dreg:$0x11];
	s20 =	sadd.s32 $0x80, s17  }
0x265: {  	[hbm4b:s20+s21] =	stream.strided.scatter [tilespmem:s19], [sflag:$0x4], $0x800, s24, s21, $0x38;
	[tilespmem:$0x13800] =	vst v63  }
0x266: {  	s23 =	rddreg [dreg:$0x6];
	s7 =	sadd.s32 $0x100, s17  }
0x267: {  	[hbm4b:s7+s21] =	stream.strided.scatter [tilespmem:s22], [sflag:$0x4], $0x800, s24, s21, $0x38;
	[tilespmem:$0x13800] =	vst v63  }
0x268: {  	s0 =	sadd.s32 s11, s23  }
0x269: {  	[hbm4b:s0+s21] =	stream.strided.scatter [tilespmem:s31], [sflag:$0x4], $0x800, s18, s21, $0x38;
	[tilespmem:$0x13800] =	vst v63  }
0x26a: {  	s9 =	sadd.s32 $0x80, s0;
	s1 =	rddreg [dreg:$0x12]  }
0x26b: {  	[hbm4b:s9+s21] =	stream.strided.scatter [tilespmem:s1], [sflag:$0x4], $0x800, s18, s21, $0x38;
	[tilespmem:$0x13800] =	vst v63  }
0x26c: {  	s2 =	rddreg [dreg:$0x13];
	s9 =	sadd.s32 $0x100, s0  }
0x26d: {  	[hbm4b:s9+s21] =	stream.strided.scatter [tilespmem:s2], [sflag:$0x4], $0x800, s18, s21, $0x38;
	[tilespmem:$0x13800] =	vst v63  }
0x26e: {  	s11 =	rddreg [dreg:$0x14];
	s12 =	sadd.s32 $0x180, s0  }
0x26f: {  	[hbm4b:s12+s21] =	stream.strided.scatter [tilespmem:s11], [sflag:$0x4], $0x800, s18, s21, $0x38;
	[tilespmem:$0x13800] =	vst v63  }
0x270: {  	s13 =	rddreg [dreg:$0x15];
	s14 =	sadd.s32 $0x200, s0  }
0x271: {  	[hbm4b:s14+s21] =	stream.strided.scatter [tilespmem:s13], [sflag:$0x4], $0x800, s18, s21, $0x38;
	[tilespmem:$0x13800] =	vst v63  }
0x272: {  	s17 =	rddreg [dreg:$0x16];
	s19 =	simm.s32 $0x3;
	s7 =	sadd.s32 $0x280, s0  }
0x273: {  	[hbm4b:s7+s21] =	stream.strided.scatter [tilespmem:s17], [sflag:$0x4], $0x800, s18, s21, $0x38;
	[tilespmem:$0x13800] =	vst v63  }
0x274: {  	_ =	swait.ge [sflag:s19], $0x800  }
0x275: {  	[sflag:s19] =	ssyncset.done $0x0  }
0x276: {  	[sflag:s19] =	ssyncadd.s32 $0xFFFFF800  }
0x277: {  	_ =	swait.ge [sflag:s19], $0x800  }
0x278: {  	[sflag:s19] =	ssyncset.done $0x0  }
0x279: {  	[sflag:s19] =	ssyncadd.s32 $0xFFFFF800  }
0x27a: {  	_ =	swait.ge [sflag:s19], $0x800  }
0x27b: {  	[sflag:s19] =	ssyncset.done $0x0  }
0x27c: {  	[sflag:s19] =	ssyncadd.s32 $0xFFFFF800  }
0x27d: {  	_ =	swait.ge [sflag:s19], $0x800  }
0x27e: {  	[sflag:s19] =	ssyncset.done $0x0  }
0x27f: {  	[sflag:s19] =	ssyncadd.s32 $0xFFFFF800  }
0x280: {  	_ =	swait.ge [sflag:s19], $0x800  }
0x281: {  	[sflag:s19] =	ssyncset.done $0x0  }
0x282: {  	[sflag:s19] =	ssyncadd.s32 $0xFFFFF800  }
0x283: {  	_ =	swait.ge [sflag:s19], $0x800  }
0x284: {  	[sflag:s19] =	ssyncset.done $0x0  }
0x285: {  	[sflag:s19] =	ssyncadd.s32 $0xFFFFF800  }
0x286: {  	_ =	swait.ge [sflag:s19], $0x800  }
0x287: {  	[sflag:s19] =	ssyncset.done $0x0  }
0x288: {  	[sflag:s19] =	ssyncadd.s32 $0xFFFFF800  }
0x289: {  	_ =	swait.ge [sflag:s19], $0x800  }
0x28a: {  	[sflag:s19] =	ssyncset.done $0x0  }
0x28b: {  	[sflag:s19] =	ssyncadd.s32 $0xFFFFF800  }
0x28c: {  	_ =	swait.ge [sflag:s19], $0x800  }
0x28d: {  	[sflag:s19] =	ssyncset.done $0x0  }
0x28e: {  	[sflag:s19] =	ssyncadd.s32 $0xFFFFF800  }
0x28f: {  	_ =	swait.ge [sflag:s19], $0x800  }
0x290: {  	[sflag:s19] =	ssyncset.done $0x0  }
0x291: {  	[sflag:s19] =	ssyncadd.s32 $0xFFFFF800  }
0x292: {  	_ =	swait.ge [sflag:s19], $0x800  }
0x293: {  	[sflag:s19] =	ssyncset.done $0x0  }
0x294: {  	[sflag:s19] =	ssyncadd.s32 $0xFFFFF800  }
0x295: {  	_ =	swait.ge [sflag:s19], $0x800  }
0x296: {  	[sflag:s19] =	ssyncset.done $0x0  }
0x297: {  	s20 =	simm.s32 $0x4;
	[sflag:s19] =	ssyncadd.s32 $0xFFFFF800  }
0x298: {  	_ =	swait.ge [sflag:s20], $0x800  }
0x299: {  	[sflag:s20] =	ssyncset.done $0x0  }
0x29a: {  	[sflag:s20] =	ssyncadd.s32 $0xFFFFF800  }
0x29b: {  	_ =	swait.ge [sflag:s20], $0x800  }
0x29c: {  	[sflag:s20] =	ssyncset.done $0x0  }
0x29d: {  	[sflag:s20] =	ssyncadd.s32 $0xFFFFF800  }
0x29e: {  	_ =	swait.ge [sflag:s20], $0x800  }
0x29f: {  	[sflag:s20] =	ssyncset.done $0x0  }
0x2a0: {  	[sflag:s20] =	ssyncadd.s32 $0xFFFFF800  }
0x2a1: {  	_ =	swait.ge [sflag:s20], $0x800  }
0x2a2: {  	[sflag:s20] =	ssyncset.done $0x0  }
0x2a3: {  	[sflag:s20] =	ssyncadd.s32 $0xFFFFF800  }
0x2a4: {  	_ =	swait.ge [sflag:s20], $0x800  }
0x2a5: {  	[sflag:s20] =	ssyncset.done $0x0  }
0x2a6: {  	[sflag:s20] =	ssyncadd.s32 $0xFFFFF800  }
0x2a7: {  	_ =	swait.ge [sflag:s20], $0x800  }
0x2a8: {  	[sflag:s20] =	ssyncset.done $0x0  }
0x2a9: {  	[sflag:s20] =	ssyncadd.s32 $0xFFFFF800  }
0x2aa: {  	_ =	swait.ge [sflag:s20], $0x800  }
0x2ab: {  	[sflag:s20] =	ssyncset.done $0x0  }
0x2ac: {  	[sflag:s20] =	ssyncadd.s32 $0xFFFFF800  }
0x2ad: {  	_ =	swait.ge [sflag:s20], $0x800  }
0x2ae: {  	[sflag:s20] =	ssyncset.done $0x0  }
0x2af: {  	[sflag:s20] =	ssyncadd.s32 $0xFFFFF800  }
0x2b0: {  	_ =	swait.ge [sflag:s20], $0x800  }
0x2b1: {  	[sflag:s20] =	ssyncset.done $0x0  }
0x2b2: {  	[sflag:s20] =	ssyncadd.s32 $0xFFFFF800  }
0x2b3: {  	_ =	swait.ge [sflag:s20], $0x800  }
0x2b4: {  	[sflag:s20] =	ssyncset.done $0x0  }
0x2b5: {  	[sflag:s20] =	ssyncadd.s32 $0xFFFFF800  }
0x2b6: {  	_ =	swait.ge [sflag:s20], $0x800  }
0x2b7: {  	[sflag:s20] =	ssyncset.done $0x0  }
0x2b8: {  	[sflag:s20] =	ssyncadd.s32 $0xFFFFF800  }
0x2b9: {  	_ =	swait.ge [sflag:s20], $0x800  }
0x2ba: {  	s22 =	rddreg [dreg:$0x1e]  }
0x2bb: {  	s23 =	rddreg [dreg:$0x1b];
	s1 =	sadd.s32 $0x1, s22  }
0x2bc: {  	p0 =	sne.s32 s1, s23  }
.Ltmp2:
0x2bd: {  	_ = 	snop;
	(pc) =	sbr.rel @p0 .LBB2_1-.Ltmp2, $4  }
0x2be: {  	s30 =	simm.s32 $0x8000  }
0x2bf: {  	s31 =	simm.s32 $0x9800;
	s0 =	simm.s32 $0xA800;
	[sflag:s20] =	ssyncset.done $0x0  }
0x2c0: {  	s2 =	simm.s32 $0x8800;
	s19 =	simm.s32 $0x30;
	[sflag:s20] =	ssyncadd.s32 $0xFFFFF800  }
0x2c1: {  	s22 =	simm.s32 $0x0;
	s20 =	simm.s32 $0x60;
	s23 =	simm.s32 $0xD800  }
0x2c2: {  	_ =	sfence.sel $0x180000  }
0x2c3: {  	[bflag:$0x0] =	sbarrier.arrive $0xFFFF  }
0x2c4: {  	_ =	strace $0x9000004A  }
0x2c5: {  	s0 =	stileid.u32;
	[bflag:$0x2] =	sbarrier.arrive $0xFFFF  }
0x2c6: {  	p0 =	sne.s32 s0, $0x0;
	s0 =	rddreg [dreg:$0x2]  }
0x2c7: {  	s0 =	sadd.s32 @!p0 $0x100000, s0  }
0x2c8: {  	[sflag:s0] =	ssyncadd.tile.s32 @!p0 $0x1;
	_ =	shalt  }
.Lfunc_end2:
_tile_overlayer_lowered:
.L_overlay_start_2:
0x2c9: {  	(tag) =	ssettag $0x2  }
0x2ca: {  	s0 =	rddreg [dreg:$0x0];
	s2 =	stileid.u32  }
0x2cb: {  	s1 =	rddreg [dreg:$0x1];
	p0 =	sne.s32 s2, $0x0  }
0x2cc: {  	s3 =	rddreg [dreg:$0x2];
	[bflag:$0x3] =	sbarrier.arrive $0xFFFF;
	s2 =	simm.s32 @!p0 $0x1C05  }
0x2cd: {  	[timem:s3], [sflag:s2] =	dma.local @!p0 [hbm:s0], s1  }
0x2ce: {  	s0 =	simm.s32 @!p0 $0x5  }
0x2cf: {  	_ =	swait.ge @!p0 [sflag:s0], s1  }
0x2d0: {  	s1 =	ssub.s32 @!p0 $0x0, s1;
	[sflag:s0] =	ssyncset.done @!p0 $0x0  }
0x2d1: {  	[sflag:s0] =	ssyncadd.s32 @!p0 s1  }
0x2d2: {  	[bflag:$0x3] =	sbarrier.arrive $0xFFFF  }
0x2d3: {  	_ =	shalt  }

// kernel: sparse-core-data-format-call.1.cloned.1.call-start
scs
called_computation.1_lowered:
.L_overlay_start_0:
0x0: {  	s2 =	sld [smem:$0x3FD9]  }
0x1: {  	s3 =	sld [smem:$0x3FFE];
	_ =	sdelay $0x1  }
0x2: {  	s1 =	srdreg.scid  }
0x3: {  	s0 =	sand.u32 $0x1, s1  }
0x4: {  	s19 =	sshll.u32 s0, $0xA;
	s2 =	sadd.s32 s3, s2  }
0x5: {  	s2 =	sadd.s32 s2, s19  }
0x6: {  	[smem:$0x3FC3] =	sst s2  }
0x7: {  	_ = 	snop  }
0x8: {  	s2 =	sld [smem:$0x3FC9]  }
0x9: {  	s20 =	sld [smem:$0x3FD0];
	(tm) =	ssettm $0x1  }
0xa: {  	s4 =	sld [smem:$0x3FFB];
	_ =	sdelay $0x3  }
0xb: {  	_ =	strace s4  }
0xc: {  	s4 =	sld [smem:$0x3FFC];
	_ =	sdelay $0x3  }
0xd: {  	_ =	strace s4  }
0xe: {  	s4 =	sld [smem:$0x3FFD];
	_ =	sdelay $0x3  }
0xf: {  	_ =	strace s4  }
0x10: {  	_ =	strace $0x8FFFFFFF  }
0x11: {  	s21 =	sld [smem:$0x3FDB];
	_ =	sdelay $0x1  }
0x12: {  	s5 =	simm.s32 $_scs_section_size  }
0x13: {  	s6 =	simm.s32 $_size__tile_overlayer_lowered;
	s7 =	simm.s32 $_tile_overlayer_lowered  }
0x14: {  	s24 =	simm.s32 $0x1BFF;
	s23 =	sshll.u32 s7, $0x1;
	s4 =	sadd.s32 s5, s21  }
0x15: {  	s8 =	simm.s32 $0x0;
	s22 =	sshll.u32 s6, $0x1;
	s6 =	sadd.s32 s23, s4  }
0x16: {  	[timem:s8], [sflag:s24] =	dma.local [hbm:s6], s22  }
0x17: {  	_ =	swait.ge [sflag:s24], s22  }
0x18: {  	s5 =	ssub.s32 $0x0, s22;
	[sflag:s24] =	ssyncset.done $0x0  }
0x19: {  	[sflag:s24] =	ssyncadd.s32 s5;
	_ =	sdelay $0x1  }
0x1a: {  	s25 =	simm.s32 $0x1B8B  }
0x1b: {  	_ =	swait.ge [sflag:s25], $0x1  }
0x1c: {  	[sflag:s25] =	ssyncset.done $0x0  }
0x1d: {  	s26 =	simm.s32 $0x1B8E;
	[sflag:s25] =	ssyncadd.s32 $0xFFFFFFFF  }
0x1e: {  	s27 =	simm.s32 $execute0_lowered;
	[smem:$0x3FD2] =	sst s26  }
0x1f: {  	s5 =	sshll.u32 s27, $0x1;
	_ =	strace $0x80000046;
	[dreg:$0x1] =	wrdreg $0xFFFFFFFF  }
0x20: {  	s28 =	simm.s32 $_size_execute0_lowered;
	s4 =	sadd.s32 s4, s5;
	[dreg:$0x0] =	wrdreg $0x0  }
0x21: {  	s5 =	sshll.u32 s28, $0x1;
	[dreg:$0x2] =	wrdreg s4  }
0x22: {  	[dreg:$0x3] =	wrdreg s5  }
0x23: {  	[dreg:$0x4] =	wrdreg $0xC0  }
0x24: {  	_ =	task [dreg:s8], $0x5FFFF  }
0x25: {  	[dreg:$0x1] =	wrdreg $0xFFFFFFFF  }
0x26: {  	[dreg:$0x0] =	wrdreg $0x60  }
0x27: {  	[dreg:$0x2] =	wrdreg s2  }
0x28: {  	[dreg:$0x3] =	wrdreg s20  }
0x29: {  	[dreg:$0x4] =	wrdreg $0x9  }
0x2a: {  	_ =	task.clear_ibuf [dreg:s8], $0x5FFFF;
	_ =	strace $0x90000046  }
0x2b: {  	s29 =	simm.s32 $0x9;
	_ =	strace $0x80000048  }
0x2c: {  	_ =	swait.ge [sflag:s29], $0x1  }
0x2d: {  	[sflag:s29] =	ssyncadd.s32 $0xFFFFFFFF  }
0x2e: {  	_ =	strace $0x90000048  }
0x2f: {  	_ =	sfence  }
0x30: {  	s30 =	sld [smem:$0x0];
	_ =	sdelay $0x2  }
0x31: {  	s31 =	sshll.u32 s1, $0xD;
	s1 =	sshrl.u32 s1, $0x2  }
0x32: {  	s3 =	sand.u32 $0x4000, s31;
	s1 =	sadd.s32 s1, s30  }
0x33: {  	s0 =	sor.u32 s3, s0;
	s1 =	sshll.u32 s1, $0x11  }
0x34: {  	s0 =	sor.u32 s1, s0  }
0x35: {  	s0 =	sadd.s32 $0x8F2B, s0  }
0x36: {  	[sflag:s0] =	ssyncadd.remote.s32 $0x1  }
0x37: {  	_ =	sfence.sel $0xFFFF  }
0x38: {  	[dreg:$0x0] =	wrdreg $0xFFFFFFFF;
	(pc) =	sbr.abs _section_cstart, $3  }
0x39: {  	[dreg:$0x1] =	wrdreg $0xFFFFFFFF  }
0x3a: {  	_ =	task.clear_ibuf [dreg:s8], $0x2FFFF;
	_ =	strace $0x9FFFFFFF  }
0x3b: {  	(tm) =	ssettm $0x7FFFFFFF  }
tec
execute0_lowered:
.L_overlay_start_1:
0x0: {  	(tag) =	ssettag $0x1  }
0x1: {  	s6 =	rddreg [dreg:$0x0];
	s0 =	srdreg.scid;
	_ =	strace $0x80000047  }
0x2: {  	s2 =	stileid.u32;
	s1 =	simm.s32 $0x1;
	s31 =	simm.s32 $0x2  }
0x3: {  	s17 =	simm.s32 $0x0;
	p0 =	por $0x0, $0x0;
	s16 =	simm.s32 $0x0  }
0x4: {  	s18 =	simm.s32 $0x0;
	s9 =	simm.s32 $0x0;
	s11 =	simm.s32 $0x0  }
.Ltmp0:
0x5: {  	s12 =	simm.s32 $0x0;
	s0 =	sshll.u32 s0, $0x4;
	(pc) =	sbr.rel .LBB1_1-.Ltmp0, $4  }
0x6: {  	s14 =	simm.s32 $0x0;
	s10 =	simm.s32 $0x0;
	s0 =	sand.u32 $0x10, s0  }
0x7: {  	[sflag:s1] =	ssyncpa.u1 $0x0;
	s7 =	sand.u32 $0x7, s2;
	s0 =	sor.u32 s2, s0  }
0x8: {  	[sflag:s31] =	ssyncpa.u1 $0x0;
	[dreg:$0x3] =	wrdreg s7;
	s8 =	sshrl.u32 s0, $0x3  }
0x9: {  	s15 =	smov.u32 s7;
	s13 =	smov.u32 s8;
	[dreg:$0x4] =	wrdreg s8  }
.LBB1_14:
0xa: {  	s11 =	rddreg [dreg:$0x7]  }
0xb: {  	s2 =	rddreg [dreg:$0x10]  }
0xc: {  	s3 =	rddreg [dreg:$0xf]  }
0xd: {  	s26 =	rddreg [dreg:$0x11]  }
0xe: {  	s12 =	rddreg [dreg:$0x8]  }
0xf: {  	s9 =	rddreg [dreg:$0x5]  }
0x10: {  	s5 =	rddreg [dreg:$0x1]  }
0x11: {  	s29 =	rddreg [dreg:$0x12]  }
0x12: {  	s6 =	rddreg [dreg:$0x0]  }
0x13: {  	s7 =	rddreg [dreg:$0x3]  }
0x14: {  	s8 =	rddreg [dreg:$0x4]  }
0x15: {  	s10 =	rddreg [dreg:$0x6]  }
0x16: {  	s13 =	rddreg [dreg:$0x9];
	p1 =	sgt.s32 s11, $0x0;
	s0 =	smov.u32 s11  }
0x17: {  	s14 =	rddreg [dreg:$0xa];
	s27 =	smul.u32 $0x31000, s12;
	s0 =	simm.s32 @!p1 $0x0  }
0x18: {  	s1 =	sshrl.u32 s11, $0x4;
	s28 =	smul.u32 $0x700, s9;
	s0 =	sadd.s32 s0, s2  }
0x19: {  	s1 =	sand.u32 $0x1FFFFF8, s1;
	p1 =	sgt.s32 s0, $0x7F;
	s0 =	ssub.s32 $0x80, s0  }
0x1a: {  	s15 =	rddreg [dreg:$0xb];
	s25 =	smulhi.u32 $0x2492493, s1;
	s0 =	simm.s32 @p1 $0x0  }
0x1b: {  	s16 =	rddreg [dreg:$0xc];
	s0 =	smul.u32 s0, s3  }
0x1c: {  	s17 =	rddreg [dreg:$0xd];
	s2 =	smul.u32 $0x70, s25  }
0x1d: {  	s18 =	rddreg [dreg:$0xe];
	s4 =	sshrl.u32 s11, $0x3;
	s0 =	smul.u32 s26, s0  }
0x1e: {  	s4 =	sand.u32 $0xF, s4;
	s3 =	sadd.s32 s5, s27;
	s5 =	smul.u32 $0x4080, s29  }
0x1f: {  	s1 =	ssub.s32 s1, s2;
	s2 =	sadd.s32 s28, s3;
	s0 =	smul.u32 $0x70, s0  }
0x20: {  	s31 =	sand.u32 $0x7, s11;
	s1 =	sshll.u32 s1, $0x4;
	s2 =	sadd.s32 s4, s2  }
0x21: {  	s30 =	sor.u32 $0x8000, s5;
	s1 =	sadd.s32 s1, s2;
	s0 =	sand.u32 $0x3FFFFFF0, s0  }
0x22: {  	[hbm4b:s1+s31] =	stream.linear.scatter [tilespmem:s30], [sflag:$0x2], s0, $0x20;
	[tilespmem:$0x10100] =	vst v63  }
.LBB1_15:
0x23: {  	p1 =	slt.u32 s10, $0x2  }
0x24: {  	p2 =	sgt.s32 @!p1 s18, $0x7  }
0x25: {  	s0 =	smov.u32 s18;
	s1 =	sshra.s32 @!p1 s18, $0x1F;
	p2 =	por !p2, p1  }
0x26: {  	s1 =	sand.u32 @!p1 s1, s18;
	s0 =	simm.s32 @p2 $0x7  }
0x27: {  	s0 =	ssub.s32 @!p1 s0, s1  }
0x28: {  	p3 =	sgt.s32 @!p1 s17, $0x6F;
	s2 =	sshra.s32 @!p1 s17, $0x1F;
	s1 =	sadd.s32 @!p1 $0xFFFFFFF9, s0  }
0x29: {  	p3 =	por !p3, p1;
	p2 =	sgt.s32 @!p1 s1, $0x0;
	s1 =	smov.u32 s17  }
0x2a: {  	s3 =	ssub.s32 @!p1 $0x0, s16;
	s2 =	sand.u32 @!p1 s2, s17;
	s1 =	simm.s32 @p3 $0x6F  }
0x2b: {  	s0 =	ssub.s32 @!p1 $0x8, s0;
	s1 =	ssub.s32 @!p1 s1, s2;
	s2 =	smin.u32 @!p1 s16, s3  }
0x2c: {  	s0 =	smul.u32 @!p1 $0x70, s0;
	p2 =	por !p2, p1;
	p3 =	sgt.s32 @!p1 s2, $0x7F  }
0x2d: {  	s3 =	sadd.s32 @!p1 $0xFFFFFF91, s1;
	s2 =	ssub.s32 @!p1 $0x80, s2;
	p3 =	por !p3, p1  }
0x2e: {  	s0 =	simm.s32 @!p2 $0x0;
	s2 =	simm.s32 @!p3 $0x0;
	p3 =	sgt.s32 @!p1 s3, $0x0  }
0x2f: {  	s1 =	ssub.s32 @!p1 $0x70, s1;
	p2 =	por !p3, p1;
	s0 =	smul.u32 @!p1 s2, s0  }
0x30: {  	s1 =	simm.s32 @!p2 $0x0  }
0x31: {  	s0 =	smul.u32 @!p1 s1, s0;
	s1 =	sadd.s32 $0x4, s13  }
0x32: {  	s3 =	smov.u32 s14;
	s2 =	sadd.s32 $0x80, s14;
	p2 =	sgt.s32 s1, $0x6F  }
0x33: {  	s3 =	smov.u32 @p2 s2  }
0x34: {  	s5 =	smov.u32 s15;
	s2 =	sadd.s32 $0x8, s15;
	p3 =	sgt.s32 s3, $0x5F  }
0x35: {  	s10 =	sadd.s32 $0x1, s10;
	p0 =	por !p0, !p0;
	s5 =	smov.u32 @p3 s2  }
0x36: {  	s4 =	simm.s32 @!p1 $0x2;
	s1 =	smov.u32 @p2 s8;
	p2 =	sgt.s32 s5, $0x7  }
0x37: {  	s18 =	smov.u32 s12;
	s5 =	smov.u32 @p2 s7;
	p2 =	sne.s32 s10, $0x1E  }
.Ltmp1:
0x38: {  	s12 =	smov.u32 s15;
	s17 =	smov.u32 s9;
	(pc) =	sbr.rel @!p2 .LBB1_16-.Ltmp1, $4  }
0x39: {  	s9 =	smov.u32 s13;
	s16 =	smov.u32 s11;
	s0 =	sand.u32 @!p1 $0x3FFFFFF0, s0  }
0x3a: {  	s11 =	smov.u32 s14;
	_ =	swait.ge @!p1 [sflag:s4], s0;
	s0 =	ssub.s32 @!p1 $0x0, s0  }
0x3b: {  	s13 =	smov.u32 s1;
	[sflag:s4] =	ssyncset.done @!p1 $0x0;
	s3 =	simm.s32 @p3 $0x0  }
0x3c: {  	[sflag:s4] =	ssyncadd.s32 @!p1 s0;
	s14 =	smov.u32 s3;
	s15 =	smov.u32 s5  }
.LBB1_1:
0x3d: {  	p1 =	sgt.u32 s10, $0x1B  }
0x3e: {  	s1 =	smov.u32 s15;
	s4 =	smov.u32 s14;
	p2 =	sgt.s32 @!p1 s15, $0x7  }
0x3f: {  	s0 =	sand.u32 @!p1 $0x1FFFFFF, s13;
	s3 =	sshra.s32 @!p1 s15, $0x1F;
	p2 =	por !p2, p1  }
0x40: {  	s5 =	sshra.s32 @!p1 s14, $0x1F;
	s1 =	simm.s32 @p2 $0x7;
	p2 =	sgt.s32 @!p1 s14, $0xFFFFFFE0  }
0x41: {  	s2 =	smulhi.u32 @!p1 $0x2492493, s0;
	s3 =	sand.u32 @!p1 s3, s15;
	p2 =	por !p2, p1  }
0x42: {  	s5 =	sand.u32 @!p1 s5, s14;
	s1 =	ssub.s32 @!p1 s1, s3;
	s4 =	simm.s32 @p2 $0xFFFFFFE0  }
0x43: {  	p2 =	sgt.s32 @!p1 s13, $0x6F;
	s1 =	sadd.s32 @!p1 $0xFFFFFFF9, s1;
	s3 =	ssub.s32 @!p1 s4, s5  }
0x44: {  	p2 =	por !p2, p1;
	s5 =	smov.u32 s13;
	s4 =	sadd.s32 @!p1 $0x20, s3  }
0x45: {  	s5 =	simm.s32 @p2 $0x6F;
	p3 =	sgt.s32 @!p1 s4, $0x7F;
	s4 =	sshra.s32 @!p1 s13, $0x1F  }
0x46: {  	p2 =	sgt.s32 @!p1 s1, $0x0;
	s1 =	sshll.u32 @!p1 s1, $0x7;
	s4 =	sand.u32 @!p1 s4, s13  }
0x47: {  	s3 =	ssub.s32 @!p1 $0x60, s3;
	s1 =	ssub.s32 @!p1 $0x80, s1;
	s4 =	ssub.s32 @!p1 s5, s4  }
0x48: {  	p2 =	por !p2, p1;
	p3 =	por !p3, p1;
	s5 =	sadd.s32 @!p1 $0xFFFFFF91, s4  }
0x49: {  	s1 =	simm.s32 @!p2 $0x0;
	s3 =	simm.s32 @!p3 $0x0;
	p3 =	sgt.s32 @!p1 s5, $0x0  }
0x4a: {  	s4 =	ssub.s32 @!p1 $0x70, s4;
	s1 =	smul.u32 @!p1 s3, s1;
	p2 =	por !p3, p1  }
0x4b: {  	s2 =	smul.u32 @!p1 $0x70, s2;
	s4 =	simm.s32 @!p2 $0x0  }
0x4c: {  	s1 =	smul.u32 @!p1 s4, s1  }
0x4d: {  	s4 =	smul.u32 @!p1 $0x2A000, s15  }
0x4e: {  	s0 =	ssub.s32 @!p1 s0, s2;
	s3 =	sxor.u32 @!p1 $0xFFFFFFFF, s10;
	s5 =	smul.u32 @!p1 $0x700, s14  }
0x4f: {  	s0 =	sshll.u32 @!p1 s0, $0x4;
	s3 =	sshll.u32 @!p1 s3, $0xE;
	s2 =	sadd.s32 @!p1 s6, s4  }
0x50: {  	s3 =	sand.u32 @!p1 $0x4000, s3;
	s1 =	sand.u32 @!p1 $0x3FFFFF80, s1;
	s2 =	sadd.s32 @!p1 s5, s2  }
0x51: {  	s4 =	simm.s32 @!p1 $0x3800;
	s0 =	sadd.s32 @!p1 s0, s2;
	s2 =	simm.s32 @!p1 $0x80  }
0x52: {  	[tilespmem:s3], [sflag:$0x1] =	stream.strided.gather @!p1 [hbm4b:s0+s2], s1, s4, s2, $0x38;
	[tilespmem:$0x10100] =	vst v63  }
0x53: {  	p1 =	seq.s32 s10, $0x0  }
0x54: {  	p2 =	seq.s32 @!p1 s10, $0x1D  }
0x55: {  	p1 =	por p1, p2  }
.Ltmp2:
0x56: {  	_ = 	snop;
	(pc) =	sbr.rel @p1 .LBB1_15-.Ltmp2, $1  }
0x57: {  	_ =	sdelay $0x3  }
0x58: {  	[dreg:$0xe] =	wrdreg s18  }
0x59: {  	[dreg:$0xd] =	wrdreg s17  }
0x5a: {  	[dreg:$0xc] =	wrdreg s16  }
0x5b: {  	[dreg:$0xb] =	wrdreg s15  }
0x5c: {  	[dreg:$0xa] =	wrdreg s14;
	p1 =	sgt.s32 s12, $0x7  }
0x5d: {  	s0 =	smov.u32 s12;
	s1 =	sshra.s32 s12, $0x1F;
	s25 =	ssub.s32 $0x0, s11  }
0x5e: {  	s2 =	sshra.s32 s11, $0x1F;
	p2 =	sgt.s32 s9, $0x6F;
	s3 =	smov.u32 s9  }
0x5f: {  	s4 =	sshra.s32 s9, $0x1F;
	p3 =	sgt.s32 s11, $0xFFFFFFE0;
	s5 =	smov.u32 s11  }
0x60: {  	s0 =	simm.s32 @!p1 $0x7;
	s1 =	sand.u32 s1, s12;
	s3 =	simm.s32 @!p2 $0x6F  }
0x61: {  	s4 =	sand.u32 s4, s9;
	s2 =	sand.u32 s25, s2;
	s5 =	simm.s32 @!p3 $0xFFFFFFE0  }
0x62: {  	s0 =	ssub.s32 s0, s1;
	s26 =	ssub.s32 s3, s4;
	[dreg:$0x10] =	wrdreg s2  }
0x63: {  	s27 =	sadd.s32 s2, s5;
	s2 =	sadd.s32 $0x1, s12;
	s1 =	sadd.s32 $0xFFFFFFF9, s0  }
0x64: {  	s4 =	ssub.s32 $0x8, s0;
	s28 =	sadd.s32 $0xFFFFFF91, s26;
	s29 =	sadd.s32 $0x20, s27  }
0x65: {  	p1 =	sgt.s32 s1, $0x0;
	p2 =	sgt.s32 s28, $0x0;
	s1 =	ssub.s32 $0x70, s26  }
0x66: {  	s0 =	ssub.s32 $0x60, s27;
	s4 =	simm.s32 @p1 $0x0;
	s1 =	simm.s32 @p2 $0x0  }
0x67: {  	p1 =	sgt.s32 s29, $0x7F;
	[dreg:$0x11] =	wrdreg s1;
	s1 =	smul.u32 s4, s1  }
0x68: {  	s3 =	sadd.s32 $0x80, s11;
	s0 =	simm.s32 @p1 $0x0;
	p1 =	slt.s32 s2, $0x8  }
0x69: {  	s2 =	simm.s32 @!p1 $0x8;
	p1 =	slt.s32 s3, $0x60;
	s0 =	smul.u32 s0, s1  }
0x6a: {  	s2 =	ssub.s32 s2, s12;
	s3 =	simm.s32 @!p1 $0x60;
	s1 =	sadd.s32 $0x1, s9  }
0x6b: {  	s22 =	ssub.s32 s3, s11;
	p2 =	slt.s32 s1, $0x70;
	p1 =	slt.s32 s2, $0x1  }
0x6c: {  	[dreg:$0x9] =	wrdreg s13;
	s1 =	simm.s32 @!p2 $0x70;
	p2 =	slt.s32 @!p1 s22, $0x1  }
0x6d: {  	[dreg:$0x8] =	wrdreg s12;
	s23 =	ssub.s32 s1, s9;
	p2 =	por p1, p2  }
0x6e: {  	[dreg:$0x7] =	wrdreg s11;
	p3 =	slt.s32 @!p2 s23, $0x1  }
0x6f: {  	[dreg:$0x5] =	wrdreg s9;
	p2 =	por p2, p3  }
.Ltmp3:
0x70: {  	[dreg:$0xf] =	wrdreg s4;
	s0 =	sshll.u32 s0, $0x7;
	(pc) =	sbr.rel @p2 .LBB1_14-.Ltmp3, $4  }
0x71: {  	s30 =	simm.s32 $0x1;
	[dreg:$0x13] =	wrdreg s2;
	s0 =	sand.u32 $0x3FFFFF80, s0  }
0x72: {  	s31 =	sand.u32 $0x1, s10;
	_ =	swait.ge [sflag:s30], s0  }
0x73: {  	s0 =	ssub.s32 $0x0, s0;
	[dreg:$0x6] =	wrdreg s10;
	[sflag:s30] =	ssyncset.done $0x0  }
0x74: {  	[dreg:$0x12] =	wrdreg s31;
	[sflag:s30] =	ssyncadd.s32 s0  }
0x75: {  	s0 =	simm.s32 $0x1  }
0x76: {  	s0 =	simm.s32 @!p0 $0x0  }
0x77: {  	s0 =	smul.u32 $0x10200, s0  }
.Ltmp4:
0x78: {  	_ = 	snop;
	(pc) =	sbr.rel .LBB1_4-.Ltmp4, $4  }
0x79: {  	s0 =	sshrl.u32 s0, $0x2  }
0x7a: {  	s24 =	sor.u32 $0x8000, s0;
	s0 =	rddreg [dreg:$0x12]  }
0x7b: {  	s0 =	sshll.u32 @!p1 s0, $0xE  }
0x7c: {  	s1 =	simm.s32 $0x0;
	[dreg:$0x14] =	wrdreg s0  }
.LBB1_13:
0x7d: {  	s1 =	rddreg [dreg:$0x15]  }
0x7e: {  	s0 =	rddreg [dreg:$0x13];
	s1 =	sadd.s32 $0x1, s1  }
0x7f: {  	p1 =	sne.s32 s1, s0  }
.Ltmp5:
0x80: {  	_ = 	snop;
	(pc) =	sbr.rel @!p1 .LBB1_14-.Ltmp5, $2  }
0x81: {  	_ =	sdelay $0x2  }
0x82: {  	s24 =	sadd.s32 $0x4080, s24  }
.LBB1_4:
0x83: {  	[dreg:$0x15] =	wrdreg s1  }
0x84: {  	s0 =	sshll.u32 s1, $0x10;
	s26 =	rddreg [dreg:$0x14];
	s28 =	simm.s32 $0x800  }
0x85: {  	s29 =	simm.s32 $0x1000;
	s30 =	simm.s32 $0x1800;
	s31 =	simm.s32 $0x2800  }
0x86: {  	s1 =	simm.s32 $0x0;
	s3 =	simm.s32 $0x0;
	s0 =	sshra.s32 s0, $0x2  }
0x87: {  	s2 =	simm.s32 $0x0;
	s27 =	sadd.s32 s0, s26;
	s0 =	simm.s32 $0x3000  }
.LBB1_5:
0x88: {  	s4 =	sshrl.u32 s1, $0xA  }
0x89: {  	s5 =	sshrl.u32 s28, $0xA;
	s6 =	sshrl.u32 s29, $0xA;
	s7 =	sand.u32 $0x7F, s3  }
0x8a: {  	s13 =	sshrl.u32 s30, $0xA;
	s16 =	sshrl.u32 s31, $0xA;
	s17 =	sshrl.u32 s0, $0xA  }
0x8b: {  	s11 =	sshrl.u32 s2, $0x4;
	s21 =	sshll.u32 s2, $0x9;
	s4 =	sand.u32 $0xF, s4  }
0x8c: {  	s26 =	simm.s32 $0x0;
	s5 =	sand.u32 $0xF, s5;
	s4 =	smul.u32 $0x1020, s4  }
0x8d: {  	p3 =	sne.s32 s23, $0x1;
	s6 =	sand.u32 $0xF, s6;
	s5 =	smul.u32 $0x1020, s5  }
0x8e: {  	s8 =	sshll.u32 s7, $0x2;
	s11 =	sand.u32 $0x78, s11;
	s6 =	smul.u32 $0x1020, s6  }
0x8f: {  	s25 =	sshra.s32 s21, $0x2;
	s12 =	sshrl.u32 s5, $0x2;
	s5 =	sand.u32 $0xF, s13  }
0x90: {  	s4 =	sshrl.u32 s4, $0x2;
	s14 =	sshrl.u32 s6, $0x2;
	s15 =	smul.u32 $0x1020, s5  }
0x91: {  	s6 =	sand.u32 $0xF, s17;
	s10 =	sadd.s32 s4, s24;
	s7 =	sadd.s32 s12, s24  }
0x92: {  	s5 =	sand.u32 $0xF, s16;
	s6 =	smul.u32 $0x1020, s6;
	s4 =	sshrl.u32 s15, $0x2  }
0x93: {  	s5 =	smul.u32 $0x1020, s5;
	s12 =	sadd.s32 s4, s24;
	s4 =	sadd.s32 s25, s27  }
.Ltmp6:
0x94: {  	p1 =	por $0x0, $0x0;
	s11 =	sxor.u32 $0x40, s11;
	v0 =	vmov s4;
	(pc) =	sbr.rel @!p3 .LBB1_6-.Ltmp6, $4  }
0x95: {  	p2 =	por $0x0, $0x0;
	s19 =	smul.u32 $0x204, s11;
	s9 =	sadd.s32 s14, s24  }
0x96: {  	s20 =	sshrl.u32 s6, $0x2;
	s15 =	sand.u32 $0x380, s26;
	s18 =	sshrl.u32 s5, $0x2  }
0x97: {  	s16 =	sadd.s32 s20, s24;
	s5 =	sshrl.u32 s19, $0x2;
	s19 =	sshrl.u32 s8, $0x2  }
0x98: {  	s11 =	sadd.s32 s18, s24;
	s13 =	sadd.s32 s5, s24;
	s5 =	sadd.s32 $0xFFFFFFFF, s23  }
0x99: {  	_ =	sdelay $0x3  }
0x9a: {  	v7 =	vld.idx.msk [tilespmem:v0+s15+$0x60 ss:$0x1], $0xffff  }
0x9b: {  	v5 =	vld.idx.msk [tilespmem:v0+s15+$0x0 ss:$0x1], $0xffff;
	p3 =	sne.s32 s5, $0x1  }
.Ltmp7:
0x9c: {  	v4 =	vld.idx.msk [tilespmem:v0+s15+$0x10 ss:$0x1], $0xffff;
	(pc) =	sbr.rel @!p3 .LBB1_8-.Ltmp7, $4  }
0x9d: {  	v3 =	vld.idx.msk [tilespmem:v0+s15+$0x20 ss:$0x1], $0xffff  }
0x9e: {  	v1 =	vld.idx.msk [tilespmem:v0+s15+$0x30 ss:$0x1], $0xffff  }
0x9f: {  	s4 =	simm.s32 $0x80;
	v2 =	vld.idx.msk [tilespmem:v0+s15+$0x40 ss:$0x1], $0xffff;
	s14 =	sadd.s32 s19, s16;
	s6 =	sadd.s32 $0xFFFFFFFF, s5  }
0xa0: {  	s8 =	sadd.s32 s19, s10;
	v6 =	vld.idx.msk [tilespmem:v0+s15+$0x50 ss:$0x1], $0xffff;
	p1 =	por $0x1, $0x1;
	s4 =	sand.u32 $0x380, s4;
	[tilespmem:s14+$0x0 ss:$0x81] =	vst.msk $0xffff, v7  }
0xa1: {  	_ =	sdelay $0x3  }
0xa2: {  	v7 =	vld.idx.msk [tilespmem:v0+s4+$0x60 ss:$0x1], $0xffff;
	[tilespmem:s8+$0x0 ss:$0x81] =	vst.msk $0xffff, v5;
	s5 =	sadd.s32 s19, s7;
	s20 =	sadd.s32 s19, s9  }
0xa3: {  	v5 =	vld.idx.msk [tilespmem:v0+s4+$0x0 ss:$0x1], $0xffff;
	s21 =	sadd.s32 s19, s12;
	p3 =	sne.s32 s6, $0x1;
	s25 =	sadd.s32 s19, s13;
	[tilespmem:s5+$0x0 ss:$0x81] =	vst.msk $0xffff, v4  }
.Ltmp8:
0xa4: {  	s26 =	sadd.s32 s19, s11;
	s14 =	sadd.s32 $0x4080, s16;
	v4 =	vld.idx.msk [tilespmem:v0+s4+$0x10 ss:$0x1], $0xffff;
	[tilespmem:s20+$0x0 ss:$0x81] =	vst.msk $0xffff, v3;
	(pc) =	sbr.rel @!p3 .LBB1_10-.Ltmp8, $4  }
0xa5: {  	p2 =	por $0x1, $0x1;
	s18 =	smov.u32 s11;
	v3 =	vld.idx.msk [tilespmem:v0+s4+$0x20 ss:$0x1], $0xffff;
	s20 =	sadd.s32 $0x4080, s10;
	[tilespmem:s21+$0x0 ss:$0x81] =	vst.msk $0xffff, v1  }
0xa6: {  	s17 =	sadd.s32 s19, s14;
	s5 =	sadd.s32 $0x4080, s7;
	v1 =	vld.idx.msk [tilespmem:v0+s4+$0x30 ss:$0x1], $0xffff;
	s21 =	simm.s32 $0x100;
	[tilespmem:s25+$0x0 ss:$0x81] =	vst.msk $0xffff, v2  }
0xa7: {  	s8 =	sadd.s32 s19, s20;
	v2 =	vld.idx.msk [tilespmem:v0+s4+$0x40 ss:$0x1], $0xffff;
	s15 =	sand.u32 $0x380, s21;
	s25 =	sadd.s32 $0xFFFFFFFF, s6;
	[tilespmem:s26+$0x0 ss:$0x81] =	vst.msk $0xffff, v6  }
0xa8: {  	s6 =	smov.u32 s12;
	v6 =	vld.idx.msk [tilespmem:v0+s4+$0x50 ss:$0x1], $0xffff;
	s4 =	smov.u32 s9;
	[tilespmem:s17+$0x0 ss:$0x81] =	vst.msk $0xffff, v7;
	s17 =	smov.u32 s13  }
.LBB1_11:
0xa9: {  	p3 =	sne.s32 s25, $0x1;
	v7 =	vld.idx.msk [tilespmem:v0+s15+$0x60 ss:$0x1], $0xffff;
	[tilespmem:s8+$0x0 ss:$0x81] =	vst.msk $0xffff, v5;
	s8 =	sadd.s32 s19, s5;
	s4 =	sadd.s32 $0x4080, s4  }
0xaa: {  	s6 =	sadd.s32 $0x4080, s6;
	v5 =	vld.idx.msk [tilespmem:v0+s15+$0x0 ss:$0x1], $0xffff;
	[tilespmem:s8+$0x0 ss:$0x81] =	vst.msk $0xffff, v4;
	s8 =	sadd.s32 s19, s4  }
.Ltmp9:
0xab: {  	s17 =	sadd.s32 $0x4080, s17;
	v4 =	vld.idx.msk [tilespmem:v0+s15+$0x10 ss:$0x1], $0xffff;
	[tilespmem:s8+$0x0 ss:$0x81] =	vst.msk $0xffff, v3;
	s8 =	sadd.s32 s19, s6;
	(pc) =	sbr.rel @p3 .LBB1_11-.Ltmp9, $4  }
0xac: {  	s18 =	sadd.s32 $0x4080, s18;
	v3 =	vld.idx.msk [tilespmem:v0+s15+$0x20 ss:$0x1], $0xffff;
	[tilespmem:s8+$0x0 ss:$0x81] =	vst.msk $0xffff, v1;
	s8 =	sadd.s32 s19, s17  }
0xad: {  	s20 =	sadd.s32 $0x4080, s20;
	s14 =	sadd.s32 $0x4080, s14;
	v1 =	vld.idx.msk [tilespmem:v0+s15+$0x30 ss:$0x1], $0xffff;
	[tilespmem:s8+$0x0 ss:$0x81] =	vst.msk $0xffff, v2;
	s8 =	sadd.s32 s19, s18  }
0xae: {  	s21 =	sadd.s32 $0x80, s21;
	s5 =	sadd.s32 $0x4080, s5;
	s26 =	sadd.s32 s19, s14;
	v2 =	vld.idx.msk [tilespmem:v0+s15+$0x40 ss:$0x1], $0xffff;
	[tilespmem:s8+$0x0 ss:$0x81] =	vst.msk $0xffff, v6  }
0xaf: {  	s25 =	sadd.s32 $0xFFFFFFFF, s25;
	s8 =	sadd.s32 s19, s20;
	v6 =	vld.idx.msk [tilespmem:v0+s15+$0x50 ss:$0x1], $0xffff;
	s15 =	sand.u32 $0x380, s21;
	[tilespmem:s26+$0x0 ss:$0x81] =	vst.msk $0xffff, v7  }
.LBB1_12:
0xb0: {  	s4 =	sadd.s32 @p2 $0x4080, s4;
	s21 =	smov.u32 s9;
	s25 =	sadd.s32 @p1 s19, s5  }
0xb1: {  	s5 =	sadd.s32 @p1 $0x4080, s5;
	s2 =	sadd.s32 $0x1, s2;
	s21 =	smov.u32 @p2 s4  }
0xb2: {  	s4 =	sadd.s32 @p2 $0x4080, s6;
	s6 =	smov.u32 s12;
	s7 =	smov.u32 @p1 s5  }
0xb3: {  	[tilespmem:s8+$0x0 ss:$0x81] =	vst.msk @p1 $0xffff, v5;
	s8 =	sadd.s32 @p1 s19, s21;
	s6 =	smov.u32 @p2 s4;
	s4 =	sadd.s32 @p2 $0x4080, s17  }
0xb4: {  	v59 =	vld.idx.msk [tilespmem:v0+s15+$0x10 ss:$0x1], $0xffff;
	s17 =	smov.u32 s13;
	s5 =	sadd.s32 @p1 $0x4080, s21;
	s21 =	sadd.s32 s19, s7  }
0xb5: {  	v60 =	vld.idx.msk [tilespmem:v0+s15+$0x20 ss:$0x1], $0xffff;
	[tilespmem:s25+$0x0 ss:$0x81] =	vst.msk @p1 $0xffff, v4;
	s25 =	sadd.s32 @p1 s19, s6;
	s17 =	smov.u32 @p2 s4;
	s4 =	sadd.s32 @p2 $0x4080, s18  }
0xb6: {  	s18 =	smov.u32 s11;
	[tilespmem:s8+$0x0 ss:$0x81] =	vst.msk @p1 $0xffff, v3;
	s8 =	sadd.s32 @p1 $0x4080, s14;
	s14 =	sadd.s32 @p1 $0x4080, s20  }
0xb7: {  	v57 =	vld.idx.msk [tilespmem:v0+s15+$0x60 ss:$0x1], $0xffff;
	s9 =	smov.u32 @p1 s5;
	s18 =	smov.u32 @p2 s4;
	s4 =	sadd.s32 @p1 s19, s17;
	[tilespmem:s25+$0x0 ss:$0x81] =	vst.msk @p1 $0xffff, v1  }
0xb8: {  	v58 =	vld.idx.msk [tilespmem:v0+s15+$0x0 ss:$0x1], $0xffff;
	s5 =	sadd.s32 @p1 $0x4080, s6;
	s16 =	smov.u32 @p1 s8;
	s10 =	smov.u32 @p1 s14;
	[tilespmem:s4+$0x0 ss:$0x81] =	vst.msk @p1 $0xffff, v2  }
0xb9: {  	v61 =	vld.idx.msk [tilespmem:v0+s15+$0x30 ss:$0x1], $0xffff;
	s12 =	smov.u32 @p1 s5;
	s5 =	sadd.s32 @p1 $0x4080, s17;
	s25 =	sadd.s32 s19, s9;
	[tilespmem:s21+$0x0 ss:$0x81] =	vst.msk $0xffff, v59  }
0xba: {  	v62 =	vld.idx.msk [tilespmem:v0+s15+$0x40 ss:$0x1], $0xffff;
	s8 =	sadd.s32 @p1 s19, s18;
	s16 =	sadd.s32 s19, s16;
	s6 =	sadd.s32 @p1 $0x4080, s18;
	[tilespmem:s25+$0x0 ss:$0x81] =	vst.msk $0xffff, v60  }
0xbb: {  	v63 =	vld.idx.msk [tilespmem:v0+s15+$0x50 ss:$0x1], $0xffff;
	s13 =	smov.u32 @p1 s5;
	[tilespmem:s8+$0x0 ss:$0x81] =	vst.msk @p1 $0xffff, v6;
	s11 =	smov.u32 @p1 s6;
	p1 =	sne.s32 s2, s22  }
.Ltmp10:
0xbc: {  	s20 =	sadd.s32 s19, s10;
	[tilespmem:s16+$0x0 ss:$0x81] =	vst.msk $0xffff, v57;
	(pc) =	sbr.rel @p1 .LBB1_5-.Ltmp10, $4  }
.Ltmp11:
0xbd: {  	s26 =	sadd.s32 s19, s12;
	[tilespmem:s20+$0x0 ss:$0x81] =	vst.msk $0xffff, v58;
	(pc) =	sbr.rel @!p1 .LBB1_13-.Ltmp11, $4  }
0xbe: {  	s3 =	sadd.s32 $0x1, s3;
	s1 =	sadd.s32 $0x8, s1;
	s5 =	sadd.s32 s19, s13;
	[tilespmem:s26+$0x0 ss:$0x81] =	vst.msk $0xffff, v61  }
0xbf: {  	s28 =	sadd.s32 $0x8, s28;
	s29 =	sadd.s32 $0x8, s29;
	s6 =	sadd.s32 s19, s11;
	[tilespmem:s5+$0x0 ss:$0x81] =	vst.msk $0xffff, v62  }
0xc0: {  	s30 =	sadd.s32 $0x8, s30;
	s31 =	sadd.s32 $0x8, s31;
	s0 =	sadd.s32 $0x8, s0;
	[tilespmem:s6+$0x0 ss:$0x81] =	vst.msk $0xffff, v63  }
0xc1: {  	_ = 	snop  }
.LBB1_6:
.Ltmp12:
0xc2: {  	(pc) =	sbr.rel .LBB1_12-.Ltmp12, $4  }
0xc3: {  	_ = 	snop  }
0xc4: {  	s5 =	smov.u32 s7  }
0xc5: {  	s4 =	smov.u32 s9;
	s6 =	smov.u32 s12;
	s17 =	smov.u32 s13  }
0xc6: {  	s18 =	smov.u32 s11;
	s20 =	smov.u32 s10;
	s14 =	smov.u32 s16  }
.LBB1_8:
.Ltmp13:
0xc7: {  	(pc) =	sbr.rel .LBB1_12-.Ltmp13, $4  }
0xc8: {  	_ = 	snop  }
0xc9: {  	s15 =	smov.u32 s4;
	s5 =	smov.u32 s7  }
0xca: {  	s4 =	smov.u32 s9;
	s6 =	smov.u32 s12;
	s17 =	smov.u32 s13  }
0xcb: {  	s18 =	smov.u32 s11;
	s20 =	smov.u32 s10;
	s14 =	smov.u32 s16  }
.LBB1_10:
.Ltmp14:
0xcc: {  	(pc) =	sbr.rel .LBB1_12-.Ltmp14, $3  }
0xcd: {  	_ =	sdelay $0x1  }
0xce: {  	s4 =	smov.u32 s9  }
0xcf: {  	s6 =	smov.u32 s12;
	s17 =	smov.u32 s13;
	s18 =	smov.u32 s11  }
.LBB1_16:
0xd0: {  	_ =	sfence.sel $0x180000  }
0xd1: {  	s0 =	simm.s32 $0x1;
	[bflag:$0x0] =	sbarrier.arrive $0xFFFF  }
0xd2: {  	s30 =	simm.s32 $0x2;
	[sflag:s0] =	ssyncpa.u1 $0x1  }
0xd3: {  	[sflag:s30] =	ssyncpa.u1 $0x1  }
0xd4: {  	_ =	strace $0x90000047  }
0xd5: {  	s31 =	stileid.u32;
	[bflag:$0x2] =	sbarrier.arrive $0xFFFF  }
0xd6: {  	p0 =	sne.s32 s31, $0x0;
	s0 =	rddreg [dreg:$0x2]  }
0xd7: {  	s0 =	sadd.s32 @!p0 $0x100000, s0  }
0xd8: {  	[sflag:s0] =	ssyncadd.tile.s32 @!p0 $0x1;
	_ =	shalt  }
.Lfunc_end1:
_tile_overlayer_lowered:
.L_overlay_start_2:
0xd9: {  	(tag) =	ssettag $0x2  }
0xda: {  	s0 =	rddreg [dreg:$0x0];
	s2 =	stileid.u32  }
0xdb: {  	s1 =	rddreg [dreg:$0x1];
	p0 =	sne.s32 s2, $0x0  }
0xdc: {  	s3 =	rddreg [dreg:$0x2];
	[bflag:$0x3] =	sbarrier.arrive $0xFFFF;
	s2 =	simm.s32 @!p0 $0x1C01  }
0xdd: {  	[timem:s3], [sflag:s2] =	dma.local @!p0 [hbm:s0], s1  }
0xde: {  	s0 =	simm.s32 @!p0 $0x1  }
0xdf: {  	_ =	swait.ge @!p0 [sflag:s0], s1  }
0xe0: {  	s1 =	ssub.s32 @!p0 $0x0, s1;
	[sflag:s0] =	ssyncset.done @!p0 $0x0  }
0xe1: {  	[sflag:s0] =	ssyncadd.s32 @!p0 s1  }
0xe2: {  	[bflag:$0x3] =	sbarrier.arrive $0xFFFF  }
0xe3: {  	_ =	shalt  }

// kernel: sparse-core-data-format-call.cloned.1.call-start
scs
called_computation_lowered:
.L_overlay_start_0:
0x0: {  	s2 =	sld [smem:$0x3FD9]  }
0x1: {  	s3 =	sld [smem:$0x3FFE];
	_ =	sdelay $0x1  }
0x2: {  	s1 =	srdreg.scid  }
0x3: {  	s0 =	sand.u32 $0x1, s1  }
0x4: {  	s18 =	sshll.u32 s0, $0xA;
	s2 =	sadd.s32 s3, s2  }
0x5: {  	s2 =	sadd.s32 s2, s18  }
0x6: {  	[smem:$0x3FC3] =	sst s2  }
0x7: {  	_ = 	snop  }
0x8: {  	s2 =	sld [smem:$0x3FD0];
	(tm) =	ssettm $0x1  }
0x9: {  	s19 =	sld [smem:$0x3FFB];
	_ =	sdelay $0x3  }
0xa: {  	_ =	strace s19  }
0xb: {  	s3 =	sld [smem:$0x3FFC];
	_ =	sdelay $0x3  }
0xc: {  	_ =	strace s3  }
0xd: {  	s3 =	sld [smem:$0x3FFD];
	_ =	sdelay $0x3  }
0xe: {  	_ =	strace s3  }
0xf: {  	_ =	strace $0x8FFFFFFF  }
0x10: {  	s20 =	sld [smem:$0x3FDB];
	_ =	sdelay $0x1  }
0x11: {  	s4 =	simm.s32 $_scs_section_size  }
0x12: {  	s5 =	simm.s32 $_size__tile_overlayer_lowered;
	s6 =	simm.s32 $_tile_overlayer_lowered  }
0x13: {  	s23 =	simm.s32 $0x1BFF;
	s22 =	sshll.u32 s6, $0x1;
	s3 =	sadd.s32 s4, s20  }
0x14: {  	s7 =	simm.s32 $0x0;
	s21 =	sshll.u32 s5, $0x1;
	s5 =	sadd.s32 s22, s3  }
0x15: {  	[timem:s7], [sflag:s23] =	dma.local [hbm:s5], s21  }
0x16: {  	_ =	swait.ge [sflag:s23], s21  }
0x17: {  	s4 =	ssub.s32 $0x0, s21;
	[sflag:s23] =	ssyncset.done $0x0  }
0x18: {  	[sflag:s23] =	ssyncadd.s32 s4;
	_ =	sdelay $0x1  }
0x19: {  	s24 =	simm.s32 $0x1B8B  }
0x1a: {  	_ =	swait.ge [sflag:s24], $0x1  }
0x1b: {  	[sflag:s24] =	ssyncset.done $0x0  }
0x1c: {  	s26 =	simm.s32 $0x1B8E;
	s25 =	sld [smem:$0x3FFE];
	[sflag:s24] =	ssyncadd.s32 $0xFFFFFFFF  }
0x1d: {  	s27 =	simm.s32 $execute0_lowered;
	[smem:$0x3FD2] =	sst s26  }
0x1e: {  	s5 =	sshll.u32 s27, $0x1;
	_ =	strace $0x8000004C;
	[dreg:$0x1] =	wrdreg $0xFFFFFFFF  }
0x1f: {  	s28 =	simm.s32 $_size_execute0_lowered;
	s3 =	sadd.s32 s3, s5;
	[dreg:$0x0] =	wrdreg $0x0  }
0x20: {  	s5 =	sshll.u32 s28, $0x1;
	[dreg:$0x2] =	wrdreg s3  }
0x21: {  	[dreg:$0x3] =	wrdreg s5  }
0x22: {  	[dreg:$0x4] =	wrdreg $0xC0  }
0x23: {  	_ =	task [dreg:s7], $0x5FFFF  }
0x24: {  	[dreg:$0x1] =	wrdreg $0xFFFFFFFF  }
0x25: {  	[dreg:$0x0] =	wrdreg $0x60  }
0x26: {  	[dreg:$0x2] =	wrdreg s25  }
0x27: {  	[dreg:$0x3] =	wrdreg s2  }
0x28: {  	[dreg:$0x4] =	wrdreg $0x9  }
0x29: {  	_ =	task.clear_ibuf [dreg:s7], $0x5FFFF;
	_ =	strace $0x9000004C  }
0x2a: {  	s29 =	simm.s32 $0x9;
	_ =	strace $0x8000004E  }
0x2b: {  	_ =	swait.ge [sflag:s29], $0x1  }
0x2c: {  	[sflag:s29] =	ssyncadd.s32 $0xFFFFFFFF  }
0x2d: {  	_ =	strace $0x9000004E  }
0x2e: {  	_ =	sfence  }
0x2f: {  	s30 =	sld [smem:$0x0];
	_ =	sdelay $0x2  }
0x30: {  	s31 =	sshll.u32 s1, $0xD;
	s1 =	sshrl.u32 s1, $0x2  }
0x31: {  	s3 =	sand.u32 $0x4000, s31;
	s1 =	sadd.s32 s1, s30  }
0x32: {  	s0 =	sor.u32 s3, s0;
	s1 =	sshll.u32 s1, $0x11  }
0x33: {  	s0 =	sor.u32 s1, s0  }
0x34: {  	s0 =	sadd.s32 $0x8F2B, s0  }
0x35: {  	[sflag:s0] =	ssyncadd.remote.s32 $0x1  }
0x36: {  	_ =	sfence.sel $0xFFFF  }
0x37: {  	[dreg:$0x0] =	wrdreg $0xFFFFFFFF;
	(pc) =	sbr.abs _section_cstart, $3  }
0x38: {  	[dreg:$0x1] =	wrdreg $0xFFFFFFFF  }
0x39: {  	_ =	task.clear_ibuf [dreg:s7], $0x2FFFF;
	_ =	strace $0x9FFFFFFF  }
0x3a: {  	(tm) =	ssettm $0x7FFFFFFF  }
0x3b: {  	_ =	shalt  }
tec
execute0_lowered:
.L_overlay_start_1:
0x0: {  	(tag) =	ssettag $0x1  }
0x1: {  	s0 =	srdreg.scid  }
0x2: {  	s1 =	sshll.u32 s0, $0x4  }
0x3: {  	s6 =	rddreg [dreg:$0x0];
	s0 =	stileid.u32;
	s1 =	sand.u32 $0x10, s1  }
0x4: {  	s3 =	rddreg [dreg:$0x1];
	s1 =	sor.u32 s0, s1  }
0x5: {  	s5 =	simm.s32 $0x1;
	s31 =	simm.s32 $0x2;
	s2 =	sshll.u32 s1, $0x7  }
0x6: {  	s15 =	simm.s32 $0x0;
	s8 =	simm.s32 $0x80000;
	s4 =	ssub.s32 $0x10000, s2  }
0x7: {  	s14 =	simm.s32 $0x0;
	s9 =	simm.s32 $0x0;
	s30 =	sand.u32 $0xF80, s4  }
0x8: {  	s10 =	simm.s32 $0x0;
	s11 =	simm.s32 $0x0;
	p0 =	sne.s32 s30, $0x0  }
.Ltmp0:
0x9: {  	s7 =	sshrl.u32 s4, $0xC;
	s5 =	simm.s32 @!p0 $0x0;
	(pc) =	sbr.rel .LBB1_1-.Ltmp0, $4  }
0xa: {  	s13 =	simm.s32 $0x0;
	s1 =	rddreg [dreg:$0x2];
	s5 =	sadd.s32 s5, s7  }
0xb: {  	_ =	strace $0x8000004D;
	s4 =	simm.s32 $0x1;
	s5 =	smul.u32 $0xC, s5  }
0xc: {  	s6 =	sadd.s32 $0x8C3000, s6;
	s12 =	smov.u32 s2;
	[sflag:s4] =	ssyncpa.u1 $0x0  }
0xd: {  	[sflag:s31] =	ssyncpa.u1 $0x0;
	p0 =	por $0x0, $0x0;
	s7 =	sor.u32 $0x1, s5  }
.LBB1_4:
0xe: {  	s21 =	sshll.u32 s9, $0x10;
	s22 =	sshll.u32 s10, $0x3;
	s20 =	sshra.s32 s20, $0x2  }
0xf: {  	s28 =	sand.u32 $0x78, s10;
	s29 =	sshll.u32 s9, $0x7;
	p1 =	sgt.s32 s9, $0x520  }
0x10: {  	s25 =	sshra.s32 s9, $0x1F;
	s31 =	sshra.s32 s10, $0x1F;
	s21 =	sand.u32 $0xFFF80000, s21  }
0x11: {  	s23 =	sand.u32 $0xFFFFFC00, s22;
	s19 =	sadd.s32 s20, s19;
	s22 =	sand.u32 $0xFC00, s22  }
0x12: {  	v5 =	vld [tilespmem:s17+$0xFFFFFFD0];
	[tilespmem:s18+$0x2040 ss:$0x81] =	vst.msk $0xffff, v4;
	s25 =	sand.u32 s25, s9;
	s27 =	sadd.s32 s23, s21;
	s23 =	sand.u32 $0x380, s29  }
0x13: {  	v58 =	vld [tilespmem:s17+$0xFFFFFFE0];
	[tilespmem:s18+$0x2850 ss:$0x81] =	vst.msk $0xffff, v3;
	s21 =	sor.u32 s28, s22;
	s22 =	smov.u32 s9;
	s20 =	sshrl.u32 s27, $0x10  }
0x14: {  	v59 =	vld [tilespmem:s17+$0xFFFFFFF0];
	[tilespmem:s18+$0x3060 ss:$0x81] =	vst.msk $0xffff, v2;
	s22 =	simm.s32 @!p1 $0x520;
	p1 =	sgt.s32 s10, $0xFF80;
	s24 =	smul.u32 $0x2D83, s20  }
0x15: {  	v60 =	vld [tilespmem:s17+$0x0];
	[tilespmem:s18+$0x0 ss:$0x81] =	vst.msk $0xffff, v1;
	s21 =	sor.u32 s23, s21;
	s30 =	ssub.s32 s22, s25;
	s22 =	smov.u32 s10  }
0x16: {  	v61 =	vld [tilespmem:s17+$0x10];
	[tilespmem:s19+$0x3870 ss:$0x81] =	vst.msk $0xffff, v0;
	s25 =	sand.u32 s31, s10;
	s22 =	simm.s32 @!p1 $0xFF80;
	s24 =	sshrl.u32 s24, $0x18  }
0x17: {  	v62 =	vld [tilespmem:s17+$0x20];
	[tilespmem:s19+$0x810 ss:$0x81] =	vst.msk $0xffff, v5;
	s26 =	sadd.s32 $0xFFFFFAE0, s30;
	s22 =	ssub.s32 s22, s25;
	s24 =	smul.u32 $0x5A0, s24  }
0x18: {  	v63 =	vld [tilespmem:s17+$0xFFFFFFC0];
	[tilespmem:s19+$0x1020 ss:$0x81] =	vst.msk $0xffff, v58;
	s18 =	ssub.s32 $0x5A0, s30;
	p1 =	sgt.s32 s26, $0x7F;
	s28 =	sadd.s32 $0xFFFF0080, s22  }
0x19: {  	[tilespmem:s19+$0x1830 ss:$0x81] =	vst.msk $0xffff, v59;
	p2 =	sgt.s32 s28, $0x7F;
	s27 =	ssub.s32 s20, s24;
	s20 =	ssub.s32 $0x10000, s22  }
0x1a: {  	s29 =	sshrl.u32 s21, $0x3;
	[tilespmem:s19+$0x2040 ss:$0x81] =	vst.msk $0xffff, v60;
	s18 =	simm.s32 @p1 $0x0;
	s20 =	simm.s32 @p2 $0x0  }
0x1b: {  	[tilespmem:s19+$0x2850 ss:$0x81] =	vst.msk $0xffff, v61;
	s30 =	sand.u32 $0x7, s10;
	s17 =	sand.u32 $0xFFFF, s27;
	s18 =	smul.u32 s20, s18  }
0x1c: {  	[tilespmem:s19+$0x3060 ss:$0x81] =	vst.msk $0xffff, v62;
	s21 =	sshll.u32 s30, $0x12;
	s17 =	sshll.u32 s17, $0xD;
	s20 =	sadd.s32 s3, s29  }
0x1d: {  	[tilespmem:s19+$0x0 ss:$0x81] =	vst.msk $0xffff, v63;
	s31 =	sor.u32 $0x400, s21;
	s17 =	sadd.s32 s17, s20;
	s18 =	sand.u32 $0x3FFFFFFF, s18  }
0x1e: {  	[hbm4b:s17+s31] =	stream.strided.scatter [tilespmem:s16], [sflag:$0x2], s18, s8, s31, $0x20;
	[tilespmem:$0x10100] =	vst v63  }
.LBB1_5:
0x1f: {  	p1 =	slt.u32 s13, $0x2  }
0x20: {  	s17 =	smov.u32 s15;
	p2 =	sgt.s32 @!p1 s15, $0x520;
	s16 =	sshra.s32 @!p1 s15, $0x1F  }
0x21: {  	p3 =	sgt.s32 @!p1 s14, $0xFF80;
	s18 =	sshra.s32 @!p1 s14, $0x1F;
	p2 =	por !p2, p1  }
0x22: {  	s15 =	sand.u32 @!p1 s16, s15;
	p3 =	por !p3, p1;
	s16 =	smov.u32 s14  }
0x23: {  	s14 =	sand.u32 @!p1 s18, s14;
	s17 =	simm.s32 @p2 $0x520;
	s16 =	simm.s32 @p3 $0xFF80  }
0x24: {  	s15 =	ssub.s32 @!p1 s17, s15;
	s14 =	ssub.s32 @!p1 s16, s14  }
0x25: {  	s18 =	smov.u32 s12;
	s16 =	sadd.s32 @!p1 $0xFFFFFAE0, s15;
	s17 =	sadd.s32 @!p1 $0xFFFF0080, s14  }
0x26: {  	s15 =	ssub.s32 @!p1 $0x5A0, s15;
	p2 =	sgt.s32 @!p1 s16, $0x7F;
	p3 =	sgt.s32 @!p1 s17, $0x7F  }
0x27: {  	s14 =	ssub.s32 @!p1 $0x10000, s14;
	p2 =	por !p2, p1;
	p3 =	por !p3, p1  }
0x28: {  	s16 =	sadd.s32 $0x80, s11;
	s15 =	simm.s32 @!p2 $0x0;
	s14 =	simm.s32 @!p3 $0x0  }
0x29: {  	p2 =	sgt.s32 s16, $0x59F;
	s14 =	smul.u32 @!p1 s14, s15;
	s15 =	sadd.s32 $0x1000, s12  }
0x2a: {  	s18 =	smov.u32 @p2 s15  }
0x2b: {  	s16 =	simm.s32 @p2 $0x0;
	p2 =	sgt.s32 s18, $0xFFFF  }
0x2c: {  	s18 =	smov.u32 @p2 s2;
	p2 =	sne.s32 s13, s7  }
.Ltmp1:
0x2d: {  	p0 =	por !p0, !p0;
	s17 =	simm.s32 @!p1 $0x2;
	(pc) =	sbr.rel @!p2 .LBB1_6-.Ltmp1, $4  }
0x2e: {  	s15 =	smov.u32 s9;
	s9 =	smov.u32 s11;
	s14 =	sand.u32 @!p1 $0x3FFFFFFF, s14  }
0x2f: {  	s11 =	smov.u32 s16;
	_ =	swait.ge @!p1 [sflag:s17], s14;
	s19 =	ssub.s32 @!p1 $0x0, s14  }
0x30: {  	s14 =	smov.u32 s10;
	s13 =	sadd.s32 $0x1, s13;
	[sflag:s17] =	ssyncset.done @!p1 $0x0  }
0x31: {  	s10 =	smov.u32 s12;
	s12 =	smov.u32 s18;
	[sflag:s17] =	ssyncadd.s32 @!p1 s19  }
.LBB1_1:
0x32: {  	p1 =	sge.u32 s13, s5  }
0x33: {  	s16 =	sshrl.u32 @!p1 s12, $0x3  }
0x34: {  	s17 =	sshll.u32 @!p1 s11, $0x3;
	s16 =	smul.u32 @!p1 $0x3000, s16  }
0x35: {  	s18 =	sshll.u32 @!p1 s12, $0x7;
	s17 =	sand.u32 @!p1 $0xFFFFFC00, s17  }
0x36: {  	s16 =	sadd.s32 @!p1 s16, s17;
	s17 =	sand.u32 @!p1 $0x380, s18  }
0x37: {  	s18 =	sand.u32 @!p1 $0x7F, s11;
	s16 =	sor.u32 @!p1 s17, s16  }
0x38: {  	s17 =	sor.u32 @!p1 s18, s16  }
0x39: {  	s18 =	smulhi.u32 @!p1 $0xAAAAAAAB, s17;
	_ =	sdelay $0x1  }
0x3a: {  	s16 =	smulhi.u32 @!p1 $0xAAAAAAAB, s16;
	s18 =	sshrl.u32 @!p1 s18, $0xA  }
0x3b: {  	s18 =	smul.u32 @!p1 $0x600, s18  }
0x3c: {  	s31 =	sadd.s32 $0xFFFFFFFF, s13;
	s19 =	sxor.u32 @!p1 $0xFFFFFFFF, s13;
	s16 =	sshrl.u32 @!p1 s16, $0xA  }
0x3d: {  	s19 =	sshll.u32 @!p1 s19, $0xE;
	s16 =	sand.u32 @!p1 $0xFFFF, s16;
	s17 =	ssub.s32 @!p1 s17, s18  }
0x3e: {  	s16 =	smul.u32 @!p1 $0xC0, s16;
	s18 =	sshrl.u32 @!p1 s17, $0x3;
	s17 =	sand.u32 @!p1 $0x7, s17  }
0x3f: {  	s19 =	sand.u32 @!p1 $0x4000, s19;
	s18 =	sadd.s32 @!p1 s6, s18;
	s17 =	sshll.u32 @!p1 s17, $0x12  }
0x40: {  	s16 =	sadd.s32 @!p1 s16, s18;
	s17 =	sor.u32 @!p1 $0x400, s17;
	s18 =	simm.s32 @!p1 $0x3000  }
0x41: {  	[tilespmem:s19], [sflag:$0x1] =	stream.strided.gather @!p1 [hbm4b:s16+s17], $0x4000, s18, s17, $0x38;
	[tilespmem:$0x10100] =	vst v63  }
0x42: {  	p1 =	sge.u32 s31, s5  }
.Ltmp2:
0x43: {  	_ = 	snop;
	(pc) =	sbr.rel @p1 .LBB1_5-.Ltmp2, $1  }
0x44: {  	_ =	sdelay $0x3  }
0x45: {  	s16 =	simm.s32 $0x1  }
0x46: {  	_ =	swait.ge [sflag:s4], $0x4000;
	s16 =	simm.s32 @!p0 $0x0  }
0x47: {  	[sflag:s4] =	ssyncset.done $0x0;
	s17 =	sshll.u32 s16, $0xE  }
0x48: {  	[sflag:s4] =	ssyncadd.s32 $0xFFFFC000;
	s17 =	sor.u32 $0x40, s17  }
0x49: {  	s16 =	smul.u32 $0x10200, s16;
	v0 =	vld [tilespmem:s17+$0x30]  }
0x4a: {  	v1 =	vld [tilespmem:s17+$0xFFFFFFD0]  }
0x4b: {  	s16 =	sshrl.u32 s16, $0x2;
	v5 =	vld [tilespmem:s17+$0xFFFFFFE0]  }
0x4c: {  	v6 =	vld [tilespmem:s17+$0xFFFFFFF0];
	s19 =	sor.u32 $0x8000, s16  }
0x4d: {  	s31 =	sand.u32 $0x1, s13;
	v4 =	vld [tilespmem:s17+$0x0];
	s18 =	sadd.s32 $0x0, s19  }
0x4e: {  	v3 =	vld [tilespmem:s17+$0x10];
	s16 =	smul.u32 $0x10200, s31;
	[tilespmem:s18+$0x3870 ss:$0x81] =	vst.msk $0xffff, v0  }
0x4f: {  	v2 =	vld [tilespmem:s17+$0x20];
	[tilespmem:s18+$0x810 ss:$0x81] =	vst.msk $0xffff, v1  }
0x50: {  	s16 =	sshrl.u32 s16, $0x2;
	v1 =	vld [tilespmem:s17+$0xFFFFFFC0];
	[tilespmem:s18+$0x1020 ss:$0x81] =	vst.msk $0xffff, v5;
	s17 =	sadd.s32 $0x80, s17  }
0x51: {  	s20 =	simm.s32 $0x4;
	s21 =	simm.s32 $0x8;
	s16 =	sor.u32 $0x8000, s16;
	[tilespmem:s18+$0x1830 ss:$0x81] =	vst.msk $0xffff, v6;
	v0 =	vld [tilespmem:s17+$0x30]  }
.LBB1_3:
0x52: {  	p1 =	sne.s32 s21, $0x1FC;
	v5 =	vld [tilespmem:s17+$0xFFFFFFD0];
	[tilespmem:s18+$0x2040 ss:$0x81] =	vst.msk $0xffff, v4  }
0x53: {  	v6 =	vld [tilespmem:s17+$0xFFFFFFE0];
	[tilespmem:s18+$0x2850 ss:$0x81] =	vst.msk $0xffff, v3  }
0x54: {  	s22 =	sshra.s32 s20, $0x2;
	s20 =	smov.u32 s21;
	v7 =	vld [tilespmem:s17+$0xFFFFFFF0];
	[tilespmem:s18+$0x3060 ss:$0x81] =	vst.msk $0xffff, v2  }
.Ltmp3:
0x55: {  	v4 =	vld [tilespmem:s17+$0x0];
	[tilespmem:s18+$0x0 ss:$0x81] =	vst.msk $0xffff, v1;
	s18 =	sadd.s32 s22, s19;
	(pc) =	sbr.rel @p1 .LBB1_3-.Ltmp3, $4  }
0x56: {  	v3 =	vld [tilespmem:s17+$0x10];
	[tilespmem:s18+$0x3870 ss:$0x81] =	vst.msk $0xffff, v0  }
0x57: {  	[tilespmem:s18+$0x810 ss:$0x81] =	vst.msk $0xffff, v5;
	v2 =	vld [tilespmem:s17+$0x20]  }
0x58: {  	v1 =	vld [tilespmem:s17+$0xFFFFFFC0];
	[tilespmem:s18+$0x1020 ss:$0x81] =	vst.msk $0xffff, v6;
	s17 =	sadd.s32 $0x80, s17  }
0x59: {  	s21 =	sadd.s32 $0x4, s21;
	v0 =	vld [tilespmem:s17+$0x30];
	[tilespmem:s18+$0x1830 ss:$0x81] =	vst.msk $0xffff, v7  }
.Ltmp4:
0x5a: {  	_ = 	snop;
	(pc) =	sbr.rel .LBB1_4-.Ltmp4, $1  }
0x5b: {  	_ =	sdelay $0x3  }
.LBB1_6:
0x5c: {  	_ =	sfence.sel $0x180000  }
0x5d: {  	s2 =	simm.s32 $0x1;
	[bflag:$0x0] =	sbarrier.arrive $0xFFFF  }
0x5e: {  	s31 =	simm.s32 $0x2;
	[sflag:s2] =	ssyncpa.u1 $0x1  }
0x5f: {  	[sflag:s31] =	ssyncpa.u1 $0x1  }
0x60: {  	p0 =	sne.s32 s0, $0x0;
	_ =	strace $0x9000004D  }
0x61: {  	s0 =	sadd.s32 @!p0 $0x100000, s1;
	[bflag:$0x2] =	sbarrier.arrive $0xFFFF  }
0x62: {  	[sflag:s0] =	ssyncadd.tile.s32 @!p0 $0x1;
	_ =	shalt  }
.Lfunc_end1:
_tile_overlayer_lowered:
.L_overlay_start_2:
0x63: {  	(tag) =	ssettag $0x2  }
0x64: {  	s0 =	rddreg [dreg:$0x0];
	s2 =	stileid.u32  }
0x65: {  	s1 =	rddreg [dreg:$0x1];
	p0 =	sne.s32 s2, $0x0  }
0x66: {  	s3 =	rddreg [dreg:$0x2];
	[bflag:$0x3] =	sbarrier.arrive $0xFFFF;
	s2 =	simm.s32 @!p0 $0x1C01  }
0x67: {  	[timem:s3], [sflag:s2] =	dma.local @!p0 [hbm:s0], s1  }
0x68: {  	s0 =	simm.s32 @!p0 $0x1  }
0x69: {  	_ =	swait.ge @!p0 [sflag:s0], s1  }
0x6a: {  	s1 =	ssub.s32 @!p0 $0x0, s1;
	[sflag:s0] =	ssyncset.done @!p0 $0x0  }
0x6b: {  	[sflag:s0] =	ssyncadd.s32 @!p0 s1  }
0x6c: {  	[bflag:$0x3] =	sbarrier.arrive $0xFFFF  }
0x6d: {  	_ =	shalt  }

</sc_bundles>
